<compile_context>
chip_gen: v7x
topology: tpu7x:2x2x1
jax: 0.10.2.dev20260603
libtpu: 0.0.44.dev20260713+nightly
codegen_flags: <defaults>
</compile_context>

<pallas_src>
import functools

import jax
import jax.numpy as jnp
from jax import lax
from jax.experimental import pallas as pl
from jax.experimental.pallas import tpu as pltpu
from jax.experimental.pallas import tpu_sc as plsc

B = 128
L = 4096
D = 64
DP = 128
NC = 2
NS = 16
NW = NC * NS
C = L // NW
CB = C // 8
NBUF = 4
SBUF = 2
AHEAD = 3


def _body(x_hbm, pos_hbm, emb_hbm, pe_hbm, out_hbm,
          idx_all, pe_v, rows, srows, sem_g, sem_s):
    wid = lax.axis_index("s") * NC + lax.axis_index("c")
    l0 = wid * C
    blk0 = wid * CB

    pltpu.sync_copy(pos_hbm.at[pl.ds(l0, C)], idx_all.at[0])
    pltpu.async_copy(pe_hbm.at[idx_all.at[0]], rows.at[0], sem_g[0]).wait()

    def pe_copy(i, c2):
        for j in range(D // 16):
            sl = pl.ds(j * 16, 16)
            pe_v[i, sl] = rows[0, i, sl]
        return c2

    lax.fori_loop(0, C, pe_copy, 0, unroll=2)

    pltpu.sync_copy(x_hbm.at[:, pl.ds(l0, C)], idx_all)

    def gather(b, q):
        pltpu.async_copy(emb_hbm.at[idx_all.at[b]], rows.at[q], sem_g[q])

    def wait_gather(b, q):
        pltpu.make_async_copy(emb_hbm.at[idx_all.at[b]], rows.at[q], sem_g[q]).wait()

    def store(b, s):
        pltpu.async_copy(srows.at[s], out_hbm.at[b, pl.ds(blk0, CB)], sem_s[s])

    def wait_store(b, s):
        pltpu.make_async_copy(srows.at[s], out_hbm.at[b, pl.ds(blk0, CB)],
                              sem_s[s]).wait()

    for b in range(AHEAD):
        gather(b, b % NBUF)

    def ring_body(t, carry):
        for p in range(NBUF):
            b = NBUF * t + p
            s = p % SBUF
            nb = b + AHEAD
            q2 = (p + AHEAD) % NBUF

            @pl.when(nb < B)
            def _issue():
                gather(nb, q2)

            wait_gather(b, p)

            @pl.when(b >= SBUF)
            def _drain():
                wait_store(b - SBUF, s)

            def blk_body(g, c2):
                for r in range(8):
                    for j in range(D // 16):
                        sl = pl.ds(j * 16, 16)
                        srows[s, g, r, sl] = rows[p, g * 8 + r, sl] + pe_v[g * 8 + r, sl]
                return c2

            lax.fori_loop(0, CB, blk_body, 0)
            store(b, s)
        return carry

    lax.fori_loop(0, B // NBUF, ring_body, 0)

    for s in range(SBUF):
        wait_store(B - SBUF + s, s)


@jax.jit
def _run(x, emb_pad, pe_pad, pos_flat):
    mesh = plsc.VectorSubcoreMesh(core_axis_name="c", subcore_axis_name="s")
    f = functools.partial(
        pl.kernel,
        out_type=jax.ShapeDtypeStruct((B, L // 8, 8, D), jnp.float32),
        mesh=mesh,
        scratch_types=[
            pltpu.VMEM((B, C), jnp.int32),
            pltpu.VMEM((C, D), jnp.float32),
            pltpu.VMEM((NBUF, C, DP), jnp.float32),
            pltpu.VMEM((SBUF, CB, 8, D), jnp.float32),
            [pltpu.SemaphoreType.DMA] * NBUF,
            [pltpu.SemaphoreType.DMA] * SBUF,
        ],
        compiler_params=pltpu.CompilerParams(use_tc_tiling_on_sc=True),
    )(_body)
    return f(x, pos_flat, emb_pad, pe_pad)


def kernel(x, emb_table, pe_table, positional_tokens):
    pad = ((0, 0), (0, DP - D))
    out = _run(x, jnp.pad(emb_table, pad), jnp.pad(pe_table, pad),
               positional_tokens.reshape(L))
    return out.reshape(B, L, D)

# --- scband reference (transcript-rebuilt; emitter-appended) ---
"""Pipeline reference for scband-text-embedding-75273596830003 (READ-ONLY COPY).

The authoritative reference and input builder live on the scoring server;
editing this copy changes nothing except your own understanding.
"""

import jax, jax.numpy as jnp
import numpy as np

CONTEXT_SIZE = 4096
EMBED_DIM = 64
PAD_IDX = 0
BATCH = 128


def setup_inputs(seed: int = 0) -> dict:
    key = jax.random.key(seed)
    k1, k2, k3, k4 = jax.random.split(key, 4)
    # forward input: token indices, values in [0, CONTEXT_SIZE)
    x = jax.random.randint(k1, (BATCH, CONTEXT_SIZE), 0, CONTEXT_SIZE, dtype=jnp.int32)
    # learned token embedding table (nn.Embedding with padding_idx row zeroed at init)
    emb_table = jax.random.normal(k2, (CONTEXT_SIZE, EMBED_DIM), dtype=jnp.float32)
    emb_table = emb_table.at[PAD_IDX].set(0.0)
    # learned positional-encoding embedding table (also padding_idx zeroed)
    pe_table = jax.random.normal(k3, (CONTEXT_SIZE, EMBED_DIM), dtype=jnp.float32)
    pe_table = pe_table.at[PAD_IDX].set(0.0)
    # fixed random positional token indices buffer, shape [1, CONTEXT_SIZE]
    positional_tokens = jax.random.randint(k4, (1, CONTEXT_SIZE), 0, CONTEXT_SIZE, dtype=jnp.int32)
    return {
        "x": x,
        "emb_table": emb_table,
        "pe_table": pe_table,
        "positional_tokens": positional_tokens,
    }


def reference(x, emb_table, pe_table, positional_tokens):
    # txt_emb = self.__emb(x)
    txt_emb = jnp.take(emb_table, x, axis=0)            # [B, L, D]
    # pe = self.positional_encoding(self.positional_tokens)
    pe = jnp.take(pe_table, positional_tokens, axis=0)   # [1, L, D]
    # txt_emb_pe = txt_emb + pe (broadcast over batch)
    txt_emb_pe = txt_emb + pe
    return txt_emb_pe

if __name__ == "__main__":
    import jax
    _d = setup_inputs()
    print(jax.jit(kernel)(*tuple(_d.values())))

</pallas_src>

<mosaic_0001>
#map = affine_map<(d0, d1) -> (0, 0)>
#map1 = affine_map<(d0, d1) -> (0)>
#map2 = affine_map<(d0, d1) -> (0, 0, 0, 0)>
module attributes {stable_mosaic.version = 14 : i64} {
  func.func @_body(%arg0: i32, %arg1: i32, %arg2: memref<128x4096xi32, #tpu.memory_space<hbm>>, %arg3: memref<4096xi32, #tpu.memory_space<hbm>>, %arg4: memref<4096x128xf32, #tpu.memory_space<hbm>>, %arg5: memref<4096x128xf32, #tpu.memory_space<hbm>>, %arg6: memref<128x512x8x64xf32, #tpu.memory_space<hbm>>, %arg7: memref<128x128xi32, #tpu.memory_space<vmem>>, %arg8: memref<128x64xf32, #tpu.memory_space<vmem>>, %arg9: memref<4x128x128xf32, #tpu.memory_space<vmem>>, %arg10: memref<2x16x8x64xf32, #tpu.memory_space<vmem>>, %arg11: memref<!tpu.dma_semaphore, #tpu.memory_space<semaphore_mem>>, %arg12: memref<!tpu.dma_semaphore, #tpu.memory_space<semaphore_mem>>, %arg13: memref<!tpu.dma_semaphore, #tpu.memory_space<semaphore_mem>>, %arg14: memref<!tpu.dma_semaphore, #tpu.memory_space<semaphore_mem>>, %arg15: memref<!tpu.dma_semaphore, #tpu.memory_space<semaphore_mem>>, %arg16: memref<!tpu.dma_semaphore, #tpu.memory_space<semaphore_mem>>) attributes {dimension_semantics = [#tpu.dimension_semantics<core_parallel>, #tpu.dimension_semantics<subcore_parallel>], iteration_bounds = array<i64: 2, 16>, scalar_prefetch = 0 : i64, scratch_operands = 10 : i64, tpu.core_type = #tpu.core_type<sc_vector_subcore>, window_params = [{transform_indices = #map}, {transform_indices = #map1}, {transform_indices = #map}, {transform_indices = #map}, {transform_indices = #map2}]} {
    %mul3A = arith.constant 2 : i32
    %mul3A_0 = arith.muli %arg1, %mul3A : i32
    %add3A = arith.addi %mul3A_0, %arg0 : i32
    %mul3A_1 = arith.constant 128 : i32
    %mul3A_2 = arith.muli %add3A, %mul3A_1 : i32
    %mul3A_3 = arith.constant 16 : i32
    %mul3A_4 = arith.muli %add3A, %mul3A_3 : i32
    %run_scoped3A = arith.constant 0 : i32
    "tpu.region"() ({
      %run_scoped3A_114 = tpu.sem_alloc : memref<!tpu.dma_semaphore, #tpu.memory_space<semaphore_mem>>
      %dma_start3A_115 = arith.constant 0 : i32
      %dma_start3A_116 = tpu.memref_slice %arg7[%run_scoped3A, %dma_start3A_115] : memref<128x128xi32, #tpu.memory_space<vmem>> -> memref<1x128xi32, #tpu.memory_space<vmem>>
      %dma_start3A_117 = tpu.memref_squeeze %dma_start3A_116 : memref<1x128xi32, #tpu.memory_space<vmem>> -> memref<128xi32, #tpu.memory_space<vmem>>
      %dma_start3A_118 = tpu.memref_slice %arg3[%mul3A_2] : memref<4096xi32, #tpu.memory_space<hbm>> -> memref<128xi32, #tpu.memory_space<hbm>>
      %dma_start3A_119 = arith.constant 0 : i32
      %dma_start3A_120 = tpu.memref_slice %arg7[%run_scoped3A, %dma_start3A_119] : memref<128x128xi32, #tpu.memory_space<vmem>> -> memref<1x128xi32, #tpu.memory_space<vmem>>
      %dma_start3A_121 = tpu.memref_squeeze %dma_start3A_120 : memref<1x128xi32, #tpu.memory_space<vmem>> -> memref<128xi32, #tpu.memory_space<vmem>>
      %dma_start3A_122 = tpu.memref_slice %arg3[%mul3A_2] : memref<4096xi32, #tpu.memory_space<hbm>> -> memref<128xi32, #tpu.memory_space<hbm>>
      tpu.enqueue_dma source(%dma_start3A_122 : memref<128xi32, #tpu.memory_space<hbm>>) target(%dma_start3A_121 : memref<128xi32, #tpu.memory_space<vmem>>) target_semaphore(%run_scoped3A_114 : memref<!tpu.dma_semaphore, #tpu.memory_space<semaphore_mem>>)
      %dma_wait3A_123 = arith.constant 0 : i32
      %dma_wait3A_124 = tpu.memref_slice %arg7[%run_scoped3A, %dma_wait3A_123] : memref<128x128xi32, #tpu.memory_space<vmem>> -> memref<1x128xi32, #tpu.memory_space<vmem>>
      %dma_wait3A_125 = tpu.memref_squeeze %dma_wait3A_124 : memref<1x128xi32, #tpu.memory_space<vmem>> -> memref<128xi32, #tpu.memory_space<vmem>>
      %dma_wait3A_126 = tpu.memref_slice %arg3[%mul3A_2] : memref<4096xi32, #tpu.memory_space<hbm>> -> memref<128xi32, #tpu.memory_space<hbm>>
      %dma_wait3A_127 = arith.constant 0 : i32
      %dma_wait3A_128 = tpu.memref_slice %arg7[%run_scoped3A, %dma_wait3A_127] : memref<128x128xi32, #tpu.memory_space<vmem>> -> memref<1x128xi32, #tpu.memory_space<vmem>>
      %dma_wait3A_129 = tpu.memref_squeeze %dma_wait3A_128 : memref<1x128xi32, #tpu.memory_space<vmem>> -> memref<128xi32, #tpu.memory_space<vmem>>
      %dma_wait3A_130 = tpu.memref_slice %arg3[%mul3A_2] : memref<4096xi32, #tpu.memory_space<hbm>> -> memref<128xi32, #tpu.memory_space<hbm>>
      tpu.wait_dma2 semaphore(%run_scoped3A_114 : memref<!tpu.dma_semaphore, #tpu.memory_space<semaphore_mem>>) src(%dma_wait3A_130 : memref<128xi32, #tpu.memory_space<hbm>>) dst(%dma_wait3A_129 : memref<128xi32, #tpu.memory_space<vmem>>)
      tpu.yield
    }) : () -> ()
    %dma_start3A = arith.constant 0 : i32
    %dma_start3A_5 = arith.constant 0 : i32
    %dma_start3A_6 = arith.constant 0 : i32
    %dma_start3A_7 = arith.constant 0 : i32
    %dma_start3A_8 = tpu.memref_slice %arg9[%dma_start3A_5, %dma_start3A_6, %dma_start3A_7] : memref<4x128x128xf32, #tpu.memory_space<vmem>> -> memref<1x128x128xf32, #tpu.memory_space<vmem>>
    %dma_start3A_9 = tpu.memref_squeeze %dma_start3A_8 : memref<1x128x128xf32, #tpu.memory_space<vmem>> -> memref<128x128xf32, #tpu.memory_space<vmem>>
    %dma_start3A_10 = arith.constant 0 : i32
    %dma_start3A_11 = tpu.memref_slice %arg7[%dma_start3A, %dma_start3A_10] : memref<128x128xi32, #tpu.memory_space<vmem>> -> memref<1x128xi32, #tpu.memory_space<vmem>>
    %dma_start3A_12 = tpu.memref_squeeze %dma_start3A_11 : memref<1x128xi32, #tpu.memory_space<vmem>> -> memref<128xi32, #tpu.memory_space<vmem>>
    %dma_start3A_13 = arith.constant 0 : i32
    %dma_start3A_14 = arith.constant 0 : i32
    %dma_start3A_15 = tpu.memref_slice %arg5[%dma_start3A_13, %dma_start3A_14] : memref<4096x128xf32, #tpu.memory_space<hbm>> -> memref<4096x128xf32, #tpu.memory_space<hbm>>
    tpu.enqueue_indirect_dma source(%dma_start3A_15 : memref<4096x128xf32, #tpu.memory_space<hbm>>) target(%dma_start3A_9 : memref<128x128xf32, #tpu.memory_space<vmem>>) offsets(%dma_start3A_12 : memref<128xi32, #tpu.memory_space<vmem>>) semaphore(%arg11 : memref<!tpu.dma_semaphore, #tpu.memory_space<semaphore_mem>>)
    %dma_wait3A = arith.constant 0 : i32
    %dma_wait3A_16 = arith.constant 0 : i32
    %dma_wait3A_17 = arith.constant 0 : i32
    %dma_wait3A_18 = arith.constant 0 : i32
    %dma_wait3A_19 = tpu.memref_slice %arg9[%dma_wait3A_16, %dma_wait3A_17, %dma_wait3A_18] : memref<4x128x128xf32, #tpu.memory_space<vmem>> -> memref<1x128x128xf32, #tpu.memory_space<vmem>>
    %dma_wait3A_20 = tpu.memref_squeeze %dma_wait3A_19 : memref<1x128x128xf32, #tpu.memory_space<vmem>> -> memref<128x128xf32, #tpu.memory_space<vmem>>
    %dma_wait3A_21 = arith.constant 0 : i32
    %dma_wait3A_22 = tpu.memref_slice %arg7[%dma_wait3A, %dma_wait3A_21] : memref<128x128xi32, #tpu.memory_space<vmem>> -> memref<1x128xi32, #tpu.memory_space<vmem>>
    %dma_wait3A_23 = tpu.memref_squeeze %dma_wait3A_22 : memref<1x128xi32, #tpu.memory_space<vmem>> -> memref<128xi32, #tpu.memory_space<vmem>>
    %dma_wait3A_24 = arith.constant 0 : i32
    %dma_wait3A_25 = arith.constant 0 : i32
    %dma_wait3A_26 = tpu.memref_slice %arg5[%dma_wait3A_24, %dma_wait3A_25] : memref<4096x128xf32, #tpu.memory_space<hbm>> -> memref<4096x128xf32, #tpu.memory_space<hbm>>
    tpu.wait_indirect_dma semaphore(%arg11 : memref<!tpu.dma_semaphore, #tpu.memory_space<semaphore_mem>>) src(%dma_wait3A_26 : memref<4096x128xf32, #tpu.memory_space<hbm>>) dst(%dma_wait3A_20 : memref<128x128xf32, #tpu.memory_space<vmem>>)
    %scan3A = arith.constant 0 : i32
    %scan3A_27 = arith.constant 0 : i32
    %scan3A_28 = arith.constant 128 : i32
    %scan3A_29 = arith.addi %scan3A_27, %scan3A_28 : i32
    %scan3A_30 = arith.constant 2 : i32
    scf.for %scan3A_114 = %scan3A_27 to %scan3A_29 step %scan3A_30  : i32 {
      %get3A = arith.constant 0 : i32
      %get3A_115 = arith.index_cast %get3A : i32 to index
      %get3A_116 = arith.index_cast %scan3A_114 : i32 to index
      %get3A_117 = arith.constant 0 : index
      %get3A_118 = tpu.vector_load %arg9[%get3A_115, %get3A_116, %get3A_117] {strides = array<i32>} : memref<4x128x128xf32, #tpu.memory_space<vmem>>, vector<1x1x16xf32>,
      %get3A_119 = vector.shape_cast %get3A_118 : vector<1x1x16xf32> to vector<16xf32>
      %swap3A = arith.index_cast %scan3A_114 : i32 to index
      %swap3A_120 = arith.constant 0 : index
      %swap3A_121 = tpu.vector_load %arg8[%swap3A, %swap3A_120] {strides = array<i32>} : memref<128x64xf32, #tpu.memory_space<vmem>>, vector<1x16xf32>,
      %swap3A_122 = vector.shape_cast %swap3A_121 : vector<1x16xf32> to vector<16xf32>
      %swap3A_123 = vector.shape_cast %get3A_119 : vector<16xf32> to vector<1x16xf32>
      tpu.vector_store %arg8[%swap3A, %swap3A_120], %swap3A_123 {strides = array<i32>} : memref<128x64xf32, #tpu.memory_space<vmem>>, vector<1x16xf32>,
      %get3A_124 = arith.constant 0 : i32
      %get3A_125 = arith.index_cast %get3A_124 : i32 to index
      %get3A_126 = arith.index_cast %scan3A_114 : i32 to index
      %get3A_127 = arith.constant 16 : index
      %get3A_128 = tpu.vector_load %arg9[%get3A_125, %get3A_126, %get3A_127] {strides = array<i32>} : memref<4x128x128xf32, #tpu.memory_space<vmem>>, vector<1x1x16xf32>,
      %get3A_129 = vector.shape_cast %get3A_128 : vector<1x1x16xf32> to vector<16xf32>
      %swap3A_130 = arith.index_cast %scan3A_114 : i32 to index
      %swap3A_131 = arith.constant 16 : index
      %swap3A_132 = tpu.vector_load %arg8[%swap3A_130, %swap3A_131] {strides = array<i32>} : memref<128x64xf32, #tpu.memory_space<vmem>>, vector<1x16xf32>,
      %swap3A_133 = vector.shape_cast %swap3A_132 : vector<1x16xf32> to vector<16xf32>
      %swap3A_134 = vector.shape_cast %get3A_129 : vector<16xf32> to vector<1x16xf32>
      tpu.vector_store %arg8[%swap3A_130, %swap3A_131], %swap3A_134 {strides = array<i32>} : memref<128x64xf32, #tpu.memory_space<vmem>>, vector<1x16xf32>,
      %get3A_135 = arith.constant 0 : i32
      %get3A_136 = arith.index_cast %get3A_135 : i32 to index
      %get3A_137 = arith.index_cast %scan3A_114 : i32 to index
      %get3A_138 = arith.constant 32 : index
      %get3A_139 = tpu.vector_load %arg9[%get3A_136, %get3A_137, %get3A_138] {strides = array<i32>} : memref<4x128x128xf32, #tpu.memory_space<vmem>>, vector<1x1x16xf32>,
      %get3A_140 = vector.shape_cast %get3A_139 : vector<1x1x16xf32> to vector<16xf32>
      %swap3A_141 = arith.index_cast %scan3A_114 : i32 to index
      %swap3A_142 = arith.constant 32 : index
      %swap3A_143 = tpu.vector_load %arg8[%swap3A_141, %swap3A_142] {strides = array<i32>} : memref<128x64xf32, #tpu.memory_space<vmem>>, vector<1x16xf32>,
      %swap3A_144 = vector.shape_cast %swap3A_143 : vector<1x16xf32> to vector<16xf32>
      %swap3A_145 = vector.shape_cast %get3A_140 : vector<16xf32> to vector<1x16xf32>
      tpu.vector_store %arg8[%swap3A_141, %swap3A_142], %swap3A_145 {strides = array<i32>} : memref<128x64xf32, #tpu.memory_space<vmem>>, vector<1x16xf32>,
      %get3A_146 = arith.constant 0 : i32
      %get3A_147 = arith.index_cast %get3A_146 : i32 to index
      %get3A_148 = arith.index_cast %scan3A_114 : i32 to index
      %get3A_149 = arith.constant 48 : index
      %get3A_150 = tpu.vector_load %arg9[%get3A_147, %get3A_148, %get3A_149] {strides = array<i32>} : memref<4x128x128xf32, #tpu.memory_space<vmem>>, vector<1x1x16xf32>,
      %get3A_151 = vector.shape_cast %get3A_150 : vector<1x1x16xf32> to vector<16xf32>
      %swap3A_152 = arith.index_cast %scan3A_114 : i32 to index
      %swap3A_153 = arith.constant 48 : index
      %swap3A_154 = tpu.vector_load %arg8[%swap3A_152, %swap3A_153] {strides = array<i32>} : memref<128x64xf32, #tpu.memory_space<vmem>>, vector<1x16xf32>,
      %swap3A_155 = vector.shape_cast %swap3A_154 : vector<1x16xf32> to vector<16xf32>
      %swap3A_156 = vector.shape_cast %get3A_151 : vector<16xf32> to vector<1x16xf32>
      tpu.vector_store %arg8[%swap3A_152, %swap3A_153], %swap3A_156 {strides = array<i32>} : memref<128x64xf32, #tpu.memory_space<vmem>>, vector<1x16xf32>,
      %scan3A_157 = arith.constant 1 : i32
      %scan3A_158 = arith.addi %scan3A_114, %scan3A_157 : i32
      %get3A_159 = arith.constant 0 : i32
      %get3A_160 = arith.index_cast %get3A_159 : i32 to index
      %get3A_161 = arith.index_cast %scan3A_158 : i32 to index
      %get3A_162 = arith.constant 0 : index
      %get3A_163 = tpu.vector_load %arg9[%get3A_160, %get3A_161, %get3A_162] {strides = array<i32>} : memref<4x128x128xf32, #tpu.memory_space<vmem>>, vector<1x1x16xf32>,
      %get3A_164 = vector.shape_cast %get3A_163 : vector<1x1x16xf32> to vector<16xf32>
      %swap3A_165 = arith.index_cast %scan3A_158 : i32 to index
      %swap3A_166 = arith.constant 0 : index
      %swap3A_167 = tpu.vector_load %arg8[%swap3A_165, %swap3A_166] {strides = array<i32>} : memref<128x64xf32, #tpu.memory_space<vmem>>, vector<1x16xf32>,
      %swap3A_168 = vector.shape_cast %swap3A_167 : vector<1x16xf32> to vector<16xf32>
      %swap3A_169 = vector.shape_cast %get3A_164 : vector<16xf32> to vector<1x16xf32>
      tpu.vector_store %arg8[%swap3A_165, %swap3A_166], %swap3A_169 {strides = array<i32>} : memref<128x64xf32, #tpu.memory_space<vmem>>, vector<1x16xf32>,
      %get3A_170 = arith.constant 0 : i32
      %get3A_171 = arith.index_cast %get3A_170 : i32 to index
      %get3A_172 = arith.index_cast %scan3A_158 : i32 to index
      %get3A_173 = arith.constant 16 : index
      %get3A_174 = tpu.vector_load %arg9[%get3A_171, %get3A_172, %get3A_173] {strides = array<i32>} : memref<4x128x128xf32, #tpu.memory_space<vmem>>, vector<1x1x16xf32>,
      %get3A_175 = vector.shape_cast %get3A_174 : vector<1x1x16xf32> to vector<16xf32>
      %swap3A_176 = arith.index_cast %scan3A_158 : i32 to index
      %swap3A_177 = arith.constant 16 : index
      %swap3A_178 = tpu.vector_load %arg8[%swap3A_176, %swap3A_177] {strides = array<i32>} : memref<128x64xf32, #tpu.memory_space<vmem>>, vector<1x16xf32>,
      %swap3A_179 = vector.shape_cast %swap3A_178 : vector<1x16xf32> to vector<16xf32>
      %swap3A_180 = vector.shape_cast %get3A_175 : vector<16xf32> to vector<1x16xf32>
      tpu.vector_store %arg8[%swap3A_176, %swap3A_177], %swap3A_180 {strides = array<i32>} : memref<128x64xf32, #tpu.memory_space<vmem>>, vector<1x16xf32>,
      %get3A_181 = arith.constant 0 : i32
      %get3A_182 = arith.index_cast %get3A_181 : i32 to index
      %get3A_183 = arith.index_cast %scan3A_158 : i32 to index
      %get3A_184 = arith.constant 32 : index
      %get3A_185 = tpu.vector_load %arg9[%get3A_182, %get3A_183, %get3A_184] {strides = array<i32>} : memref<4x128x128xf32, #tpu.memory_space<vmem>>, vector<1x1x16xf32>,
      %get3A_186 = vector.shape_cast %get3A_185 : vector<1x1x16xf32> to vector<16xf32>
      %swap3A_187 = arith.index_cast %scan3A_158 : i32 to index
      %swap3A_188 = arith.constant 32 : index
      %swap3A_189 = tpu.vector_load %arg8[%swap3A_187, %swap3A_188] {strides = array<i32>} : memref<128x64xf32, #tpu.memory_space<vmem>>, vector<1x16xf32>,
      %swap3A_190 = vector.shape_cast %swap3A_189 : vector<1x16xf32> to vector<16xf32>
      %swap3A_191 = vector.shape_cast %get3A_186 : vector<16xf32> to vector<1x16xf32>
      tpu.vector_store %arg8[%swap3A_187, %swap3A_188], %swap3A_191 {strides = array<i32>} : memref<128x64xf32, #tpu.memory_space<vmem>>, vector<1x16xf32>,
      %get3A_192 = arith.constant 0 : i32
      %get3A_193 = arith.index_cast %get3A_192 : i32 to index
      %get3A_194 = arith.index_cast %scan3A_158 : i32 to index
      %get3A_195 = arith.constant 48 : index
      %get3A_196 = tpu.vector_load %arg9[%get3A_193, %get3A_194, %get3A_195] {strides = array<i32>} : memref<4x128x128xf32, #tpu.memory_space<vmem>>, vector<1x1x16xf32>,
      %get3A_197 = vector.shape_cast %get3A_196 : vector<1x1x16xf32> to vector<16xf32>
      %swap3A_198 = arith.index_cast %scan3A_158 : i32 to index
      %swap3A_199 = arith.constant 48 : index
      %swap3A_200 = tpu.vector_load %arg8[%swap3A_198, %swap3A_199] {strides = array<i32>} : memref<128x64xf32, #tpu.memory_space<vmem>>, vector<1x16xf32>,
      %swap3A_201 = vector.shape_cast %swap3A_200 : vector<1x16xf32> to vector<16xf32>
      %swap3A_202 = vector.shape_cast %get3A_197 : vector<16xf32> to vector<1x16xf32>
      tpu.vector_store %arg8[%swap3A_198, %swap3A_199], %swap3A_202 {strides = array<i32>} : memref<128x64xf32, #tpu.memory_space<vmem>>, vector<1x16xf32>,
    }
    %scan3A_31 = arith.constant 128 : i32
    "tpu.region"() ({
      %run_scoped3A_114 = tpu.sem_alloc : memref<!tpu.dma_semaphore, #tpu.memory_space<semaphore_mem>>
      %dma_start3A_115 = arith.constant 0 : i32
      %dma_start3A_116 = tpu.memref_slice %arg2[%dma_start3A_115, %mul3A_2] : memref<128x4096xi32, #tpu.memory_space<hbm>> -> memref<128x128xi32, #tpu.memory_space<hbm>>
      %dma_start3A_117 = arith.constant 0 : i32
      %dma_start3A_118 = tpu.memref_slice %arg2[%dma_start3A_117, %mul3A_2] : memref<128x4096xi32, #tpu.memory_space<hbm>> -> memref<128x128xi32, #tpu.memory_space<hbm>>
      tpu.enqueue_dma source(%dma_start3A_118 : memref<128x128xi32, #tpu.memory_space<hbm>>) target(%arg7 : memref<128x128xi32, #tpu.memory_space<vmem>>) target_semaphore(%run_scoped3A_114 : memref<!tpu.dma_semaphore, #tpu.memory_space<semaphore_mem>>)
      %dma_wait3A_119 = arith.constant 0 : i32
      %dma_wait3A_120 = tpu.memref_slice %arg2[%dma_wait3A_119, %mul3A_2] : memref<128x4096xi32, #tpu.memory_space<hbm>> -> memref<128x128xi32, #tpu.memory_space<hbm>>
      %dma_wait3A_121 = arith.constant 0 : i32
      %dma_wait3A_122 = tpu.memref_slice %arg2[%dma_wait3A_121, %mul3A_2] : memref<128x4096xi32, #tpu.memory_space<hbm>> -> memref<128x128xi32, #tpu.memory_space<hbm>>
      tpu.wait_dma2 semaphore(%run_scoped3A_114 : memref<!tpu.dma_semaphore, #tpu.memory_space<semaphore_mem>>) src(%dma_wait3A_122 : memref<128x128xi32, #tpu.memory_space<hbm>>) dst(%arg7 : memref<128x128xi32, #tpu.memory_space<vmem>>)
      tpu.yield
    }) : () -> ()
    %dma_start3A_32 = arith.constant 0 : i32
    %dma_start3A_33 = arith.constant 0 : i32
    %dma_start3A_34 = arith.constant 0 : i32
    %dma_start3A_35 = arith.constant 0 : i32
    %dma_start3A_36 = tpu.memref_slice %arg9[%dma_start3A_33, %dma_start3A_34, %dma_start3A_35] : memref<4x128x128xf32, #tpu.memory_space<vmem>> -> memref<1x128x128xf32, #tpu.memory_space<vmem>>
    %dma_start3A_37 = tpu.memref_squeeze %dma_start3A_36 : memref<1x128x128xf32, #tpu.memory_space<vmem>> -> memref<128x128xf32, #tpu.memory_space<vmem>>
    %dma_start3A_38 = arith.constant 0 : i32
    %dma_start3A_39 = tpu.memref_slice %arg7[%dma_start3A_32, %dma_start3A_38] : memref<128x128xi32, #tpu.memory_space<vmem>> -> memref<1x128xi32, #tpu.memory_space<vmem>>
    %dma_start3A_40 = tpu.memref_squeeze %dma_start3A_39 : memref<1x128xi32, #tpu.memory_space<vmem>> -> memref<128xi32, #tpu.memory_space<vmem>>
    %dma_start3A_41 = arith.constant 0 : i32
    %dma_start3A_42 = arith.constant 0 : i32
    %dma_start3A_43 = tpu.memref_slice %arg4[%dma_start3A_41, %dma_start3A_42] : memref<4096x128xf32, #tpu.memory_space<hbm>> -> memref<4096x128xf32, #tpu.memory_space<hbm>>
    tpu.enqueue_indirect_dma source(%dma_start3A_43 : memref<4096x128xf32, #tpu.memory_space<hbm>>) target(%dma_start3A_37 : memref<128x128xf32, #tpu.memory_space<vmem>>) offsets(%dma_start3A_40 : memref<128xi32, #tpu.memory_space<vmem>>) semaphore(%arg11 : memref<!tpu.dma_semaphore, #tpu.memory_space<semaphore_mem>>)
    %dma_start3A_44 = arith.constant 1 : i32
    %dma_start3A_45 = arith.constant 1 : i32
    %dma_start3A_46 = arith.constant 0 : i32
    %dma_start3A_47 = arith.constant 0 : i32
    %dma_start3A_48 = tpu.memref_slice %arg9[%dma_start3A_45, %dma_start3A_46, %dma_start3A_47] : memref<4x128x128xf32, #tpu.memory_space<vmem>> -> memref<1x128x128xf32, #tpu.memory_space<vmem>>
    %dma_start3A_49 = tpu.memref_squeeze %dma_start3A_48 : memref<1x128x128xf32, #tpu.memory_space<vmem>> -> memref<128x128xf32, #tpu.memory_space<vmem>>
    %dma_start3A_50 = arith.constant 0 : i32
    %dma_start3A_51 = tpu.memref_slice %arg7[%dma_start3A_44, %dma_start3A_50] : memref<128x128xi32, #tpu.memory_space<vmem>> -> memref<1x128xi32, #tpu.memory_space<vmem>>
    %dma_start3A_52 = tpu.memref_squeeze %dma_start3A_51 : memref<1x128xi32, #tpu.memory_space<vmem>> -> memref<128xi32, #tpu.memory_space<vmem>>
    %dma_start3A_53 = arith.constant 0 : i32
    %dma_start3A_54 = arith.constant 0 : i32
    %dma_start3A_55 = tpu.memref_slice %arg4[%dma_start3A_53, %dma_start3A_54] : memref<4096x128xf32, #tpu.memory_space<hbm>> -> memref<4096x128xf32, #tpu.memory_space<hbm>>
    tpu.enqueue_indirect_dma source(%dma_start3A_55 : memref<4096x128xf32, #tpu.memory_space<hbm>>) target(%dma_start3A_49 : memref<128x128xf32, #tpu.memory_space<vmem>>) offsets(%dma_start3A_52 : memref<128xi32, #tpu.memory_space<vmem>>) semaphore(%arg12 : memref<!tpu.dma_semaphore, #tpu.memory_space<semaphore_mem>>)
    %dma_start3A_56 = arith.constant 2 : i32
    %dma_start3A_57 = arith.constant 2 : i32
    %dma_start3A_58 = arith.constant 0 : i32
    %dma_start3A_59 = arith.constant 0 : i32
    %dma_start3A_60 = tpu.memref_slice %arg9[%dma_start3A_57, %dma_start3A_58, %dma_start3A_59] : memref<4x128x128xf32, #tpu.memory_space<vmem>> -> memref<1x128x128xf32, #tpu.memory_space<vmem>>
    %dma_start3A_61 = tpu.memref_squeeze %dma_start3A_60 : memref<1x128x128xf32, #tpu.memory_space<vmem>> -> memref<128x128xf32, #tpu.memory_space<vmem>>
    %dma_start3A_62 = arith.constant 0 : i32
    %dma_start3A_63 = tpu.memref_slice %arg7[%dma_start3A_56, %dma_start3A_62] : memref<128x128xi32, #tpu.memory_space<vmem>> -> memref<1x128xi32, #tpu.memory_space<vmem>>
    %dma_start3A_64 = tpu.memref_squeeze %dma_start3A_63 : memref<1x128xi32, #tpu.memory_space<vmem>> -> memref<128xi32, #tpu.memory_space<vmem>>
    %dma_start3A_65 = arith.constant 0 : i32
    %dma_start3A_66 = arith.constant 0 : i32
    %dma_start3A_67 = tpu.memref_slice %arg4[%dma_start3A_65, %dma_start3A_66] : memref<4096x128xf32, #tpu.memory_space<hbm>> -> memref<4096x128xf32, #tpu.memory_space<hbm>>
    tpu.enqueue_indirect_dma source(%dma_start3A_67 : memref<4096x128xf32, #tpu.memory_space<hbm>>) target(%dma_start3A_61 : memref<128x128xf32, #tpu.memory_space<vmem>>) offsets(%dma_start3A_64 : memref<128xi32, #tpu.memory_space<vmem>>) semaphore(%arg13 : memref<!tpu.dma_semaphore, #tpu.memory_space<semaphore_mem>>)
    %scan3A_68 = arith.constant 0 : i32
    %scan3A_69 = arith.constant 0 : i32
    %scan3A_70 = arith.constant 32 : i32
    %scan3A_71 = arith.addi %scan3A_69, %scan3A_70 : i32
    %scan3A_72 = arith.constant 1 : i32
    scf.for %scan3A_114 = %scan3A_69 to %scan3A_71 step %scan3A_72  : i32 {
      %mul3A_115 = arith.constant 4 : i32
      %mul3A_116 = arith.muli %mul3A_115, %scan3A_114 : i32
      %add3A_117 = arith.constant 0 : i32
      %add3A_118 = arith.addi %mul3A_116, %add3A_117 : i32
      %add3A_119 = arith.constant 3 : i32
      %add3A_120 = arith.addi %add3A_118, %add3A_119 : i32
      %lt3A = arith.constant 128 : i32
      %lt3A_121 = arith.cmpi slt, %add3A_120, %lt3A : i32
      %convert_element_type3A = arith.extui %lt3A_121 : i1 to i32
      %cond3A = arith.constant 0 : i32
      %cond3A_122 = arith.cmpi ne, %convert_element_type3A, %cond3A : i32
      scf.if %cond3A_122 {
        %dma_start3A_319 = arith.constant 3 : i32
        %dma_start3A_320 = arith.constant 0 : i32
        %dma_start3A_321 = arith.constant 0 : i32
        %dma_start3A_322 = tpu.memref_slice %arg9[%dma_start3A_319, %dma_start3A_320, %dma_start3A_321] : memref<4x128x128xf32, #tpu.memory_space<vmem>> -> memref<1x128x128xf32, #tpu.memory_space<vmem>>
        %dma_start3A_323 = tpu.memref_squeeze %dma_start3A_322 : memref<1x128x128xf32, #tpu.memory_space<vmem>> -> memref<128x128xf32, #tpu.memory_space<vmem>>
        %dma_start3A_324 = arith.constant 0 : i32
        %dma_start3A_325 = tpu.memref_slice %arg7[%add3A_120, %dma_start3A_324] : memref<128x128xi32, #tpu.memory_space<vmem>> -> memref<1x128xi32, #tpu.memory_space<vmem>>
        %dma_start3A_326 = tpu.memref_squeeze %dma_start3A_325 : memref<1x128xi32, #tpu.memory_space<vmem>> -> memref<128xi32, #tpu.memory_space<vmem>>
        %dma_start3A_327 = arith.constant 0 : i32
        %dma_start3A_328 = arith.constant 0 : i32
        %dma_start3A_329 = tpu.memref_slice %arg4[%dma_start3A_327, %dma_start3A_328] : memref<4096x128xf32, #tpu.memory_space<hbm>> -> memref<4096x128xf32, #tpu.memory_space<hbm>>
        tpu.enqueue_indirect_dma source(%dma_start3A_329 : memref<4096x128xf32, #tpu.memory_space<hbm>>) target(%dma_start3A_323 : memref<128x128xf32, #tpu.memory_space<vmem>>) offsets(%dma_start3A_326 : memref<128xi32, #tpu.memory_space<vmem>>) semaphore(%arg14 : memref<!tpu.dma_semaphore, #tpu.memory_space<semaphore_mem>>)
      } else {
      }
      %dma_wait3A_123 = arith.constant 0 : i32
      %dma_wait3A_124 = arith.constant 0 : i32
      %dma_wait3A_125 = arith.constant 0 : i32
      %dma_wait3A_126 = tpu.memref_slice %arg9[%dma_wait3A_123, %dma_wait3A_124, %dma_wait3A_125] : memref<4x128x128xf32, #tpu.memory_space<vmem>> -> memref<1x128x128xf32, #tpu.memory_space<vmem>>
      %dma_wait3A_127 = tpu.memref_squeeze %dma_wait3A_126 : memref<1x128x128xf32, #tpu.memory_space<vmem>> -> memref<128x128xf32, #tpu.memory_space<vmem>>
      %dma_wait3A_128 = arith.constant 0 : i32
      %dma_wait3A_129 = tpu.memref_slice %arg7[%add3A_118, %dma_wait3A_128] : memref<128x128xi32, #tpu.memory_space<vmem>> -> memref<1x128xi32, #tpu.memory_space<vmem>>
      %dma_wait3A_130 = tpu.memref_squeeze %dma_wait3A_129 : memref<1x128xi32, #tpu.memory_space<vmem>> -> memref<128xi32, #tpu.memory_space<vmem>>
      %dma_wait3A_131 = arith.constant 0 : i32
      %dma_wait3A_132 = arith.constant 0 : i32
      %dma_wait3A_133 = tpu.memref_slice %arg4[%dma_wait3A_131, %dma_wait3A_132] : memref<4096x128xf32, #tpu.memory_space<hbm>> -> memref<4096x128xf32, #tpu.memory_space<hbm>>
      tpu.wait_indirect_dma semaphore(%arg11 : memref<!tpu.dma_semaphore, #tpu.memory_space<semaphore_mem>>) src(%dma_wait3A_133 : memref<4096x128xf32, #tpu.memory_space<hbm>>) dst(%dma_wait3A_127 : memref<128x128xf32, #tpu.memory_space<vmem>>)
      %ge3A = arith.constant 2 : i32
      %ge3A_134 = arith.cmpi sge, %add3A_118, %ge3A : i32
      %convert_element_type3A_135 = arith.extui %ge3A_134 : i1 to i32
      %cond3A_136 = arith.constant 0 : i32
      %cond3A_137 = arith.cmpi ne, %convert_element_type3A_135, %cond3A_136 : i32
      scf.if %cond3A_137 {
        %sub3A = arith.constant 2 : i32
        %sub3A_319 = arith.subi %add3A_118, %sub3A : i32
        %dma_wait3A_320 = arith.constant 0 : i32
        %dma_wait3A_321 = arith.constant 0 : i32
        %dma_wait3A_322 = arith.constant 0 : i32
        %dma_wait3A_323 = arith.constant 0 : i32
        %dma_wait3A_324 = tpu.memref_slice %arg10[%dma_wait3A_320, %dma_wait3A_321, %dma_wait3A_322, %dma_wait3A_323] : memref<2x16x8x64xf32, #tpu.memory_space<vmem>> -> memref<1x16x8x64xf32, #tpu.memory_space<vmem>>
        %dma_wait3A_325 = tpu.memref_squeeze %dma_wait3A_324 : memref<1x16x8x64xf32, #tpu.memory_space<vmem>> -> memref<16x8x64xf32, #tpu.memory_space<vmem>>
        %dma_wait3A_326 = arith.constant 0 : i32
        %dma_wait3A_327 = arith.constant 0 : i32
        %dma_wait3A_328 = tpu.memref_slice %arg6[%sub3A_319, %mul3A_4, %dma_wait3A_326, %dma_wait3A_327] : memref<128x512x8x64xf32, #tpu.memory_space<hbm>> -> memref<1x16x8x64xf32, #tpu.memory_space<hbm>>
        %dma_wait3A_329 = tpu.memref_squeeze %dma_wait3A_328 : memref<1x16x8x64xf32, #tpu.memory_space<hbm>> -> memref<16x8x64xf32, #tpu.memory_space<hbm>>
        %dma_wait3A_330 = arith.constant 0 : i32
        %dma_wait3A_331 = arith.constant 0 : i32
        %dma_wait3A_332 = tpu.memref_slice %arg6[%sub3A_319, %mul3A_4, %dma_wait3A_330, %dma_wait3A_331] : memref<128x512x8x64xf32, #tpu.memory_space<hbm>> -> memref<1x16x8x64xf32, #tpu.memory_space<hbm>>
        %dma_wait3A_333 = tpu.memref_squeeze %dma_wait3A_332 : memref<1x16x8x64xf32, #tpu.memory_space<hbm>> -> memref<16x8x64xf32, #tpu.memory_space<hbm>>
        %dma_wait3A_334 = arith.constant 0 : i32
        %dma_wait3A_335 = arith.constant 0 : i32
        %dma_wait3A_336 = arith.constant 0 : i32
        %dma_wait3A_337 = tpu.memref_slice %arg10[%dma_wait3A_320, %dma_wait3A_334, %dma_wait3A_335, %dma_wait3A_336] : memref<2x16x8x64xf32, #tpu.memory_space<vmem>> -> memref<1x16x8x64xf32, #tpu.memory_space<vmem>>
        %dma_wait3A_338 = tpu.memref_squeeze %dma_wait3A_337 : memref<1x16x8x64xf32, #tpu.memory_space<vmem>> -> memref<16x8x64xf32, #tpu.memory_space<vmem>>
        tpu.wait_dma2 semaphore(%arg15 : memref<!tpu.dma_semaphore, #tpu.memory_space<semaphore_mem>>) src(%dma_wait3A_338 : memref<16x8x64xf32, #tpu.memory_space<vmem>>) dst(%dma_wait3A_333 : memref<16x8x64xf32, #tpu.memory_space<hbm>>)
      } else {
      }
      %scan3A_138 = arith.constant 0 : i32
      %scan3A_139 = arith.constant 0 : i32
      %scan3A_140 = arith.constant 16 : i32
      %scan3A_141 = arith.addi %scan3A_139, %scan3A_140 : i32
      %scan3A_142 = arith.constant 1 : i32
      scf.for %scan3A_319 = %scan3A_139 to %scan3A_141 step %scan3A_142  : i32 {
        %mul3A_320 = arith.constant 8 : i32
        %mul3A_321 = arith.muli %scan3A_319, %mul3A_320 : i32
        %add3A_322 = arith.constant 0 : i32
        %add3A_323 = arith.addi %mul3A_321, %add3A_322 : i32
        %get3A = arith.constant 0 : i32
        %get3A_324 = arith.index_cast %get3A : i32 to index
        %get3A_325 = arith.index_cast %add3A_323 : i32 to index
        %get3A_326 = arith.constant 0 : index
        %get3A_327 = tpu.vector_load %arg9[%get3A_324, %get3A_325, %get3A_326] {strides = array<i32>} : memref<4x128x128xf32, #tpu.memory_space<vmem>>, vector<1x1x16xf32>,
        %get3A_328 = vector.shape_cast %get3A_327 : vector<1x1x16xf32> to vector<16xf32>
        %mul3A_329 = arith.constant 8 : i32
        %mul3A_330 = arith.muli %scan3A_319, %mul3A_329 : i32
        %add3A_331 = arith.constant 0 : i32
        %add3A_332 = arith.addi %mul3A_330, %add3A_331 : i32
        %get3A_333 = arith.index_cast %add3A_332 : i32 to index
        %get3A_334 = arith.constant 0 : index
        %get3A_335 = tpu.vector_load %arg8[%get3A_333, %get3A_334] {strides = array<i32>} : memref<128x64xf32, #tpu.memory_space<vmem>>, vector<1x16xf32>,
        %get3A_336 = vector.shape_cast %get3A_335 : vector<1x16xf32> to vector<16xf32>
        %add3A_337 = arith.addf %get3A_328, %get3A_336 : vector<16xf32>
        %swap3A = arith.constant 0 : i32
        %swap3A_338 = arith.constant 0 : i32
        %swap3A_339 = arith.index_cast %swap3A : i32 to index
        %swap3A_340 = arith.index_cast %scan3A_319 : i32 to index
        %swap3A_341 = arith.index_cast %swap3A_338 : i32 to index
        %swap3A_342 = arith.constant 0 : index
        %swap3A_343 = tpu.vector_load %arg10[%swap3A_339, %swap3A_340, %swap3A_341, %swap3A_342] {strides = array<i32>} : memref<2x16x8x64xf32, #tpu.memory_space<vmem>>, vector<1x1x1x16xf32>,
        %swap3A_344 = vector.shape_cast %swap3A_343 : vector<1x1x1x16xf32> to vector<16xf32>
        %swap3A_345 = vector.shape_cast %add3A_337 : vector<16xf32> to vector<1x1x1x16xf32>
        tpu.vector_store %arg10[%swap3A_339, %swap3A_340, %swap3A_341, %swap3A_342], %swap3A_345 {strides = array<i32>} : memref<2x16x8x64xf32, #tpu.memory_space<vmem>>, vector<1x1x1x16xf32>,
        %mul3A_346 = arith.constant 8 : i32
        %mul3A_347 = arith.muli %scan3A_319, %mul3A_346 : i32
        %add3A_348 = arith.constant 0 : i32
        %add3A_349 = arith.addi %mul3A_347, %add3A_348 : i32
        %get3A_350 = arith.constant 0 : i32
        %get3A_351 = arith.index_cast %get3A_350 : i32 to index
        %get3A_352 = arith.index_cast %add3A_349 : i32 to index
        %get3A_353 = arith.constant 16 : index
        %get3A_354 = tpu.vector_load %arg9[%get3A_351, %get3A_352, %get3A_353] {strides = array<i32>} : memref<4x128x128xf32, #tpu.memory_space<vmem>>, vector<1x1x16xf32>,
        %get3A_355 = vector.shape_cast %get3A_354 : vector<1x1x16xf32> to vector<16xf32>
        %mul3A_356 = arith.constant 8 : i32
        %mul3A_357 = arith.muli %scan3A_319, %mul3A_356 : i32
        %add3A_358 = arith.constant 0 : i32
        %add3A_359 = arith.addi %mul3A_357, %add3A_358 : i32
        %get3A_360 = arith.index_cast %add3A_359 : i32 to index
        %get3A_361 = arith.constant 16 : index
        %get3A_362 = tpu.vector_load %arg8[%get3A_360, %get3A_361] {strides = array<i32>} : memref<128x64xf32, #tpu.memory_space<vmem>>, vector<1x16xf32>,
        %get3A_363 = vector.shape_cast %get3A_362 : vector<1x16xf32> to vector<16xf32>
        %add3A_364 = arith.addf %get3A_355, %get3A_363 : vector<16xf32>
        %swap3A_365 = arith.constant 0 : i32
        %swap3A_366 = arith.constant 0 : i32
        %swap3A_367 = arith.index_cast %swap3A_365 : i32 to index
        %swap3A_368 = arith.index_cast %scan3A_319 : i32 to index
        %swap3A_369 = arith.index_cast %swap3A_366 : i32 to index
        %swap3A_370 = arith.constant 16 : index
        %swap3A_371 = tpu.vector_load %arg10[%swap3A_367, %swap3A_368, %swap3A_369, %swap3A_370] {strides = array<i32>} : memref<2x16x8x64xf32, #tpu.memory_space<vmem>>, vector<1x1x1x16xf32>,
        %swap3A_372 = vector.shape_cast %swap3A_371 : vector<1x1x1x16xf32> to vector<16xf32>
        %swap3A_373 = vector.shape_cast %add3A_364 : vector<16xf32> to vector<1x1x1x16xf32>
        tpu.vector_store %arg10[%swap3A_367, %swap3A_368, %swap3A_369, %swap3A_370], %swap3A_373 {strides = array<i32>} : memref<2x16x8x64xf32, #tpu.memory_space<vmem>>, vector<1x1x1x16xf32>,
        %mul3A_374 = arith.constant 8 : i32
        %mul3A_375 = arith.muli %scan3A_319, %mul3A_374 : i32
        %add3A_376 = arith.constant 0 : i32
        %add3A_377 = arith.addi %mul3A_375, %add3A_376 : i32
        %get3A_378 = arith.constant 0 : i32
        %get3A_379 = arith.index_cast %get3A_378 : i32 to index
        %get3A_380 = arith.index_cast %add3A_377 : i32 to index
        %get3A_381 = arith.constant 32 : index
        %get3A_382 = tpu.vector_load %arg9[%get3A_379, %get3A_380, %get3A_381] {strides = array<i32>} : memref<4x128x128xf32, #tpu.memory_space<vmem>>, vector<1x1x16xf32>,
        %get3A_383 = vector.shape_cast %get3A_382 : vector<1x1x16xf32> to vector<16xf32>
        %mul3A_384 = arith.constant 8 : i32
        %mul3A_385 = arith.muli %scan3A_319, %mul3A_384 : i32
        %add3A_386 = arith.constant 0 : i32
        %add3A_387 = arith.addi %mul3A_385, %add3A_386 : i32
        %get3A_388 = arith.index_cast %add3A_387 : i32 to index
        %get3A_389 = arith.constant 32 : index
        %get3A_390 = tpu.vector_load %arg8[%get3A_388, %get3A_389] {strides = array<i32>} : memref<128x64xf32, #tpu.memory_space<vmem>>, vector<1x16xf32>,
        %get3A_391 = vector.shape_cast %get3A_390 : vector<1x16xf32> to vector<16xf32>
        %add3A_392 = arith.addf %get3A_383, %get3A_391 : vector<16xf32>
        %swap3A_393 = arith.constant 0 : i32
        %swap3A_394 = arith.constant 0 : i32
        %swap3A_395 = arith.index_cast %swap3A_393 : i32 to index
        %swap3A_396 = arith.index_cast %scan3A_319 : i32 to index
        %swap3A_397 = arith.index_cast %swap3A_394 : i32 to index
        %swap3A_398 = arith.constant 32 : index
        %swap3A_399 = tpu.vector_load %arg10[%swap3A_395, %swap3A_396, %swap3A_397, %swap3A_398] {strides = array<i32>} : memref<2x16x8x64xf32, #tpu.memory_space<vmem>>, vector<1x1x1x16xf32>,
        %swap3A_400 = vector.shape_cast %swap3A_399 : vector<1x1x1x16xf32> to vector<16xf32>
        %swap3A_401 = vector.shape_cast %add3A_392 : vector<16xf32> to vector<1x1x1x16xf32>
        tpu.vector_store %arg10[%swap3A_395, %swap3A_396, %swap3A_397, %swap3A_398], %swap3A_401 {strides = array<i32>} : memref<2x16x8x64xf32, #tpu.memory_space<vmem>>, vector<1x1x1x16xf32>,
        %mul3A_402 = arith.constant 8 : i32
        %mul3A_403 = arith.muli %scan3A_319, %mul3A_402 : i32
        %add3A_404 = arith.constant 0 : i32
        %add3A_405 = arith.addi %mul3A_403, %add3A_404 : i32
        %get3A_406 = arith.constant 0 : i32
        %get3A_407 = arith.index_cast %get3A_406 : i32 to index
        %get3A_408 = arith.index_cast %add3A_405 : i32 to index
        %get3A_409 = arith.constant 48 : index
        %get3A_410 = tpu.vector_load %arg9[%get3A_407, %get3A_408, %get3A_409] {strides = array<i32>} : memref<4x128x128xf32, #tpu.memory_space<vmem>>, vector<1x1x16xf32>,
        %get3A_411 = vector.shape_cast %get3A_410 : vector<1x1x16xf32> to vector<16xf32>
        %mul3A_412 = arith.constant 8 : i32
        %mul3A_413 = arith.muli %scan3A_319, %mul3A_412 : i32
        %add3A_414 = arith.constant 0 : i32
        %add3A_415 = arith.addi %mul3A_413, %add3A_414 : i32
        %get3A_416 = arith.index_cast %add3A_415 : i32 to index
        %get3A_417 = arith.constant 48 : index
        %get3A_418 = tpu.vector_load %arg8[%get3A_416, %get3A_417] {strides = array<i32>} : memref<128x64xf32, #tpu.memory_space<vmem>>, vector<1x16xf32>,
        %get3A_419 = vector.shape_cast %get3A_418 : vector<1x16xf32> to vector<16xf32>
        %add3A_420 = arith.addf %get3A_411, %get3A_419 : vector<16xf32>
        %swap3A_421 = arith.constant 0 : i32
        %swap3A_422 = arith.constant 0 : i32
        %swap3A_423 = arith.index_cast %swap3A_421 : i32 to index
        %swap3A_424 = arith.index_cast %scan3A_319 : i32 to index
        %swap3A_425 = arith.index_cast %swap3A_422 : i32 to index
        %swap3A_426 = arith.constant 48 : index
        %swap3A_427 = tpu.vector_load %arg10[%swap3A_423, %swap3A_424, %swap3A_425, %swap3A_426] {strides = array<i32>} : memref<2x16x8x64xf32, #tpu.memory_space<vmem>>, vector<1x1x1x16xf32>,
        %swap3A_428 = vector.shape_cast %swap3A_427 : vector<1x1x1x16xf32> to vector<16xf32>
        %swap3A_429 = vector.shape_cast %add3A_420 : vector<16xf32> to vector<1x1x1x16xf32>
        tpu.vector_store %arg10[%swap3A_423, %swap3A_424, %swap3A_425, %swap3A_426], %swap3A_429 {strides = array<i32>} : memref<2x16x8x64xf32, #tpu.memory_space<vmem>>, vector<1x1x1x16xf32>,
        %mul3A_430 = arith.constant 8 : i32
        %mul3A_431 = arith.muli %scan3A_319, %mul3A_430 : i32
        %add3A_432 = arith.constant 1 : i32
        %add3A_433 = arith.addi %mul3A_431, %add3A_432 : i32
        %get3A_434 = arith.constant 0 : i32
        %get3A_435 = arith.index_cast %get3A_434 : i32 to index
        %get3A_436 = arith.index_cast %add3A_433 : i32 to index
        %get3A_437 = arith.constant 0 : index
        %get3A_438 = tpu.vector_load %arg9[%get3A_435, %get3A_436, %get3A_437] {strides = array<i32>} : memref<4x128x128xf32, #tpu.memory_space<vmem>>, vector<1x1x16xf32>,
        %get3A_439 = vector.shape_cast %get3A_438 : vector<1x1x16xf32> to vector<16xf32>
        %mul3A_440 = arith.constant 8 : i32
        %mul3A_441 = arith.muli %scan3A_319, %mul3A_440 : i32
        %add3A_442 = arith.constant 1 : i32
        %add3A_443 = arith.addi %mul3A_441, %add3A_442 : i32
        %get3A_444 = arith.index_cast %add3A_443 : i32 to index
        %get3A_445 = arith.constant 0 : index
        %get3A_446 = tpu.vector_load %arg8[%get3A_444, %get3A_445] {strides = array<i32>} : memref<128x64xf32, #tpu.memory_space<vmem>>, vector<1x16xf32>,
        %get3A_447 = vector.shape_cast %get3A_446 : vector<1x16xf32> to vector<16xf32>
        %add3A_448 = arith.addf %get3A_439, %get3A_447 : vector<16xf32>
        %swap3A_449 = arith.constant 0 : i32
        %swap3A_450 = arith.constant 1 : i32
        %swap3A_451 = arith.index_cast %swap3A_449 : i32 to index
        %swap3A_452 = arith.index_cast %scan3A_319 : i32 to index
        %swap3A_453 = arith.index_cast %swap3A_450 : i32 to index
        %swap3A_454 = arith.constant 0 : index
        %swap3A_455 = tpu.vector_load %arg10[%swap3A_451, %swap3A_452, %swap3A_453, %swap3A_454] {strides = array<i32>} : memref<2x16x8x64xf32, #tpu.memory_space<vmem>>, vector<1x1x1x16xf32>,
        %swap3A_456 = vector.shape_cast %swap3A_455 : vector<1x1x1x16xf32> to vector<16xf32>
        %swap3A_457 = vector.shape_cast %add3A_448 : vector<16xf32> to vector<1x1x1x16xf32>
        tpu.vector_store %arg10[%swap3A_451, %swap3A_452, %swap3A_453, %swap3A_454], %swap3A_457 {strides = array<i32>} : memref<2x16x8x64xf32, #tpu.memory_space<vmem>>, vector<1x1x1x16xf32>,
        %mul3A_458 = arith.constant 8 : i32
        %mul3A_459 = arith.muli %scan3A_319, %mul3A_458 : i32
        %add3A_460 = arith.constant 1 : i32
        %add3A_461 = arith.addi %mul3A_459, %add3A_460 : i32
        %get3A_462 = arith.constant 0 : i32
        %get3A_463 = arith.index_cast %get3A_462 : i32 to index
        %get3A_464 = arith.index_cast %add3A_461 : i32 to index
        %get3A_465 = arith.constant 16 : index
        %get3A_466 = tpu.vector_load %arg9[%get3A_463, %get3A_464, %get3A_465] {strides = array<i32>} : memref<4x128x128xf32, #tpu.memory_space<vmem>>, vector<1x1x16xf32>,
        %get3A_467 = vector.shape_cast %get3A_466 : vector<1x1x16xf32> to vector<16xf32>
        %mul3A_468 = arith.constant 8 : i32
        %mul3A_469 = arith.muli %scan3A_319, %mul3A_468 : i32
        %add3A_470 = arith.constant 1 : i32
        %add3A_471 = arith.addi %mul3A_469, %add3A_470 : i32
        %get3A_472 = arith.index_cast %add3A_471 : i32 to index
        %get3A_473 = arith.constant 16 : index
        %get3A_474 = tpu.vector_load %arg8[%get3A_472, %get3A_473] {strides = array<i32>} : memref<128x64xf32, #tpu.memory_space<vmem>>, vector<1x16xf32>,
        %get3A_475 = vector.shape_cast %get3A_474 : vector<1x16xf32> to vector<16xf32>
        %add3A_476 = arith.addf %get3A_467, %get3A_475 : vector<16xf32>
        %swap3A_477 = arith.constant 0 : i32
        %swap3A_478 = arith.constant 1 : i32
        %swap3A_479 = arith.index_cast %swap3A_477 : i32 to index
        %swap3A_480 = arith.index_cast %scan3A_319 : i32 to index
        %swap3A_481 = arith.index_cast %swap3A_478 : i32 to index
        %swap3A_482 = arith.constant 16 : index
        %swap3A_483 = tpu.vector_load %arg10[%swap3A_479, %swap3A_480, %swap3A_481, %swap3A_482] {strides = array<i32>} : memref<2x16x8x64xf32, #tpu.memory_space<vmem>>, vector<1x1x1x16xf32>,
        %swap3A_484 = vector.shape_cast %swap3A_483 : vector<1x1x1x16xf32> to vector<16xf32>
        %swap3A_485 = vector.shape_cast %add3A_476 : vector<16xf32> to vector<1x1x1x16xf32>
        tpu.vector_store %arg10[%swap3A_479, %swap3A_480, %swap3A_481, %swap3A_482], %swap3A_485 {strides = array<i32>} : memref<2x16x8x64xf32, #tpu.memory_space<vmem>>, vector<1x1x1x16xf32>,
        %mul3A_486 = arith.constant 8 : i32
        %mul3A_487 = arith.muli %scan3A_319, %mul3A_486 : i32
        %add3A_488 = arith.constant 1 : i32
        %add3A_489 = arith.addi %mul3A_487, %add3A_488 : i32
        %get3A_490 = arith.constant 0 : i32
        %get3A_491 = arith.index_cast %get3A_490 : i32 to index
        %get3A_492 = arith.index_cast %add3A_489 : i32 to index
        %get3A_493 = arith.constant 32 : index
        %get3A_494 = tpu.vector_load %arg9[%get3A_491, %get3A_492, %get3A_493] {strides = array<i32>} : memref<4x128x128xf32, #tpu.memory_space<vmem>>, vector<1x1x16xf32>,
        %get3A_495 = vector.shape_cast %get3A_494 : vector<1x1x16xf32> to vector<16xf32>
        %mul3A_496 = arith.constant 8 : i32
        %mul3A_497 = arith.muli %scan3A_319, %mul3A_496 : i32
        %add3A_498 = arith.constant 1 : i32
        %add3A_499 = arith.addi %mul3A_497, %add3A_498 : i32
        %get3A_500 = arith.index_cast %add3A_499 : i32 to index
        %get3A_501 = arith.constant 32 : index
        %get3A_502 = tpu.vector_load %arg8[%get3A_500, %get3A_501] {strides = array<i32>} : memref<128x64xf32, #tpu.memory_space<vmem>>, vector<1x16xf32>,
        %get3A_503 = vector.shape_cast %get3A_502 : vector<1x16xf32> to vector<16xf32>
        %add3A_504 = arith.addf %get3A_495, %get3A_503 : vector<16xf32>
        %swap3A_505 = arith.constant 0 : i32
        %swap3A_506 = arith.constant 1 : i32
        %swap3A_507 = arith.index_cast %swap3A_505 : i32 to index
        %swap3A_508 = arith.index_cast %scan3A_319 : i32 to index
        %swap3A_509 = arith.index_cast %swap3A_506 : i32 to index
        %swap3A_510 = arith.constant 32 : index
        %swap3A_511 = tpu.vector_load %arg10[%swap3A_507, %swap3A_508, %swap3A_509, %swap3A_510] {strides = array<i32>} : memref<2x16x8x64xf32, #tpu.memory_space<vmem>>, vector<1x1x1x16xf32>,
        %swap3A_512 = vector.shape_cast %swap3A_511 : vector<1x1x1x16xf32> to vector<16xf32>
        %swap3A_513 = vector.shape_cast %add3A_504 : vector<16xf32> to vector<1x1x1x16xf32>
        tpu.vector_store %arg10[%swap3A_507, %swap3A_508, %swap3A_509, %swap3A_510], %swap3A_513 {strides = array<i32>} : memref<2x16x8x64xf32, #tpu.memory_space<vmem>>, vector<1x1x1x16xf32>,
        %mul3A_514 = arith.constant 8 : i32
        %mul3A_515 = arith.muli %scan3A_319, %mul3A_514 : i32
        %add3A_516 = arith.constant 1 : i32
        %add3A_517 = arith.addi %mul3A_515, %add3A_516 : i32
        %get3A_518 = arith.constant 0 : i32
        %get3A_519 = arith.index_cast %get3A_518 : i32 to index
        %get3A_520 = arith.index_cast %add3A_517 : i32 to index
        %get3A_521 = arith.constant 48 : index
        %get3A_522 = tpu.vector_load %arg9[%get3A_519, %get3A_520, %get3A_521] {strides = array<i32>} : memref<4x128x128xf32, #tpu.memory_space<vmem>>, vector<1x1x16xf32>,
        %get3A_523 = vector.shape_cast %get3A_522 : vector<1x1x16xf32> to vector<16xf32>
        %mul3A_524 = arith.constant 8 : i32
        %mul3A_525 = arith.muli %scan3A_319, %mul3A_524 : i32
        %add3A_526 = arith.constant 1 : i32
        %add3A_527 = arith.addi %mul3A_525, %add3A_526 : i32
        %get3A_528 = arith.index_cast %add3A_527 : i32 to index
        %get3A_529 = arith.constant 48 : index
        %get3A_530 = tpu.vector_load %arg8[%get3A_528, %get3A_529] {strides = array<i32>} : memref<128x64xf32, #tpu.memory_space<vmem>>, vector<1x16xf32>,
        %get3A_531 = vector.shape_cast %get3A_530 : vector<1x16xf32> to vector<16xf32>
        %add3A_532 = arith.addf %get3A_523, %get3A_531 : vector<16xf32>
        %swap3A_533 = arith.constant 0 : i32
        %swap3A_534 = arith.constant 1 : i32
        %swap3A_535 = arith.index_cast %swap3A_533 : i32 to index
        %swap3A_536 = arith.index_cast %scan3A_319 : i32 to index
        %swap3A_537 = arith.index_cast %swap3A_534 : i32 to index
        %swap3A_538 = arith.constant 48 : index
        %swap3A_539 = tpu.vector_load %arg10[%swap3A_535, %swap3A_536, %swap3A_537, %swap3A_538] {strides = array<i32>} : memref<2x16x8x64xf32, #tpu.memory_space<vmem>>, vector<1x1x1x16xf32>,
        %swap3A_540 = vector.shape_cast %swap3A_539 : vector<1x1x1x16xf32> to vector<16xf32>
        %swap3A_541 = vector.shape_cast %add3A_532 : vector<16xf32> to vector<1x1x1x16xf32>
        tpu.vector_store %arg10[%swap3A_535, %swap3A_536, %swap3A_537, %swap3A_538], %swap3A_541 {strides = array<i32>} : memref<2x16x8x64xf32, #tpu.memory_space<vmem>>, vector<1x1x1x16xf32>,
        %mul3A_542 = arith.constant 8 : i32
        %mul3A_543 = arith.muli %scan3A_319, %mul3A_542 : i32
        %add3A_544 = arith.constant 2 : i32
        %add3A_545 = arith.addi %mul3A_543, %add3A_544 : i32
        %get3A_546 = arith.constant 0 : i32
        %get3A_547 = arith.index_cast %get3A_546 : i32 to index
        %get3A_548 = arith.index_cast %add3A_545 : i32 to index
        %get3A_549 = arith.constant 0 : index
        %get3A_550 = tpu.vector_load %arg9[%get3A_547, %get3A_548, %get3A_549] {strides = array<i32>} : memref<4x128x128xf32, #tpu.memory_space<vmem>>, vector<1x1x16xf32>,
        %get3A_551 = vector.shape_cast %get3A_550 : vector<1x1x16xf32> to vector<16xf32>
        %mul3A_552 = arith.constant 8 : i32
        %mul3A_553 = arith.muli %scan3A_319, %mul3A_552 : i32
        %add3A_554 = arith.constant 2 : i32
        %add3A_555 = arith.addi %mul3A_553, %add3A_554 : i32
        %get3A_556 = arith.index_cast %add3A_555 : i32 to index
        %get3A_557 = arith.constant 0 : index
        %get3A_558 = tpu.vector_load %arg8[%get3A_556, %get3A_557] {strides = array<i32>} : memref<128x64xf32, #tpu.memory_space<vmem>>, vector<1x16xf32>,
        %get3A_559 = vector.shape_cast %get3A_558 : vector<1x16xf32> to vector<16xf32>
        %add3A_560 = arith.addf %get3A_551, %get3A_559 : vector<16xf32>
        %swap3A_561 = arith.constant 0 : i32
        %swap3A_562 = arith.constant 2 : i32
        %swap3A_563 = arith.index_cast %swap3A_561 : i32 to index
        %swap3A_564 = arith.index_cast %scan3A_319 : i32 to index
        %swap3A_565 = arith.index_cast %swap3A_562 : i32 to index
        %swap3A_566 = arith.constant 0 : index
        %swap3A_567 = tpu.vector_load %arg10[%swap3A_563, %swap3A_564, %swap3A_565, %swap3A_566] {strides = array<i32>} : memref<2x16x8x64xf32, #tpu.memory_space<vmem>>, vector<1x1x1x16xf32>,
        %swap3A_568 = vector.shape_cast %swap3A_567 : vector<1x1x1x16xf32> to vector<16xf32>
        %swap3A_569 = vector.shape_cast %add3A_560 : vector<16xf32> to vector<1x1x1x16xf32>
        tpu.vector_store %arg10[%swap3A_563, %swap3A_564, %swap3A_565, %swap3A_566], %swap3A_569 {strides = array<i32>} : memref<2x16x8x64xf32, #tpu.memory_space<vmem>>, vector<1x1x1x16xf32>,
        %mul3A_570 = arith.constant 8 : i32
        %mul3A_571 = arith.muli %scan3A_319, %mul3A_570 : i32
        %add3A_572 = arith.constant 2 : i32
        %add3A_573 = arith.addi %mul3A_571, %add3A_572 : i32
        %get3A_574 = arith.constant 0 : i32
        %get3A_575 = arith.index_cast %get3A_574 : i32 to index
        %get3A_576 = arith.index_cast %add3A_573 : i32 to index
        %get3A_577 = arith.constant 16 : index
        %get3A_578 = tpu.vector_load %arg9[%get3A_575, %get3A_576, %get3A_577] {strides = array<i32>} : memref<4x128x128xf32, #tpu.memory_space<vmem>>, vector<1x1x16xf32>,
        %get3A_579 = vector.shape_cast %get3A_578 : vector<1x1x16xf32> to vector<16xf32>
        %mul3A_580 = arith.constant 8 : i32
        %mul3A_581 = arith.muli %scan3A_319, %mul3A_580 : i32
        %add3A_582 = arith.constant 2 : i32
        %add3A_583 = arith.addi %mul3A_581, %add3A_582 : i32
        %get3A_584 = arith.index_cast %add3A_583 : i32 to index
        %get3A_585 = arith.constant 16 : index
        %get3A_586 = tpu.vector_load %arg8[%get3A_584, %get3A_585] {strides = array<i32>} : memref<128x64xf32, #tpu.memory_space<vmem>>, vector<1x16xf32>,
        %get3A_587 = vector.shape_cast %get3A_586 : vector<1x16xf32> to vector<16xf32>
        %add3A_588 = arith.addf %get3A_579, %get3A_587 : vector<16xf32>
        %swap3A_589 = arith.constant 0 : i32
        %swap3A_590 = arith.constant 2 : i32
        %swap3A_591 = arith.index_cast %swap3A_589 : i32 to index
        %swap3A_592 = arith.index_cast %scan3A_319 : i32 to index
        %swap3A_593 = arith.index_cast %swap3A_590 : i32 to index
        %swap3A_594 = arith.constant 16 : index
        %swap3A_595 = tpu.vector_load %arg10[%swap3A_591, %swap3A_592, %swap3A_593, %swap3A_594] {strides = array<i32>} : memref<2x16x8x64xf32, #tpu.memory_space<vmem>>, vector<1x1x1x16xf32>,
        %swap3A_596 = vector.shape_cast %swap3A_595 : vector<1x1x1x16xf32> to vector<16xf32>
        %swap3A_597 = vector.shape_cast %add3A_588 : vector<16xf32> to vector<1x1x1x16xf32>
        tpu.vector_store %arg10[%swap3A_591, %swap3A_592, %swap3A_593, %swap3A_594], %swap3A_597 {strides = array<i32>} : memref<2x16x8x64xf32, #tpu.memory_space<vmem>>, vector<1x1x1x16xf32>,
        %mul3A_598 = arith.constant 8 : i32
        %mul3A_599 = arith.muli %scan3A_319, %mul3A_598 : i32
        %add3A_600 = arith.constant 2 : i32
        %add3A_601 = arith.addi %mul3A_599, %add3A_600 : i32
        %get3A_602 = arith.constant 0 : i32
        %get3A_603 = arith.index_cast %get3A_602 : i32 to index
        %get3A_604 = arith.index_cast %add3A_601 : i32 to index
        %get3A_605 = arith.constant 32 : index
        %get3A_606 = tpu.vector_load %arg9[%get3A_603, %get3A_604, %get3A_605] {strides = array<i32>} : memref<4x128x128xf32, #tpu.memory_space<vmem>>, vector<1x1x16xf32>,
        %get3A_607 = vector.shape_cast %get3A_606 : vector<1x1x16xf32> to vector<16xf32>
        %mul3A_608 = arith.constant 8 : i32
        %mul3A_609 = arith.muli %scan3A_319, %mul3A_608 : i32
        %add3A_610 = arith.constant 2 : i32
        %add3A_611 = arith.addi %mul3A_609, %add3A_610 : i32
        %get3A_612 = arith.index_cast %add3A_611 : i32 to index
        %get3A_613 = arith.constant 32 : index
        %get3A_614 = tpu.vector_load %arg8[%get3A_612, %get3A_613] {strides = array<i32>} : memref<128x64xf32, #tpu.memory_space<vmem>>, vector<1x16xf32>,
        %get3A_615 = vector.shape_cast %get3A_614 : vector<1x16xf32> to vector<16xf32>
        %add3A_616 = arith.addf %get3A_607, %get3A_615 : vector<16xf32>
        %swap3A_617 = arith.constant 0 : i32
        %swap3A_618 = arith.constant 2 : i32
        %swap3A_619 = arith.index_cast %swap3A_617 : i32 to index
        %swap3A_620 = arith.index_cast %scan3A_319 : i32 to index
        %swap3A_621 = arith.index_cast %swap3A_618 : i32 to index
        %swap3A_622 = arith.constant 32 : index
        %swap3A_623 = tpu.vector_load %arg10[%swap3A_619, %swap3A_620, %swap3A_621, %swap3A_622] {strides = array<i32>} : memref<2x16x8x64xf32, #tpu.memory_space<vmem>>, vector<1x1x1x16xf32>,
        %swap3A_624 = vector.shape_cast %swap3A_623 : vector<1x1x1x16xf32> to vector<16xf32>
        %swap3A_625 = vector.shape_cast %add3A_616 : vector<16xf32> to vector<1x1x1x16xf32>
        tpu.vector_store %arg10[%swap3A_619, %swap3A_620, %swap3A_621, %swap3A_622], %swap3A_625 {strides = array<i32>} : memref<2x16x8x64xf32, #tpu.memory_space<vmem>>, vector<1x1x1x16xf32>,
        %mul3A_626 = arith.constant 8 : i32
        %mul3A_627 = arith.muli %scan3A_319, %mul3A_626 : i32
        %add3A_628 = arith.constant 2 : i32
        %add3A_629 = arith.addi %mul3A_627, %add3A_628 : i32
        %get3A_630 = arith.constant 0 : i32
        %get3A_631 = arith.index_cast %get3A_630 : i32 to index
        %get3A_632 = arith.index_cast %add3A_629 : i32 to index
        %get3A_633 = arith.constant 48 : index
        %get3A_634 = tpu.vector_load %arg9[%get3A_631, %get3A_632, %get3A_633] {strides = array<i32>} : memref<4x128x128xf32, #tpu.memory_space<vmem>>, vector<1x1x16xf32>,
        %get3A_635 = vector.shape_cast %get3A_634 : vector<1x1x16xf32> to vector<16xf32>
        %mul3A_636 = arith.constant 8 : i32
        %mul3A_637 = arith.muli %scan3A_319, %mul3A_636 : i32
        %add3A_638 = arith.constant 2 : i32
        %add3A_639 = arith.addi %mul3A_637, %add3A_638 : i32
        %get3A_640 = arith.index_cast %add3A_639 : i32 to index
        %get3A_641 = arith.constant 48 : index
        %get3A_642 = tpu.vector_load %arg8[%get3A_640, %get3A_641] {strides = array<i32>} : memref<128x64xf32, #tpu.memory_space<vmem>>, vector<1x16xf32>,
        %get3A_643 = vector.shape_cast %get3A_642 : vector<1x16xf32> to vector<16xf32>
        %add3A_644 = arith.addf %get3A_635, %get3A_643 : vector<16xf32>
        %swap3A_645 = arith.constant 0 : i32
        %swap3A_646 = arith.constant 2 : i32
        %swap3A_647 = arith.index_cast %swap3A_645 : i32 to index
        %swap3A_648 = arith.index_cast %scan3A_319 : i32 to index
        %swap3A_649 = arith.index_cast %swap3A_646 : i32 to index
        %swap3A_650 = arith.constant 48 : index
        %swap3A_651 = tpu.vector_load %arg10[%swap3A_647, %swap3A_648, %swap3A_649, %swap3A_650] {strides = array<i32>} : memref<2x16x8x64xf32, #tpu.memory_space<vmem>>, vector<1x1x1x16xf32>,
        %swap3A_652 = vector.shape_cast %swap3A_651 : vector<1x1x1x16xf32> to vector<16xf32>
        %swap3A_653 = vector.shape_cast %add3A_644 : vector<16xf32> to vector<1x1x1x16xf32>
        tpu.vector_store %arg10[%swap3A_647, %swap3A_648, %swap3A_649, %swap3A_650], %swap3A_653 {strides = array<i32>} : memref<2x16x8x64xf32, #tpu.memory_space<vmem>>, vector<1x1x1x16xf32>,
        %mul3A_654 = arith.constant 8 : i32
        %mul3A_655 = arith.muli %scan3A_319, %mul3A_654 : i32
        %add3A_656 = arith.constant 3 : i32
        %add3A_657 = arith.addi %mul3A_655, %add3A_656 : i32
        %get3A_658 = arith.constant 0 : i32
        %get3A_659 = arith.index_cast %get3A_658 : i32 to index
        %get3A_660 = arith.index_cast %add3A_657 : i32 to index
        %get3A_661 = arith.constant 0 : index
        %get3A_662 = tpu.vector_load %arg9[%get3A_659, %get3A_660, %get3A_661] {strides = array<i32>} : memref<4x128x128xf32, #tpu.memory_space<vmem>>, vector<1x1x16xf32>,
        %get3A_663 = vector.shape_cast %get3A_662 : vector<1x1x16xf32> to vector<16xf32>
        %mul3A_664 = arith.constant 8 : i32
        %mul3A_665 = arith.muli %scan3A_319, %mul3A_664 : i32
        %add3A_666 = arith.constant 3 : i32
        %add3A_667 = arith.addi %mul3A_665, %add3A_666 : i32
        %get3A_668 = arith.index_cast %add3A_667 : i32 to index
        %get3A_669 = arith.constant 0 : index
        %get3A_670 = tpu.vector_load %arg8[%get3A_668, %get3A_669] {strides = array<i32>} : memref<128x64xf32, #tpu.memory_space<vmem>>, vector<1x16xf32>,
        %get3A_671 = vector.shape_cast %get3A_670 : vector<1x16xf32> to vector<16xf32>
        %add3A_672 = arith.addf %get3A_663, %get3A_671 : vector<16xf32>
        %swap3A_673 = arith.constant 0 : i32
        %swap3A_674 = arith.constant 3 : i32
        %swap3A_675 = arith.index_cast %swap3A_673 : i32 to index
        %swap3A_676 = arith.index_cast %scan3A_319 : i32 to index
        %swap3A_677 = arith.index_cast %swap3A_674 : i32 to index
        %swap3A_678 = arith.constant 0 : index
        %swap3A_679 = tpu.vector_load %arg10[%swap3A_675, %swap3A_676, %swap3A_677, %swap3A_678] {strides = array<i32>} : memref<2x16x8x64xf32, #tpu.memory_space<vmem>>, vector<1x1x1x16xf32>,
        %swap3A_680 = vector.shape_cast %swap3A_679 : vector<1x1x1x16xf32> to vector<16xf32>
        %swap3A_681 = vector.shape_cast %add3A_672 : vector<16xf32> to vector<1x1x1x16xf32>
        tpu.vector_store %arg10[%swap3A_675, %swap3A_676, %swap3A_677, %swap3A_678], %swap3A_681 {strides = array<i32>} : memref<2x16x8x64xf32, #tpu.memory_space<vmem>>, vector<1x1x1x16xf32>,
        %mul3A_682 = arith.constant 8 : i32
        %mul3A_683 = arith.muli %scan3A_319, %mul3A_682 : i32
        %add3A_684 = arith.constant 3 : i32
        %add3A_685 = arith.addi %mul3A_683, %add3A_684 : i32
        %get3A_686 = arith.constant 0 : i32
        %get3A_687 = arith.index_cast %get3A_686 : i32 to index
        %get3A_688 = arith.index_cast %add3A_685 : i32 to index
        %get3A_689 = arith.constant 16 : index
        %get3A_690 = tpu.vector_load %arg9[%get3A_687, %get3A_688, %get3A_689] {strides = array<i32>} : memref<4x128x128xf32, #tpu.memory_space<vmem>>, vector<1x1x16xf32>,
        %get3A_691 = vector.shape_cast %get3A_690 : vector<1x1x16xf32> to vector<16xf32>
        %mul3A_692 = arith.constant 8 : i32
        %mul3A_693 = arith.muli %scan3A_319, %mul3A_692 : i32
        %add3A_694 = arith.constant 3 : i32
        %add3A_695 = arith.addi %mul3A_693, %add3A_694 : i32
        %get3A_696 = arith.index_cast %add3A_695 : i32 to index
        %get3A_697 = arith.constant 16 : index
        %get3A_698 = tpu.vector_load %arg8[%get3A_696, %get3A_697] {strides = array<i32>} : memref<128x64xf32, #tpu.memory_space<vmem>>, vector<1x16xf32>,
        %get3A_699 = vector.shape_cast %get3A_698 : vector<1x16xf32> to vector<16xf32>
        %add3A_700 = arith.addf %get3A_691, %get3A_699 : vector<16xf32>
        %swap3A_701 = arith.constant 0 : i32
        %swap3A_702 = arith.constant 3 : i32
        %swap3A_703 = arith.index_cast %swap3A_701 : i32 to index
        %swap3A_704 = arith.index_cast %scan3A_319 : i32 to index
        %swap3A_705 = arith.index_cast %swap3A_702 : i32 to index
        %swap3A_706 = arith.constant 16 : index
        %swap3A_707 = tpu.vector_load %arg10[%swap3A_703, %swap3A_704, %swap3A_705, %swap3A_706] {strides = array<i32>} : memref<2x16x8x64xf32, #tpu.memory_space<vmem>>, vector<1x1x1x16xf32>,
        %swap3A_708 = vector.shape_cast %swap3A_707 : vector<1x1x1x16xf32> to vector<16xf32>
        %swap3A_709 = vector.shape_cast %add3A_700 : vector<16xf32> to vector<1x1x1x16xf32>
        tpu.vector_store %arg10[%swap3A_703, %swap3A_704, %swap3A_705, %swap3A_706], %swap3A_709 {strides = array<i32>} : memref<2x16x8x64xf32, #tpu.memory_space<vmem>>, vector<1x1x1x16xf32>,
        %mul3A_710 = arith.constant 8 : i32
        %mul3A_711 = arith.muli %scan3A_319, %mul3A_710 : i32
        %add3A_712 = arith.constant 3 : i32
        %add3A_713 = arith.addi %mul3A_711, %add3A_712 : i32
        %get3A_714 = arith.constant 0 : i32
        %get3A_715 = arith.index_cast %get3A_714 : i32 to index
        %get3A_716 = arith.index_cast %add3A_713 : i32 to index
        %get3A_717 = arith.constant 32 : index
        %get3A_718 = tpu.vector_load %arg9[%get3A_715, %get3A_716, %get3A_717] {strides = array<i32>} : memref<4x128x128xf32, #tpu.memory_space<vmem>>, vector<1x1x16xf32>,
        %get3A_719 = vector.shape_cast %get3A_718 : vector<1x1x16xf32> to vector<16xf32>
        %mul3A_720 = arith.constant 8 : i32
        %mul3A_721 = arith.muli %scan3A_319, %mul3A_720 : i32
        %add3A_722 = arith.constant 3 : i32
        %add3A_723 = arith.addi %mul3A_721, %add3A_722 : i32
        %get3A_724 = arith.index_cast %add3A_723 : i32 to index
        %get3A_725 = arith.constant 32 : index
        %get3A_726 = tpu.vector_load %arg8[%get3A_724, %get3A_725] {strides = array<i32>} : memref<128x64xf32, #tpu.memory_space<vmem>>, vector<1x16xf32>,
        %get3A_727 = vector.shape_cast %get3A_726 : vector<1x16xf32> to vector<16xf32>
        %add3A_728 = arith.addf %get3A_719, %get3A_727 : vector<16xf32>
        %swap3A_729 = arith.constant 0 : i32
        %swap3A_730 = arith.constant 3 : i32
        %swap3A_731 = arith.index_cast %swap3A_729 : i32 to index
        %swap3A_732 = arith.index_cast %scan3A_319 : i32 to index
        %swap3A_733 = arith.index_cast %swap3A_730 : i32 to index
        %swap3A_734 = arith.constant 32 : index
        %swap3A_735 = tpu.vector_load %arg10[%swap3A_731, %swap3A_732, %swap3A_733, %swap3A_734] {strides = array<i32>} : memref<2x16x8x64xf32, #tpu.memory_space<vmem>>, vector<1x1x1x16xf32>,
        %swap3A_736 = vector.shape_cast %swap3A_735 : vector<1x1x1x16xf32> to vector<16xf32>
        %swap3A_737 = vector.shape_cast %add3A_728 : vector<16xf32> to vector<1x1x1x16xf32>
        tpu.vector_store %arg10[%swap3A_731, %swap3A_732, %swap3A_733, %swap3A_734], %swap3A_737 {strides = array<i32>} : memref<2x16x8x64xf32, #tpu.memory_space<vmem>>, vector<1x1x1x16xf32>,
        %mul3A_738 = arith.constant 8 : i32
        %mul3A_739 = arith.muli %scan3A_319, %mul3A_738 : i32
        %add3A_740 = arith.constant 3 : i32
        %add3A_741 = arith.addi %mul3A_739, %add3A_740 : i32
        %get3A_742 = arith.constant 0 : i32
        %get3A_743 = arith.index_cast %get3A_742 : i32 to index
        %get3A_744 = arith.index_cast %add3A_741 : i32 to index
        %get3A_745 = arith.constant 48 : index
        %get3A_746 = tpu.vector_load %arg9[%get3A_743, %get3A_744, %get3A_745] {strides = array<i32>} : memref<4x128x128xf32, #tpu.memory_space<vmem>>, vector<1x1x16xf32>,
        %get3A_747 = vector.shape_cast %get3A_746 : vector<1x1x16xf32> to vector<16xf32>
        %mul3A_748 = arith.constant 8 : i32
        %mul3A_749 = arith.muli %scan3A_319, %mul3A_748 : i32
        %add3A_750 = arith.constant 3 : i32
        %add3A_751 = arith.addi %mul3A_749, %add3A_750 : i32
        %get3A_752 = arith.index_cast %add3A_751 : i32 to index
        %get3A_753 = arith.constant 48 : index
        %get3A_754 = tpu.vector_load %arg8[%get3A_752, %get3A_753] {strides = array<i32>} : memref<128x64xf32, #tpu.memory_space<vmem>>, vector<1x16xf32>,
        %get3A_755 = vector.shape_cast %get3A_754 : vector<1x16xf32> to vector<16xf32>
        %add3A_756 = arith.addf %get3A_747, %get3A_755 : vector<16xf32>
        %swap3A_757 = arith.constant 0 : i32
        %swap3A_758 = arith.constant 3 : i32
        %swap3A_759 = arith.index_cast %swap3A_757 : i32 to index
        %swap3A_760 = arith.index_cast %scan3A_319 : i32 to index
        %swap3A_761 = arith.index_cast %swap3A_758 : i32 to index
        %swap3A_762 = arith.constant 48 : index
        %swap3A_763 = tpu.vector_load %arg10[%swap3A_759, %swap3A_760, %swap3A_761, %swap3A_762] {strides = array<i32>} : memref<2x16x8x64xf32, #tpu.memory_space<vmem>>, vector<1x1x1x16xf32>,
        %swap3A_764 = vector.shape_cast %swap3A_763 : vector<1x1x1x16xf32> to vector<16xf32>
        %swap3A_765 = vector.shape_cast %add3A_756 : vector<16xf32> to vector<1x1x1x16xf32>
        tpu.vector_store %arg10[%swap3A_759, %swap3A_760, %swap3A_761, %swap3A_762], %swap3A_765 {strides = array<i32>} : memref<2x16x8x64xf32, #tpu.memory_space<vmem>>, vector<1x1x1x16xf32>,
        %mul3A_766 = arith.constant 8 : i32
        %mul3A_767 = arith.muli %scan3A_319, %mul3A_766 : i32
        %add3A_768 = arith.constant 4 : i32
        %add3A_769 = arith.addi %mul3A_767, %add3A_768 : i32
        %get3A_770 = arith.constant 0 : i32
        %get3A_771 = arith.index_cast %get3A_770 : i32 to index
        %get3A_772 = arith.index_cast %add3A_769 : i32 to index
        %get3A_773 = arith.constant 0 : index
        %get3A_774 = tpu.vector_load %arg9[%get3A_771, %get3A_772, %get3A_773] {strides = array<i32>} : memref<4x128x128xf32, #tpu.memory_space<vmem>>, vector<1x1x16xf32>,
        %get3A_775 = vector.shape_cast %get3A_774 : vector<1x1x16xf32> to vector<16xf32>
        %mul3A_776 = arith.constant 8 : i32
        %mul3A_777 = arith.muli %scan3A_319, %mul3A_776 : i32
        %add3A_778 = arith.constant 4 : i32
        %add3A_779 = arith.addi %mul3A_777, %add3A_778 : i32
        %get3A_780 = arith.index_cast %add3A_779 : i32 to index
        %get3A_781 = arith.constant 0 : index
        %get3A_782 = tpu.vector_load %arg8[%get3A_780, %get3A_781] {strides = array<i32>} : memref<128x64xf32, #tpu.memory_space<vmem>>, vector<1x16xf32>,
        %get3A_783 = vector.shape_cast %get3A_782 : vector<1x16xf32> to vector<16xf32>
        %add3A_784 = arith.addf %get3A_775, %get3A_783 : vector<16xf32>
        %swap3A_785 = arith.constant 0 : i32
        %swap3A_786 = arith.constant 4 : i32
        %swap3A_787 = arith.index_cast %swap3A_785 : i32 to index
        %swap3A_788 = arith.index_cast %scan3A_319 : i32 to index
        %swap3A_789 = arith.index_cast %swap3A_786 : i32 to index
        %swap3A_790 = arith.constant 0 : index
        %swap3A_791 = tpu.vector_load %arg10[%swap3A_787, %swap3A_788, %swap3A_789, %swap3A_790] {strides = array<i32>} : memref<2x16x8x64xf32, #tpu.memory_space<vmem>>, vector<1x1x1x16xf32>,
        %swap3A_792 = vector.shape_cast %swap3A_791 : vector<1x1x1x16xf32> to vector<16xf32>
        %swap3A_793 = vector.shape_cast %add3A_784 : vector<16xf32> to vector<1x1x1x16xf32>
        tpu.vector_store %arg10[%swap3A_787, %swap3A_788, %swap3A_789, %swap3A_790], %swap3A_793 {strides = array<i32>} : memref<2x16x8x64xf32, #tpu.memory_space<vmem>>, vector<1x1x1x16xf32>,
        %mul3A_794 = arith.constant 8 : i32
        %mul3A_795 = arith.muli %scan3A_319, %mul3A_794 : i32
        %add3A_796 = arith.constant 4 : i32
        %add3A_797 = arith.addi %mul3A_795, %add3A_796 : i32
        %get3A_798 = arith.constant 0 : i32
        %get3A_799 = arith.index_cast %get3A_798 : i32 to index
        %get3A_800 = arith.index_cast %add3A_797 : i32 to index
        %get3A_801 = arith.constant 16 : index
        %get3A_802 = tpu.vector_load %arg9[%get3A_799, %get3A_800, %get3A_801] {strides = array<i32>} : memref<4x128x128xf32, #tpu.memory_space<vmem>>, vector<1x1x16xf32>,
        %get3A_803 = vector.shape_cast %get3A_802 : vector<1x1x16xf32> to vector<16xf32>
        %mul3A_804 = arith.constant 8 : i32
        %mul3A_805 = arith.muli %scan3A_319, %mul3A_804 : i32
        %add3A_806 = arith.constant 4 : i32
        %add3A_807 = arith.addi %mul3A_805, %add3A_806 : i32
        %get3A_808 = arith.index_cast %add3A_807 : i32 to index
        %get3A_809 = arith.constant 16 : index
        %get3A_810 = tpu.vector_load %arg8[%get3A_808, %get3A_809] {strides = array<i32>} : memref<128x64xf32, #tpu.memory_space<vmem>>, vector<1x16xf32>,
        %get3A_811 = vector.shape_cast %get3A_810 : vector<1x16xf32> to vector<16xf32>
        %add3A_812 = arith.addf %get3A_803, %get3A_811 : vector<16xf32>
        %swap3A_813 = arith.constant 0 : i32
        %swap3A_814 = arith.constant 4 : i32
        %swap3A_815 = arith.index_cast %swap3A_813 : i32 to index
        %swap3A_816 = arith.index_cast %scan3A_319 : i32 to index
        %swap3A_817 = arith.index_cast %swap3A_814 : i32 to index
        %swap3A_818 = arith.constant 16 : index
        %swap3A_819 = tpu.vector_load %arg10[%swap3A_815, %swap3A_816, %swap3A_817, %swap3A_818] {strides = array<i32>} : memref<2x16x8x64xf32, #tpu.memory_space<vmem>>, vector<1x1x1x16xf32>,
        %swap3A_820 = vector.shape_cast %swap3A_819 : vector<1x1x1x16xf32> to vector<16xf32>
        %swap3A_821 = vector.shape_cast %add3A_812 : vector<16xf32> to vector<1x1x1x16xf32>
        tpu.vector_store %arg10[%swap3A_815, %swap3A_816, %swap3A_817, %swap3A_818], %swap3A_821 {strides = array<i32>} : memref<2x16x8x64xf32, #tpu.memory_space<vmem>>, vector<1x1x1x16xf32>,
        %mul3A_822 = arith.constant 8 : i32
        %mul3A_823 = arith.muli %scan3A_319, %mul3A_822 : i32
        %add3A_824 = arith.constant 4 : i32
        %add3A_825 = arith.addi %mul3A_823, %add3A_824 : i32
        %get3A_826 = arith.constant 0 : i32
        %get3A_827 = arith.index_cast %get3A_826 : i32 to index
        %get3A_828 = arith.index_cast %add3A_825 : i32 to index
        %get3A_829 = arith.constant 32 : index
        %get3A_830 = tpu.vector_load %arg9[%get3A_827, %get3A_828, %get3A_829] {strides = array<i32>} : memref<4x128x128xf32, #tpu.memory_space<vmem>>, vector<1x1x16xf32>,
        %get3A_831 = vector.shape_cast %get3A_830 : vector<1x1x16xf32> to vector<16xf32>
        %mul3A_832 = arith.constant 8 : i32
        %mul3A_833 = arith.muli %scan3A_319, %mul3A_832 : i32
        %add3A_834 = arith.constant 4 : i32
        %add3A_835 = arith.addi %mul3A_833, %add3A_834 : i32
        %get3A_836 = arith.index_cast %add3A_835 : i32 to index
        %get3A_837 = arith.constant 32 : index
        %get3A_838 = tpu.vector_load %arg8[%get3A_836, %get3A_837] {strides = array<i32>} : memref<128x64xf32, #tpu.memory_space<vmem>>, vector<1x16xf32>,
        %get3A_839 = vector.shape_cast %get3A_838 : vector<1x16xf32> to vector<16xf32>
        %add3A_840 = arith.addf %get3A_831, %get3A_839 : vector<16xf32>
        %swap3A_841 = arith.constant 0 : i32
        %swap3A_842 = arith.constant 4 : i32
        %swap3A_843 = arith.index_cast %swap3A_841 : i32 to index
        %swap3A_844 = arith.index_cast %scan3A_319 : i32 to index
        %swap3A_845 = arith.index_cast %swap3A_842 : i32 to index
        %swap3A_846 = arith.constant 32 : index
        %swap3A_847 = tpu.vector_load %arg10[%swap3A_843, %swap3A_844, %swap3A_845, %swap3A_846] {strides = array<i32>} : memref<2x16x8x64xf32, #tpu.memory_space<vmem>>, vector<1x1x1x16xf32>,
        %swap3A_848 = vector.shape_cast %swap3A_847 : vector<1x1x1x16xf32> to vector<16xf32>
        %swap3A_849 = vector.shape_cast %add3A_840 : vector<16xf32> to vector<1x1x1x16xf32>
        tpu.vector_store %arg10[%swap3A_843, %swap3A_844, %swap3A_845, %swap3A_846], %swap3A_849 {strides = array<i32>} : memref<2x16x8x64xf32, #tpu.memory_space<vmem>>, vector<1x1x1x16xf32>,
        %mul3A_850 = arith.constant 8 : i32
        %mul3A_851 = arith.muli %scan3A_319, %mul3A_850 : i32
        %add3A_852 = arith.constant 4 : i32
        %add3A_853 = arith.addi %mul3A_851, %add3A_852 : i32
        %get3A_854 = arith.constant 0 : i32
        %get3A_855 = arith.index_cast %get3A_854 : i32 to index
        %get3A_856 = arith.index_cast %add3A_853 : i32 to index
        %get3A_857 = arith.constant 48 : index
        %get3A_858 = tpu.vector_load %arg9[%get3A_855, %get3A_856, %get3A_857] {strides = array<i32>} : memref<4x128x128xf32, #tpu.memory_space<vmem>>, vector<1x1x16xf32>,
        %get3A_859 = vector.shape_cast %get3A_858 : vector<1x1x16xf32> to vector<16xf32>
        %mul3A_860 = arith.constant 8 : i32
        %mul3A_861 = arith.muli %scan3A_319, %mul3A_860 : i32
        %add3A_862 = arith.constant 4 : i32
        %add3A_863 = arith.addi %mul3A_861, %add3A_862 : i32
        %get3A_864 = arith.index_cast %add3A_863 : i32 to index
        %get3A_865 = arith.constant 48 : index
        %get3A_866 = tpu.vector_load %arg8[%get3A_864, %get3A_865] {strides = array<i32>} : memref<128x64xf32, #tpu.memory_space<vmem>>, vector<1x16xf32>,
        %get3A_867 = vector.shape_cast %get3A_866 : vector<1x16xf32> to vector<16xf32>
        %add3A_868 = arith.addf %get3A_859, %get3A_867 : vector<16xf32>
        %swap3A_869 = arith.constant 0 : i32
        %swap3A_870 = arith.constant 4 : i32
        %swap3A_871 = arith.index_cast %swap3A_869 : i32 to index
        %swap3A_872 = arith.index_cast %scan3A_319 : i32 to index
        %swap3A_873 = arith.index_cast %swap3A_870 : i32 to index
        %swap3A_874 = arith.constant 48 : index
        %swap3A_875 = tpu.vector_load %arg10[%swap3A_871, %swap3A_872, %swap3A_873, %swap3A_874] {strides = array<i32>} : memref<2x16x8x64xf32, #tpu.memory_space<vmem>>, vector<1x1x1x16xf32>,
        %swap3A_876 = vector.shape_cast %swap3A_875 : vector<1x1x1x16xf32> to vector<16xf32>
        %swap3A_877 = vector.shape_cast %add3A_868 : vector<16xf32> to vector<1x1x1x16xf32>
        tpu.vector_store %arg10[%swap3A_871, %swap3A_872, %swap3A_873, %swap3A_874], %swap3A_877 {strides = array<i32>} : memref<2x16x8x64xf32, #tpu.memory_space<vmem>>, vector<1x1x1x16xf32>,
        %mul3A_878 = arith.constant 8 : i32
        %mul3A_879 = arith.muli %scan3A_319, %mul3A_878 : i32
        %add3A_880 = arith.constant 5 : i32
        %add3A_881 = arith.addi %mul3A_879, %add3A_880 : i32
        %get3A_882 = arith.constant 0 : i32
        %get3A_883 = arith.index_cast %get3A_882 : i32 to index
        %get3A_884 = arith.index_cast %add3A_881 : i32 to index
        %get3A_885 = arith.constant 0 : index
        %get3A_886 = tpu.vector_load %arg9[%get3A_883, %get3A_884, %get3A_885] {strides = array<i32>} : memref<4x128x128xf32, #tpu.memory_space<vmem>>, vector<1x1x16xf32>,
        %get3A_887 = vector.shape_cast %get3A_886 : vector<1x1x16xf32> to vector<16xf32>
        %mul3A_888 = arith.constant 8 : i32
        %mul3A_889 = arith.muli %scan3A_319, %mul3A_888 : i32
        %add3A_890 = arith.constant 5 : i32
        %add3A_891 = arith.addi %mul3A_889, %add3A_890 : i32
        %get3A_892 = arith.index_cast %add3A_891 : i32 to index
        %get3A_893 = arith.constant 0 : index
        %get3A_894 = tpu.vector_load %arg8[%get3A_892, %get3A_893] {strides = array<i32>} : memref<128x64xf32, #tpu.memory_space<vmem>>, vector<1x16xf32>,
        %get3A_895 = vector.shape_cast %get3A_894 : vector<1x16xf32> to vector<16xf32>
        %add3A_896 = arith.addf %get3A_887, %get3A_895 : vector<16xf32>
        %swap3A_897 = arith.constant 0 : i32
        %swap3A_898 = arith.constant 5 : i32
        %swap3A_899 = arith.index_cast %swap3A_897 : i32 to index
        %swap3A_900 = arith.index_cast %scan3A_319 : i32 to index
        %swap3A_901 = arith.index_cast %swap3A_898 : i32 to index
        %swap3A_902 = arith.constant 0 : index
        %swap3A_903 = tpu.vector_load %arg10[%swap3A_899, %swap3A_900, %swap3A_901, %swap3A_902] {strides = array<i32>} : memref<2x16x8x64xf32, #tpu.memory_space<vmem>>, vector<1x1x1x16xf32>,
        %swap3A_904 = vector.shape_cast %swap3A_903 : vector<1x1x1x16xf32> to vector<16xf32>
        %swap3A_905 = vector.shape_cast %add3A_896 : vector<16xf32> to vector<1x1x1x16xf32>
        tpu.vector_store %arg10[%swap3A_899, %swap3A_900, %swap3A_901, %swap3A_902], %swap3A_905 {strides = array<i32>} : memref<2x16x8x64xf32, #tpu.memory_space<vmem>>, vector<1x1x1x16xf32>,
        %mul3A_906 = arith.constant 8 : i32
        %mul3A_907 = arith.muli %scan3A_319, %mul3A_906 : i32
        %add3A_908 = arith.constant 5 : i32
        %add3A_909 = arith.addi %mul3A_907, %add3A_908 : i32
        %get3A_910 = arith.constant 0 : i32
        %get3A_911 = arith.index_cast %get3A_910 : i32 to index
        %get3A_912 = arith.index_cast %add3A_909 : i32 to index
        %get3A_913 = arith.constant 16 : index
        %get3A_914 = tpu.vector_load %arg9[%get3A_911, %get3A_912, %get3A_913] {strides = array<i32>} : memref<4x128x128xf32, #tpu.memory_space<vmem>>, vector<1x1x16xf32>,
        %get3A_915 = vector.shape_cast %get3A_914 : vector<1x1x16xf32> to vector<16xf32>
        %mul3A_916 = arith.constant 8 : i32
        %mul3A_917 = arith.muli %scan3A_319, %mul3A_916 : i32
        %add3A_918 = arith.constant 5 : i32
        %add3A_919 = arith.addi %mul3A_917, %add3A_918 : i32
        %get3A_920 = arith.index_cast %add3A_919 : i32 to index
        %get3A_921 = arith.constant 16 : index
        %get3A_922 = tpu.vector_load %arg8[%get3A_920, %get3A_921] {strides = array<i32>} : memref<128x64xf32, #tpu.memory_space<vmem>>, vector<1x16xf32>,
        %get3A_923 = vector.shape_cast %get3A_922 : vector<1x16xf32> to vector<16xf32>
        %add3A_924 = arith.addf %get3A_915, %get3A_923 : vector<16xf32>
        %swap3A_925 = arith.constant 0 : i32
        %swap3A_926 = arith.constant 5 : i32
        %swap3A_927 = arith.index_cast %swap3A_925 : i32 to index
        %swap3A_928 = arith.index_cast %scan3A_319 : i32 to index
        %swap3A_929 = arith.index_cast %swap3A_926 : i32 to index
        %swap3A_930 = arith.constant 16 : index
        %swap3A_931 = tpu.vector_load %arg10[%swap3A_927, %swap3A_928, %swap3A_929, %swap3A_930] {strides = array<i32>} : memref<2x16x8x64xf32, #tpu.memory_space<vmem>>, vector<1x1x1x16xf32>,
        %swap3A_932 = vector.shape_cast %swap3A_931 : vector<1x1x1x16xf32> to vector<16xf32>
        %swap3A_933 = vector.shape_cast %add3A_924 : vector<16xf32> to vector<1x1x1x16xf32>
        tpu.vector_store %arg10[%swap3A_927, %swap3A_928, %swap3A_929, %swap3A_930], %swap3A_933 {strides = array<i32>} : memref<2x16x8x64xf32, #tpu.memory_space<vmem>>, vector<1x1x1x16xf32>,
        %mul3A_934 = arith.constant 8 : i32
        %mul3A_935 = arith.muli %scan3A_319, %mul3A_934 : i32
        %add3A_936 = arith.constant 5 : i32
        %add3A_937 = arith.addi %mul3A_935, %add3A_936 : i32
        %get3A_938 = arith.constant 0 : i32
        %get3A_939 = arith.index_cast %get3A_938 : i32 to index
        %get3A_940 = arith.index_cast %add3A_937 : i32 to index
        %get3A_941 = arith.constant 32 : index
        %get3A_942 = tpu.vector_load %arg9[%get3A_939, %get3A_940, %get3A_941] {strides = array<i32>} : memref<4x128x128xf32, #tpu.memory_space<vmem>>, vector<1x1x16xf32>,
        %get3A_943 = vector.shape_cast %get3A_942 : vector<1x1x16xf32> to vector<16xf32>
        %mul3A_944 = arith.constant 8 : i32
        %mul3A_945 = arith.muli %scan3A_319, %mul3A_944 : i32
        %add3A_946 = arith.constant 5 : i32
        %add3A_947 = arith.addi %mul3A_945, %add3A_946 : i32
        %get3A_948 = arith.index_cast %add3A_947 : i32 to index
        %get3A_949 = arith.constant 32 : index
        %get3A_950 = tpu.vector_load %arg8[%get3A_948, %get3A_949] {strides = array<i32>} : memref<128x64xf32, #tpu.memory_space<vmem>>, vector<1x16xf32>,
        %get3A_951 = vector.shape_cast %get3A_950 : vector<1x16xf32> to vector<16xf32>
        %add3A_952 = arith.addf %get3A_943, %get3A_951 : vector<16xf32>
        %swap3A_953 = arith.constant 0 : i32
        %swap3A_954 = arith.constant 5 : i32
        %swap3A_955 = arith.index_cast %swap3A_953 : i32 to index
        %swap3A_956 = arith.index_cast %scan3A_319 : i32 to index
        %swap3A_957 = arith.index_cast %swap3A_954 : i32 to index
        %swap3A_958 = arith.constant 32 : index
        %swap3A_959 = tpu.vector_load %arg10[%swap3A_955, %swap3A_956, %swap3A_957, %swap3A_958] {strides = array<i32>} : memref<2x16x8x64xf32, #tpu.memory_space<vmem>>, vector<1x1x1x16xf32>,
        %swap3A_960 = vector.shape_cast %swap3A_959 : vector<1x1x1x16xf32> to vector<16xf32>
        %swap3A_961 = vector.shape_cast %add3A_952 : vector<16xf32> to vector<1x1x1x16xf32>
        tpu.vector_store %arg10[%swap3A_955, %swap3A_956, %swap3A_957, %swap3A_958], %swap3A_961 {strides = array<i32>} : memref<2x16x8x64xf32, #tpu.memory_space<vmem>>, vector<1x1x1x16xf32>,
        %mul3A_962 = arith.constant 8 : i32
        %mul3A_963 = arith.muli %scan3A_319, %mul3A_962 : i32
        %add3A_964 = arith.constant 5 : i32
        %add3A_965 = arith.addi %mul3A_963, %add3A_964 : i32
        %get3A_966 = arith.constant 0 : i32
        %get3A_967 = arith.index_cast %get3A_966 : i32 to index
        %get3A_968 = arith.index_cast %add3A_965 : i32 to index
        %get3A_969 = arith.constant 48 : index
        %get3A_970 = tpu.vector_load %arg9[%get3A_967, %get3A_968, %get3A_969] {strides = array<i32>} : memref<4x128x128xf32, #tpu.memory_space<vmem>>, vector<1x1x16xf32>,
        %get3A_971 = vector.shape_cast %get3A_970 : vector<1x1x16xf32> to vector<16xf32>
        %mul3A_972 = arith.constant 8 : i32
        %mul3A_973 = arith.muli %scan3A_319, %mul3A_972 : i32
        %add3A_974 = arith.constant 5 : i32
        %add3A_975 = arith.addi %mul3A_973, %add3A_974 : i32
        %get3A_976 = arith.index_cast %add3A_975 : i32 to index
        %get3A_977 = arith.constant 48 : index
        %get3A_978 = tpu.vector_load %arg8[%get3A_976, %get3A_977] {strides = array<i32>} : memref<128x64xf32, #tpu.memory_space<vmem>>, vector<1x16xf32>,
        %get3A_979 = vector.shape_cast %get3A_978 : vector<1x16xf32> to vector<16xf32>
        %add3A_980 = arith.addf %get3A_971, %get3A_979 : vector<16xf32>
        %swap3A_981 = arith.constant 0 : i32
        %swap3A_982 = arith.constant 5 : i32
        %swap3A_983 = arith.index_cast %swap3A_981 : i32 to index
        %swap3A_984 = arith.index_cast %scan3A_319 : i32 to index
        %swap3A_985 = arith.index_cast %swap3A_982 : i32 to index
        %swap3A_986 = arith.constant 48 : index
        %swap3A_987 = tpu.vector_load %arg10[%swap3A_983, %swap3A_984, %swap3A_985, %swap3A_986] {strides = array<i32>} : memref<2x16x8x64xf32, #tpu.memory_space<vmem>>, vector<1x1x1x16xf32>,
        %swap3A_988 = vector.shape_cast %swap3A_987 : vector<1x1x1x16xf32> to vector<16xf32>
        %swap3A_989 = vector.shape_cast %add3A_980 : vector<16xf32> to vector<1x1x1x16xf32>
        tpu.vector_store %arg10[%swap3A_983, %swap3A_984, %swap3A_985, %swap3A_986], %swap3A_989 {strides = array<i32>} : memref<2x16x8x64xf32, #tpu.memory_space<vmem>>, vector<1x1x1x16xf32>,
        %mul3A_990 = arith.constant 8 : i32
        %mul3A_991 = arith.muli %scan3A_319, %mul3A_990 : i32
        %add3A_992 = arith.constant 6 : i32
        %add3A_993 = arith.addi %mul3A_991, %add3A_992 : i32
        %get3A_994 = arith.constant 0 : i32
        %get3A_995 = arith.index_cast %get3A_994 : i32 to index
        %get3A_996 = arith.index_cast %add3A_993 : i32 to index
        %get3A_997 = arith.constant 0 : index
        %get3A_998 = tpu.vector_load %arg9[%get3A_995, %get3A_996, %get3A_997] {strides = array<i32>} : memref<4x128x128xf32, #tpu.memory_space<vmem>>, vector<1x1x16xf32>,
        %get3A_999 = vector.shape_cast %get3A_998 : vector<1x1x16xf32> to vector<16xf32>
        %mul3A_1000 = arith.constant 8 : i32
        %mul3A_1001 = arith.muli %scan3A_319, %mul3A_1000 : i32
        %add3A_1002 = arith.constant 6 : i32
        %add3A_1003 = arith.addi %mul3A_1001, %add3A_1002 : i32
        %get3A_1004 = arith.index_cast %add3A_1003 : i32 to index
        %get3A_1005 = arith.constant 0 : index
        %get3A_1006 = tpu.vector_load %arg8[%get3A_1004, %get3A_1005] {strides = array<i32>} : memref<128x64xf32, #tpu.memory_space<vmem>>, vector<1x16xf32>,
        %get3A_1007 = vector.shape_cast %get3A_1006 : vector<1x16xf32> to vector<16xf32>
        %add3A_1008 = arith.addf %get3A_999, %get3A_1007 : vector<16xf32>
        %swap3A_1009 = arith.constant 0 : i32
        %swap3A_1010 = arith.constant 6 : i32
        %swap3A_1011 = arith.index_cast %swap3A_1009 : i32 to index
        %swap3A_1012 = arith.index_cast %scan3A_319 : i32 to index
        %swap3A_1013 = arith.index_cast %swap3A_1010 : i32 to index
        %swap3A_1014 = arith.constant 0 : index
        %swap3A_1015 = tpu.vector_load %arg10[%swap3A_1011, %swap3A_1012, %swap3A_1013, %swap3A_1014] {strides = array<i32>} : memref<2x16x8x64xf32, #tpu.memory_space<vmem>>, vector<1x1x1x16xf32>,
        %swap3A_1016 = vector.shape_cast %swap3A_1015 : vector<1x1x1x16xf32> to vector<16xf32>
        %swap3A_1017 = vector.shape_cast %add3A_1008 : vector<16xf32> to vector<1x1x1x16xf32>
        tpu.vector_store %arg10[%swap3A_1011, %swap3A_1012, %swap3A_1013, %swap3A_1014], %swap3A_1017 {strides = array<i32>} : memref<2x16x8x64xf32, #tpu.memory_space<vmem>>, vector<1x1x1x16xf32>,
        %mul3A_1018 = arith.constant 8 : i32
        %mul3A_1019 = arith.muli %scan3A_319, %mul3A_1018 : i32
        %add3A_1020 = arith.constant 6 : i32
        %add3A_1021 = arith.addi %mul3A_1019, %add3A_1020 : i32
        %get3A_1022 = arith.constant 0 : i32
        %get3A_1023 = arith.index_cast %get3A_1022 : i32 to index
        %get3A_1024 = arith.index_cast %add3A_1021 : i32 to index
        %get3A_1025 = arith.constant 16 : index
        %get3A_1026 = tpu.vector_load %arg9[%get3A_1023, %get3A_1024, %get3A_1025] {strides = array<i32>} : memref<4x128x128xf32, #tpu.memory_space<vmem>>, vector<1x1x16xf32>,
        %get3A_1027 = vector.shape_cast %get3A_1026 : vector<1x1x16xf32> to vector<16xf32>
        %mul3A_1028 = arith.constant 8 : i32
        %mul3A_1029 = arith.muli %scan3A_319, %mul3A_1028 : i32
        %add3A_1030 = arith.constant 6 : i32
        %add3A_1031 = arith.addi %mul3A_1029, %add3A_1030 : i32
        %get3A_1032 = arith.index_cast %add3A_1031 : i32 to index
        %get3A_1033 = arith.constant 16 : index
        %get3A_1034 = tpu.vector_load %arg8[%get3A_1032, %get3A_1033] {strides = array<i32>} : memref<128x64xf32, #tpu.memory_space<vmem>>, vector<1x16xf32>,
        %get3A_1035 = vector.shape_cast %get3A_1034 : vector<1x16xf32> to vector<16xf32>
        %add3A_1036 = arith.addf %get3A_1027, %get3A_1035 : vector<16xf32>
        %swap3A_1037 = arith.constant 0 : i32
        %swap3A_1038 = arith.constant 6 : i32
        %swap3A_1039 = arith.index_cast %swap3A_1037 : i32 to index
        %swap3A_1040 = arith.index_cast %scan3A_319 : i32 to index
        %swap3A_1041 = arith.index_cast %swap3A_1038 : i32 to index
        %swap3A_1042 = arith.constant 16 : index
        %swap3A_1043 = tpu.vector_load %arg10[%swap3A_1039, %swap3A_1040, %swap3A_1041, %swap3A_1042] {strides = array<i32>} : memref<2x16x8x64xf32, #tpu.memory_space<vmem>>, vector<1x1x1x16xf32>,
        %swap3A_1044 = vector.shape_cast %swap3A_1043 : vector<1x1x1x16xf32> to vector<16xf32>
        %swap3A_1045 = vector.shape_cast %add3A_1036 : vector<16xf32> to vector<1x1x1x16xf32>
        tpu.vector_store %arg10[%swap3A_1039, %swap3A_1040, %swap3A_1041, %swap3A_1042], %swap3A_1045 {strides = array<i32>} : memref<2x16x8x64xf32, #tpu.memory_space<vmem>>, vector<1x1x1x16xf32>,
        %mul3A_1046 = arith.constant 8 : i32
        %mul3A_1047 = arith.muli %scan3A_319, %mul3A_1046 : i32
        %add3A_1048 = arith.constant 6 : i32
        %add3A_1049 = arith.addi %mul3A_1047, %add3A_1048 : i32
        %get3A_1050 = arith.constant 0 : i32
        %get3A_1051 = arith.index_cast %get3A_1050 : i32 to index
        %get3A_1052 = arith.index_cast %add3A_1049 : i32 to index
        %get3A_1053 = arith.constant 32 : index
        %get3A_1054 = tpu.vector_load %arg9[%get3A_1051, %get3A_1052, %get3A_1053] {strides = array<i32>} : memref<4x128x128xf32, #tpu.memory_space<vmem>>, vector<1x1x16xf32>,
        %get3A_1055 = vector.shape_cast %get3A_1054 : vector<1x1x16xf32> to vector<16xf32>
        %mul3A_1056 = arith.constant 8 : i32
        %mul3A_1057 = arith.muli %scan3A_319, %mul3A_1056 : i32
        %add3A_1058 = arith.constant 6 : i32
        %add3A_1059 = arith.addi %mul3A_1057, %add3A_1058 : i32
        %get3A_1060 = arith.index_cast %add3A_1059 : i32 to index
        %get3A_1061 = arith.constant 32 : index
        %get3A_1062 = tpu.vector_load %arg8[%get3A_1060, %get3A_1061] {strides = array<i32>} : memref<128x64xf32, #tpu.memory_space<vmem>>, vector<1x16xf32>,
        %get3A_1063 = vector.shape_cast %get3A_1062 : vector<1x16xf32> to vector<16xf32>
        %add3A_1064 = arith.addf %get3A_1055, %get3A_1063 : vector<16xf32>
        %swap3A_1065 = arith.constant 0 : i32
        %swap3A_1066 = arith.constant 6 : i32
        %swap3A_1067 = arith.index_cast %swap3A_1065 : i32 to index
        %swap3A_1068 = arith.index_cast %scan3A_319 : i32 to index
        %swap3A_1069 = arith.index_cast %swap3A_1066 : i32 to index
        %swap3A_1070 = arith.constant 32 : index
        %swap3A_1071 = tpu.vector_load %arg10[%swap3A_1067, %swap3A_1068, %swap3A_1069, %swap3A_1070] {strides = array<i32>} : memref<2x16x8x64xf32, #tpu.memory_space<vmem>>, vector<1x1x1x16xf32>,
        %swap3A_1072 = vector.shape_cast %swap3A_1071 : vector<1x1x1x16xf32> to vector<16xf32>
        %swap3A_1073 = vector.shape_cast %add3A_1064 : vector<16xf32> to vector<1x1x1x16xf32>
        tpu.vector_store %arg10[%swap3A_1067, %swap3A_1068, %swap3A_1069, %swap3A_1070], %swap3A_1073 {strides = array<i32>} : memref<2x16x8x64xf32, #tpu.memory_space<vmem>>, vector<1x1x1x16xf32>,
        %mul3A_1074 = arith.constant 8 : i32
        %mul3A_1075 = arith.muli %scan3A_319, %mul3A_1074 : i32
        %add3A_1076 = arith.constant 6 : i32
        %add3A_1077 = arith.addi %mul3A_1075, %add3A_1076 : i32
        %get3A_1078 = arith.constant 0 : i32
        %get3A_1079 = arith.index_cast %get3A_1078 : i32 to index
        %get3A_1080 = arith.index_cast %add3A_1077 : i32 to index
        %get3A_1081 = arith.constant 48 : index
        %get3A_1082 = tpu.vector_load %arg9[%get3A_1079, %get3A_1080, %get3A_1081] {strides = array<i32>} : memref<4x128x128xf32, #tpu.memory_space<vmem>>, vector<1x1x16xf32>,
        %get3A_1083 = vector.shape_cast %get3A_1082 : vector<1x1x16xf32> to vector<16xf32>
        %mul3A_1084 = arith.constant 8 : i32
        %mul3A_1085 = arith.muli %scan3A_319, %mul3A_1084 : i32
        %add3A_1086 = arith.constant 6 : i32
        %add3A_1087 = arith.addi %mul3A_1085, %add3A_1086 : i32
        %get3A_1088 = arith.index_cast %add3A_1087 : i32 to index
        %get3A_1089 = arith.constant 48 : index
        %get3A_1090 = tpu.vector_load %arg8[%get3A_1088, %get3A_1089] {strides = array<i32>} : memref<128x64xf32, #tpu.memory_space<vmem>>, vector<1x16xf32>,
        %get3A_1091 = vector.shape_cast %get3A_1090 : vector<1x16xf32> to vector<16xf32>
        %add3A_1092 = arith.addf %get3A_1083, %get3A_1091 : vector<16xf32>
        %swap3A_1093 = arith.constant 0 : i32
        %swap3A_1094 = arith.constant 6 : i32
        %swap3A_1095 = arith.index_cast %swap3A_1093 : i32 to index
        %swap3A_1096 = arith.index_cast %scan3A_319 : i32 to index
        %swap3A_1097 = arith.index_cast %swap3A_1094 : i32 to index
        %swap3A_1098 = arith.constant 48 : index
        %swap3A_1099 = tpu.vector_load %arg10[%swap3A_1095, %swap3A_1096, %swap3A_1097, %swap3A_1098] {strides = array<i32>} : memref<2x16x8x64xf32, #tpu.memory_space<vmem>>, vector<1x1x1x16xf32>,
        %swap3A_1100 = vector.shape_cast %swap3A_1099 : vector<1x1x1x16xf32> to vector<16xf32>
        %swap3A_1101 = vector.shape_cast %add3A_1092 : vector<16xf32> to vector<1x1x1x16xf32>
        tpu.vector_store %arg10[%swap3A_1095, %swap3A_1096, %swap3A_1097, %swap3A_1098], %swap3A_1101 {strides = array<i32>} : memref<2x16x8x64xf32, #tpu.memory_space<vmem>>, vector<1x1x1x16xf32>,
        %mul3A_1102 = arith.constant 8 : i32
        %mul3A_1103 = arith.muli %scan3A_319, %mul3A_1102 : i32
        %add3A_1104 = arith.constant 7 : i32
        %add3A_1105 = arith.addi %mul3A_1103, %add3A_1104 : i32
        %get3A_1106 = arith.constant 0 : i32
        %get3A_1107 = arith.index_cast %get3A_1106 : i32 to index
        %get3A_1108 = arith.index_cast %add3A_1105 : i32 to index
        %get3A_1109 = arith.constant 0 : index
        %get3A_1110 = tpu.vector_load %arg9[%get3A_1107, %get3A_1108, %get3A_1109] {strides = array<i32>} : memref<4x128x128xf32, #tpu.memory_space<vmem>>, vector<1x1x16xf32>,
        %get3A_1111 = vector.shape_cast %get3A_1110 : vector<1x1x16xf32> to vector<16xf32>
        %mul3A_1112 = arith.constant 8 : i32
        %mul3A_1113 = arith.muli %scan3A_319, %mul3A_1112 : i32
        %add3A_1114 = arith.constant 7 : i32
        %add3A_1115 = arith.addi %mul3A_1113, %add3A_1114 : i32
        %get3A_1116 = arith.index_cast %add3A_1115 : i32 to index
        %get3A_1117 = arith.constant 0 : index
        %get3A_1118 = tpu.vector_load %arg8[%get3A_1116, %get3A_1117] {strides = array<i32>} : memref<128x64xf32, #tpu.memory_space<vmem>>, vector<1x16xf32>,
        %get3A_1119 = vector.shape_cast %get3A_1118 : vector<1x16xf32> to vector<16xf32>
        %add3A_1120 = arith.addf %get3A_1111, %get3A_1119 : vector<16xf32>
        %swap3A_1121 = arith.constant 0 : i32
        %swap3A_1122 = arith.constant 7 : i32
        %swap3A_1123 = arith.index_cast %swap3A_1121 : i32 to index
        %swap3A_1124 = arith.index_cast %scan3A_319 : i32 to index
        %swap3A_1125 = arith.index_cast %swap3A_1122 : i32 to index
        %swap3A_1126 = arith.constant 0 : index
        %swap3A_1127 = tpu.vector_load %arg10[%swap3A_1123, %swap3A_1124, %swap3A_1125, %swap3A_1126] {strides = array<i32>} : memref<2x16x8x64xf32, #tpu.memory_space<vmem>>, vector<1x1x1x16xf32>,
        %swap3A_1128 = vector.shape_cast %swap3A_1127 : vector<1x1x1x16xf32> to vector<16xf32>
        %swap3A_1129 = vector.shape_cast %add3A_1120 : vector<16xf32> to vector<1x1x1x16xf32>
        tpu.vector_store %arg10[%swap3A_1123, %swap3A_1124, %swap3A_1125, %swap3A_1126], %swap3A_1129 {strides = array<i32>} : memref<2x16x8x64xf32, #tpu.memory_space<vmem>>, vector<1x1x1x16xf32>,
        %mul3A_1130 = arith.constant 8 : i32
        %mul3A_1131 = arith.muli %scan3A_319, %mul3A_1130 : i32
        %add3A_1132 = arith.constant 7 : i32
        %add3A_1133 = arith.addi %mul3A_1131, %add3A_1132 : i32
        %get3A_1134 = arith.constant 0 : i32
        %get3A_1135 = arith.index_cast %get3A_1134 : i32 to index
        %get3A_1136 = arith.index_cast %add3A_1133 : i32 to index
        %get3A_1137 = arith.constant 16 : index
        %get3A_1138 = tpu.vector_load %arg9[%get3A_1135, %get3A_1136, %get3A_1137] {strides = array<i32>} : memref<4x128x128xf32, #tpu.memory_space<vmem>>, vector<1x1x16xf32>,
        %get3A_1139 = vector.shape_cast %get3A_1138 : vector<1x1x16xf32> to vector<16xf32>
        %mul3A_1140 = arith.constant 8 : i32
        %mul3A_1141 = arith.muli %scan3A_319, %mul3A_1140 : i32
        %add3A_1142 = arith.constant 7 : i32
        %add3A_1143 = arith.addi %mul3A_1141, %add3A_1142 : i32
        %get3A_1144 = arith.index_cast %add3A_1143 : i32 to index
        %get3A_1145 = arith.constant 16 : index
        %get3A_1146 = tpu.vector_load %arg8[%get3A_1144, %get3A_1145] {strides = array<i32>} : memref<128x64xf32, #tpu.memory_space<vmem>>, vector<1x16xf32>,
        %get3A_1147 = vector.shape_cast %get3A_1146 : vector<1x16xf32> to vector<16xf32>
        %add3A_1148 = arith.addf %get3A_1139, %get3A_1147 : vector<16xf32>
        %swap3A_1149 = arith.constant 0 : i32
        %swap3A_1150 = arith.constant 7 : i32
        %swap3A_1151 = arith.index_cast %swap3A_1149 : i32 to index
        %swap3A_1152 = arith.index_cast %scan3A_319 : i32 to index
        %swap3A_1153 = arith.index_cast %swap3A_1150 : i32 to index
        %swap3A_1154 = arith.constant 16 : index
        %swap3A_1155 = tpu.vector_load %arg10[%swap3A_1151, %swap3A_1152, %swap3A_1153, %swap3A_1154] {strides = array<i32>} : memref<2x16x8x64xf32, #tpu.memory_space<vmem>>, vector<1x1x1x16xf32>,
        %swap3A_1156 = vector.shape_cast %swap3A_1155 : vector<1x1x1x16xf32> to vector<16xf32>
        %swap3A_1157 = vector.shape_cast %add3A_1148 : vector<16xf32> to vector<1x1x1x16xf32>
        tpu.vector_store %arg10[%swap3A_1151, %swap3A_1152, %swap3A_1153, %swap3A_1154], %swap3A_1157 {strides = array<i32>} : memref<2x16x8x64xf32, #tpu.memory_space<vmem>>, vector<1x1x1x16xf32>,
        %mul3A_1158 = arith.constant 8 : i32
        %mul3A_1159 = arith.muli %scan3A_319, %mul3A_1158 : i32
        %add3A_1160 = arith.constant 7 : i32
        %add3A_1161 = arith.addi %mul3A_1159, %add3A_1160 : i32
        %get3A_1162 = arith.constant 0 : i32
        %get3A_1163 = arith.index_cast %get3A_1162 : i32 to index
        %get3A_1164 = arith.index_cast %add3A_1161 : i32 to index
        %get3A_1165 = arith.constant 32 : index
        %get3A_1166 = tpu.vector_load %arg9[%get3A_1163, %get3A_1164, %get3A_1165] {strides = array<i32>} : memref<4x128x128xf32, #tpu.memory_space<vmem>>, vector<1x1x16xf32>,
        %get3A_1167 = vector.shape_cast %get3A_1166 : vector<1x1x16xf32> to vector<16xf32>
        %mul3A_1168 = arith.constant 8 : i32
        %mul3A_1169 = arith.muli %scan3A_319, %mul3A_1168 : i32
        %add3A_1170 = arith.constant 7 : i32
        %add3A_1171 = arith.addi %mul3A_1169, %add3A_1170 : i32
        %get3A_1172 = arith.index_cast %add3A_1171 : i32 to index
        %get3A_1173 = arith.constant 32 : index
        %get3A_1174 = tpu.vector_load %arg8[%get3A_1172, %get3A_1173] {strides = array<i32>} : memref<128x64xf32, #tpu.memory_space<vmem>>, vector<1x16xf32>,
        %get3A_1175 = vector.shape_cast %get3A_1174 : vector<1x16xf32> to vector<16xf32>
        %add3A_1176 = arith.addf %get3A_1167, %get3A_1175 : vector<16xf32>
        %swap3A_1177 = arith.constant 0 : i32
        %swap3A_1178 = arith.constant 7 : i32
        %swap3A_1179 = arith.index_cast %swap3A_1177 : i32 to index
        %swap3A_1180 = arith.index_cast %scan3A_319 : i32 to index
        %swap3A_1181 = arith.index_cast %swap3A_1178 : i32 to index
        %swap3A_1182 = arith.constant 32 : index
        %swap3A_1183 = tpu.vector_load %arg10[%swap3A_1179, %swap3A_1180, %swap3A_1181, %swap3A_1182] {strides = array<i32>} : memref<2x16x8x64xf32, #tpu.memory_space<vmem>>, vector<1x1x1x16xf32>,
        %swap3A_1184 = vector.shape_cast %swap3A_1183 : vector<1x1x1x16xf32> to vector<16xf32>
        %swap3A_1185 = vector.shape_cast %add3A_1176 : vector<16xf32> to vector<1x1x1x16xf32>
        tpu.vector_store %arg10[%swap3A_1179, %swap3A_1180, %swap3A_1181, %swap3A_1182], %swap3A_1185 {strides = array<i32>} : memref<2x16x8x64xf32, #tpu.memory_space<vmem>>, vector<1x1x1x16xf32>,
        %mul3A_1186 = arith.constant 8 : i32
        %mul3A_1187 = arith.muli %scan3A_319, %mul3A_1186 : i32
        %add3A_1188 = arith.constant 7 : i32
        %add3A_1189 = arith.addi %mul3A_1187, %add3A_1188 : i32
        %get3A_1190 = arith.constant 0 : i32
        %get3A_1191 = arith.index_cast %get3A_1190 : i32 to index
        %get3A_1192 = arith.index_cast %add3A_1189 : i32 to index
        %get3A_1193 = arith.constant 48 : index
        %get3A_1194 = tpu.vector_load %arg9[%get3A_1191, %get3A_1192, %get3A_1193] {strides = array<i32>} : memref<4x128x128xf32, #tpu.memory_space<vmem>>, vector<1x1x16xf32>,
        %get3A_1195 = vector.shape_cast %get3A_1194 : vector<1x1x16xf32> to vector<16xf32>
        %mul3A_1196 = arith.constant 8 : i32
        %mul3A_1197 = arith.muli %scan3A_319, %mul3A_1196 : i32
        %add3A_1198 = arith.constant 7 : i32
        %add3A_1199 = arith.addi %mul3A_1197, %add3A_1198 : i32
        %get3A_1200 = arith.index_cast %add3A_1199 : i32 to index
        %get3A_1201 = arith.constant 48 : index
        %get3A_1202 = tpu.vector_load %arg8[%get3A_1200, %get3A_1201] {strides = array<i32>} : memref<128x64xf32, #tpu.memory_space<vmem>>, vector<1x16xf32>,
        %get3A_1203 = vector.shape_cast %get3A_1202 : vector<1x16xf32> to vector<16xf32>
        %add3A_1204 = arith.addf %get3A_1195, %get3A_1203 : vector<16xf32>
        %swap3A_1205 = arith.constant 0 : i32
        %swap3A_1206 = arith.constant 7 : i32
        %swap3A_1207 = arith.index_cast %swap3A_1205 : i32 to index
        %swap3A_1208 = arith.index_cast %scan3A_319 : i32 to index
        %swap3A_1209 = arith.index_cast %swap3A_1206 : i32 to index
        %swap3A_1210 = arith.constant 48 : index
        %swap3A_1211 = tpu.vector_load %arg10[%swap3A_1207, %swap3A_1208, %swap3A_1209, %swap3A_1210] {strides = array<i32>} : memref<2x16x8x64xf32, #tpu.memory_space<vmem>>, vector<1x1x1x16xf32>,
        %swap3A_1212 = vector.shape_cast %swap3A_1211 : vector<1x1x1x16xf32> to vector<16xf32>
        %swap3A_1213 = vector.shape_cast %add3A_1204 : vector<16xf32> to vector<1x1x1x16xf32>
        tpu.vector_store %arg10[%swap3A_1207, %swap3A_1208, %swap3A_1209, %swap3A_1210], %swap3A_1213 {strides = array<i32>} : memref<2x16x8x64xf32, #tpu.memory_space<vmem>>, vector<1x1x1x16xf32>,
      }
      %scan3A_143 = arith.constant 16 : i32
      %dma_start3A_144 = arith.constant 0 : i32
      %dma_start3A_145 = arith.constant 0 : i32
      %dma_start3A_146 = arith.constant 0 : i32
      %dma_start3A_147 = arith.constant 0 : i32
      %dma_start3A_148 = tpu.memref_slice %arg10[%dma_start3A_144, %dma_start3A_145, %dma_start3A_146, %dma_start3A_147] : memref<2x16x8x64xf32, #tpu.memory_space<vmem>> -> memref<1x16x8x64xf32, #tpu.memory_space<vmem>>
      %dma_start3A_149 = tpu.memref_squeeze %dma_start3A_148 : memref<1x16x8x64xf32, #tpu.memory_space<vmem>> -> memref<16x8x64xf32, #tpu.memory_space<vmem>>
      %dma_start3A_150 = arith.constant 0 : i32
      %dma_start3A_151 = arith.constant 0 : i32
      %dma_start3A_152 = tpu.memref_slice %arg6[%add3A_118, %mul3A_4, %dma_start3A_150, %dma_start3A_151] : memref<128x512x8x64xf32, #tpu.memory_space<hbm>> -> memref<1x16x8x64xf32, #tpu.memory_space<hbm>>
      %dma_start3A_153 = tpu.memref_squeeze %dma_start3A_152 : memref<1x16x8x64xf32, #tpu.memory_space<hbm>> -> memref<16x8x64xf32, #tpu.memory_space<hbm>>
      %dma_start3A_154 = arith.constant 0 : i32
      %dma_start3A_155 = arith.constant 0 : i32
      %dma_start3A_156 = tpu.memref_slice %arg6[%add3A_118, %mul3A_4, %dma_start3A_154, %dma_start3A_155] : memref<128x512x8x64xf32, #tpu.memory_space<hbm>> -> memref<1x16x8x64xf32, #tpu.memory_space<hbm>>
      %dma_start3A_157 = tpu.memref_squeeze %dma_start3A_156 : memref<1x16x8x64xf32, #tpu.memory_space<hbm>> -> memref<16x8x64xf32, #tpu.memory_space<hbm>>
      %dma_start3A_158 = arith.constant 0 : i32
      %dma_start3A_159 = arith.constant 0 : i32
      %dma_start3A_160 = arith.constant 0 : i32
      %dma_start3A_161 = tpu.memref_slice %arg10[%dma_start3A_144, %dma_start3A_158, %dma_start3A_159, %dma_start3A_160] : memref<2x16x8x64xf32, #tpu.memory_space<vmem>> -> memref<1x16x8x64xf32, #tpu.memory_space<vmem>>
      %dma_start3A_162 = tpu.memref_squeeze %dma_start3A_161 : memref<1x16x8x64xf32, #tpu.memory_space<vmem>> -> memref<16x8x64xf32, #tpu.memory_space<vmem>>
      tpu.enqueue_dma source(%dma_start3A_162 : memref<16x8x64xf32, #tpu.memory_space<vmem>>) target(%dma_start3A_157 : memref<16x8x64xf32, #tpu.memory_space<hbm>>) target_semaphore(%arg15 : memref<!tpu.dma_semaphore, #tpu.memory_space<semaphore_mem>>)
      %mul3A_163 = arith.constant 4 : i32
      %mul3A_164 = arith.muli %mul3A_163, %scan3A_114 : i32
      %add3A_165 = arith.constant 1 : i32
      %add3A_166 = arith.addi %mul3A_164, %add3A_165 : i32
      %add3A_167 = arith.constant 3 : i32
      %add3A_168 = arith.addi %add3A_166, %add3A_167 : i32
      %lt3A_169 = arith.constant 128 : i32
      %lt3A_170 = arith.cmpi slt, %add3A_168, %lt3A_169 : i32
      %convert_element_type3A_171 = arith.extui %lt3A_170 : i1 to i32
      %cond3A_172 = arith.constant 0 : i32
      %cond3A_173 = arith.cmpi ne, %convert_element_type3A_171, %cond3A_172 : i32
      scf.if %cond3A_173 {
        %dma_start3A_319 = arith.constant 0 : i32
        %dma_start3A_320 = arith.constant 0 : i32
        %dma_start3A_321 = arith.constant 0 : i32
        %dma_start3A_322 = tpu.memref_slice %arg9[%dma_start3A_319, %dma_start3A_320, %dma_start3A_321] : memref<4x128x128xf32, #tpu.memory_space<vmem>> -> memref<1x128x128xf32, #tpu.memory_space<vmem>>
        %dma_start3A_323 = tpu.memref_squeeze %dma_start3A_322 : memref<1x128x128xf32, #tpu.memory_space<vmem>> -> memref<128x128xf32, #tpu.memory_space<vmem>>
        %dma_start3A_324 = arith.constant 0 : i32
        %dma_start3A_325 = tpu.memref_slice %arg7[%add3A_168, %dma_start3A_324] : memref<128x128xi32, #tpu.memory_space<vmem>> -> memref<1x128xi32, #tpu.memory_space<vmem>>
        %dma_start3A_326 = tpu.memref_squeeze %dma_start3A_325 : memref<1x128xi32, #tpu.memory_space<vmem>> -> memref<128xi32, #tpu.memory_space<vmem>>
        %dma_start3A_327 = arith.constant 0 : i32
        %dma_start3A_328 = arith.constant 0 : i32
        %dma_start3A_329 = tpu.memref_slice %arg4[%dma_start3A_327, %dma_start3A_328] : memref<4096x128xf32, #tpu.memory_space<hbm>> -> memref<4096x128xf32, #tpu.memory_space<hbm>>
        tpu.enqueue_indirect_dma source(%dma_start3A_329 : memref<4096x128xf32, #tpu.memory_space<hbm>>) target(%dma_start3A_323 : memref<128x128xf32, #tpu.memory_space<vmem>>) offsets(%dma_start3A_326 : memref<128xi32, #tpu.memory_space<vmem>>) semaphore(%arg11 : memref<!tpu.dma_semaphore, #tpu.memory_space<semaphore_mem>>)
      } else {
      }
      %dma_wait3A_174 = arith.constant 1 : i32
      %dma_wait3A_175 = arith.constant 0 : i32
      %dma_wait3A_176 = arith.constant 0 : i32
      %dma_wait3A_177 = tpu.memref_slice %arg9[%dma_wait3A_174, %dma_wait3A_175, %dma_wait3A_176] : memref<4x128x128xf32, #tpu.memory_space<vmem>> -> memref<1x128x128xf32, #tpu.memory_space<vmem>>
      %dma_wait3A_178 = tpu.memref_squeeze %dma_wait3A_177 : memref<1x128x128xf32, #tpu.memory_space<vmem>> -> memref<128x128xf32, #tpu.memory_space<vmem>>
      %dma_wait3A_179 = arith.constant 0 : i32
      %dma_wait3A_180 = tpu.memref_slice %arg7[%add3A_166, %dma_wait3A_179] : memref<128x128xi32, #tpu.memory_space<vmem>> -> memref<1x128xi32, #tpu.memory_space<vmem>>
      %dma_wait3A_181 = tpu.memref_squeeze %dma_wait3A_180 : memref<1x128xi32, #tpu.memory_space<vmem>> -> memref<128xi32, #tpu.memory_space<vmem>>
      %dma_wait3A_182 = arith.constant 0 : i32
      %dma_wait3A_183 = arith.constant 0 : i32
      %dma_wait3A_184 = tpu.memref_slice %arg4[%dma_wait3A_182, %dma_wait3A_183] : memref<4096x128xf32, #tpu.memory_space<hbm>> -> memref<4096x128xf32, #tpu.memory_space<hbm>>
      tpu.wait_indirect_dma semaphore(%arg12 : memref<!tpu.dma_semaphore, #tpu.memory_space<semaphore_mem>>) src(%dma_wait3A_184 : memref<4096x128xf32, #tpu.memory_space<hbm>>) dst(%dma_wait3A_178 : memref<128x128xf32, #tpu.memory_space<vmem>>)
      %ge3A_185 = arith.constant 2 : i32
      %ge3A_186 = arith.cmpi sge, %add3A_166, %ge3A_185 : i32
      %convert_element_type3A_187 = arith.extui %ge3A_186 : i1 to i32
      %cond3A_188 = arith.constant 0 : i32
      %cond3A_189 = arith.cmpi ne, %convert_element_type3A_187, %cond3A_188 : i32
      scf.if %cond3A_189 {
        %sub3A = arith.constant 2 : i32
        %sub3A_319 = arith.subi %add3A_166, %sub3A : i32
        %dma_wait3A_320 = arith.constant 1 : i32
        %dma_wait3A_321 = arith.constant 0 : i32
        %dma_wait3A_322 = arith.constant 0 : i32
        %dma_wait3A_323 = arith.constant 0 : i32
        %dma_wait3A_324 = tpu.memref_slice %arg10[%dma_wait3A_320, %dma_wait3A_321, %dma_wait3A_322, %dma_wait3A_323] : memref<2x16x8x64xf32, #tpu.memory_space<vmem>> -> memref<1x16x8x64xf32, #tpu.memory_space<vmem>>
        %dma_wait3A_325 = tpu.memref_squeeze %dma_wait3A_324 : memref<1x16x8x64xf32, #tpu.memory_space<vmem>> -> memref<16x8x64xf32, #tpu.memory_space<vmem>>
        %dma_wait3A_326 = arith.constant 0 : i32
        %dma_wait3A_327 = arith.constant 0 : i32
        %dma_wait3A_328 = tpu.memref_slice %arg6[%sub3A_319, %mul3A_4, %dma_wait3A_326, %dma_wait3A_327] : memref<128x512x8x64xf32, #tpu.memory_space<hbm>> -> memref<1x16x8x64xf32, #tpu.memory_space<hbm>>
        %dma_wait3A_329 = tpu.memref_squeeze %dma_wait3A_328 : memref<1x16x8x64xf32, #tpu.memory_space<hbm>> -> memref<16x8x64xf32, #tpu.memory_space<hbm>>
        %dma_wait3A_330 = arith.constant 0 : i32
        %dma_wait3A_331 = arith.constant 0 : i32
        %dma_wait3A_332 = tpu.memref_slice %arg6[%sub3A_319, %mul3A_4, %dma_wait3A_330, %dma_wait3A_331] : memref<128x512x8x64xf32, #tpu.memory_space<hbm>> -> memref<1x16x8x64xf32, #tpu.memory_space<hbm>>
        %dma_wait3A_333 = tpu.memref_squeeze %dma_wait3A_332 : memref<1x16x8x64xf32, #tpu.memory_space<hbm>> -> memref<16x8x64xf32, #tpu.memory_space<hbm>>
        %dma_wait3A_334 = arith.constant 0 : i32
        %dma_wait3A_335 = arith.constant 0 : i32
        %dma_wait3A_336 = arith.constant 0 : i32
        %dma_wait3A_337 = tpu.memref_slice %arg10[%dma_wait3A_320, %dma_wait3A_334, %dma_wait3A_335, %dma_wait3A_336] : memref<2x16x8x64xf32, #tpu.memory_space<vmem>> -> memref<1x16x8x64xf32, #tpu.memory_space<vmem>>
        %dma_wait3A_338 = tpu.memref_squeeze %dma_wait3A_337 : memref<1x16x8x64xf32, #tpu.memory_space<vmem>> -> memref<16x8x64xf32, #tpu.memory_space<vmem>>
        tpu.wait_dma2 semaphore(%arg16 : memref<!tpu.dma_semaphore, #tpu.memory_space<semaphore_mem>>) src(%dma_wait3A_338 : memref<16x8x64xf32, #tpu.memory_space<vmem>>) dst(%dma_wait3A_333 : memref<16x8x64xf32, #tpu.memory_space<hbm>>)
      } else {
      }
      %scan3A_190 = arith.constant 0 : i32
      %scan3A_191 = arith.constant 0 : i32
      %scan3A_192 = arith.constant 16 : i32
      %scan3A_193 = arith.addi %scan3A_191, %scan3A_192 : i32
      %scan3A_194 = arith.constant 1 : i32
      scf.for %scan3A_319 = %scan3A_191 to %scan3A_193 step %scan3A_194  : i32 {
        %mul3A_320 = arith.constant 8 : i32
        %mul3A_321 = arith.muli %scan3A_319, %mul3A_320 : i32
        %add3A_322 = arith.constant 0 : i32
        %add3A_323 = arith.addi %mul3A_321, %add3A_322 : i32
        %get3A = arith.constant 1 : i32
        %get3A_324 = arith.index_cast %get3A : i32 to index
        %get3A_325 = arith.index_cast %add3A_323 : i32 to index
        %get3A_326 = arith.constant 0 : index
        %get3A_327 = tpu.vector_load %arg9[%get3A_324, %get3A_325, %get3A_326] {strides = array<i32>} : memref<4x128x128xf32, #tpu.memory_space<vmem>>, vector<1x1x16xf32>,
        %get3A_328 = vector.shape_cast %get3A_327 : vector<1x1x16xf32> to vector<16xf32>
        %mul3A_329 = arith.constant 8 : i32
        %mul3A_330 = arith.muli %scan3A_319, %mul3A_329 : i32
        %add3A_331 = arith.constant 0 : i32
        %add3A_332 = arith.addi %mul3A_330, %add3A_331 : i32
        %get3A_333 = arith.index_cast %add3A_332 : i32 to index
        %get3A_334 = arith.constant 0 : index
        %get3A_335 = tpu.vector_load %arg8[%get3A_333, %get3A_334] {strides = array<i32>} : memref<128x64xf32, #tpu.memory_space<vmem>>, vector<1x16xf32>,
        %get3A_336 = vector.shape_cast %get3A_335 : vector<1x16xf32> to vector<16xf32>
        %add3A_337 = arith.addf %get3A_328, %get3A_336 : vector<16xf32>
        %swap3A = arith.constant 1 : i32
        %swap3A_338 = arith.constant 0 : i32
        %swap3A_339 = arith.index_cast %swap3A : i32 to index
        %swap3A_340 = arith.index_cast %scan3A_319 : i32 to index
        %swap3A_341 = arith.index_cast %swap3A_338 : i32 to index
        %swap3A_342 = arith.constant 0 : index
        %swap3A_343 = tpu.vector_load %arg10[%swap3A_339, %swap3A_340, %swap3A_341, %swap3A_342] {strides = array<i32>} : memref<2x16x8x64xf32, #tpu.memory_space<vmem>>, vector<1x1x1x16xf32>,
        %swap3A_344 = vector.shape_cast %swap3A_343 : vector<1x1x1x16xf32> to vector<16xf32>
        %swap3A_345 = vector.shape_cast %add3A_337 : vector<16xf32> to vector<1x1x1x16xf32>
        tpu.vector_store %arg10[%swap3A_339, %swap3A_340, %swap3A_341, %swap3A_342], %swap3A_345 {strides = array<i32>} : memref<2x16x8x64xf32, #tpu.memory_space<vmem>>, vector<1x1x1x16xf32>,
        %mul3A_346 = arith.constant 8 : i32
        %mul3A_347 = arith.muli %scan3A_319, %mul3A_346 : i32
        %add3A_348 = arith.constant 0 : i32
        %add3A_349 = arith.addi %mul3A_347, %add3A_348 : i32
        %get3A_350 = arith.constant 1 : i32
        %get3A_351 = arith.index_cast %get3A_350 : i32 to index
        %get3A_352 = arith.index_cast %add3A_349 : i32 to index
        %get3A_353 = arith.constant 16 : index
        %get3A_354 = tpu.vector_load %arg9[%get3A_351, %get3A_352, %get3A_353] {strides = array<i32>} : memref<4x128x128xf32, #tpu.memory_space<vmem>>, vector<1x1x16xf32>,
        %get3A_355 = vector.shape_cast %get3A_354 : vector<1x1x16xf32> to vector<16xf32>
        %mul3A_356 = arith.constant 8 : i32
        %mul3A_357 = arith.muli %scan3A_319, %mul3A_356 : i32
        %add3A_358 = arith.constant 0 : i32
        %add3A_359 = arith.addi %mul3A_357, %add3A_358 : i32
        %get3A_360 = arith.index_cast %add3A_359 : i32 to index
        %get3A_361 = arith.constant 16 : index
        %get3A_362 = tpu.vector_load %arg8[%get3A_360, %get3A_361] {strides = array<i32>} : memref<128x64xf32, #tpu.memory_space<vmem>>, vector<1x16xf32>,
        %get3A_363 = vector.shape_cast %get3A_362 : vector<1x16xf32> to vector<16xf32>
        %add3A_364 = arith.addf %get3A_355, %get3A_363 : vector<16xf32>
        %swap3A_365 = arith.constant 1 : i32
        %swap3A_366 = arith.constant 0 : i32
        %swap3A_367 = arith.index_cast %swap3A_365 : i32 to index
        %swap3A_368 = arith.index_cast %scan3A_319 : i32 to index
        %swap3A_369 = arith.index_cast %swap3A_366 : i32 to index
        %swap3A_370 = arith.constant 16 : index
        %swap3A_371 = tpu.vector_load %arg10[%swap3A_367, %swap3A_368, %swap3A_369, %swap3A_370] {strides = array<i32>} : memref<2x16x8x64xf32, #tpu.memory_space<vmem>>, vector<1x1x1x16xf32>,
        %swap3A_372 = vector.shape_cast %swap3A_371 : vector<1x1x1x16xf32> to vector<16xf32>
        %swap3A_373 = vector.shape_cast %add3A_364 : vector<16xf32> to vector<1x1x1x16xf32>
        tpu.vector_store %arg10[%swap3A_367, %swap3A_368, %swap3A_369, %swap3A_370], %swap3A_373 {strides = array<i32>} : memref<2x16x8x64xf32, #tpu.memory_space<vmem>>, vector<1x1x1x16xf32>,
        %mul3A_374 = arith.constant 8 : i32
        %mul3A_375 = arith.muli %scan3A_319, %mul3A_374 : i32
        %add3A_376 = arith.constant 0 : i32
        %add3A_377 = arith.addi %mul3A_375, %add3A_376 : i32
        %get3A_378 = arith.constant 1 : i32
        %get3A_379 = arith.index_cast %get3A_378 : i32 to index
        %get3A_380 = arith.index_cast %add3A_377 : i32 to index
        %get3A_381 = arith.constant 32 : index
        %get3A_382 = tpu.vector_load %arg9[%get3A_379, %get3A_380, %get3A_381] {strides = array<i32>} : memref<4x128x128xf32, #tpu.memory_space<vmem>>, vector<1x1x16xf32>,
        %get3A_383 = vector.shape_cast %get3A_382 : vector<1x1x16xf32> to vector<16xf32>
        %mul3A_384 = arith.constant 8 : i32
        %mul3A_385 = arith.muli %scan3A_319, %mul3A_384 : i32
        %add3A_386 = arith.constant 0 : i32
        %add3A_387 = arith.addi %mul3A_385, %add3A_386 : i32
        %get3A_388 = arith.index_cast %add3A_387 : i32 to index
        %get3A_389 = arith.constant 32 : index
        %get3A_390 = tpu.vector_load %arg8[%get3A_388, %get3A_389] {strides = array<i32>} : memref<128x64xf32, #tpu.memory_space<vmem>>, vector<1x16xf32>,
        %get3A_391 = vector.shape_cast %get3A_390 : vector<1x16xf32> to vector<16xf32>
        %add3A_392 = arith.addf %get3A_383, %get3A_391 : vector<16xf32>
        %swap3A_393 = arith.constant 1 : i32
        %swap3A_394 = arith.constant 0 : i32
        %swap3A_395 = arith.index_cast %swap3A_393 : i32 to index
        %swap3A_396 = arith.index_cast %scan3A_319 : i32 to index
        %swap3A_397 = arith.index_cast %swap3A_394 : i32 to index
        %swap3A_398 = arith.constant 32 : index
        %swap3A_399 = tpu.vector_load %arg10[%swap3A_395, %swap3A_396, %swap3A_397, %swap3A_398] {strides = array<i32>} : memref<2x16x8x64xf32, #tpu.memory_space<vmem>>, vector<1x1x1x16xf32>,
        %swap3A_400 = vector.shape_cast %swap3A_399 : vector<1x1x1x16xf32> to vector<16xf32>
        %swap3A_401 = vector.shape_cast %add3A_392 : vector<16xf32> to vector<1x1x1x16xf32>
        tpu.vector_store %arg10[%swap3A_395, %swap3A_396, %swap3A_397, %swap3A_398], %swap3A_401 {strides = array<i32>} : memref<2x16x8x64xf32, #tpu.memory_space<vmem>>, vector<1x1x1x16xf32>,
        %mul3A_402 = arith.constant 8 : i32
        %mul3A_403 = arith.muli %scan3A_319, %mul3A_402 : i32
        %add3A_404 = arith.constant 0 : i32
        %add3A_405 = arith.addi %mul3A_403, %add3A_404 : i32
        %get3A_406 = arith.constant 1 : i32
        %get3A_407 = arith.index_cast %get3A_406 : i32 to index
        %get3A_408 = arith.index_cast %add3A_405 : i32 to index
        %get3A_409 = arith.constant 48 : index
        %get3A_410 = tpu.vector_load %arg9[%get3A_407, %get3A_408, %get3A_409] {strides = array<i32>} : memref<4x128x128xf32, #tpu.memory_space<vmem>>, vector<1x1x16xf32>,
        %get3A_411 = vector.shape_cast %get3A_410 : vector<1x1x16xf32> to vector<16xf32>
        %mul3A_412 = arith.constant 8 : i32
        %mul3A_413 = arith.muli %scan3A_319, %mul3A_412 : i32
        %add3A_414 = arith.constant 0 : i32
        %add3A_415 = arith.addi %mul3A_413, %add3A_414 : i32
        %get3A_416 = arith.index_cast %add3A_415 : i32 to index
        %get3A_417 = arith.constant 48 : index
        %get3A_418 = tpu.vector_load %arg8[%get3A_416, %get3A_417] {strides = array<i32>} : memref<128x64xf32, #tpu.memory_space<vmem>>, vector<1x16xf32>,
        %get3A_419 = vector.shape_cast %get3A_418 : vector<1x16xf32> to vector<16xf32>
        %add3A_420 = arith.addf %get3A_411, %get3A_419 : vector<16xf32>
        %swap3A_421 = arith.constant 1 : i32
        %swap3A_422 = arith.constant 0 : i32
        %swap3A_423 = arith.index_cast %swap3A_421 : i32 to index
        %swap3A_424 = arith.index_cast %scan3A_319 : i32 to index
        %swap3A_425 = arith.index_cast %swap3A_422 : i32 to index
        %swap3A_426 = arith.constant 48 : index
        %swap3A_427 = tpu.vector_load %arg10[%swap3A_423, %swap3A_424, %swap3A_425, %swap3A_426] {strides = array<i32>} : memref<2x16x8x64xf32, #tpu.memory_space<vmem>>, vector<1x1x1x16xf32>,
        %swap3A_428 = vector.shape_cast %swap3A_427 : vector<1x1x1x16xf32> to vector<16xf32>
        %swap3A_429 = vector.shape_cast %add3A_420 : vector<16xf32> to vector<1x1x1x16xf32>
        tpu.vector_store %arg10[%swap3A_423, %swap3A_424, %swap3A_425, %swap3A_426], %swap3A_429 {strides = array<i32>} : memref<2x16x8x64xf32, #tpu.memory_space<vmem>>, vector<1x1x1x16xf32>,
        %mul3A_430 = arith.constant 8 : i32
        %mul3A_431 = arith.muli %scan3A_319, %mul3A_430 : i32
        %add3A_432 = arith.constant 1 : i32
        %add3A_433 = arith.addi %mul3A_431, %add3A_432 : i32
        %get3A_434 = arith.constant 1 : i32
        %get3A_435 = arith.index_cast %get3A_434 : i32 to index
        %get3A_436 = arith.index_cast %add3A_433 : i32 to index
        %get3A_437 = arith.constant 0 : index
        %get3A_438 = tpu.vector_load %arg9[%get3A_435, %get3A_436, %get3A_437] {strides = array<i32>} : memref<4x128x128xf32, #tpu.memory_space<vmem>>, vector<1x1x16xf32>,
        %get3A_439 = vector.shape_cast %get3A_438 : vector<1x1x16xf32> to vector<16xf32>
        %mul3A_440 = arith.constant 8 : i32
        %mul3A_441 = arith.muli %scan3A_319, %mul3A_440 : i32
        %add3A_442 = arith.constant 1 : i32
        %add3A_443 = arith.addi %mul3A_441, %add3A_442 : i32
        %get3A_444 = arith.index_cast %add3A_443 : i32 to index
        %get3A_445 = arith.constant 0 : index
        %get3A_446 = tpu.vector_load %arg8[%get3A_444, %get3A_445] {strides = array<i32>} : memref<128x64xf32, #tpu.memory_space<vmem>>, vector<1x16xf32>,
        %get3A_447 = vector.shape_cast %get3A_446 : vector<1x16xf32> to vector<16xf32>
        %add3A_448 = arith.addf %get3A_439, %get3A_447 : vector<16xf32>
        %swap3A_449 = arith.constant 1 : i32
        %swap3A_450 = arith.constant 1 : i32
        %swap3A_451 = arith.index_cast %swap3A_449 : i32 to index
        %swap3A_452 = arith.index_cast %scan3A_319 : i32 to index
        %swap3A_453 = arith.index_cast %swap3A_450 : i32 to index
        %swap3A_454 = arith.constant 0 : index
        %swap3A_455 = tpu.vector_load %arg10[%swap3A_451, %swap3A_452, %swap3A_453, %swap3A_454] {strides = array<i32>} : memref<2x16x8x64xf32, #tpu.memory_space<vmem>>, vector<1x1x1x16xf32>,
        %swap3A_456 = vector.shape_cast %swap3A_455 : vector<1x1x1x16xf32> to vector<16xf32>
        %swap3A_457 = vector.shape_cast %add3A_448 : vector<16xf32> to vector<1x1x1x16xf32>
        tpu.vector_store %arg10[%swap3A_451, %swap3A_452, %swap3A_453, %swap3A_454], %swap3A_457 {strides = array<i32>} : memref<2x16x8x64xf32, #tpu.memory_space<vmem>>, vector<1x1x1x16xf32>,
        %mul3A_458 = arith.constant 8 : i32
        %mul3A_459 = arith.muli %scan3A_319, %mul3A_458 : i32
        %add3A_460 = arith.constant 1 : i32
        %add3A_461 = arith.addi %mul3A_459, %add3A_460 : i32
        %get3A_462 = arith.constant 1 : i32
        %get3A_463 = arith.index_cast %get3A_462 : i32 to index
        %get3A_464 = arith.index_cast %add3A_461 : i32 to index
        %get3A_465 = arith.constant 16 : index
        %get3A_466 = tpu.vector_load %arg9[%get3A_463, %get3A_464, %get3A_465] {strides = array<i32>} : memref<4x128x128xf32, #tpu.memory_space<vmem>>, vector<1x1x16xf32>,
        %get3A_467 = vector.shape_cast %get3A_466 : vector<1x1x16xf32> to vector<16xf32>
        %mul3A_468 = arith.constant 8 : i32
        %mul3A_469 = arith.muli %scan3A_319, %mul3A_468 : i32
        %add3A_470 = arith.constant 1 : i32
        %add3A_471 = arith.addi %mul3A_469, %add3A_470 : i32
        %get3A_472 = arith.index_cast %add3A_471 : i32 to index
        %get3A_473 = arith.constant 16 : index
        %get3A_474 = tpu.vector_load %arg8[%get3A_472, %get3A_473] {strides = array<i32>} : memref<128x64xf32, #tpu.memory_space<vmem>>, vector<1x16xf32>,
        %get3A_475 = vector.shape_cast %get3A_474 : vector<1x16xf32> to vector<16xf32>
        %add3A_476 = arith.addf %get3A_467, %get3A_475 : vector<16xf32>
        %swap3A_477 = arith.constant 1 : i32
        %swap3A_478 = arith.constant 1 : i32
        %swap3A_479 = arith.index_cast %swap3A_477 : i32 to index
        %swap3A_480 = arith.index_cast %scan3A_319 : i32 to index
        %swap3A_481 = arith.index_cast %swap3A_478 : i32 to index
        %swap3A_482 = arith.constant 16 : index
        %swap3A_483 = tpu.vector_load %arg10[%swap3A_479, %swap3A_480, %swap3A_481, %swap3A_482] {strides = array<i32>} : memref<2x16x8x64xf32, #tpu.memory_space<vmem>>, vector<1x1x1x16xf32>,
        %swap3A_484 = vector.shape_cast %swap3A_483 : vector<1x1x1x16xf32> to vector<16xf32>
        %swap3A_485 = vector.shape_cast %add3A_476 : vector<16xf32> to vector<1x1x1x16xf32>
        tpu.vector_store %arg10[%swap3A_479, %swap3A_480, %swap3A_481, %swap3A_482], %swap3A_485 {strides = array<i32>} : memref<2x16x8x64xf32, #tpu.memory_space<vmem>>, vector<1x1x1x16xf32>,
        %mul3A_486 = arith.constant 8 : i32
        %mul3A_487 = arith.muli %scan3A_319, %mul3A_486 : i32
        %add3A_488 = arith.constant 1 : i32
        %add3A_489 = arith.addi %mul3A_487, %add3A_488 : i32
        %get3A_490 = arith.constant 1 : i32
        %get3A_491 = arith.index_cast %get3A_490 : i32 to index
        %get3A_492 = arith.index_cast %add3A_489 : i32 to index
        %get3A_493 = arith.constant 32 : index
        %get3A_494 = tpu.vector_load %arg9[%get3A_491, %get3A_492, %get3A_493] {strides = array<i32>} : memref<4x128x128xf32, #tpu.memory_space<vmem>>, vector<1x1x16xf32>,
        %get3A_495 = vector.shape_cast %get3A_494 : vector<1x1x16xf32> to vector<16xf32>
        %mul3A_496 = arith.constant 8 : i32
        %mul3A_497 = arith.muli %scan3A_319, %mul3A_496 : i32
        %add3A_498 = arith.constant 1 : i32
        %add3A_499 = arith.addi %mul3A_497, %add3A_498 : i32
        %get3A_500 = arith.index_cast %add3A_499 : i32 to index
        %get3A_501 = arith.constant 32 : index
        %get3A_502 = tpu.vector_load %arg8[%get3A_500, %get3A_501] {strides = array<i32>} : memref<128x64xf32, #tpu.memory_space<vmem>>, vector<1x16xf32>,
        %get3A_503 = vector.shape_cast %get3A_502 : vector<1x16xf32> to vector<16xf32>
        %add3A_504 = arith.addf %get3A_495, %get3A_503 : vector<16xf32>
        %swap3A_505 = arith.constant 1 : i32
        %swap3A_506 = arith.constant 1 : i32
        %swap3A_507 = arith.index_cast %swap3A_505 : i32 to index
        %swap3A_508 = arith.index_cast %scan3A_319 : i32 to index
        %swap3A_509 = arith.index_cast %swap3A_506 : i32 to index
        %swap3A_510 = arith.constant 32 : index
        %swap3A_511 = tpu.vector_load %arg10[%swap3A_507, %swap3A_508, %swap3A_509, %swap3A_510] {strides = array<i32>} : memref<2x16x8x64xf32, #tpu.memory_space<vmem>>, vector<1x1x1x16xf32>,
        %swap3A_512 = vector.shape_cast %swap3A_511 : vector<1x1x1x16xf32> to vector<16xf32>
        %swap3A_513 = vector.shape_cast %add3A_504 : vector<16xf32> to vector<1x1x1x16xf32>
        tpu.vector_store %arg10[%swap3A_507, %swap3A_508, %swap3A_509, %swap3A_510], %swap3A_513 {strides = array<i32>} : memref<2x16x8x64xf32, #tpu.memory_space<vmem>>, vector<1x1x1x16xf32>,
        %mul3A_514 = arith.constant 8 : i32
        %mul3A_515 = arith.muli %scan3A_319, %mul3A_514 : i32
        %add3A_516 = arith.constant 1 : i32
        %add3A_517 = arith.addi %mul3A_515, %add3A_516 : i32
        %get3A_518 = arith.constant 1 : i32
        %get3A_519 = arith.index_cast %get3A_518 : i32 to index
        %get3A_520 = arith.index_cast %add3A_517 : i32 to index
        %get3A_521 = arith.constant 48 : index
        %get3A_522 = tpu.vector_load %arg9[%get3A_519, %get3A_520, %get3A_521] {strides = array<i32>} : memref<4x128x128xf32, #tpu.memory_space<vmem>>, vector<1x1x16xf32>,
        %get3A_523 = vector.shape_cast %get3A_522 : vector<1x1x16xf32> to vector<16xf32>
        %mul3A_524 = arith.constant 8 : i32
        %mul3A_525 = arith.muli %scan3A_319, %mul3A_524 : i32
        %add3A_526 = arith.constant 1 : i32
        %add3A_527 = arith.addi %mul3A_525, %add3A_526 : i32
        %get3A_528 = arith.index_cast %add3A_527 : i32 to index
        %get3A_529 = arith.constant 48 : index
        %get3A_530 = tpu.vector_load %arg8[%get3A_528, %get3A_529] {strides = array<i32>} : memref<128x64xf32, #tpu.memory_space<vmem>>, vector<1x16xf32>,
        %get3A_531 = vector.shape_cast %get3A_530 : vector<1x16xf32> to vector<16xf32>
        %add3A_532 = arith.addf %get3A_523, %get3A_531 : vector<16xf32>
        %swap3A_533 = arith.constant 1 : i32
        %swap3A_534 = arith.constant 1 : i32
        %swap3A_535 = arith.index_cast %swap3A_533 : i32 to index
        %swap3A_536 = arith.index_cast %scan3A_319 : i32 to index
        %swap3A_537 = arith.index_cast %swap3A_534 : i32 to index
        %swap3A_538 = arith.constant 48 : index
        %swap3A_539 = tpu.vector_load %arg10[%swap3A_535, %swap3A_536, %swap3A_537, %swap3A_538] {strides = array<i32>} : memref<2x16x8x64xf32, #tpu.memory_space<vmem>>, vector<1x1x1x16xf32>,
        %swap3A_540 = vector.shape_cast %swap3A_539 : vector<1x1x1x16xf32> to vector<16xf32>
        %swap3A_541 = vector.shape_cast %add3A_532 : vector<16xf32> to vector<1x1x1x16xf32>
        tpu.vector_store %arg10[%swap3A_535, %swap3A_536, %swap3A_537, %swap3A_538], %swap3A_541 {strides = array<i32>} : memref<2x16x8x64xf32, #tpu.memory_space<vmem>>, vector<1x1x1x16xf32>,
        %mul3A_542 = arith.constant 8 : i32
        %mul3A_543 = arith.muli %scan3A_319, %mul3A_542 : i32
        %add3A_544 = arith.constant 2 : i32
        %add3A_545 = arith.addi %mul3A_543, %add3A_544 : i32
        %get3A_546 = arith.constant 1 : i32
        %get3A_547 = arith.index_cast %get3A_546 : i32 to index
        %get3A_548 = arith.index_cast %add3A_545 : i32 to index
        %get3A_549 = arith.constant 0 : index
        %get3A_550 = tpu.vector_load %arg9[%get3A_547, %get3A_548, %get3A_549] {strides = array<i32>} : memref<4x128x128xf32, #tpu.memory_space<vmem>>, vector<1x1x16xf32>,
        %get3A_551 = vector.shape_cast %get3A_550 : vector<1x1x16xf32> to vector<16xf32>
        %mul3A_552 = arith.constant 8 : i32
        %mul3A_553 = arith.muli %scan3A_319, %mul3A_552 : i32
        %add3A_554 = arith.constant 2 : i32
        %add3A_555 = arith.addi %mul3A_553, %add3A_554 : i32
        %get3A_556 = arith.index_cast %add3A_555 : i32 to index
        %get3A_557 = arith.constant 0 : index
        %get3A_558 = tpu.vector_load %arg8[%get3A_556, %get3A_557] {strides = array<i32>} : memref<128x64xf32, #tpu.memory_space<vmem>>, vector<1x16xf32>,
        %get3A_559 = vector.shape_cast %get3A_558 : vector<1x16xf32> to vector<16xf32>
        %add3A_560 = arith.addf %get3A_551, %get3A_559 : vector<16xf32>
        %swap3A_561 = arith.constant 1 : i32
        %swap3A_562 = arith.constant 2 : i32
        %swap3A_563 = arith.index_cast %swap3A_561 : i32 to index
        %swap3A_564 = arith.index_cast %scan3A_319 : i32 to index
        %swap3A_565 = arith.index_cast %swap3A_562 : i32 to index
        %swap3A_566 = arith.constant 0 : index
        %swap3A_567 = tpu.vector_load %arg10[%swap3A_563, %swap3A_564, %swap3A_565, %swap3A_566] {strides = array<i32>} : memref<2x16x8x64xf32, #tpu.memory_space<vmem>>, vector<1x1x1x16xf32>,
        %swap3A_568 = vector.shape_cast %swap3A_567 : vector<1x1x1x16xf32> to vector<16xf32>
        %swap3A_569 = vector.shape_cast %add3A_560 : vector<16xf32> to vector<1x1x1x16xf32>
        tpu.vector_store %arg10[%swap3A_563, %swap3A_564, %swap3A_565, %swap3A_566], %swap3A_569 {strides = array<i32>} : memref<2x16x8x64xf32, #tpu.memory_space<vmem>>, vector<1x1x1x16xf32>,
        %mul3A_570 = arith.constant 8 : i32
        %mul3A_571 = arith.muli %scan3A_319, %mul3A_570 : i32
        %add3A_572 = arith.constant 2 : i32
        %add3A_573 = arith.addi %mul3A_571, %add3A_572 : i32
        %get3A_574 = arith.constant 1 : i32
        %get3A_575 = arith.index_cast %get3A_574 : i32 to index
        %get3A_576 = arith.index_cast %add3A_573 : i32 to index
        %get3A_577 = arith.constant 16 : index
        %get3A_578 = tpu.vector_load %arg9[%get3A_575, %get3A_576, %get3A_577] {strides = array<i32>} : memref<4x128x128xf32, #tpu.memory_space<vmem>>, vector<1x1x16xf32>,
        %get3A_579 = vector.shape_cast %get3A_578 : vector<1x1x16xf32> to vector<16xf32>
        %mul3A_580 = arith.constant 8 : i32
        %mul3A_581 = arith.muli %scan3A_319, %mul3A_580 : i32
        %add3A_582 = arith.constant 2 : i32
        %add3A_583 = arith.addi %mul3A_581, %add3A_582 : i32
        %get3A_584 = arith.index_cast %add3A_583 : i32 to index
        %get3A_585 = arith.constant 16 : index
        %get3A_586 = tpu.vector_load %arg8[%get3A_584, %get3A_585] {strides = array<i32>} : memref<128x64xf32, #tpu.memory_space<vmem>>, vector<1x16xf32>,
        %get3A_587 = vector.shape_cast %get3A_586 : vector<1x16xf32> to vector<16xf32>
        %add3A_588 = arith.addf %get3A_579, %get3A_587 : vector<16xf32>
        %swap3A_589 = arith.constant 1 : i32
        %swap3A_590 = arith.constant 2 : i32
        %swap3A_591 = arith.index_cast %swap3A_589 : i32 to index
        %swap3A_592 = arith.index_cast %scan3A_319 : i32 to index
        %swap3A_593 = arith.index_cast %swap3A_590 : i32 to index
        %swap3A_594 = arith.constant 16 : index
        %swap3A_595 = tpu.vector_load %arg10[%swap3A_591, %swap3A_592, %swap3A_593, %swap3A_594] {strides = array<i32>} : memref<2x16x8x64xf32, #tpu.memory_space<vmem>>, vector<1x1x1x16xf32>,
        %swap3A_596 = vector.shape_cast %swap3A_595 : vector<1x1x1x16xf32> to vector<16xf32>
        %swap3A_597 = vector.shape_cast %add3A_588 : vector<16xf32> to vector<1x1x1x16xf32>
        tpu.vector_store %arg10[%swap3A_591, %swap3A_592, %swap3A_593, %swap3A_594], %swap3A_597 {strides = array<i32>} : memref<2x16x8x64xf32, #tpu.memory_space<vmem>>, vector<1x1x1x16xf32>,
        %mul3A_598 = arith.constant 8 : i32
        %mul3A_599 = arith.muli %scan3A_319, %mul3A_598 : i32
        %add3A_600 = arith.constant 2 : i32
        %add3A_601 = arith.addi %mul3A_599, %add3A_600 : i32
        %get3A_602 = arith.constant 1 : i32
        %get3A_603 = arith.index_cast %get3A_602 : i32 to index
        %get3A_604 = arith.index_cast %add3A_601 : i32 to index
        %get3A_605 = arith.constant 32 : index
        %get3A_606 = tpu.vector_load %arg9[%get3A_603, %get3A_604, %get3A_605] {strides = array<i32>} : memref<4x128x128xf32, #tpu.memory_space<vmem>>, vector<1x1x16xf32>,
        %get3A_607 = vector.shape_cast %get3A_606 : vector<1x1x16xf32> to vector<16xf32>
        %mul3A_608 = arith.constant 8 : i32
        %mul3A_609 = arith.muli %scan3A_319, %mul3A_608 : i32
        %add3A_610 = arith.constant 2 : i32
        %add3A_611 = arith.addi %mul3A_609, %add3A_610 : i32
        %get3A_612 = arith.index_cast %add3A_611 : i32 to index
        %get3A_613 = arith.constant 32 : index
        %get3A_614 = tpu.vector_load %arg8[%get3A_612, %get3A_613] {strides = array<i32>} : memref<128x64xf32, #tpu.memory_space<vmem>>, vector<1x16xf32>,
        %get3A_615 = vector.shape_cast %get3A_614 : vector<1x16xf32> to vector<16xf32>
        %add3A_616 = arith.addf %get3A_607, %get3A_615 : vector<16xf32>
        %swap3A_617 = arith.constant 1 : i32
        %swap3A_618 = arith.constant 2 : i32
        %swap3A_619 = arith.index_cast %swap3A_617 : i32 to index
        %swap3A_620 = arith.index_cast %scan3A_319 : i32 to index
        %swap3A_621 = arith.index_cast %swap3A_618 : i32 to index
        %swap3A_622 = arith.constant 32 : index
        %swap3A_623 = tpu.vector_load %arg10[%swap3A_619, %swap3A_620, %swap3A_621, %swap3A_622] {strides = array<i32>} : memref<2x16x8x64xf32, #tpu.memory_space<vmem>>, vector<1x1x1x16xf32>,
        %swap3A_624 = vector.shape_cast %swap3A_623 : vector<1x1x1x16xf32> to vector<16xf32>
        %swap3A_625 = vector.shape_cast %add3A_616 : vector<16xf32> to vector<1x1x1x16xf32>
        tpu.vector_store %arg10[%swap3A_619, %swap3A_620, %swap3A_621, %swap3A_622], %swap3A_625 {strides = array<i32>} : memref<2x16x8x64xf32, #tpu.memory_space<vmem>>, vector<1x1x1x16xf32>,
        %mul3A_626 = arith.constant 8 : i32
        %mul3A_627 = arith.muli %scan3A_319, %mul3A_626 : i32
        %add3A_628 = arith.constant 2 : i32
        %add3A_629 = arith.addi %mul3A_627, %add3A_628 : i32
        %get3A_630 = arith.constant 1 : i32
        %get3A_631 = arith.index_cast %get3A_630 : i32 to index
        %get3A_632 = arith.index_cast %add3A_629 : i32 to index
        %get3A_633 = arith.constant 48 : index
        %get3A_634 = tpu.vector_load %arg9[%get3A_631, %get3A_632, %get3A_633] {strides = array<i32>} : memref<4x128x128xf32, #tpu.memory_space<vmem>>, vector<1x1x16xf32>,
        %get3A_635 = vector.shape_cast %get3A_634 : vector<1x1x16xf32> to vector<16xf32>
        %mul3A_636 = arith.constant 8 : i32
        %mul3A_637 = arith.muli %scan3A_319, %mul3A_636 : i32
        %add3A_638 = arith.constant 2 : i32
        %add3A_639 = arith.addi %mul3A_637, %add3A_638 : i32
        %get3A_640 = arith.index_cast %add3A_639 : i32 to index
        %get3A_641 = arith.constant 48 : index
        %get3A_642 = tpu.vector_load %arg8[%get3A_640, %get3A_641] {strides = array<i32>} : memref<128x64xf32, #tpu.memory_space<vmem>>, vector<1x16xf32>,
        %get3A_643 = vector.shape_cast %get3A_642 : vector<1x16xf32> to vector<16xf32>
        %add3A_644 = arith.addf %get3A_635, %get3A_643 : vector<16xf32>
        %swap3A_645 = arith.constant 1 : i32
        %swap3A_646 = arith.constant 2 : i32
        %swap3A_647 = arith.index_cast %swap3A_645 : i32 to index
        %swap3A_648 = arith.index_cast %scan3A_319 : i32 to index
        %swap3A_649 = arith.index_cast %swap3A_646 : i32 to index
        %swap3A_650 = arith.constant 48 : index
        %swap3A_651 = tpu.vector_load %arg10[%swap3A_647, %swap3A_648, %swap3A_649, %swap3A_650] {strides = array<i32>} : memref<2x16x8x64xf32, #tpu.memory_space<vmem>>, vector<1x1x1x16xf32>,
        %swap3A_652 = vector.shape_cast %swap3A_651 : vector<1x1x1x16xf32> to vector<16xf32>
        %swap3A_653 = vector.shape_cast %add3A_644 : vector<16xf32> to vector<1x1x1x16xf32>
        tpu.vector_store %arg10[%swap3A_647, %swap3A_648, %swap3A_649, %swap3A_650], %swap3A_653 {strides = array<i32>} : memref<2x16x8x64xf32, #tpu.memory_space<vmem>>, vector<1x1x1x16xf32>,
        %mul3A_654 = arith.constant 8 : i32
        %mul3A_655 = arith.muli %scan3A_319, %mul3A_654 : i32
        %add3A_656 = arith.constant 3 : i32
        %add3A_657 = arith.addi %mul3A_655, %add3A_656 : i32
        %get3A_658 = arith.constant 1 : i32
        %get3A_659 = arith.index_cast %get3A_658 : i32 to index
        %get3A_660 = arith.index_cast %add3A_657 : i32 to index
        %get3A_661 = arith.constant 0 : index
        %get3A_662 = tpu.vector_load %arg9[%get3A_659, %get3A_660, %get3A_661] {strides = array<i32>} : memref<4x128x128xf32, #tpu.memory_space<vmem>>, vector<1x1x16xf32>,
        %get3A_663 = vector.shape_cast %get3A_662 : vector<1x1x16xf32> to vector<16xf32>
        %mul3A_664 = arith.constant 8 : i32
        %mul3A_665 = arith.muli %scan3A_319, %mul3A_664 : i32
        %add3A_666 = arith.constant 3 : i32
        %add3A_667 = arith.addi %mul3A_665, %add3A_666 : i32
        %get3A_668 = arith.index_cast %add3A_667 : i32 to index
        %get3A_669 = arith.constant 0 : index
        %get3A_670 = tpu.vector_load %arg8[%get3A_668, %get3A_669] {strides = array<i32>} : memref<128x64xf32, #tpu.memory_space<vmem>>, vector<1x16xf32>,
        %get3A_671 = vector.shape_cast %get3A_670 : vector<1x16xf32> to vector<16xf32>
        %add3A_672 = arith.addf %get3A_663, %get3A_671 : vector<16xf32>
        %swap3A_673 = arith.constant 1 : i32
        %swap3A_674 = arith.constant 3 : i32
        %swap3A_675 = arith.index_cast %swap3A_673 : i32 to index
        %swap3A_676 = arith.index_cast %scan3A_319 : i32 to index
        %swap3A_677 = arith.index_cast %swap3A_674 : i32 to index
        %swap3A_678 = arith.constant 0 : index
        %swap3A_679 = tpu.vector_load %arg10[%swap3A_675, %swap3A_676, %swap3A_677, %swap3A_678] {strides = array<i32>} : memref<2x16x8x64xf32, #tpu.memory_space<vmem>>, vector<1x1x1x16xf32>,
        %swap3A_680 = vector.shape_cast %swap3A_679 : vector<1x1x1x16xf32> to vector<16xf32>
        %swap3A_681 = vector.shape_cast %add3A_672 : vector<16xf32> to vector<1x1x1x16xf32>
        tpu.vector_store %arg10[%swap3A_675, %swap3A_676, %swap3A_677, %swap3A_678], %swap3A_681 {strides = array<i32>} : memref<2x16x8x64xf32, #tpu.memory_space<vmem>>, vector<1x1x1x16xf32>,
        %mul3A_682 = arith.constant 8 : i32
        %mul3A_683 = arith.muli %scan3A_319, %mul3A_682 : i32
        %add3A_684 = arith.constant 3 : i32
        %add3A_685 = arith.addi %mul3A_683, %add3A_684 : i32
        %get3A_686 = arith.constant 1 : i32
        %get3A_687 = arith.index_cast %get3A_686 : i32 to index
        %get3A_688 = arith.index_cast %add3A_685 : i32 to index
        %get3A_689 = arith.constant 16 : index
        %get3A_690 = tpu.vector_load %arg9[%get3A_687, %get3A_688, %get3A_689] {strides = array<i32>} : memref<4x128x128xf32, #tpu.memory_space<vmem>>, vector<1x1x16xf32>,
        %get3A_691 = vector.shape_cast %get3A_690 : vector<1x1x16xf32> to vector<16xf32>
        %mul3A_692 = arith.constant 8 : i32
        %mul3A_693 = arith.muli %scan3A_319, %mul3A_692 : i32
        %add3A_694 = arith.constant 3 : i32
        %add3A_695 = arith.addi %mul3A_693, %add3A_694 : i32
        %get3A_696 = arith.index_cast %add3A_695 : i32 to index
        %get3A_697 = arith.constant 16 : index
        %get3A_698 = tpu.vector_load %arg8[%get3A_696, %get3A_697] {strides = array<i32>} : memref<128x64xf32, #tpu.memory_space<vmem>>, vector<1x16xf32>,
        %get3A_699 = vector.shape_cast %get3A_698 : vector<1x16xf32> to vector<16xf32>
        %add3A_700 = arith.addf %get3A_691, %get3A_699 : vector<16xf32>
        %swap3A_701 = arith.constant 1 : i32
        %swap3A_702 = arith.constant 3 : i32
        %swap3A_703 = arith.index_cast %swap3A_701 : i32 to index
        %swap3A_704 = arith.index_cast %scan3A_319 : i32 to index
        %swap3A_705 = arith.index_cast %swap3A_702 : i32 to index
        %swap3A_706 = arith.constant 16 : index
        %swap3A_707 = tpu.vector_load %arg10[%swap3A_703, %swap3A_704, %swap3A_705, %swap3A_706] {strides = array<i32>} : memref<2x16x8x64xf32, #tpu.memory_space<vmem>>, vector<1x1x1x16xf32>,
        %swap3A_708 = vector.shape_cast %swap3A_707 : vector<1x1x1x16xf32> to vector<16xf32>
        %swap3A_709 = vector.shape_cast %add3A_700 : vector<16xf32> to vector<1x1x1x16xf32>
        tpu.vector_store %arg10[%swap3A_703, %swap3A_704, %swap3A_705, %swap3A_706], %swap3A_709 {strides = array<i32>} : memref<2x16x8x64xf32, #tpu.memory_space<vmem>>, vector<1x1x1x16xf32>,
        %mul3A_710 = arith.constant 8 : i32
        %mul3A_711 = arith.muli %scan3A_319, %mul3A_710 : i32
        %add3A_712 = arith.constant 3 : i32
        %add3A_713 = arith.addi %mul3A_711, %add3A_712 : i32
        %get3A_714 = arith.constant 1 : i32
        %get3A_715 = arith.index_cast %get3A_714 : i32 to index
        %get3A_716 = arith.index_cast %add3A_713 : i32 to index
        %get3A_717 = arith.constant 32 : index
        %get3A_718 = tpu.vector_load %arg9[%get3A_715, %get3A_716, %get3A_717] {strides = array<i32>} : memref<4x128x128xf32, #tpu.memory_space<vmem>>, vector<1x1x16xf32>,
        %get3A_719 = vector.shape_cast %get3A_718 : vector<1x1x16xf32> to vector<16xf32>
        %mul3A_720 = arith.constant 8 : i32
        %mul3A_721 = arith.muli %scan3A_319, %mul3A_720 : i32
        %add3A_722 = arith.constant 3 : i32
        %add3A_723 = arith.addi %mul3A_721, %add3A_722 : i32
        %get3A_724 = arith.index_cast %add3A_723 : i32 to index
        %get3A_725 = arith.constant 32 : index
        %get3A_726 = tpu.vector_load %arg8[%get3A_724, %get3A_725] {strides = array<i32>} : memref<128x64xf32, #tpu.memory_space<vmem>>, vector<1x16xf32>,
        %get3A_727 = vector.shape_cast %get3A_726 : vector<1x16xf32> to vector<16xf32>
        %add3A_728 = arith.addf %get3A_719, %get3A_727 : vector<16xf32>
        %swap3A_729 = arith.constant 1 : i32
        %swap3A_730 = arith.constant 3 : i32
        %swap3A_731 = arith.index_cast %swap3A_729 : i32 to index
        %swap3A_732 = arith.index_cast %scan3A_319 : i32 to index
        %swap3A_733 = arith.index_cast %swap3A_730 : i32 to index
        %swap3A_734 = arith.constant 32 : index
        %swap3A_735 = tpu.vector_load %arg10[%swap3A_731, %swap3A_732, %swap3A_733, %swap3A_734] {strides = array<i32>} : memref<2x16x8x64xf32, #tpu.memory_space<vmem>>, vector<1x1x1x16xf32>,
        %swap3A_736 = vector.shape_cast %swap3A_735 : vector<1x1x1x16xf32> to vector<16xf32>
        %swap3A_737 = vector.shape_cast %add3A_728 : vector<16xf32> to vector<1x1x1x16xf32>
        tpu.vector_store %arg10[%swap3A_731, %swap3A_732, %swap3A_733, %swap3A_734], %swap3A_737 {strides = array<i32>} : memref<2x16x8x64xf32, #tpu.memory_space<vmem>>, vector<1x1x1x16xf32>,
        %mul3A_738 = arith.constant 8 : i32
        %mul3A_739 = arith.muli %scan3A_319, %mul3A_738 : i32
        %add3A_740 = arith.constant 3 : i32
        %add3A_741 = arith.addi %mul3A_739, %add3A_740 : i32
        %get3A_742 = arith.constant 1 : i32
        %get3A_743 = arith.index_cast %get3A_742 : i32 to index
        %get3A_744 = arith.index_cast %add3A_741 : i32 to index
        %get3A_745 = arith.constant 48 : index
        %get3A_746 = tpu.vector_load %arg9[%get3A_743, %get3A_744, %get3A_745] {strides = array<i32>} : memref<4x128x128xf32, #tpu.memory_space<vmem>>, vector<1x1x16xf32>,
        %get3A_747 = vector.shape_cast %get3A_746 : vector<1x1x16xf32> to vector<16xf32>
        %mul3A_748 = arith.constant 8 : i32
        %mul3A_749 = arith.muli %scan3A_319, %mul3A_748 : i32
        %add3A_750 = arith.constant 3 : i32
        %add3A_751 = arith.addi %mul3A_749, %add3A_750 : i32
        %get3A_752 = arith.index_cast %add3A_751 : i32 to index
        %get3A_753 = arith.constant 48 : index
        %get3A_754 = tpu.vector_load %arg8[%get3A_752, %get3A_753] {strides = array<i32>} : memref<128x64xf32, #tpu.memory_space<vmem>>, vector<1x16xf32>,
        %get3A_755 = vector.shape_cast %get3A_754 : vector<1x16xf32> to vector<16xf32>
        %add3A_756 = arith.addf %get3A_747, %get3A_755 : vector<16xf32>
        %swap3A_757 = arith.constant 1 : i32
        %swap3A_758 = arith.constant 3 : i32
        %swap3A_759 = arith.index_cast %swap3A_757 : i32 to index
        %swap3A_760 = arith.index_cast %scan3A_319 : i32 to index
        %swap3A_761 = arith.index_cast %swap3A_758 : i32 to index
        %swap3A_762 = arith.constant 48 : index
        %swap3A_763 = tpu.vector_load %arg10[%swap3A_759, %swap3A_760, %swap3A_761, %swap3A_762] {strides = array<i32>} : memref<2x16x8x64xf32, #tpu.memory_space<vmem>>, vector<1x1x1x16xf32>,
        %swap3A_764 = vector.shape_cast %swap3A_763 : vector<1x1x1x16xf32> to vector<16xf32>
        %swap3A_765 = vector.shape_cast %add3A_756 : vector<16xf32> to vector<1x1x1x16xf32>
        tpu.vector_store %arg10[%swap3A_759, %swap3A_760, %swap3A_761, %swap3A_762], %swap3A_765 {strides = array<i32>} : memref<2x16x8x64xf32, #tpu.memory_space<vmem>>, vector<1x1x1x16xf32>,
        %mul3A_766 = arith.constant 8 : i32
        %mul3A_767 = arith.muli %scan3A_319, %mul3A_766 : i32
        %add3A_768 = arith.constant 4 : i32
        %add3A_769 = arith.addi %mul3A_767, %add3A_768 : i32
        %get3A_770 = arith.constant 1 : i32
        %get3A_771 = arith.index_cast %get3A_770 : i32 to index
        %get3A_772 = arith.index_cast %add3A_769 : i32 to index
        %get3A_773 = arith.constant 0 : index
        %get3A_774 = tpu.vector_load %arg9[%get3A_771, %get3A_772, %get3A_773] {strides = array<i32>} : memref<4x128x128xf32, #tpu.memory_space<vmem>>, vector<1x1x16xf32>,
        %get3A_775 = vector.shape_cast %get3A_774 : vector<1x1x16xf32> to vector<16xf32>
        %mul3A_776 = arith.constant 8 : i32
        %mul3A_777 = arith.muli %scan3A_319, %mul3A_776 : i32
        %add3A_778 = arith.constant 4 : i32
        %add3A_779 = arith.addi %mul3A_777, %add3A_778 : i32
        %get3A_780 = arith.index_cast %add3A_779 : i32 to index
        %get3A_781 = arith.constant 0 : index
        %get3A_782 = tpu.vector_load %arg8[%get3A_780, %get3A_781] {strides = array<i32>} : memref<128x64xf32, #tpu.memory_space<vmem>>, vector<1x16xf32>,
        %get3A_783 = vector.shape_cast %get3A_782 : vector<1x16xf32> to vector<16xf32>
        %add3A_784 = arith.addf %get3A_775, %get3A_783 : vector<16xf32>
        %swap3A_785 = arith.constant 1 : i32
        %swap3A_786 = arith.constant 4 : i32
        %swap3A_787 = arith.index_cast %swap3A_785 : i32 to index
        %swap3A_788 = arith.index_cast %scan3A_319 : i32 to index
        %swap3A_789 = arith.index_cast %swap3A_786 : i32 to index
        %swap3A_790 = arith.constant 0 : index
        %swap3A_791 = tpu.vector_load %arg10[%swap3A_787, %swap3A_788, %swap3A_789, %swap3A_790] {strides = array<i32>} : memref<2x16x8x64xf32, #tpu.memory_space<vmem>>, vector<1x1x1x16xf32>,
        %swap3A_792 = vector.shape_cast %swap3A_791 : vector<1x1x1x16xf32> to vector<16xf32>
        %swap3A_793 = vector.shape_cast %add3A_784 : vector<16xf32> to vector<1x1x1x16xf32>
        tpu.vector_store %arg10[%swap3A_787, %swap3A_788, %swap3A_789, %swap3A_790], %swap3A_793 {strides = array<i32>} : memref<2x16x8x64xf32, #tpu.memory_space<vmem>>, vector<1x1x1x16xf32>,
        %mul3A_794 = arith.constant 8 : i32
        %mul3A_795 = arith.muli %scan3A_319, %mul3A_794 : i32
        %add3A_796 = arith.constant 4 : i32
        %add3A_797 = arith.addi %mul3A_795, %add3A_796 : i32
        %get3A_798 = arith.constant 1 : i32
        %get3A_799 = arith.index_cast %get3A_798 : i32 to index
        %get3A_800 = arith.index_cast %add3A_797 : i32 to index
        %get3A_801 = arith.constant 16 : index
        %get3A_802 = tpu.vector_load %arg9[%get3A_799, %get3A_800, %get3A_801] {strides = array<i32>} : memref<4x128x128xf32, #tpu.memory_space<vmem>>, vector<1x1x16xf32>,
        %get3A_803 = vector.shape_cast %get3A_802 : vector<1x1x16xf32> to vector<16xf32>
        %mul3A_804 = arith.constant 8 : i32
        %mul3A_805 = arith.muli %scan3A_319, %mul3A_804 : i32
        %add3A_806 = arith.constant 4 : i32
        %add3A_807 = arith.addi %mul3A_805, %add3A_806 : i32
        %get3A_808 = arith.index_cast %add3A_807 : i32 to index
        %get3A_809 = arith.constant 16 : index
        %get3A_810 = tpu.vector_load %arg8[%get3A_808, %get3A_809] {strides = array<i32>} : memref<128x64xf32, #tpu.memory_space<vmem>>, vector<1x16xf32>,
        %get3A_811 = vector.shape_cast %get3A_810 : vector<1x16xf32> to vector<16xf32>
        %add3A_812 = arith.addf %get3A_803, %get3A_811 : vector<16xf32>
        %swap3A_813 = arith.constant 1 : i32
        %swap3A_814 = arith.constant 4 : i32
        %swap3A_815 = arith.index_cast %swap3A_813 : i32 to index
        %swap3A_816 = arith.index_cast %scan3A_319 : i32 to index
        %swap3A_817 = arith.index_cast %swap3A_814 : i32 to index
        %swap3A_818 = arith.constant 16 : index
        %swap3A_819 = tpu.vector_load %arg10[%swap3A_815, %swap3A_816, %swap3A_817, %swap3A_818] {strides = array<i32>} : memref<2x16x8x64xf32, #tpu.memory_space<vmem>>, vector<1x1x1x16xf32>,
        %swap3A_820 = vector.shape_cast %swap3A_819 : vector<1x1x1x16xf32> to vector<16xf32>
        %swap3A_821 = vector.shape_cast %add3A_812 : vector<16xf32> to vector<1x1x1x16xf32>
        tpu.vector_store %arg10[%swap3A_815, %swap3A_816, %swap3A_817, %swap3A_818], %swap3A_821 {strides = array<i32>} : memref<2x16x8x64xf32, #tpu.memory_space<vmem>>, vector<1x1x1x16xf32>,
        %mul3A_822 = arith.constant 8 : i32
        %mul3A_823 = arith.muli %scan3A_319, %mul3A_822 : i32
        %add3A_824 = arith.constant 4 : i32
        %add3A_825 = arith.addi %mul3A_823, %add3A_824 : i32
        %get3A_826 = arith.constant 1 : i32
        %get3A_827 = arith.index_cast %get3A_826 : i32 to index
        %get3A_828 = arith.index_cast %add3A_825 : i32 to index
        %get3A_829 = arith.constant 32 : index
        %get3A_830 = tpu.vector_load %arg9[%get3A_827, %get3A_828, %get3A_829] {strides = array<i32>} : memref<4x128x128xf32, #tpu.memory_space<vmem>>, vector<1x1x16xf32>,
        %get3A_831 = vector.shape_cast %get3A_830 : vector<1x1x16xf32> to vector<16xf32>
        %mul3A_832 = arith.constant 8 : i32
        %mul3A_833 = arith.muli %scan3A_319, %mul3A_832 : i32
        %add3A_834 = arith.constant 4 : i32
        %add3A_835 = arith.addi %mul3A_833, %add3A_834 : i32
        %get3A_836 = arith.index_cast %add3A_835 : i32 to index
        %get3A_837 = arith.constant 32 : index
        %get3A_838 = tpu.vector_load %arg8[%get3A_836, %get3A_837] {strides = array<i32>} : memref<128x64xf32, #tpu.memory_space<vmem>>, vector<1x16xf32>,
        %get3A_839 = vector.shape_cast %get3A_838 : vector<1x16xf32> to vector<16xf32>
        %add3A_840 = arith.addf %get3A_831, %get3A_839 : vector<16xf32>
        %swap3A_841 = arith.constant 1 : i32
        %swap3A_842 = arith.constant 4 : i32
        %swap3A_843 = arith.index_cast %swap3A_841 : i32 to index
        %swap3A_844 = arith.index_cast %scan3A_319 : i32 to index
        %swap3A_845 = arith.index_cast %swap3A_842 : i32 to index
        %swap3A_846 = arith.constant 32 : index
        %swap3A_847 = tpu.vector_load %arg10[%swap3A_843, %swap3A_844, %swap3A_845, %swap3A_846] {strides = array<i32>} : memref<2x16x8x64xf32, #tpu.memory_space<vmem>>, vector<1x1x1x16xf32>,
        %swap3A_848 = vector.shape_cast %swap3A_847 : vector<1x1x1x16xf32> to vector<16xf32>
        %swap3A_849 = vector.shape_cast %add3A_840 : vector<16xf32> to vector<1x1x1x16xf32>
        tpu.vector_store %arg10[%swap3A_843, %swap3A_844, %swap3A_845, %swap3A_846], %swap3A_849 {strides = array<i32>} : memref<2x16x8x64xf32, #tpu.memory_space<vmem>>, vector<1x1x1x16xf32>,
        %mul3A_850 = arith.constant 8 : i32
        %mul3A_851 = arith.muli %scan3A_319, %mul3A_850 : i32
        %add3A_852 = arith.constant 4 : i32
        %add3A_853 = arith.addi %mul3A_851, %add3A_852 : i32
        %get3A_854 = arith.constant 1 : i32
        %get3A_855 = arith.index_cast %get3A_854 : i32 to index
        %get3A_856 = arith.index_cast %add3A_853 : i32 to index
        %get3A_857 = arith.constant 48 : index
        %get3A_858 = tpu.vector_load %arg9[%get3A_855, %get3A_856, %get3A_857] {strides = array<i32>} : memref<4x128x128xf32, #tpu.memory_space<vmem>>, vector<1x1x16xf32>,
        %get3A_859 = vector.shape_cast %get3A_858 : vector<1x1x16xf32> to vector<16xf32>
        %mul3A_860 = arith.constant 8 : i32
        %mul3A_861 = arith.muli %scan3A_319, %mul3A_860 : i32
        %add3A_862 = arith.constant 4 : i32
        %add3A_863 = arith.addi %mul3A_861, %add3A_862 : i32
        %get3A_864 = arith.index_cast %add3A_863 : i32 to index
        %get3A_865 = arith.constant 48 : index
        %get3A_866 = tpu.vector_load %arg8[%get3A_864, %get3A_865] {strides = array<i32>} : memref<128x64xf32, #tpu.memory_space<vmem>>, vector<1x16xf32>,
        %get3A_867 = vector.shape_cast %get3A_866 : vector<1x16xf32> to vector<16xf32>
        %add3A_868 = arith.addf %get3A_859, %get3A_867 : vector<16xf32>
        %swap3A_869 = arith.constant 1 : i32
        %swap3A_870 = arith.constant 4 : i32
        %swap3A_871 = arith.index_cast %swap3A_869 : i32 to index
        %swap3A_872 = arith.index_cast %scan3A_319 : i32 to index
        %swap3A_873 = arith.index_cast %swap3A_870 : i32 to index
        %swap3A_874 = arith.constant 48 : index
        %swap3A_875 = tpu.vector_load %arg10[%swap3A_871, %swap3A_872, %swap3A_873, %swap3A_874] {strides = array<i32>} : memref<2x16x8x64xf32, #tpu.memory_space<vmem>>, vector<1x1x1x16xf32>,
        %swap3A_876 = vector.shape_cast %swap3A_875 : vector<1x1x1x16xf32> to vector<16xf32>
        %swap3A_877 = vector.shape_cast %add3A_868 : vector<16xf32> to vector<1x1x1x16xf32>
        tpu.vector_store %arg10[%swap3A_871, %swap3A_872, %swap3A_873, %swap3A_874], %swap3A_877 {strides = array<i32>} : memref<2x16x8x64xf32, #tpu.memory_space<vmem>>, vector<1x1x1x16xf32>,
        %mul3A_878 = arith.constant 8 : i32
        %mul3A_879 = arith.muli %scan3A_319, %mul3A_878 : i32
        %add3A_880 = arith.constant 5 : i32
        %add3A_881 = arith.addi %mul3A_879, %add3A_880 : i32
        %get3A_882 = arith.constant 1 : i32
        %get3A_883 = arith.index_cast %get3A_882 : i32 to index
        %get3A_884 = arith.index_cast %add3A_881 : i32 to index
        %get3A_885 = arith.constant 0 : index
        %get3A_886 = tpu.vector_load %arg9[%get3A_883, %get3A_884, %get3A_885] {strides = array<i32>} : memref<4x128x128xf32, #tpu.memory_space<vmem>>, vector<1x1x16xf32>,
        %get3A_887 = vector.shape_cast %get3A_886 : vector<1x1x16xf32> to vector<16xf32>
        %mul3A_888 = arith.constant 8 : i32
        %mul3A_889 = arith.muli %scan3A_319, %mul3A_888 : i32
        %add3A_890 = arith.constant 5 : i32
        %add3A_891 = arith.addi %mul3A_889, %add3A_890 : i32
        %get3A_892 = arith.index_cast %add3A_891 : i32 to index
        %get3A_893 = arith.constant 0 : index
        %get3A_894 = tpu.vector_load %arg8[%get3A_892, %get3A_893] {strides = array<i32>} : memref<128x64xf32, #tpu.memory_space<vmem>>, vector<1x16xf32>,
        %get3A_895 = vector.shape_cast %get3A_894 : vector<1x16xf32> to vector<16xf32>
        %add3A_896 = arith.addf %get3A_887, %get3A_895 : vector<16xf32>
        %swap3A_897 = arith.constant 1 : i32
        %swap3A_898 = arith.constant 5 : i32
        %swap3A_899 = arith.index_cast %swap3A_897 : i32 to index
        %swap3A_900 = arith.index_cast %scan3A_319 : i32 to index
        %swap3A_901 = arith.index_cast %swap3A_898 : i32 to index
        %swap3A_902 = arith.constant 0 : index
        %swap3A_903 = tpu.vector_load %arg10[%swap3A_899, %swap3A_900, %swap3A_901, %swap3A_902] {strides = array<i32>} : memref<2x16x8x64xf32, #tpu.memory_space<vmem>>, vector<1x1x1x16xf32>,
        %swap3A_904 = vector.shape_cast %swap3A_903 : vector<1x1x1x16xf32> to vector<16xf32>
        %swap3A_905 = vector.shape_cast %add3A_896 : vector<16xf32> to vector<1x1x1x16xf32>
        tpu.vector_store %arg10[%swap3A_899, %swap3A_900, %swap3A_901, %swap3A_902], %swap3A_905 {strides = array<i32>} : memref<2x16x8x64xf32, #tpu.memory_space<vmem>>, vector<1x1x1x16xf32>,
        %mul3A_906 = arith.constant 8 : i32
        %mul3A_907 = arith.muli %scan3A_319, %mul3A_906 : i32
        %add3A_908 = arith.constant 5 : i32
        %add3A_909 = arith.addi %mul3A_907, %add3A_908 : i32
        %get3A_910 = arith.constant 1 : i32
        %get3A_911 = arith.index_cast %get3A_910 : i32 to index
        %get3A_912 = arith.index_cast %add3A_909 : i32 to index
        %get3A_913 = arith.constant 16 : index
        %get3A_914 = tpu.vector_load %arg9[%get3A_911, %get3A_912, %get3A_913] {strides = array<i32>} : memref<4x128x128xf32, #tpu.memory_space<vmem>>, vector<1x1x16xf32>,
        %get3A_915 = vector.shape_cast %get3A_914 : vector<1x1x16xf32> to vector<16xf32>
        %mul3A_916 = arith.constant 8 : i32
        %mul3A_917 = arith.muli %scan3A_319, %mul3A_916 : i32
        %add3A_918 = arith.constant 5 : i32
        %add3A_919 = arith.addi %mul3A_917, %add3A_918 : i32
        %get3A_920 = arith.index_cast %add3A_919 : i32 to index
        %get3A_921 = arith.constant 16 : index
        %get3A_922 = tpu.vector_load %arg8[%get3A_920, %get3A_921] {strides = array<i32>} : memref<128x64xf32, #tpu.memory_space<vmem>>, vector<1x16xf32>,
        %get3A_923 = vector.shape_cast %get3A_922 : vector<1x16xf32> to vector<16xf32>
        %add3A_924 = arith.addf %get3A_915, %get3A_923 : vector<16xf32>
        %swap3A_925 = arith.constant 1 : i32
        %swap3A_926 = arith.constant 5 : i32
        %swap3A_927 = arith.index_cast %swap3A_925 : i32 to index
        %swap3A_928 = arith.index_cast %scan3A_319 : i32 to index
        %swap3A_929 = arith.index_cast %swap3A_926 : i32 to index
        %swap3A_930 = arith.constant 16 : index
        %swap3A_931 = tpu.vector_load %arg10[%swap3A_927, %swap3A_928, %swap3A_929, %swap3A_930] {strides = array<i32>} : memref<2x16x8x64xf32, #tpu.memory_space<vmem>>, vector<1x1x1x16xf32>,
        %swap3A_932 = vector.shape_cast %swap3A_931 : vector<1x1x1x16xf32> to vector<16xf32>
        %swap3A_933 = vector.shape_cast %add3A_924 : vector<16xf32> to vector<1x1x1x16xf32>
        tpu.vector_store %arg10[%swap3A_927, %swap3A_928, %swap3A_929, %swap3A_930], %swap3A_933 {strides = array<i32>} : memref<2x16x8x64xf32, #tpu.memory_space<vmem>>, vector<1x1x1x16xf32>,
        %mul3A_934 = arith.constant 8 : i32
        %mul3A_935 = arith.muli %scan3A_319, %mul3A_934 : i32
        %add3A_936 = arith.constant 5 : i32
        %add3A_937 = arith.addi %mul3A_935, %add3A_936 : i32
        %get3A_938 = arith.constant 1 : i32
        %get3A_939 = arith.index_cast %get3A_938 : i32 to index
        %get3A_940 = arith.index_cast %add3A_937 : i32 to index
        %get3A_941 = arith.constant 32 : index
        %get3A_942 = tpu.vector_load %arg9[%get3A_939, %get3A_940, %get3A_941] {strides = array<i32>} : memref<4x128x128xf32, #tpu.memory_space<vmem>>, vector<1x1x16xf32>,
        %get3A_943 = vector.shape_cast %get3A_942 : vector<1x1x16xf32> to vector<16xf32>
        %mul3A_944 = arith.constant 8 : i32
        %mul3A_945 = arith.muli %scan3A_319, %mul3A_944 : i32
        %add3A_946 = arith.constant 5 : i32
        %add3A_947 = arith.addi %mul3A_945, %add3A_946 : i32
        %get3A_948 = arith.index_cast %add3A_947 : i32 to index
        %get3A_949 = arith.constant 32 : index
        %get3A_950 = tpu.vector_load %arg8[%get3A_948, %get3A_949] {strides = array<i32>} : memref<128x64xf32, #tpu.memory_space<vmem>>, vector<1x16xf32>,
        %get3A_951 = vector.shape_cast %get3A_950 : vector<1x16xf32> to vector<16xf32>
        %add3A_952 = arith.addf %get3A_943, %get3A_951 : vector<16xf32>
        %swap3A_953 = arith.constant 1 : i32
        %swap3A_954 = arith.constant 5 : i32
        %swap3A_955 = arith.index_cast %swap3A_953 : i32 to index
        %swap3A_956 = arith.index_cast %scan3A_319 : i32 to index
        %swap3A_957 = arith.index_cast %swap3A_954 : i32 to index
        %swap3A_958 = arith.constant 32 : index
        %swap3A_959 = tpu.vector_load %arg10[%swap3A_955, %swap3A_956, %swap3A_957, %swap3A_958] {strides = array<i32>} : memref<2x16x8x64xf32, #tpu.memory_space<vmem>>, vector<1x1x1x16xf32>,
        %swap3A_960 = vector.shape_cast %swap3A_959 : vector<1x1x1x16xf32> to vector<16xf32>
        %swap3A_961 = vector.shape_cast %add3A_952 : vector<16xf32> to vector<1x1x1x16xf32>
        tpu.vector_store %arg10[%swap3A_955, %swap3A_956, %swap3A_957, %swap3A_958], %swap3A_961 {strides = array<i32>} : memref<2x16x8x64xf32, #tpu.memory_space<vmem>>, vector<1x1x1x16xf32>,
        %mul3A_962 = arith.constant 8 : i32
        %mul3A_963 = arith.muli %scan3A_319, %mul3A_962 : i32
        %add3A_964 = arith.constant 5 : i32
        %add3A_965 = arith.addi %mul3A_963, %add3A_964 : i32
        %get3A_966 = arith.constant 1 : i32
        %get3A_967 = arith.index_cast %get3A_966 : i32 to index
        %get3A_968 = arith.index_cast %add3A_965 : i32 to index
        %get3A_969 = arith.constant 48 : index
        %get3A_970 = tpu.vector_load %arg9[%get3A_967, %get3A_968, %get3A_969] {strides = array<i32>} : memref<4x128x128xf32, #tpu.memory_space<vmem>>, vector<1x1x16xf32>,
        %get3A_971 = vector.shape_cast %get3A_970 : vector<1x1x16xf32> to vector<16xf32>
        %mul3A_972 = arith.constant 8 : i32
        %mul3A_973 = arith.muli %scan3A_319, %mul3A_972 : i32
        %add3A_974 = arith.constant 5 : i32
        %add3A_975 = arith.addi %mul3A_973, %add3A_974 : i32
        %get3A_976 = arith.index_cast %add3A_975 : i32 to index
        %get3A_977 = arith.constant 48 : index
        %get3A_978 = tpu.vector_load %arg8[%get3A_976, %get3A_977] {strides = array<i32>} : memref<128x64xf32, #tpu.memory_space<vmem>>, vector<1x16xf32>,
        %get3A_979 = vector.shape_cast %get3A_978 : vector<1x16xf32> to vector<16xf32>
        %add3A_980 = arith.addf %get3A_971, %get3A_979 : vector<16xf32>
        %swap3A_981 = arith.constant 1 : i32
        %swap3A_982 = arith.constant 5 : i32
        %swap3A_983 = arith.index_cast %swap3A_981 : i32 to index
        %swap3A_984 = arith.index_cast %scan3A_319 : i32 to index
        %swap3A_985 = arith.index_cast %swap3A_982 : i32 to index
        %swap3A_986 = arith.constant 48 : index
        %swap3A_987 = tpu.vector_load %arg10[%swap3A_983, %swap3A_984, %swap3A_985, %swap3A_986] {strides = array<i32>} : memref<2x16x8x64xf32, #tpu.memory_space<vmem>>, vector<1x1x1x16xf32>,
        %swap3A_988 = vector.shape_cast %swap3A_987 : vector<1x1x1x16xf32> to vector<16xf32>
        %swap3A_989 = vector.shape_cast %add3A_980 : vector<16xf32> to vector<1x1x1x16xf32>
        tpu.vector_store %arg10[%swap3A_983, %swap3A_984, %swap3A_985, %swap3A_986], %swap3A_989 {strides = array<i32>} : memref<2x16x8x64xf32, #tpu.memory_space<vmem>>, vector<1x1x1x16xf32>,
        %mul3A_990 = arith.constant 8 : i32
        %mul3A_991 = arith.muli %scan3A_319, %mul3A_990 : i32
        %add3A_992 = arith.constant 6 : i32
        %add3A_993 = arith.addi %mul3A_991, %add3A_992 : i32
        %get3A_994 = arith.constant 1 : i32
        %get3A_995 = arith.index_cast %get3A_994 : i32 to index
        %get3A_996 = arith.index_cast %add3A_993 : i32 to index
        %get3A_997 = arith.constant 0 : index
        %get3A_998 = tpu.vector_load %arg9[%get3A_995, %get3A_996, %get3A_997] {strides = array<i32>} : memref<4x128x128xf32, #tpu.memory_space<vmem>>, vector<1x1x16xf32>,
        %get3A_999 = vector.shape_cast %get3A_998 : vector<1x1x16xf32> to vector<16xf32>
        %mul3A_1000 = arith.constant 8 : i32
        %mul3A_1001 = arith.muli %scan3A_319, %mul3A_1000 : i32
        %add3A_1002 = arith.constant 6 : i32
        %add3A_1003 = arith.addi %mul3A_1001, %add3A_1002 : i32
        %get3A_1004 = arith.index_cast %add3A_1003 : i32 to index
        %get3A_1005 = arith.constant 0 : index
        %get3A_1006 = tpu.vector_load %arg8[%get3A_1004, %get3A_1005] {strides = array<i32>} : memref<128x64xf32, #tpu.memory_space<vmem>>, vector<1x16xf32>,
        %get3A_1007 = vector.shape_cast %get3A_1006 : vector<1x16xf32> to vector<16xf32>
        %add3A_1008 = arith.addf %get3A_999, %get3A_1007 : vector<16xf32>
        %swap3A_1009 = arith.constant 1 : i32
        %swap3A_1010 = arith.constant 6 : i32
        %swap3A_1011 = arith.index_cast %swap3A_1009 : i32 to index
        %swap3A_1012 = arith.index_cast %scan3A_319 : i32 to index
        %swap3A_1013 = arith.index_cast %swap3A_1010 : i32 to index
        %swap3A_1014 = arith.constant 0 : index
        %swap3A_1015 = tpu.vector_load %arg10[%swap3A_1011, %swap3A_1012, %swap3A_1013, %swap3A_1014] {strides = array<i32>} : memref<2x16x8x64xf32, #tpu.memory_space<vmem>>, vector<1x1x1x16xf32>,
        %swap3A_1016 = vector.shape_cast %swap3A_1015 : vector<1x1x1x16xf32> to vector<16xf32>
        %swap3A_1017 = vector.shape_cast %add3A_1008 : vector<16xf32> to vector<1x1x1x16xf32>
        tpu.vector_store %arg10[%swap3A_1011, %swap3A_1012, %swap3A_1013, %swap3A_1014], %swap3A_1017 {strides = array<i32>} : memref<2x16x8x64xf32, #tpu.memory_space<vmem>>, vector<1x1x1x16xf32>,
        %mul3A_1018 = arith.constant 8 : i32
        %mul3A_1019 = arith.muli %scan3A_319, %mul3A_1018 : i32
        %add3A_1020 = arith.constant 6 : i32
        %add3A_1021 = arith.addi %mul3A_1019, %add3A_1020 : i32
        %get3A_1022 = arith.constant 1 : i32
        %get3A_1023 = arith.index_cast %get3A_1022 : i32 to index
        %get3A_1024 = arith.index_cast %add3A_1021 : i32 to index
        %get3A_1025 = arith.constant 16 : index
        %get3A_1026 = tpu.vector_load %arg9[%get3A_1023, %get3A_1024, %get3A_1025] {strides = array<i32>} : memref<4x128x128xf32, #tpu.memory_space<vmem>>, vector<1x1x16xf32>,
        %get3A_1027 = vector.shape_cast %get3A_1026 : vector<1x1x16xf32> to vector<16xf32>
        %mul3A_1028 = arith.constant 8 : i32
        %mul3A_1029 = arith.muli %scan3A_319, %mul3A_1028 : i32
        %add3A_1030 = arith.constant 6 : i32
        %add3A_1031 = arith.addi %mul3A_1029, %add3A_1030 : i32
        %get3A_1032 = arith.index_cast %add3A_1031 : i32 to index
        %get3A_1033 = arith.constant 16 : index
        %get3A_1034 = tpu.vector_load %arg8[%get3A_1032, %get3A_1033] {strides = array<i32>} : memref<128x64xf32, #tpu.memory_space<vmem>>, vector<1x16xf32>,
        %get3A_1035 = vector.shape_cast %get3A_1034 : vector<1x16xf32> to vector<16xf32>
        %add3A_1036 = arith.addf %get3A_1027, %get3A_1035 : vector<16xf32>
        %swap3A_1037 = arith.constant 1 : i32
        %swap3A_1038 = arith.constant 6 : i32
        %swap3A_1039 = arith.index_cast %swap3A_1037 : i32 to index
        %swap3A_1040 = arith.index_cast %scan3A_319 : i32 to index
        %swap3A_1041 = arith.index_cast %swap3A_1038 : i32 to index
        %swap3A_1042 = arith.constant 16 : index
        %swap3A_1043 = tpu.vector_load %arg10[%swap3A_1039, %swap3A_1040, %swap3A_1041, %swap3A_1042] {strides = array<i32>} : memref<2x16x8x64xf32, #tpu.memory_space<vmem>>, vector<1x1x1x16xf32>,
        %swap3A_1044 = vector.shape_cast %swap3A_1043 : vector<1x1x1x16xf32> to vector<16xf32>
        %swap3A_1045 = vector.shape_cast %add3A_1036 : vector<16xf32> to vector<1x1x1x16xf32>
        tpu.vector_store %arg10[%swap3A_1039, %swap3A_1040, %swap3A_1041, %swap3A_1042], %swap3A_1045 {strides = array<i32>} : memref<2x16x8x64xf32, #tpu.memory_space<vmem>>, vector<1x1x1x16xf32>,
        %mul3A_1046 = arith.constant 8 : i32
        %mul3A_1047 = arith.muli %scan3A_319, %mul3A_1046 : i32
        %add3A_1048 = arith.constant 6 : i32
        %add3A_1049 = arith.addi %mul3A_1047, %add3A_1048 : i32
        %get3A_1050 = arith.constant 1 : i32
        %get3A_1051 = arith.index_cast %get3A_1050 : i32 to index
        %get3A_1052 = arith.index_cast %add3A_1049 : i32 to index
        %get3A_1053 = arith.constant 32 : index
        %get3A_1054 = tpu.vector_load %arg9[%get3A_1051, %get3A_1052, %get3A_1053] {strides = array<i32>} : memref<4x128x128xf32, #tpu.memory_space<vmem>>, vector<1x1x16xf32>,
        %get3A_1055 = vector.shape_cast %get3A_1054 : vector<1x1x16xf32> to vector<16xf32>
        %mul3A_1056 = arith.constant 8 : i32
        %mul3A_1057 = arith.muli %scan3A_319, %mul3A_1056 : i32
        %add3A_1058 = arith.constant 6 : i32
        %add3A_1059 = arith.addi %mul3A_1057, %add3A_1058 : i32
        %get3A_1060 = arith.index_cast %add3A_1059 : i32 to index
        %get3A_1061 = arith.constant 32 : index
        %get3A_1062 = tpu.vector_load %arg8[%get3A_1060, %get3A_1061] {strides = array<i32>} : memref<128x64xf32, #tpu.memory_space<vmem>>, vector<1x16xf32>,
        %get3A_1063 = vector.shape_cast %get3A_1062 : vector<1x16xf32> to vector<16xf32>
        %add3A_1064 = arith.addf %get3A_1055, %get3A_1063 : vector<16xf32>
        %swap3A_1065 = arith.constant 1 : i32
        %swap3A_1066 = arith.constant 6 : i32
        %swap3A_1067 = arith.index_cast %swap3A_1065 : i32 to index
        %swap3A_1068 = arith.index_cast %scan3A_319 : i32 to index
        %swap3A_1069 = arith.index_cast %swap3A_1066 : i32 to index
        %swap3A_1070 = arith.constant 32 : index
        %swap3A_1071 = tpu.vector_load %arg10[%swap3A_1067, %swap3A_1068, %swap3A_1069, %swap3A_1070] {strides = array<i32>} : memref<2x16x8x64xf32, #tpu.memory_space<vmem>>, vector<1x1x1x16xf32>,
        %swap3A_1072 = vector.shape_cast %swap3A_1071 : vector<1x1x1x16xf32> to vector<16xf32>
        %swap3A_1073 = vector.shape_cast %add3A_1064 : vector<16xf32> to vector<1x1x1x16xf32>
        tpu.vector_store %arg10[%swap3A_1067, %swap3A_1068, %swap3A_1069, %swap3A_1070], %swap3A_1073 {strides = array<i32>} : memref<2x16x8x64xf32, #tpu.memory_space<vmem>>, vector<1x1x1x16xf32>,
        %mul3A_1074 = arith.constant 8 : i32
        %mul3A_1075 = arith.muli %scan3A_319, %mul3A_1074 : i32
        %add3A_1076 = arith.constant 6 : i32
        %add3A_1077 = arith.addi %mul3A_1075, %add3A_1076 : i32
        %get3A_1078 = arith.constant 1 : i32
        %get3A_1079 = arith.index_cast %get3A_1078 : i32 to index
        %get3A_1080 = arith.index_cast %add3A_1077 : i32 to index
        %get3A_1081 = arith.constant 48 : index
        %get3A_1082 = tpu.vector_load %arg9[%get3A_1079, %get3A_1080, %get3A_1081] {strides = array<i32>} : memref<4x128x128xf32, #tpu.memory_space<vmem>>, vector<1x1x16xf32>,
        %get3A_1083 = vector.shape_cast %get3A_1082 : vector<1x1x16xf32> to vector<16xf32>
        %mul3A_1084 = arith.constant 8 : i32
        %mul3A_1085 = arith.muli %scan3A_319, %mul3A_1084 : i32
        %add3A_1086 = arith.constant 6 : i32
        %add3A_1087 = arith.addi %mul3A_1085, %add3A_1086 : i32
        %get3A_1088 = arith.index_cast %add3A_1087 : i32 to index
        %get3A_1089 = arith.constant 48 : index
        %get3A_1090 = tpu.vector_load %arg8[%get3A_1088, %get3A_1089] {strides = array<i32>} : memref<128x64xf32, #tpu.memory_space<vmem>>, vector<1x16xf32>,
        %get3A_1091 = vector.shape_cast %get3A_1090 : vector<1x16xf32> to vector<16xf32>
        %add3A_1092 = arith.addf %get3A_1083, %get3A_1091 : vector<16xf32>
        %swap3A_1093 = arith.constant 1 : i32
        %swap3A_1094 = arith.constant 6 : i32
        %swap3A_1095 = arith.index_cast %swap3A_1093 : i32 to index
        %swap3A_1096 = arith.index_cast %scan3A_319 : i32 to index
        %swap3A_1097 = arith.index_cast %swap3A_1094 : i32 to index
        %swap3A_1098 = arith.constant 48 : index
        %swap3A_1099 = tpu.vector_load %arg10[%swap3A_1095, %swap3A_1096, %swap3A_1097, %swap3A_1098] {strides = array<i32>} : memref<2x16x8x64xf32, #tpu.memory_space<vmem>>, vector<1x1x1x16xf32>,
        %swap3A_1100 = vector.shape_cast %swap3A_1099 : vector<1x1x1x16xf32> to vector<16xf32>
        %swap3A_1101 = vector.shape_cast %add3A_1092 : vector<16xf32> to vector<1x1x1x16xf32>
        tpu.vector_store %arg10[%swap3A_1095, %swap3A_1096, %swap3A_1097, %swap3A_1098], %swap3A_1101 {strides = array<i32>} : memref<2x16x8x64xf32, #tpu.memory_space<vmem>>, vector<1x1x1x16xf32>,
        %mul3A_1102 = arith.constant 8 : i32
        %mul3A_1103 = arith.muli %scan3A_319, %mul3A_1102 : i32
        %add3A_1104 = arith.constant 7 : i32
        %add3A_1105 = arith.addi %mul3A_1103, %add3A_1104 : i32
        %get3A_1106 = arith.constant 1 : i32
        %get3A_1107 = arith.index_cast %get3A_1106 : i32 to index
        %get3A_1108 = arith.index_cast %add3A_1105 : i32 to index
        %get3A_1109 = arith.constant 0 : index
        %get3A_1110 = tpu.vector_load %arg9[%get3A_1107, %get3A_1108, %get3A_1109] {strides = array<i32>} : memref<4x128x128xf32, #tpu.memory_space<vmem>>, vector<1x1x16xf32>,
        %get3A_1111 = vector.shape_cast %get3A_1110 : vector<1x1x16xf32> to vector<16xf32>
        %mul3A_1112 = arith.constant 8 : i32
        %mul3A_1113 = arith.muli %scan3A_319, %mul3A_1112 : i32
        %add3A_1114 = arith.constant 7 : i32
        %add3A_1115 = arith.addi %mul3A_1113, %add3A_1114 : i32
        %get3A_1116 = arith.index_cast %add3A_1115 : i32 to index
        %get3A_1117 = arith.constant 0 : index
        %get3A_1118 = tpu.vector_load %arg8[%get3A_1116, %get3A_1117] {strides = array<i32>} : memref<128x64xf32, #tpu.memory_space<vmem>>, vector<1x16xf32>,
        %get3A_1119 = vector.shape_cast %get3A_1118 : vector<1x16xf32> to vector<16xf32>
        %add3A_1120 = arith.addf %get3A_1111, %get3A_1119 : vector<16xf32>
        %swap3A_1121 = arith.constant 1 : i32
        %swap3A_1122 = arith.constant 7 : i32
        %swap3A_1123 = arith.index_cast %swap3A_1121 : i32 to index
        %swap3A_1124 = arith.index_cast %scan3A_319 : i32 to index
        %swap3A_1125 = arith.index_cast %swap3A_1122 : i32 to index
        %swap3A_1126 = arith.constant 0 : index
        %swap3A_1127 = tpu.vector_load %arg10[%swap3A_1123, %swap3A_1124, %swap3A_1125, %swap3A_1126] {strides = array<i32>} : memref<2x16x8x64xf32, #tpu.memory_space<vmem>>, vector<1x1x1x16xf32>,
        %swap3A_1128 = vector.shape_cast %swap3A_1127 : vector<1x1x1x16xf32> to vector<16xf32>
        %swap3A_1129 = vector.shape_cast %add3A_1120 : vector<16xf32> to vector<1x1x1x16xf32>
        tpu.vector_store %arg10[%swap3A_1123, %swap3A_1124, %swap3A_1125, %swap3A_1126], %swap3A_1129 {strides = array<i32>} : memref<2x16x8x64xf32, #tpu.memory_space<vmem>>, vector<1x1x1x16xf32>,
        %mul3A_1130 = arith.constant 8 : i32
        %mul3A_1131 = arith.muli %scan3A_319, %mul3A_1130 : i32
        %add3A_1132 = arith.constant 7 : i32
        %add3A_1133 = arith.addi %mul3A_1131, %add3A_1132 : i32
        %get3A_1134 = arith.constant 1 : i32
        %get3A_1135 = arith.index_cast %get3A_1134 : i32 to index
        %get3A_1136 = arith.index_cast %add3A_1133 : i32 to index
        %get3A_1137 = arith.constant 16 : index
        %get3A_1138 = tpu.vector_load %arg9[%get3A_1135, %get3A_1136, %get3A_1137] {strides = array<i32>} : memref<4x128x128xf32, #tpu.memory_space<vmem>>, vector<1x1x16xf32>,
        %get3A_1139 = vector.shape_cast %get3A_1138 : vector<1x1x16xf32> to vector<16xf32>
        %mul3A_1140 = arith.constant 8 : i32
        %mul3A_1141 = arith.muli %scan3A_319, %mul3A_1140 : i32
        %add3A_1142 = arith.constant 7 : i32
        %add3A_1143 = arith.addi %mul3A_1141, %add3A_1142 : i32
        %get3A_1144 = arith.index_cast %add3A_1143 : i32 to index
        %get3A_1145 = arith.constant 16 : index
        %get3A_1146 = tpu.vector_load %arg8[%get3A_1144, %get3A_1145] {strides = array<i32>} : memref<128x64xf32, #tpu.memory_space<vmem>>, vector<1x16xf32>,
        %get3A_1147 = vector.shape_cast %get3A_1146 : vector<1x16xf32> to vector<16xf32>
        %add3A_1148 = arith.addf %get3A_1139, %get3A_1147 : vector<16xf32>
        %swap3A_1149 = arith.constant 1 : i32
        %swap3A_1150 = arith.constant 7 : i32
        %swap3A_1151 = arith.index_cast %swap3A_1149 : i32 to index
        %swap3A_1152 = arith.index_cast %scan3A_319 : i32 to index
        %swap3A_1153 = arith.index_cast %swap3A_1150 : i32 to index
        %swap3A_1154 = arith.constant 16 : index
        %swap3A_1155 = tpu.vector_load %arg10[%swap3A_1151, %swap3A_1152, %swap3A_1153, %swap3A_1154] {strides = array<i32>} : memref<2x16x8x64xf32, #tpu.memory_space<vmem>>, vector<1x1x1x16xf32>,
        %swap3A_1156 = vector.shape_cast %swap3A_1155 : vector<1x1x1x16xf32> to vector<16xf32>
        %swap3A_1157 = vector.shape_cast %add3A_1148 : vector<16xf32> to vector<1x1x1x16xf32>
        tpu.vector_store %arg10[%swap3A_1151, %swap3A_1152, %swap3A_1153, %swap3A_1154], %swap3A_1157 {strides = array<i32>} : memref<2x16x8x64xf32, #tpu.memory_space<vmem>>, vector<1x1x1x16xf32>,
        %mul3A_1158 = arith.constant 8 : i32
        %mul3A_1159 = arith.muli %scan3A_319, %mul3A_1158 : i32
        %add3A_1160 = arith.constant 7 : i32
        %add3A_1161 = arith.addi %mul3A_1159, %add3A_1160 : i32
        %get3A_1162 = arith.constant 1 : i32
        %get3A_1163 = arith.index_cast %get3A_1162 : i32 to index
        %get3A_1164 = arith.index_cast %add3A_1161 : i32 to index
        %get3A_1165 = arith.constant 32 : index
        %get3A_1166 = tpu.vector_load %arg9[%get3A_1163, %get3A_1164, %get3A_1165] {strides = array<i32>} : memref<4x128x128xf32, #tpu.memory_space<vmem>>, vector<1x1x16xf32>,
        %get3A_1167 = vector.shape_cast %get3A_1166 : vector<1x1x16xf32> to vector<16xf32>
        %mul3A_1168 = arith.constant 8 : i32
        %mul3A_1169 = arith.muli %scan3A_319, %mul3A_1168 : i32
        %add3A_1170 = arith.constant 7 : i32
        %add3A_1171 = arith.addi %mul3A_1169, %add3A_1170 : i32
        %get3A_1172 = arith.index_cast %add3A_1171 : i32 to index
        %get3A_1173 = arith.constant 32 : index
        %get3A_1174 = tpu.vector_load %arg8[%get3A_1172, %get3A_1173] {strides = array<i32>} : memref<128x64xf32, #tpu.memory_space<vmem>>, vector<1x16xf32>,
        %get3A_1175 = vector.shape_cast %get3A_1174 : vector<1x16xf32> to vector<16xf32>
        %add3A_1176 = arith.addf %get3A_1167, %get3A_1175 : vector<16xf32>
        %swap3A_1177 = arith.constant 1 : i32
        %swap3A_1178 = arith.constant 7 : i32
        %swap3A_1179 = arith.index_cast %swap3A_1177 : i32 to index
        %swap3A_1180 = arith.index_cast %scan3A_319 : i32 to index
        %swap3A_1181 = arith.index_cast %swap3A_1178 : i32 to index
        %swap3A_1182 = arith.constant 32 : index
        %swap3A_1183 = tpu.vector_load %arg10[%swap3A_1179, %swap3A_1180, %swap3A_1181, %swap3A_1182] {strides = array<i32>} : memref<2x16x8x64xf32, #tpu.memory_space<vmem>>, vector<1x1x1x16xf32>,
        %swap3A_1184 = vector.shape_cast %swap3A_1183 : vector<1x1x1x16xf32> to vector<16xf32>
        %swap3A_1185 = vector.shape_cast %add3A_1176 : vector<16xf32> to vector<1x1x1x16xf32>
        tpu.vector_store %arg10[%swap3A_1179, %swap3A_1180, %swap3A_1181, %swap3A_1182], %swap3A_1185 {strides = array<i32>} : memref<2x16x8x64xf32, #tpu.memory_space<vmem>>, vector<1x1x1x16xf32>,
        %mul3A_1186 = arith.constant 8 : i32
        %mul3A_1187 = arith.muli %scan3A_319, %mul3A_1186 : i32
        %add3A_1188 = arith.constant 7 : i32
        %add3A_1189 = arith.addi %mul3A_1187, %add3A_1188 : i32
        %get3A_1190 = arith.constant 1 : i32
        %get3A_1191 = arith.index_cast %get3A_1190 : i32 to index
        %get3A_1192 = arith.index_cast %add3A_1189 : i32 to index
        %get3A_1193 = arith.constant 48 : index
        %get3A_1194 = tpu.vector_load %arg9[%get3A_1191, %get3A_1192, %get3A_1193] {strides = array<i32>} : memref<4x128x128xf32, #tpu.memory_space<vmem>>, vector<1x1x16xf32>,
        %get3A_1195 = vector.shape_cast %get3A_1194 : vector<1x1x16xf32> to vector<16xf32>
        %mul3A_1196 = arith.constant 8 : i32
        %mul3A_1197 = arith.muli %scan3A_319, %mul3A_1196 : i32
        %add3A_1198 = arith.constant 7 : i32
        %add3A_1199 = arith.addi %mul3A_1197, %add3A_1198 : i32
        %get3A_1200 = arith.index_cast %add3A_1199 : i32 to index
        %get3A_1201 = arith.constant 48 : index
        %get3A_1202 = tpu.vector_load %arg8[%get3A_1200, %get3A_1201] {strides = array<i32>} : memref<128x64xf32, #tpu.memory_space<vmem>>, vector<1x16xf32>,
        %get3A_1203 = vector.shape_cast %get3A_1202 : vector<1x16xf32> to vector<16xf32>
        %add3A_1204 = arith.addf %get3A_1195, %get3A_1203 : vector<16xf32>
        %swap3A_1205 = arith.constant 1 : i32
        %swap3A_1206 = arith.constant 7 : i32
        %swap3A_1207 = arith.index_cast %swap3A_1205 : i32 to index
        %swap3A_1208 = arith.index_cast %scan3A_319 : i32 to index
        %swap3A_1209 = arith.index_cast %swap3A_1206 : i32 to index
        %swap3A_1210 = arith.constant 48 : index
        %swap3A_1211 = tpu.vector_load %arg10[%swap3A_1207, %swap3A_1208, %swap3A_1209, %swap3A_1210] {strides = array<i32>} : memref<2x16x8x64xf32, #tpu.memory_space<vmem>>, vector<1x1x1x16xf32>,
        %swap3A_1212 = vector.shape_cast %swap3A_1211 : vector<1x1x1x16xf32> to vector<16xf32>
        %swap3A_1213 = vector.shape_cast %add3A_1204 : vector<16xf32> to vector<1x1x1x16xf32>
        tpu.vector_store %arg10[%swap3A_1207, %swap3A_1208, %swap3A_1209, %swap3A_1210], %swap3A_1213 {strides = array<i32>} : memref<2x16x8x64xf32, #tpu.memory_space<vmem>>, vector<1x1x1x16xf32>,
      }
      %scan3A_195 = arith.constant 16 : i32
      %dma_start3A_196 = arith.constant 1 : i32
      %dma_start3A_197 = arith.constant 0 : i32
      %dma_start3A_198 = arith.constant 0 : i32
      %dma_start3A_199 = arith.constant 0 : i32
      %dma_start3A_200 = tpu.memref_slice %arg10[%dma_start3A_196, %dma_start3A_197, %dma_start3A_198, %dma_start3A_199] : memref<2x16x8x64xf32, #tpu.memory_space<vmem>> -> memref<1x16x8x64xf32, #tpu.memory_space<vmem>>
      %dma_start3A_201 = tpu.memref_squeeze %dma_start3A_200 : memref<1x16x8x64xf32, #tpu.memory_space<vmem>> -> memref<16x8x64xf32, #tpu.memory_space<vmem>>
      %dma_start3A_202 = arith.constant 0 : i32
      %dma_start3A_203 = arith.constant 0 : i32
      %dma_start3A_204 = tpu.memref_slice %arg6[%add3A_166, %mul3A_4, %dma_start3A_202, %dma_start3A_203] : memref<128x512x8x64xf32, #tpu.memory_space<hbm>> -> memref<1x16x8x64xf32, #tpu.memory_space<hbm>>
      %dma_start3A_205 = tpu.memref_squeeze %dma_start3A_204 : memref<1x16x8x64xf32, #tpu.memory_space<hbm>> -> memref<16x8x64xf32, #tpu.memory_space<hbm>>
      %dma_start3A_206 = arith.constant 0 : i32
      %dma_start3A_207 = arith.constant 0 : i32
      %dma_start3A_208 = tpu.memref_slice %arg6[%add3A_166, %mul3A_4, %dma_start3A_206, %dma_start3A_207] : memref<128x512x8x64xf32, #tpu.memory_space<hbm>> -> memref<1x16x8x64xf32, #tpu.memory_space<hbm>>
      %dma_start3A_209 = tpu.memref_squeeze %dma_start3A_208 : memref<1x16x8x64xf32, #tpu.memory_space<hbm>> -> memref<16x8x64xf32, #tpu.memory_space<hbm>>
      %dma_start3A_210 = arith.constant 0 : i32
      %dma_start3A_211 = arith.constant 0 : i32
      %dma_start3A_212 = arith.constant 0 : i32
      %dma_start3A_213 = tpu.memref_slice %arg10[%dma_start3A_196, %dma_start3A_210, %dma_start3A_211, %dma_start3A_212] : memref<2x16x8x64xf32, #tpu.memory_space<vmem>> -> memref<1x16x8x64xf32, #tpu.memory_space<vmem>>
      %dma_start3A_214 = tpu.memref_squeeze %dma_start3A_213 : memref<1x16x8x64xf32, #tpu.memory_space<vmem>> -> memref<16x8x64xf32, #tpu.memory_space<vmem>>
      tpu.enqueue_dma source(%dma_start3A_214 : memref<16x8x64xf32, #tpu.memory_space<vmem>>) target(%dma_start3A_209 : memref<16x8x64xf32, #tpu.memory_space<hbm>>) target_semaphore(%arg16 : memref<!tpu.dma_semaphore, #tpu.memory_space<semaphore_mem>>)
      %mul3A_215 = arith.constant 4 : i32
      %mul3A_216 = arith.muli %mul3A_215, %scan3A_114 : i32
      %add3A_217 = arith.constant 2 : i32
      %add3A_218 = arith.addi %mul3A_216, %add3A_217 : i32
      %add3A_219 = arith.constant 3 : i32
      %add3A_220 = arith.addi %add3A_218, %add3A_219 : i32
      %lt3A_221 = arith.constant 128 : i32
      %lt3A_222 = arith.cmpi slt, %add3A_220, %lt3A_221 : i32
      %convert_element_type3A_223 = arith.extui %lt3A_222 : i1 to i32
      %cond3A_224 = arith.constant 0 : i32
      %cond3A_225 = arith.cmpi ne, %convert_element_type3A_223, %cond3A_224 : i32
      scf.if %cond3A_225 {
        %dma_start3A_319 = arith.constant 1 : i32
        %dma_start3A_320 = arith.constant 0 : i32
        %dma_start3A_321 = arith.constant 0 : i32
        %dma_start3A_322 = tpu.memref_slice %arg9[%dma_start3A_319, %dma_start3A_320, %dma_start3A_321] : memref<4x128x128xf32, #tpu.memory_space<vmem>> -> memref<1x128x128xf32, #tpu.memory_space<vmem>>
        %dma_start3A_323 = tpu.memref_squeeze %dma_start3A_322 : memref<1x128x128xf32, #tpu.memory_space<vmem>> -> memref<128x128xf32, #tpu.memory_space<vmem>>
        %dma_start3A_324 = arith.constant 0 : i32
        %dma_start3A_325 = tpu.memref_slice %arg7[%add3A_220, %dma_start3A_324] : memref<128x128xi32, #tpu.memory_space<vmem>> -> memref<1x128xi32, #tpu.memory_space<vmem>>
        %dma_start3A_326 = tpu.memref_squeeze %dma_start3A_325 : memref<1x128xi32, #tpu.memory_space<vmem>> -> memref<128xi32, #tpu.memory_space<vmem>>
        %dma_start3A_327 = arith.constant 0 : i32
        %dma_start3A_328 = arith.constant 0 : i32
        %dma_start3A_329 = tpu.memref_slice %arg4[%dma_start3A_327, %dma_start3A_328] : memref<4096x128xf32, #tpu.memory_space<hbm>> -> memref<4096x128xf32, #tpu.memory_space<hbm>>
        tpu.enqueue_indirect_dma source(%dma_start3A_329 : memref<4096x128xf32, #tpu.memory_space<hbm>>) target(%dma_start3A_323 : memref<128x128xf32, #tpu.memory_space<vmem>>) offsets(%dma_start3A_326 : memref<128xi32, #tpu.memory_space<vmem>>) semaphore(%arg12 : memref<!tpu.dma_semaphore, #tpu.memory_space<semaphore_mem>>)
      } else {
      }
      %dma_wait3A_226 = arith.constant 2 : i32
      %dma_wait3A_227 = arith.constant 0 : i32
      %dma_wait3A_228 = arith.constant 0 : i32
      %dma_wait3A_229 = tpu.memref_slice %arg9[%dma_wait3A_226, %dma_wait3A_227, %dma_wait3A_228] : memref<4x128x128xf32, #tpu.memory_space<vmem>> -> memref<1x128x128xf32, #tpu.memory_space<vmem>>
      %dma_wait3A_230 = tpu.memref_squeeze %dma_wait3A_229 : memref<1x128x128xf32, #tpu.memory_space<vmem>> -> memref<128x128xf32, #tpu.memory_space<vmem>>
      %dma_wait3A_231 = arith.constant 0 : i32
      %dma_wait3A_232 = tpu.memref_slice %arg7[%add3A_218, %dma_wait3A_231] : memref<128x128xi32, #tpu.memory_space<vmem>> -> memref<1x128xi32, #tpu.memory_space<vmem>>
      %dma_wait3A_233 = tpu.memref_squeeze %dma_wait3A_232 : memref<1x128xi32, #tpu.memory_space<vmem>> -> memref<128xi32, #tpu.memory_space<vmem>>
      %dma_wait3A_234 = arith.constant 0 : i32
      %dma_wait3A_235 = arith.constant 0 : i32
      %dma_wait3A_236 = tpu.memref_slice %arg4[%dma_wait3A_234, %dma_wait3A_235] : memref<4096x128xf32, #tpu.memory_space<hbm>> -> memref<4096x128xf32, #tpu.memory_space<hbm>>
      tpu.wait_indirect_dma semaphore(%arg13 : memref<!tpu.dma_semaphore, #tpu.memory_space<semaphore_mem>>) src(%dma_wait3A_236 : memref<4096x128xf32, #tpu.memory_space<hbm>>) dst(%dma_wait3A_230 : memref<128x128xf32, #tpu.memory_space<vmem>>)
      %ge3A_237 = arith.constant 2 : i32
      %ge3A_238 = arith.cmpi sge, %add3A_218, %ge3A_237 : i32
      %convert_element_type3A_239 = arith.extui %ge3A_238 : i1 to i32
      %cond3A_240 = arith.constant 0 : i32
      %cond3A_241 = arith.cmpi ne, %convert_element_type3A_239, %cond3A_240 : i32
      scf.if %cond3A_241 {
        %sub3A = arith.constant 2 : i32
        %sub3A_319 = arith.subi %add3A_218, %sub3A : i32
        %dma_wait3A_320 = arith.constant 0 : i32
        %dma_wait3A_321 = arith.constant 0 : i32
        %dma_wait3A_322 = arith.constant 0 : i32
        %dma_wait3A_323 = arith.constant 0 : i32
        %dma_wait3A_324 = tpu.memref_slice %arg10[%dma_wait3A_320, %dma_wait3A_321, %dma_wait3A_322, %dma_wait3A_323] : memref<2x16x8x64xf32, #tpu.memory_space<vmem>> -> memref<1x16x8x64xf32, #tpu.memory_space<vmem>>
        %dma_wait3A_325 = tpu.memref_squeeze %dma_wait3A_324 : memref<1x16x8x64xf32, #tpu.memory_space<vmem>> -> memref<16x8x64xf32, #tpu.memory_space<vmem>>
        %dma_wait3A_326 = arith.constant 0 : i32
        %dma_wait3A_327 = arith.constant 0 : i32
        %dma_wait3A_328 = tpu.memref_slice %arg6[%sub3A_319, %mul3A_4, %dma_wait3A_326, %dma_wait3A_327] : memref<128x512x8x64xf32, #tpu.memory_space<hbm>> -> memref<1x16x8x64xf32, #tpu.memory_space<hbm>>
        %dma_wait3A_329 = tpu.memref_squeeze %dma_wait3A_328 : memref<1x16x8x64xf32, #tpu.memory_space<hbm>> -> memref<16x8x64xf32, #tpu.memory_space<hbm>>
        %dma_wait3A_330 = arith.constant 0 : i32
        %dma_wait3A_331 = arith.constant 0 : i32
        %dma_wait3A_332 = tpu.memref_slice %arg6[%sub3A_319, %mul3A_4, %dma_wait3A_330, %dma_wait3A_331] : memref<128x512x8x64xf32, #tpu.memory_space<hbm>> -> memref<1x16x8x64xf32, #tpu.memory_space<hbm>>
        %dma_wait3A_333 = tpu.memref_squeeze %dma_wait3A_332 : memref<1x16x8x64xf32, #tpu.memory_space<hbm>> -> memref<16x8x64xf32, #tpu.memory_space<hbm>>
        %dma_wait3A_334 = arith.constant 0 : i32
        %dma_wait3A_335 = arith.constant 0 : i32
        %dma_wait3A_336 = arith.constant 0 : i32
        %dma_wait3A_337 = tpu.memref_slice %arg10[%dma_wait3A_320, %dma_wait3A_334, %dma_wait3A_335, %dma_wait3A_336] : memref<2x16x8x64xf32, #tpu.memory_space<vmem>> -> memref<1x16x8x64xf32, #tpu.memory_space<vmem>>
        %dma_wait3A_338 = tpu.memref_squeeze %dma_wait3A_337 : memref<1x16x8x64xf32, #tpu.memory_space<vmem>> -> memref<16x8x64xf32, #tpu.memory_space<vmem>>
        tpu.wait_dma2 semaphore(%arg15 : memref<!tpu.dma_semaphore, #tpu.memory_space<semaphore_mem>>) src(%dma_wait3A_338 : memref<16x8x64xf32, #tpu.memory_space<vmem>>) dst(%dma_wait3A_333 : memref<16x8x64xf32, #tpu.memory_space<hbm>>)
      } else {
      }
      %scan3A_242 = arith.constant 0 : i32
      %scan3A_243 = arith.constant 0 : i32
      %scan3A_244 = arith.constant 16 : i32
      %scan3A_245 = arith.addi %scan3A_243, %scan3A_244 : i32
      %scan3A_246 = arith.constant 1 : i32
      scf.for %scan3A_319 = %scan3A_243 to %scan3A_245 step %scan3A_246  : i32 {
        %mul3A_320 = arith.constant 8 : i32
        %mul3A_321 = arith.muli %scan3A_319, %mul3A_320 : i32
        %add3A_322 = arith.constant 0 : i32
        %add3A_323 = arith.addi %mul3A_321, %add3A_322 : i32
        %get3A = arith.constant 2 : i32
        %get3A_324 = arith.index_cast %get3A : i32 to index
        %get3A_325 = arith.index_cast %add3A_323 : i32 to index
        %get3A_326 = arith.constant 0 : index
        %get3A_327 = tpu.vector_load %arg9[%get3A_324, %get3A_325, %get3A_326] {strides = array<i32>} : memref<4x128x128xf32, #tpu.memory_space<vmem>>, vector<1x1x16xf32>,
        %get3A_328 = vector.shape_cast %get3A_327 : vector<1x1x16xf32> to vector<16xf32>
        %mul3A_329 = arith.constant 8 : i32
        %mul3A_330 = arith.muli %scan3A_319, %mul3A_329 : i32
        %add3A_331 = arith.constant 0 : i32
        %add3A_332 = arith.addi %mul3A_330, %add3A_331 : i32
        %get3A_333 = arith.index_cast %add3A_332 : i32 to index
        %get3A_334 = arith.constant 0 : index
        %get3A_335 = tpu.vector_load %arg8[%get3A_333, %get3A_334] {strides = array<i32>} : memref<128x64xf32, #tpu.memory_space<vmem>>, vector<1x16xf32>,
        %get3A_336 = vector.shape_cast %get3A_335 : vector<1x16xf32> to vector<16xf32>
        %add3A_337 = arith.addf %get3A_328, %get3A_336 : vector<16xf32>
        %swap3A = arith.constant 0 : i32
        %swap3A_338 = arith.constant 0 : i32
        %swap3A_339 = arith.index_cast %swap3A : i32 to index
        %swap3A_340 = arith.index_cast %scan3A_319 : i32 to index
        %swap3A_341 = arith.index_cast %swap3A_338 : i32 to index
        %swap3A_342 = arith.constant 0 : index
        %swap3A_343 = tpu.vector_load %arg10[%swap3A_339, %swap3A_340, %swap3A_341, %swap3A_342] {strides = array<i32>} : memref<2x16x8x64xf32, #tpu.memory_space<vmem>>, vector<1x1x1x16xf32>,
        %swap3A_344 = vector.shape_cast %swap3A_343 : vector<1x1x1x16xf32> to vector<16xf32>
        %swap3A_345 = vector.shape_cast %add3A_337 : vector<16xf32> to vector<1x1x1x16xf32>
        tpu.vector_store %arg10[%swap3A_339, %swap3A_340, %swap3A_341, %swap3A_342], %swap3A_345 {strides = array<i32>} : memref<2x16x8x64xf32, #tpu.memory_space<vmem>>, vector<1x1x1x16xf32>,
        %mul3A_346 = arith.constant 8 : i32
        %mul3A_347 = arith.muli %scan3A_319, %mul3A_346 : i32
        %add3A_348 = arith.constant 0 : i32
        %add3A_349 = arith.addi %mul3A_347, %add3A_348 : i32
        %get3A_350 = arith.constant 2 : i32
        %get3A_351 = arith.index_cast %get3A_350 : i32 to index
        %get3A_352 = arith.index_cast %add3A_349 : i32 to index
        %get3A_353 = arith.constant 16 : index
        %get3A_354 = tpu.vector_load %arg9[%get3A_351, %get3A_352, %get3A_353] {strides = array<i32>} : memref<4x128x128xf32, #tpu.memory_space<vmem>>, vector<1x1x16xf32>,
        %get3A_355 = vector.shape_cast %get3A_354 : vector<1x1x16xf32> to vector<16xf32>
        %mul3A_356 = arith.constant 8 : i32
        %mul3A_357 = arith.muli %scan3A_319, %mul3A_356 : i32
        %add3A_358 = arith.constant 0 : i32
        %add3A_359 = arith.addi %mul3A_357, %add3A_358 : i32
        %get3A_360 = arith.index_cast %add3A_359 : i32 to index
        %get3A_361 = arith.constant 16 : index
        %get3A_362 = tpu.vector_load %arg8[%get3A_360, %get3A_361] {strides = array<i32>} : memref<128x64xf32, #tpu.memory_space<vmem>>, vector<1x16xf32>,
        %get3A_363 = vector.shape_cast %get3A_362 : vector<1x16xf32> to vector<16xf32>
        %add3A_364 = arith.addf %get3A_355, %get3A_363 : vector<16xf32>
        %swap3A_365 = arith.constant 0 : i32
        %swap3A_366 = arith.constant 0 : i32
        %swap3A_367 = arith.index_cast %swap3A_365 : i32 to index
        %swap3A_368 = arith.index_cast %scan3A_319 : i32 to index
        %swap3A_369 = arith.index_cast %swap3A_366 : i32 to index
        %swap3A_370 = arith.constant 16 : index
        %swap3A_371 = tpu.vector_load %arg10[%swap3A_367, %swap3A_368, %swap3A_369, %swap3A_370] {strides = array<i32>} : memref<2x16x8x64xf32, #tpu.memory_space<vmem>>, vector<1x1x1x16xf32>,
        %swap3A_372 = vector.shape_cast %swap3A_371 : vector<1x1x1x16xf32> to vector<16xf32>
        %swap3A_373 = vector.shape_cast %add3A_364 : vector<16xf32> to vector<1x1x1x16xf32>
        tpu.vector_store %arg10[%swap3A_367, %swap3A_368, %swap3A_369, %swap3A_370], %swap3A_373 {strides = array<i32>} : memref<2x16x8x64xf32, #tpu.memory_space<vmem>>, vector<1x1x1x16xf32>,
        %mul3A_374 = arith.constant 8 : i32
        %mul3A_375 = arith.muli %scan3A_319, %mul3A_374 : i32
        %add3A_376 = arith.constant 0 : i32
        %add3A_377 = arith.addi %mul3A_375, %add3A_376 : i32
        %get3A_378 = arith.constant 2 : i32
        %get3A_379 = arith.index_cast %get3A_378 : i32 to index
        %get3A_380 = arith.index_cast %add3A_377 : i32 to index
        %get3A_381 = arith.constant 32 : index
        %get3A_382 = tpu.vector_load %arg9[%get3A_379, %get3A_380, %get3A_381] {strides = array<i32>} : memref<4x128x128xf32, #tpu.memory_space<vmem>>, vector<1x1x16xf32>,
        %get3A_383 = vector.shape_cast %get3A_382 : vector<1x1x16xf32> to vector<16xf32>
        %mul3A_384 = arith.constant 8 : i32
        %mul3A_385 = arith.muli %scan3A_319, %mul3A_384 : i32
        %add3A_386 = arith.constant 0 : i32
        %add3A_387 = arith.addi %mul3A_385, %add3A_386 : i32
        %get3A_388 = arith.index_cast %add3A_387 : i32 to index
        %get3A_389 = arith.constant 32 : index
        %get3A_390 = tpu.vector_load %arg8[%get3A_388, %get3A_389] {strides = array<i32>} : memref<128x64xf32, #tpu.memory_space<vmem>>, vector<1x16xf32>,
        %get3A_391 = vector.shape_cast %get3A_390 : vector<1x16xf32> to vector<16xf32>
        %add3A_392 = arith.addf %get3A_383, %get3A_391 : vector<16xf32>
        %swap3A_393 = arith.constant 0 : i32
        %swap3A_394 = arith.constant 0 : i32
        %swap3A_395 = arith.index_cast %swap3A_393 : i32 to index
        %swap3A_396 = arith.index_cast %scan3A_319 : i32 to index
        %swap3A_397 = arith.index_cast %swap3A_394 : i32 to index
        %swap3A_398 = arith.constant 32 : index
        %swap3A_399 = tpu.vector_load %arg10[%swap3A_395, %swap3A_396, %swap3A_397, %swap3A_398] {strides = array<i32>} : memref<2x16x8x64xf32, #tpu.memory_space<vmem>>, vector<1x1x1x16xf32>,
        %swap3A_400 = vector.shape_cast %swap3A_399 : vector<1x1x1x16xf32> to vector<16xf32>
        %swap3A_401 = vector.shape_cast %add3A_392 : vector<16xf32> to vector<1x1x1x16xf32>
        tpu.vector_store %arg10[%swap3A_395, %swap3A_396, %swap3A_397, %swap3A_398], %swap3A_401 {strides = array<i32>} : memref<2x16x8x64xf32, #tpu.memory_space<vmem>>, vector<1x1x1x16xf32>,
        %mul3A_402 = arith.constant 8 : i32
        %mul3A_403 = arith.muli %scan3A_319, %mul3A_402 : i32
        %add3A_404 = arith.constant 0 : i32
        %add3A_405 = arith.addi %mul3A_403, %add3A_404 : i32
        %get3A_406 = arith.constant 2 : i32
        %get3A_407 = arith.index_cast %get3A_406 : i32 to index
        %get3A_408 = arith.index_cast %add3A_405 : i32 to index
        %get3A_409 = arith.constant 48 : index
        %get3A_410 = tpu.vector_load %arg9[%get3A_407, %get3A_408, %get3A_409] {strides = array<i32>} : memref<4x128x128xf32, #tpu.memory_space<vmem>>, vector<1x1x16xf32>,
        %get3A_411 = vector.shape_cast %get3A_410 : vector<1x1x16xf32> to vector<16xf32>
        %mul3A_412 = arith.constant 8 : i32
        %mul3A_413 = arith.muli %scan3A_319, %mul3A_412 : i32
        %add3A_414 = arith.constant 0 : i32
        %add3A_415 = arith.addi %mul3A_413, %add3A_414 : i32
        %get3A_416 = arith.index_cast %add3A_415 : i32 to index
        %get3A_417 = arith.constant 48 : index
        %get3A_418 = tpu.vector_load %arg8[%get3A_416, %get3A_417] {strides = array<i32>} : memref<128x64xf32, #tpu.memory_space<vmem>>, vector<1x16xf32>,
        %get3A_419 = vector.shape_cast %get3A_418 : vector<1x16xf32> to vector<16xf32>
        %add3A_420 = arith.addf %get3A_411, %get3A_419 : vector<16xf32>
        %swap3A_421 = arith.constant 0 : i32
        %swap3A_422 = arith.constant 0 : i32
        %swap3A_423 = arith.index_cast %swap3A_421 : i32 to index
        %swap3A_424 = arith.index_cast %scan3A_319 : i32 to index
        %swap3A_425 = arith.index_cast %swap3A_422 : i32 to index
        %swap3A_426 = arith.constant 48 : index
        %swap3A_427 = tpu.vector_load %arg10[%swap3A_423, %swap3A_424, %swap3A_425, %swap3A_426] {strides = array<i32>} : memref<2x16x8x64xf32, #tpu.memory_space<vmem>>, vector<1x1x1x16xf32>,
        %swap3A_428 = vector.shape_cast %swap3A_427 : vector<1x1x1x16xf32> to vector<16xf32>
        %swap3A_429 = vector.shape_cast %add3A_420 : vector<16xf32> to vector<1x1x1x16xf32>
        tpu.vector_store %arg10[%swap3A_423, %swap3A_424, %swap3A_425, %swap3A_426], %swap3A_429 {strides = array<i32>} : memref<2x16x8x64xf32, #tpu.memory_space<vmem>>, vector<1x1x1x16xf32>,
        %mul3A_430 = arith.constant 8 : i32
        %mul3A_431 = arith.muli %scan3A_319, %mul3A_430 : i32
        %add3A_432 = arith.constant 1 : i32
        %add3A_433 = arith.addi %mul3A_431, %add3A_432 : i32
        %get3A_434 = arith.constant 2 : i32
        %get3A_435 = arith.index_cast %get3A_434 : i32 to index
        %get3A_436 = arith.index_cast %add3A_433 : i32 to index
        %get3A_437 = arith.constant 0 : index
        %get3A_438 = tpu.vector_load %arg9[%get3A_435, %get3A_436, %get3A_437] {strides = array<i32>} : memref<4x128x128xf32, #tpu.memory_space<vmem>>, vector<1x1x16xf32>,
        %get3A_439 = vector.shape_cast %get3A_438 : vector<1x1x16xf32> to vector<16xf32>
        %mul3A_440 = arith.constant 8 : i32
        %mul3A_441 = arith.muli %scan3A_319, %mul3A_440 : i32
        %add3A_442 = arith.constant 1 : i32
        %add3A_443 = arith.addi %mul3A_441, %add3A_442 : i32
        %get3A_444 = arith.index_cast %add3A_443 : i32 to index
        %get3A_445 = arith.constant 0 : index
        %get3A_446 = tpu.vector_load %arg8[%get3A_444, %get3A_445] {strides = array<i32>} : memref<128x64xf32, #tpu.memory_space<vmem>>, vector<1x16xf32>,
        %get3A_447 = vector.shape_cast %get3A_446 : vector<1x16xf32> to vector<16xf32>
        %add3A_448 = arith.addf %get3A_439, %get3A_447 : vector<16xf32>
        %swap3A_449 = arith.constant 0 : i32
        %swap3A_450 = arith.constant 1 : i32
        %swap3A_451 = arith.index_cast %swap3A_449 : i32 to index
        %swap3A_452 = arith.index_cast %scan3A_319 : i32 to index
        %swap3A_453 = arith.index_cast %swap3A_450 : i32 to index
        %swap3A_454 = arith.constant 0 : index
        %swap3A_455 = tpu.vector_load %arg10[%swap3A_451, %swap3A_452, %swap3A_453, %swap3A_454] {strides = array<i32>} : memref<2x16x8x64xf32, #tpu.memory_space<vmem>>, vector<1x1x1x16xf32>,
        %swap3A_456 = vector.shape_cast %swap3A_455 : vector<1x1x1x16xf32> to vector<16xf32>
        %swap3A_457 = vector.shape_cast %add3A_448 : vector<16xf32> to vector<1x1x1x16xf32>
        tpu.vector_store %arg10[%swap3A_451, %swap3A_452, %swap3A_453, %swap3A_454], %swap3A_457 {strides = array<i32>} : memref<2x16x8x64xf32, #tpu.memory_space<vmem>>, vector<1x1x1x16xf32>,
        %mul3A_458 = arith.constant 8 : i32
        %mul3A_459 = arith.muli %scan3A_319, %mul3A_458 : i32
        %add3A_460 = arith.constant 1 : i32
        %add3A_461 = arith.addi %mul3A_459, %add3A_460 : i32
        %get3A_462 = arith.constant 2 : i32
        %get3A_463 = arith.index_cast %get3A_462 : i32 to index
        %get3A_464 = arith.index_cast %add3A_461 : i32 to index
        %get3A_465 = arith.constant 16 : index
        %get3A_466 = tpu.vector_load %arg9[%get3A_463, %get3A_464, %get3A_465] {strides = array<i32>} : memref<4x128x128xf32, #tpu.memory_space<vmem>>, vector<1x1x16xf32>,
        %get3A_467 = vector.shape_cast %get3A_466 : vector<1x1x16xf32> to vector<16xf32>
        %mul3A_468 = arith.constant 8 : i32
        %mul3A_469 = arith.muli %scan3A_319, %mul3A_468 : i32
        %add3A_470 = arith.constant 1 : i32
        %add3A_471 = arith.addi %mul3A_469, %add3A_470 : i32
        %get3A_472 = arith.index_cast %add3A_471 : i32 to index
        %get3A_473 = arith.constant 16 : index
        %get3A_474 = tpu.vector_load %arg8[%get3A_472, %get3A_473] {strides = array<i32>} : memref<128x64xf32, #tpu.memory_space<vmem>>, vector<1x16xf32>,
        %get3A_475 = vector.shape_cast %get3A_474 : vector<1x16xf32> to vector<16xf32>
        %add3A_476 = arith.addf %get3A_467, %get3A_475 : vector<16xf32>
        %swap3A_477 = arith.constant 0 : i32
        %swap3A_478 = arith.constant 1 : i32
        %swap3A_479 = arith.index_cast %swap3A_477 : i32 to index
        %swap3A_480 = arith.index_cast %scan3A_319 : i32 to index
        %swap3A_481 = arith.index_cast %swap3A_478 : i32 to index
        %swap3A_482 = arith.constant 16 : index
        %swap3A_483 = tpu.vector_load %arg10[%swap3A_479, %swap3A_480, %swap3A_481, %swap3A_482] {strides = array<i32>} : memref<2x16x8x64xf32, #tpu.memory_space<vmem>>, vector<1x1x1x16xf32>,
        %swap3A_484 = vector.shape_cast %swap3A_483 : vector<1x1x1x16xf32> to vector<16xf32>
        %swap3A_485 = vector.shape_cast %add3A_476 : vector<16xf32> to vector<1x1x1x16xf32>
        tpu.vector_store %arg10[%swap3A_479, %swap3A_480, %swap3A_481, %swap3A_482], %swap3A_485 {strides = array<i32>} : memref<2x16x8x64xf32, #tpu.memory_space<vmem>>, vector<1x1x1x16xf32>,
        %mul3A_486 = arith.constant 8 : i32
        %mul3A_487 = arith.muli %scan3A_319, %mul3A_486 : i32
        %add3A_488 = arith.constant 1 : i32
        %add3A_489 = arith.addi %mul3A_487, %add3A_488 : i32
        %get3A_490 = arith.constant 2 : i32
        %get3A_491 = arith.index_cast %get3A_490 : i32 to index
        %get3A_492 = arith.index_cast %add3A_489 : i32 to index
        %get3A_493 = arith.constant 32 : index
        %get3A_494 = tpu.vector_load %arg9[%get3A_491, %get3A_492, %get3A_493] {strides = array<i32>} : memref<4x128x128xf32, #tpu.memory_space<vmem>>, vector<1x1x16xf32>,
        %get3A_495 = vector.shape_cast %get3A_494 : vector<1x1x16xf32> to vector<16xf32>
        %mul3A_496 = arith.constant 8 : i32
        %mul3A_497 = arith.muli %scan3A_319, %mul3A_496 : i32
        %add3A_498 = arith.constant 1 : i32
        %add3A_499 = arith.addi %mul3A_497, %add3A_498 : i32
        %get3A_500 = arith.index_cast %add3A_499 : i32 to index
        %get3A_501 = arith.constant 32 : index
        %get3A_502 = tpu.vector_load %arg8[%get3A_500, %get3A_501] {strides = array<i32>} : memref<128x64xf32, #tpu.memory_space<vmem>>, vector<1x16xf32>,
        %get3A_503 = vector.shape_cast %get3A_502 : vector<1x16xf32> to vector<16xf32>
        %add3A_504 = arith.addf %get3A_495, %get3A_503 : vector<16xf32>
        %swap3A_505 = arith.constant 0 : i32
        %swap3A_506 = arith.constant 1 : i32
        %swap3A_507 = arith.index_cast %swap3A_505 : i32 to index
        %swap3A_508 = arith.index_cast %scan3A_319 : i32 to index
        %swap3A_509 = arith.index_cast %swap3A_506 : i32 to index
        %swap3A_510 = arith.constant 32 : index
        %swap3A_511 = tpu.vector_load %arg10[%swap3A_507, %swap3A_508, %swap3A_509, %swap3A_510] {strides = array<i32>} : memref<2x16x8x64xf32, #tpu.memory_space<vmem>>, vector<1x1x1x16xf32>,
        %swap3A_512 = vector.shape_cast %swap3A_511 : vector<1x1x1x16xf32> to vector<16xf32>
        %swap3A_513 = vector.shape_cast %add3A_504 : vector<16xf32> to vector<1x1x1x16xf32>
        tpu.vector_store %arg10[%swap3A_507, %swap3A_508, %swap3A_509, %swap3A_510], %swap3A_513 {strides = array<i32>} : memref<2x16x8x64xf32, #tpu.memory_space<vmem>>, vector<1x1x1x16xf32>,
        %mul3A_514 = arith.constant 8 : i32
        %mul3A_515 = arith.muli %scan3A_319, %mul3A_514 : i32
        %add3A_516 = arith.constant 1 : i32
        %add3A_517 = arith.addi %mul3A_515, %add3A_516 : i32
        %get3A_518 = arith.constant 2 : i32
        %get3A_519 = arith.index_cast %get3A_518 : i32 to index
        %get3A_520 = arith.index_cast %add3A_517 : i32 to index
        %get3A_521 = arith.constant 48 : index
        %get3A_522 = tpu.vector_load %arg9[%get3A_519, %get3A_520, %get3A_521] {strides = array<i32>} : memref<4x128x128xf32, #tpu.memory_space<vmem>>, vector<1x1x16xf32>,
        %get3A_523 = vector.shape_cast %get3A_522 : vector<1x1x16xf32> to vector<16xf32>
        %mul3A_524 = arith.constant 8 : i32
        %mul3A_525 = arith.muli %scan3A_319, %mul3A_524 : i32
        %add3A_526 = arith.constant 1 : i32
        %add3A_527 = arith.addi %mul3A_525, %add3A_526 : i32
        %get3A_528 = arith.index_cast %add3A_527 : i32 to index
        %get3A_529 = arith.constant 48 : index
        %get3A_530 = tpu.vector_load %arg8[%get3A_528, %get3A_529] {strides = array<i32>} : memref<128x64xf32, #tpu.memory_space<vmem>>, vector<1x16xf32>,
        %get3A_531 = vector.shape_cast %get3A_530 : vector<1x16xf32> to vector<16xf32>
        %add3A_532 = arith.addf %get3A_523, %get3A_531 : vector<16xf32>
        %swap3A_533 = arith.constant 0 : i32
        %swap3A_534 = arith.constant 1 : i32
        %swap3A_535 = arith.index_cast %swap3A_533 : i32 to index
        %swap3A_536 = arith.index_cast %scan3A_319 : i32 to index
        %swap3A_537 = arith.index_cast %swap3A_534 : i32 to index
        %swap3A_538 = arith.constant 48 : index
        %swap3A_539 = tpu.vector_load %arg10[%swap3A_535, %swap3A_536, %swap3A_537, %swap3A_538] {strides = array<i32>} : memref<2x16x8x64xf32, #tpu.memory_space<vmem>>, vector<1x1x1x16xf32>,
        %swap3A_540 = vector.shape_cast %swap3A_539 : vector<1x1x1x16xf32> to vector<16xf32>
        %swap3A_541 = vector.shape_cast %add3A_532 : vector<16xf32> to vector<1x1x1x16xf32>
        tpu.vector_store %arg10[%swap3A_535, %swap3A_536, %swap3A_537, %swap3A_538], %swap3A_541 {strides = array<i32>} : memref<2x16x8x64xf32, #tpu.memory_space<vmem>>, vector<1x1x1x16xf32>,
        %mul3A_542 = arith.constant 8 : i32
        %mul3A_543 = arith.muli %scan3A_319, %mul3A_542 : i32
        %add3A_544 = arith.constant 2 : i32
        %add3A_545 = arith.addi %mul3A_543, %add3A_544 : i32
        %get3A_546 = arith.constant 2 : i32
        %get3A_547 = arith.index_cast %get3A_546 : i32 to index
        %get3A_548 = arith.index_cast %add3A_545 : i32 to index
        %get3A_549 = arith.constant 0 : index
        %get3A_550 = tpu.vector_load %arg9[%get3A_547, %get3A_548, %get3A_549] {strides = array<i32>} : memref<4x128x128xf32, #tpu.memory_space<vmem>>, vector<1x1x16xf32>,
        %get3A_551 = vector.shape_cast %get3A_550 : vector<1x1x16xf32> to vector<16xf32>
        %mul3A_552 = arith.constant 8 : i32
        %mul3A_553 = arith.muli %scan3A_319, %mul3A_552 : i32
        %add3A_554 = arith.constant 2 : i32
        %add3A_555 = arith.addi %mul3A_553, %add3A_554 : i32
        %get3A_556 = arith.index_cast %add3A_555 : i32 to index
        %get3A_557 = arith.constant 0 : index
        %get3A_558 = tpu.vector_load %arg8[%get3A_556, %get3A_557] {strides = array<i32>} : memref<128x64xf32, #tpu.memory_space<vmem>>, vector<1x16xf32>,
        %get3A_559 = vector.shape_cast %get3A_558 : vector<1x16xf32> to vector<16xf32>
        %add3A_560 = arith.addf %get3A_551, %get3A_559 : vector<16xf32>
        %swap3A_561 = arith.constant 0 : i32
        %swap3A_562 = arith.constant 2 : i32
        %swap3A_563 = arith.index_cast %swap3A_561 : i32 to index
        %swap3A_564 = arith.index_cast %scan3A_319 : i32 to index
        %swap3A_565 = arith.index_cast %swap3A_562 : i32 to index
        %swap3A_566 = arith.constant 0 : index
        %swap3A_567 = tpu.vector_load %arg10[%swap3A_563, %swap3A_564, %swap3A_565, %swap3A_566] {strides = array<i32>} : memref<2x16x8x64xf32, #tpu.memory_space<vmem>>, vector<1x1x1x16xf32>,
        %swap3A_568 = vector.shape_cast %swap3A_567 : vector<1x1x1x16xf32> to vector<16xf32>
        %swap3A_569 = vector.shape_cast %add3A_560 : vector<16xf32> to vector<1x1x1x16xf32>
        tpu.vector_store %arg10[%swap3A_563, %swap3A_564, %swap3A_565, %swap3A_566], %swap3A_569 {strides = array<i32>} : memref<2x16x8x64xf32, #tpu.memory_space<vmem>>, vector<1x1x1x16xf32>,
        %mul3A_570 = arith.constant 8 : i32
        %mul3A_571 = arith.muli %scan3A_319, %mul3A_570 : i32
        %add3A_572 = arith.constant 2 : i32
        %add3A_573 = arith.addi %mul3A_571, %add3A_572 : i32
        %get3A_574 = arith.constant 2 : i32
        %get3A_575 = arith.index_cast %get3A_574 : i32 to index
        %get3A_576 = arith.index_cast %add3A_573 : i32 to index
        %get3A_577 = arith.constant 16 : index
        %get3A_578 = tpu.vector_load %arg9[%get3A_575, %get3A_576, %get3A_577] {strides = array<i32>} : memref<4x128x128xf32, #tpu.memory_space<vmem>>, vector<1x1x16xf32>,
        %get3A_579 = vector.shape_cast %get3A_578 : vector<1x1x16xf32> to vector<16xf32>
        %mul3A_580 = arith.constant 8 : i32
        %mul3A_581 = arith.muli %scan3A_319, %mul3A_580 : i32
        %add3A_582 = arith.constant 2 : i32
        %add3A_583 = arith.addi %mul3A_581, %add3A_582 : i32
        %get3A_584 = arith.index_cast %add3A_583 : i32 to index
        %get3A_585 = arith.constant 16 : index
        %get3A_586 = tpu.vector_load %arg8[%get3A_584, %get3A_585] {strides = array<i32>} : memref<128x64xf32, #tpu.memory_space<vmem>>, vector<1x16xf32>,
        %get3A_587 = vector.shape_cast %get3A_586 : vector<1x16xf32> to vector<16xf32>
        %add3A_588 = arith.addf %get3A_579, %get3A_587 : vector<16xf32>
        %swap3A_589 = arith.constant 0 : i32
        %swap3A_590 = arith.constant 2 : i32
        %swap3A_591 = arith.index_cast %swap3A_589 : i32 to index
        %swap3A_592 = arith.index_cast %scan3A_319 : i32 to index
        %swap3A_593 = arith.index_cast %swap3A_590 : i32 to index
        %swap3A_594 = arith.constant 16 : index
        %swap3A_595 = tpu.vector_load %arg10[%swap3A_591, %swap3A_592, %swap3A_593, %swap3A_594] {strides = array<i32>} : memref<2x16x8x64xf32, #tpu.memory_space<vmem>>, vector<1x1x1x16xf32>,
        %swap3A_596 = vector.shape_cast %swap3A_595 : vector<1x1x1x16xf32> to vector<16xf32>
        %swap3A_597 = vector.shape_cast %add3A_588 : vector<16xf32> to vector<1x1x1x16xf32>
        tpu.vector_store %arg10[%swap3A_591, %swap3A_592, %swap3A_593, %swap3A_594], %swap3A_597 {strides = array<i32>} : memref<2x16x8x64xf32, #tpu.memory_space<vmem>>, vector<1x1x1x16xf32>,
        %mul3A_598 = arith.constant 8 : i32
        %mul3A_599 = arith.muli %scan3A_319, %mul3A_598 : i32
        %add3A_600 = arith.constant 2 : i32
        %add3A_601 = arith.addi %mul3A_599, %add3A_600 : i32
        %get3A_602 = arith.constant 2 : i32
        %get3A_603 = arith.index_cast %get3A_602 : i32 to index
        %get3A_604 = arith.index_cast %add3A_601 : i32 to index
        %get3A_605 = arith.constant 32 : index
        %get3A_606 = tpu.vector_load %arg9[%get3A_603, %get3A_604, %get3A_605] {strides = array<i32>} : memref<4x128x128xf32, #tpu.memory_space<vmem>>, vector<1x1x16xf32>,
        %get3A_607 = vector.shape_cast %get3A_606 : vector<1x1x16xf32> to vector<16xf32>
        %mul3A_608 = arith.constant 8 : i32
        %mul3A_609 = arith.muli %scan3A_319, %mul3A_608 : i32
        %add3A_610 = arith.constant 2 : i32
        %add3A_611 = arith.addi %mul3A_609, %add3A_610 : i32
        %get3A_612 = arith.index_cast %add3A_611 : i32 to index
        %get3A_613 = arith.constant 32 : index
        %get3A_614 = tpu.vector_load %arg8[%get3A_612, %get3A_613] {strides = array<i32>} : memref<128x64xf32, #tpu.memory_space<vmem>>, vector<1x16xf32>,
        %get3A_615 = vector.shape_cast %get3A_614 : vector<1x16xf32> to vector<16xf32>
        %add3A_616 = arith.addf %get3A_607, %get3A_615 : vector<16xf32>
        %swap3A_617 = arith.constant 0 : i32
        %swap3A_618 = arith.constant 2 : i32
        %swap3A_619 = arith.index_cast %swap3A_617 : i32 to index
        %swap3A_620 = arith.index_cast %scan3A_319 : i32 to index
        %swap3A_621 = arith.index_cast %swap3A_618 : i32 to index
        %swap3A_622 = arith.constant 32 : index
        %swap3A_623 = tpu.vector_load %arg10[%swap3A_619, %swap3A_620, %swap3A_621, %swap3A_622] {strides = array<i32>} : memref<2x16x8x64xf32, #tpu.memory_space<vmem>>, vector<1x1x1x16xf32>,
        %swap3A_624 = vector.shape_cast %swap3A_623 : vector<1x1x1x16xf32> to vector<16xf32>
        %swap3A_625 = vector.shape_cast %add3A_616 : vector<16xf32> to vector<1x1x1x16xf32>
        tpu.vector_store %arg10[%swap3A_619, %swap3A_620, %swap3A_621, %swap3A_622], %swap3A_625 {strides = array<i32>} : memref<2x16x8x64xf32, #tpu.memory_space<vmem>>, vector<1x1x1x16xf32>,
        %mul3A_626 = arith.constant 8 : i32
        %mul3A_627 = arith.muli %scan3A_319, %mul3A_626 : i32
        %add3A_628 = arith.constant 2 : i32
        %add3A_629 = arith.addi %mul3A_627, %add3A_628 : i32
        %get3A_630 = arith.constant 2 : i32
        %get3A_631 = arith.index_cast %get3A_630 : i32 to index
        %get3A_632 = arith.index_cast %add3A_629 : i32 to index
        %get3A_633 = arith.constant 48 : index
        %get3A_634 = tpu.vector_load %arg9[%get3A_631, %get3A_632, %get3A_633] {strides = array<i32>} : memref<4x128x128xf32, #tpu.memory_space<vmem>>, vector<1x1x16xf32>,
        %get3A_635 = vector.shape_cast %get3A_634 : vector<1x1x16xf32> to vector<16xf32>
        %mul3A_636 = arith.constant 8 : i32
        %mul3A_637 = arith.muli %scan3A_319, %mul3A_636 : i32
        %add3A_638 = arith.constant 2 : i32
        %add3A_639 = arith.addi %mul3A_637, %add3A_638 : i32
        %get3A_640 = arith.index_cast %add3A_639 : i32 to index
        %get3A_641 = arith.constant 48 : index
        %get3A_642 = tpu.vector_load %arg8[%get3A_640, %get3A_641] {strides = array<i32>} : memref<128x64xf32, #tpu.memory_space<vmem>>, vector<1x16xf32>,
        %get3A_643 = vector.shape_cast %get3A_642 : vector<1x16xf32> to vector<16xf32>
        %add3A_644 = arith.addf %get3A_635, %get3A_643 : vector<16xf32>
        %swap3A_645 = arith.constant 0 : i32
        %swap3A_646 = arith.constant 2 : i32
        %swap3A_647 = arith.index_cast %swap3A_645 : i32 to index
        %swap3A_648 = arith.index_cast %scan3A_319 : i32 to index
        %swap3A_649 = arith.index_cast %swap3A_646 : i32 to index
        %swap3A_650 = arith.constant 48 : index
        %swap3A_651 = tpu.vector_load %arg10[%swap3A_647, %swap3A_648, %swap3A_649, %swap3A_650] {strides = array<i32>} : memref<2x16x8x64xf32, #tpu.memory_space<vmem>>, vector<1x1x1x16xf32>,
        %swap3A_652 = vector.shape_cast %swap3A_651 : vector<1x1x1x16xf32> to vector<16xf32>
        %swap3A_653 = vector.shape_cast %add3A_644 : vector<16xf32> to vector<1x1x1x16xf32>
        tpu.vector_store %arg10[%swap3A_647, %swap3A_648, %swap3A_649, %swap3A_650], %swap3A_653 {strides = array<i32>} : memref<2x16x8x64xf32, #tpu.memory_space<vmem>>, vector<1x1x1x16xf32>,
        %mul3A_654 = arith.constant 8 : i32
        %mul3A_655 = arith.muli %scan3A_319, %mul3A_654 : i32
        %add3A_656 = arith.constant 3 : i32
        %add3A_657 = arith.addi %mul3A_655, %add3A_656 : i32
        %get3A_658 = arith.constant 2 : i32
        %get3A_659 = arith.index_cast %get3A_658 : i32 to index
        %get3A_660 = arith.index_cast %add3A_657 : i32 to index
        %get3A_661 = arith.constant 0 : index
        %get3A_662 = tpu.vector_load %arg9[%get3A_659, %get3A_660, %get3A_661] {strides = array<i32>} : memref<4x128x128xf32, #tpu.memory_space<vmem>>, vector<1x1x16xf32>,
        %get3A_663 = vector.shape_cast %get3A_662 : vector<1x1x16xf32> to vector<16xf32>
        %mul3A_664 = arith.constant 8 : i32
        %mul3A_665 = arith.muli %scan3A_319, %mul3A_664 : i32
        %add3A_666 = arith.constant 3 : i32
        %add3A_667 = arith.addi %mul3A_665, %add3A_666 : i32
        %get3A_668 = arith.index_cast %add3A_667 : i32 to index
        %get3A_669 = arith.constant 0 : index
        %get3A_670 = tpu.vector_load %arg8[%get3A_668, %get3A_669] {strides = array<i32>} : memref<128x64xf32, #tpu.memory_space<vmem>>, vector<1x16xf32>,
        %get3A_671 = vector.shape_cast %get3A_670 : vector<1x16xf32> to vector<16xf32>
        %add3A_672 = arith.addf %get3A_663, %get3A_671 : vector<16xf32>
        %swap3A_673 = arith.constant 0 : i32
        %swap3A_674 = arith.constant 3 : i32
        %swap3A_675 = arith.index_cast %swap3A_673 : i32 to index
        %swap3A_676 = arith.index_cast %scan3A_319 : i32 to index
        %swap3A_677 = arith.index_cast %swap3A_674 : i32 to index
        %swap3A_678 = arith.constant 0 : index
        %swap3A_679 = tpu.vector_load %arg10[%swap3A_675, %swap3A_676, %swap3A_677, %swap3A_678] {strides = array<i32>} : memref<2x16x8x64xf32, #tpu.memory_space<vmem>>, vector<1x1x1x16xf32>,
        %swap3A_680 = vector.shape_cast %swap3A_679 : vector<1x1x1x16xf32> to vector<16xf32>
        %swap3A_681 = vector.shape_cast %add3A_672 : vector<16xf32> to vector<1x1x1x16xf32>
        tpu.vector_store %arg10[%swap3A_675, %swap3A_676, %swap3A_677, %swap3A_678], %swap3A_681 {strides = array<i32>} : memref<2x16x8x64xf32, #tpu.memory_space<vmem>>, vector<1x1x1x16xf32>,
        %mul3A_682 = arith.constant 8 : i32
        %mul3A_683 = arith.muli %scan3A_319, %mul3A_682 : i32
        %add3A_684 = arith.constant 3 : i32
        %add3A_685 = arith.addi %mul3A_683, %add3A_684 : i32
        %get3A_686 = arith.constant 2 : i32
        %get3A_687 = arith.index_cast %get3A_686 : i32 to index
        %get3A_688 = arith.index_cast %add3A_685 : i32 to index
        %get3A_689 = arith.constant 16 : index
        %get3A_690 = tpu.vector_load %arg9[%get3A_687, %get3A_688, %get3A_689] {strides = array<i32>} : memref<4x128x128xf32, #tpu.memory_space<vmem>>, vector<1x1x16xf32>,
        %get3A_691 = vector.shape_cast %get3A_690 : vector<1x1x16xf32> to vector<16xf32>
        %mul3A_692 = arith.constant 8 : i32
        %mul3A_693 = arith.muli %scan3A_319, %mul3A_692 : i32
        %add3A_694 = arith.constant 3 : i32
        %add3A_695 = arith.addi %mul3A_693, %add3A_694 : i32
        %get3A_696 = arith.index_cast %add3A_695 : i32 to index
        %get3A_697 = arith.constant 16 : index
        %get3A_698 = tpu.vector_load %arg8[%get3A_696, %get3A_697] {strides = array<i32>} : memref<128x64xf32, #tpu.memory_space<vmem>>, vector<1x16xf32>,
        %get3A_699 = vector.shape_cast %get3A_698 : vector<1x16xf32> to vector<16xf32>
        %add3A_700 = arith.addf %get3A_691, %get3A_699 : vector<16xf32>
        %swap3A_701 = arith.constant 0 : i32
        %swap3A_702 = arith.constant 3 : i32
        %swap3A_703 = arith.index_cast %swap3A_701 : i32 to index
        %swap3A_704 = arith.index_cast %scan3A_319 : i32 to index
        %swap3A_705 = arith.index_cast %swap3A_702 : i32 to index
        %swap3A_706 = arith.constant 16 : index
        %swap3A_707 = tpu.vector_load %arg10[%swap3A_703, %swap3A_704, %swap3A_705, %swap3A_706] {strides = array<i32>} : memref<2x16x8x64xf32, #tpu.memory_space<vmem>>, vector<1x1x1x16xf32>,
        %swap3A_708 = vector.shape_cast %swap3A_707 : vector<1x1x1x16xf32> to vector<16xf32>
        %swap3A_709 = vector.shape_cast %add3A_700 : vector<16xf32> to vector<1x1x1x16xf32>
        tpu.vector_store %arg10[%swap3A_703, %swap3A_704, %swap3A_705, %swap3A_706], %swap3A_709 {strides = array<i32>} : memref<2x16x8x64xf32, #tpu.memory_space<vmem>>, vector<1x1x1x16xf32>,
        %mul3A_710 = arith.constant 8 : i32
        %mul3A_711 = arith.muli %scan3A_319, %mul3A_710 : i32
        %add3A_712 = arith.constant 3 : i32
        %add3A_713 = arith.addi %mul3A_711, %add3A_712 : i32
        %get3A_714 = arith.constant 2 : i32
        %get3A_715 = arith.index_cast %get3A_714 : i32 to index
        %get3A_716 = arith.index_cast %add3A_713 : i32 to index
        %get3A_717 = arith.constant 32 : index
        %get3A_718 = tpu.vector_load %arg9[%get3A_715, %get3A_716, %get3A_717] {strides = array<i32>} : memref<4x128x128xf32, #tpu.memory_space<vmem>>, vector<1x1x16xf32>,
        %get3A_719 = vector.shape_cast %get3A_718 : vector<1x1x16xf32> to vector<16xf32>
        %mul3A_720 = arith.constant 8 : i32
        %mul3A_721 = arith.muli %scan3A_319, %mul3A_720 : i32
        %add3A_722 = arith.constant 3 : i32
        %add3A_723 = arith.addi %mul3A_721, %add3A_722 : i32
        %get3A_724 = arith.index_cast %add3A_723 : i32 to index
        %get3A_725 = arith.constant 32 : index
        %get3A_726 = tpu.vector_load %arg8[%get3A_724, %get3A_725] {strides = array<i32>} : memref<128x64xf32, #tpu.memory_space<vmem>>, vector<1x16xf32>,
        %get3A_727 = vector.shape_cast %get3A_726 : vector<1x16xf32> to vector<16xf32>
        %add3A_728 = arith.addf %get3A_719, %get3A_727 : vector<16xf32>
        %swap3A_729 = arith.constant 0 : i32
        %swap3A_730 = arith.constant 3 : i32
        %swap3A_731 = arith.index_cast %swap3A_729 : i32 to index
        %swap3A_732 = arith.index_cast %scan3A_319 : i32 to index
        %swap3A_733 = arith.index_cast %swap3A_730 : i32 to index
        %swap3A_734 = arith.constant 32 : index
        %swap3A_735 = tpu.vector_load %arg10[%swap3A_731, %swap3A_732, %swap3A_733, %swap3A_734] {strides = array<i32>} : memref<2x16x8x64xf32, #tpu.memory_space<vmem>>, vector<1x1x1x16xf32>,
        %swap3A_736 = vector.shape_cast %swap3A_735 : vector<1x1x1x16xf32> to vector<16xf32>
        %swap3A_737 = vector.shape_cast %add3A_728 : vector<16xf32> to vector<1x1x1x16xf32>
        tpu.vector_store %arg10[%swap3A_731, %swap3A_732, %swap3A_733, %swap3A_734], %swap3A_737 {strides = array<i32>} : memref<2x16x8x64xf32, #tpu.memory_space<vmem>>, vector<1x1x1x16xf32>,
        %mul3A_738 = arith.constant 8 : i32
        %mul3A_739 = arith.muli %scan3A_319, %mul3A_738 : i32
        %add3A_740 = arith.constant 3 : i32
        %add3A_741 = arith.addi %mul3A_739, %add3A_740 : i32
        %get3A_742 = arith.constant 2 : i32
        %get3A_743 = arith.index_cast %get3A_742 : i32 to index
        %get3A_744 = arith.index_cast %add3A_741 : i32 to index
        %get3A_745 = arith.constant 48 : index
        %get3A_746 = tpu.vector_load %arg9[%get3A_743, %get3A_744, %get3A_745] {strides = array<i32>} : memref<4x128x128xf32, #tpu.memory_space<vmem>>, vector<1x1x16xf32>,
        %get3A_747 = vector.shape_cast %get3A_746 : vector<1x1x16xf32> to vector<16xf32>
        %mul3A_748 = arith.constant 8 : i32
        %mul3A_749 = arith.muli %scan3A_319, %mul3A_748 : i32
        %add3A_750 = arith.constant 3 : i32
        %add3A_751 = arith.addi %mul3A_749, %add3A_750 : i32
        %get3A_752 = arith.index_cast %add3A_751 : i32 to index
        %get3A_753 = arith.constant 48 : index
        %get3A_754 = tpu.vector_load %arg8[%get3A_752, %get3A_753] {strides = array<i32>} : memref<128x64xf32, #tpu.memory_space<vmem>>, vector<1x16xf32>,
        %get3A_755 = vector.shape_cast %get3A_754 : vector<1x16xf32> to vector<16xf32>
        %add3A_756 = arith.addf %get3A_747, %get3A_755 : vector<16xf32>
        %swap3A_757 = arith.constant 0 : i32
        %swap3A_758 = arith.constant 3 : i32
        %swap3A_759 = arith.index_cast %swap3A_757 : i32 to index
        %swap3A_760 = arith.index_cast %scan3A_319 : i32 to index
        %swap3A_761 = arith.index_cast %swap3A_758 : i32 to index
        %swap3A_762 = arith.constant 48 : index
        %swap3A_763 = tpu.vector_load %arg10[%swap3A_759, %swap3A_760, %swap3A_761, %swap3A_762] {strides = array<i32>} : memref<2x16x8x64xf32, #tpu.memory_space<vmem>>, vector<1x1x1x16xf32>,
        %swap3A_764 = vector.shape_cast %swap3A_763 : vector<1x1x1x16xf32> to vector<16xf32>
        %swap3A_765 = vector.shape_cast %add3A_756 : vector<16xf32> to vector<1x1x1x16xf32>
        tpu.vector_store %arg10[%swap3A_759, %swap3A_760, %swap3A_761, %swap3A_762], %swap3A_765 {strides = array<i32>} : memref<2x16x8x64xf32, #tpu.memory_space<vmem>>, vector<1x1x1x16xf32>,
        %mul3A_766 = arith.constant 8 : i32
        %mul3A_767 = arith.muli %scan3A_319, %mul3A_766 : i32
        %add3A_768 = arith.constant 4 : i32
        %add3A_769 = arith.addi %mul3A_767, %add3A_768 : i32
        %get3A_770 = arith.constant 2 : i32
        %get3A_771 = arith.index_cast %get3A_770 : i32 to index
        %get3A_772 = arith.index_cast %add3A_769 : i32 to index
        %get3A_773 = arith.constant 0 : index
        %get3A_774 = tpu.vector_load %arg9[%get3A_771, %get3A_772, %get3A_773] {strides = array<i32>} : memref<4x128x128xf32, #tpu.memory_space<vmem>>, vector<1x1x16xf32>,
        %get3A_775 = vector.shape_cast %get3A_774 : vector<1x1x16xf32> to vector<16xf32>
        %mul3A_776 = arith.constant 8 : i32
        %mul3A_777 = arith.muli %scan3A_319, %mul3A_776 : i32
        %add3A_778 = arith.constant 4 : i32
        %add3A_779 = arith.addi %mul3A_777, %add3A_778 : i32
        %get3A_780 = arith.index_cast %add3A_779 : i32 to index
        %get3A_781 = arith.constant 0 : index
        %get3A_782 = tpu.vector_load %arg8[%get3A_780, %get3A_781] {strides = array<i32>} : memref<128x64xf32, #tpu.memory_space<vmem>>, vector<1x16xf32>,
        %get3A_783 = vector.shape_cast %get3A_782 : vector<1x16xf32> to vector<16xf32>
        %add3A_784 = arith.addf %get3A_775, %get3A_783 : vector<16xf32>
        %swap3A_785 = arith.constant 0 : i32
        %swap3A_786 = arith.constant 4 : i32
        %swap3A_787 = arith.index_cast %swap3A_785 : i32 to index
        %swap3A_788 = arith.index_cast %scan3A_319 : i32 to index
        %swap3A_789 = arith.index_cast %swap3A_786 : i32 to index
        %swap3A_790 = arith.constant 0 : index
        %swap3A_791 = tpu.vector_load %arg10[%swap3A_787, %swap3A_788, %swap3A_789, %swap3A_790] {strides = array<i32>} : memref<2x16x8x64xf32, #tpu.memory_space<vmem>>, vector<1x1x1x16xf32>,
        %swap3A_792 = vector.shape_cast %swap3A_791 : vector<1x1x1x16xf32> to vector<16xf32>
        %swap3A_793 = vector.shape_cast %add3A_784 : vector<16xf32> to vector<1x1x1x16xf32>
        tpu.vector_store %arg10[%swap3A_787, %swap3A_788, %swap3A_789, %swap3A_790], %swap3A_793 {strides = array<i32>} : memref<2x16x8x64xf32, #tpu.memory_space<vmem>>, vector<1x1x1x16xf32>,
        %mul3A_794 = arith.constant 8 : i32
        %mul3A_795 = arith.muli %scan3A_319, %mul3A_794 : i32
        %add3A_796 = arith.constant 4 : i32
        %add3A_797 = arith.addi %mul3A_795, %add3A_796 : i32
        %get3A_798 = arith.constant 2 : i32
        %get3A_799 = arith.index_cast %get3A_798 : i32 to index
        %get3A_800 = arith.index_cast %add3A_797 : i32 to index
        %get3A_801 = arith.constant 16 : index
        %get3A_802 = tpu.vector_load %arg9[%get3A_799, %get3A_800, %get3A_801] {strides = array<i32>} : memref<4x128x128xf32, #tpu.memory_space<vmem>>, vector<1x1x16xf32>,
        %get3A_803 = vector.shape_cast %get3A_802 : vector<1x1x16xf32> to vector<16xf32>
        %mul3A_804 = arith.constant 8 : i32
        %mul3A_805 = arith.muli %scan3A_319, %mul3A_804 : i32
        %add3A_806 = arith.constant 4 : i32
        %add3A_807 = arith.addi %mul3A_805, %add3A_806 : i32
        %get3A_808 = arith.index_cast %add3A_807 : i32 to index
        %get3A_809 = arith.constant 16 : index
        %get3A_810 = tpu.vector_load %arg8[%get3A_808, %get3A_809] {strides = array<i32>} : memref<128x64xf32, #tpu.memory_space<vmem>>, vector<1x16xf32>,
        %get3A_811 = vector.shape_cast %get3A_810 : vector<1x16xf32> to vector<16xf32>
        %add3A_812 = arith.addf %get3A_803, %get3A_811 : vector<16xf32>
        %swap3A_813 = arith.constant 0 : i32
        %swap3A_814 = arith.constant 4 : i32
        %swap3A_815 = arith.index_cast %swap3A_813 : i32 to index
        %swap3A_816 = arith.index_cast %scan3A_319 : i32 to index
        %swap3A_817 = arith.index_cast %swap3A_814 : i32 to index
        %swap3A_818 = arith.constant 16 : index
        %swap3A_819 = tpu.vector_load %arg10[%swap3A_815, %swap3A_816, %swap3A_817, %swap3A_818] {strides = array<i32>} : memref<2x16x8x64xf32, #tpu.memory_space<vmem>>, vector<1x1x1x16xf32>,
        %swap3A_820 = vector.shape_cast %swap3A_819 : vector<1x1x1x16xf32> to vector<16xf32>
        %swap3A_821 = vector.shape_cast %add3A_812 : vector<16xf32> to vector<1x1x1x16xf32>
        tpu.vector_store %arg10[%swap3A_815, %swap3A_816, %swap3A_817, %swap3A_818], %swap3A_821 {strides = array<i32>} : memref<2x16x8x64xf32, #tpu.memory_space<vmem>>, vector<1x1x1x16xf32>,
        %mul3A_822 = arith.constant 8 : i32
        %mul3A_823 = arith.muli %scan3A_319, %mul3A_822 : i32
        %add3A_824 = arith.constant 4 : i32
        %add3A_825 = arith.addi %mul3A_823, %add3A_824 : i32
        %get3A_826 = arith.constant 2 : i32
        %get3A_827 = arith.index_cast %get3A_826 : i32 to index
        %get3A_828 = arith.index_cast %add3A_825 : i32 to index
        %get3A_829 = arith.constant 32 : index
        %get3A_830 = tpu.vector_load %arg9[%get3A_827, %get3A_828, %get3A_829] {strides = array<i32>} : memref<4x128x128xf32, #tpu.memory_space<vmem>>, vector<1x1x16xf32>,
        %get3A_831 = vector.shape_cast %get3A_830 : vector<1x1x16xf32> to vector<16xf32>
        %mul3A_832 = arith.constant 8 : i32
        %mul3A_833 = arith.muli %scan3A_319, %mul3A_832 : i32
        %add3A_834 = arith.constant 4 : i32
        %add3A_835 = arith.addi %mul3A_833, %add3A_834 : i32
        %get3A_836 = arith.index_cast %add3A_835 : i32 to index
        %get3A_837 = arith.constant 32 : index
        %get3A_838 = tpu.vector_load %arg8[%get3A_836, %get3A_837] {strides = array<i32>} : memref<128x64xf32, #tpu.memory_space<vmem>>, vector<1x16xf32>,
        %get3A_839 = vector.shape_cast %get3A_838 : vector<1x16xf32> to vector<16xf32>
        %add3A_840 = arith.addf %get3A_831, %get3A_839 : vector<16xf32>
        %swap3A_841 = arith.constant 0 : i32
        %swap3A_842 = arith.constant 4 : i32
        %swap3A_843 = arith.index_cast %swap3A_841 : i32 to index
        %swap3A_844 = arith.index_cast %scan3A_319 : i32 to index
        %swap3A_845 = arith.index_cast %swap3A_842 : i32 to index
        %swap3A_846 = arith.constant 32 : index
        %swap3A_847 = tpu.vector_load %arg10[%swap3A_843, %swap3A_844, %swap3A_845, %swap3A_846] {strides = array<i32>} : memref<2x16x8x64xf32, #tpu.memory_space<vmem>>, vector<1x1x1x16xf32>,
        %swap3A_848 = vector.shape_cast %swap3A_847 : vector<1x1x1x16xf32> to vector<16xf32>
        %swap3A_849 = vector.shape_cast %add3A_840 : vector<16xf32> to vector<1x1x1x16xf32>
        tpu.vector_store %arg10[%swap3A_843, %swap3A_844, %swap3A_845, %swap3A_846], %swap3A_849 {strides = array<i32>} : memref<2x16x8x64xf32, #tpu.memory_space<vmem>>, vector<1x1x1x16xf32>,
        %mul3A_850 = arith.constant 8 : i32
        %mul3A_851 = arith.muli %scan3A_319, %mul3A_850 : i32
        %add3A_852 = arith.constant 4 : i32
        %add3A_853 = arith.addi %mul3A_851, %add3A_852 : i32
        %get3A_854 = arith.constant 2 : i32
        %get3A_855 = arith.index_cast %get3A_854 : i32 to index
        %get3A_856 = arith.index_cast %add3A_853 : i32 to index
        %get3A_857 = arith.constant 48 : index
        %get3A_858 = tpu.vector_load %arg9[%get3A_855, %get3A_856, %get3A_857] {strides = array<i32>} : memref<4x128x128xf32, #tpu.memory_space<vmem>>, vector<1x1x16xf32>,
        %get3A_859 = vector.shape_cast %get3A_858 : vector<1x1x16xf32> to vector<16xf32>
        %mul3A_860 = arith.constant 8 : i32
        %mul3A_861 = arith.muli %scan3A_319, %mul3A_860 : i32
        %add3A_862 = arith.constant 4 : i32
        %add3A_863 = arith.addi %mul3A_861, %add3A_862 : i32
        %get3A_864 = arith.index_cast %add3A_863 : i32 to index
        %get3A_865 = arith.constant 48 : index
        %get3A_866 = tpu.vector_load %arg8[%get3A_864, %get3A_865] {strides = array<i32>} : memref<128x64xf32, #tpu.memory_space<vmem>>, vector<1x16xf32>,
        %get3A_867 = vector.shape_cast %get3A_866 : vector<1x16xf32> to vector<16xf32>
        %add3A_868 = arith.addf %get3A_859, %get3A_867 : vector<16xf32>
        %swap3A_869 = arith.constant 0 : i32
        %swap3A_870 = arith.constant 4 : i32
        %swap3A_871 = arith.index_cast %swap3A_869 : i32 to index
        %swap3A_872 = arith.index_cast %scan3A_319 : i32 to index
        %swap3A_873 = arith.index_cast %swap3A_870 : i32 to index
        %swap3A_874 = arith.constant 48 : index
        %swap3A_875 = tpu.vector_load %arg10[%swap3A_871, %swap3A_872, %swap3A_873, %swap3A_874] {strides = array<i32>} : memref<2x16x8x64xf32, #tpu.memory_space<vmem>>, vector<1x1x1x16xf32>,
        %swap3A_876 = vector.shape_cast %swap3A_875 : vector<1x1x1x16xf32> to vector<16xf32>
        %swap3A_877 = vector.shape_cast %add3A_868 : vector<16xf32> to vector<1x1x1x16xf32>
        tpu.vector_store %arg10[%swap3A_871, %swap3A_872, %swap3A_873, %swap3A_874], %swap3A_877 {strides = array<i32>} : memref<2x16x8x64xf32, #tpu.memory_space<vmem>>, vector<1x1x1x16xf32>,
        %mul3A_878 = arith.constant 8 : i32
        %mul3A_879 = arith.muli %scan3A_319, %mul3A_878 : i32
        %add3A_880 = arith.constant 5 : i32
        %add3A_881 = arith.addi %mul3A_879, %add3A_880 : i32
        %get3A_882 = arith.constant 2 : i32
        %get3A_883 = arith.index_cast %get3A_882 : i32 to index
        %get3A_884 = arith.index_cast %add3A_881 : i32 to index
        %get3A_885 = arith.constant 0 : index
        %get3A_886 = tpu.vector_load %arg9[%get3A_883, %get3A_884, %get3A_885] {strides = array<i32>} : memref<4x128x128xf32, #tpu.memory_space<vmem>>, vector<1x1x16xf32>,
        %get3A_887 = vector.shape_cast %get3A_886 : vector<1x1x16xf32> to vector<16xf32>
        %mul3A_888 = arith.constant 8 : i32
        %mul3A_889 = arith.muli %scan3A_319, %mul3A_888 : i32
        %add3A_890 = arith.constant 5 : i32
        %add3A_891 = arith.addi %mul3A_889, %add3A_890 : i32
        %get3A_892 = arith.index_cast %add3A_891 : i32 to index
        %get3A_893 = arith.constant 0 : index
        %get3A_894 = tpu.vector_load %arg8[%get3A_892, %get3A_893] {strides = array<i32>} : memref<128x64xf32, #tpu.memory_space<vmem>>, vector<1x16xf32>,
        %get3A_895 = vector.shape_cast %get3A_894 : vector<1x16xf32> to vector<16xf32>
        %add3A_896 = arith.addf %get3A_887, %get3A_895 : vector<16xf32>
        %swap3A_897 = arith.constant 0 : i32
        %swap3A_898 = arith.constant 5 : i32
        %swap3A_899 = arith.index_cast %swap3A_897 : i32 to index
        %swap3A_900 = arith.index_cast %scan3A_319 : i32 to index
        %swap3A_901 = arith.index_cast %swap3A_898 : i32 to index
        %swap3A_902 = arith.constant 0 : index
        %swap3A_903 = tpu.vector_load %arg10[%swap3A_899, %swap3A_900, %swap3A_901, %swap3A_902] {strides = array<i32>} : memref<2x16x8x64xf32, #tpu.memory_space<vmem>>, vector<1x1x1x16xf32>,
        %swap3A_904 = vector.shape_cast %swap3A_903 : vector<1x1x1x16xf32> to vector<16xf32>
        %swap3A_905 = vector.shape_cast %add3A_896 : vector<16xf32> to vector<1x1x1x16xf32>
        tpu.vector_store %arg10[%swap3A_899, %swap3A_900, %swap3A_901, %swap3A_902], %swap3A_905 {strides = array<i32>} : memref<2x16x8x64xf32, #tpu.memory_space<vmem>>, vector<1x1x1x16xf32>,
        %mul3A_906 = arith.constant 8 : i32
        %mul3A_907 = arith.muli %scan3A_319, %mul3A_906 : i32
        %add3A_908 = arith.constant 5 : i32
        %add3A_909 = arith.addi %mul3A_907, %add3A_908 : i32
        %get3A_910 = arith.constant 2 : i32
        %get3A_911 = arith.index_cast %get3A_910 : i32 to index
        %get3A_912 = arith.index_cast %add3A_909 : i32 to index
        %get3A_913 = arith.constant 16 : index
        %get3A_914 = tpu.vector_load %arg9[%get3A_911, %get3A_912, %get3A_913] {strides = array<i32>} : memref<4x128x128xf32, #tpu.memory_space<vmem>>, vector<1x1x16xf32>,
        %get3A_915 = vector.shape_cast %get3A_914 : vector<1x1x16xf32> to vector<16xf32>
        %mul3A_916 = arith.constant 8 : i32
        %mul3A_917 = arith.muli %scan3A_319, %mul3A_916 : i32
        %add3A_918 = arith.constant 5 : i32
        %add3A_919 = arith.addi %mul3A_917, %add3A_918 : i32
        %get3A_920 = arith.index_cast %add3A_919 : i32 to index
        %get3A_921 = arith.constant 16 : index
        %get3A_922 = tpu.vector_load %arg8[%get3A_920, %get3A_921] {strides = array<i32>} : memref<128x64xf32, #tpu.memory_space<vmem>>, vector<1x16xf32>,
        %get3A_923 = vector.shape_cast %get3A_922 : vector<1x16xf32> to vector<16xf32>
        %add3A_924 = arith.addf %get3A_915, %get3A_923 : vector<16xf32>
        %swap3A_925 = arith.constant 0 : i32
        %swap3A_926 = arith.constant 5 : i32
        %swap3A_927 = arith.index_cast %swap3A_925 : i32 to index
        %swap3A_928 = arith.index_cast %scan3A_319 : i32 to index
        %swap3A_929 = arith.index_cast %swap3A_926 : i32 to index
        %swap3A_930 = arith.constant 16 : index
        %swap3A_931 = tpu.vector_load %arg10[%swap3A_927, %swap3A_928, %swap3A_929, %swap3A_930] {strides = array<i32>} : memref<2x16x8x64xf32, #tpu.memory_space<vmem>>, vector<1x1x1x16xf32>,
        %swap3A_932 = vector.shape_cast %swap3A_931 : vector<1x1x1x16xf32> to vector<16xf32>
        %swap3A_933 = vector.shape_cast %add3A_924 : vector<16xf32> to vector<1x1x1x16xf32>
        tpu.vector_store %arg10[%swap3A_927, %swap3A_928, %swap3A_929, %swap3A_930], %swap3A_933 {strides = array<i32>} : memref<2x16x8x64xf32, #tpu.memory_space<vmem>>, vector<1x1x1x16xf32>,
        %mul3A_934 = arith.constant 8 : i32
        %mul3A_935 = arith.muli %scan3A_319, %mul3A_934 : i32
        %add3A_936 = arith.constant 5 : i32
        %add3A_937 = arith.addi %mul3A_935, %add3A_936 : i32
        %get3A_938 = arith.constant 2 : i32
        %get3A_939 = arith.index_cast %get3A_938 : i32 to index
        %get3A_940 = arith.index_cast %add3A_937 : i32 to index
        %get3A_941 = arith.constant 32 : index
        %get3A_942 = tpu.vector_load %arg9[%get3A_939, %get3A_940, %get3A_941] {strides = array<i32>} : memref<4x128x128xf32, #tpu.memory_space<vmem>>, vector<1x1x16xf32>,
        %get3A_943 = vector.shape_cast %get3A_942 : vector<1x1x16xf32> to vector<16xf32>
        %mul3A_944 = arith.constant 8 : i32
        %mul3A_945 = arith.muli %scan3A_319, %mul3A_944 : i32
        %add3A_946 = arith.constant 5 : i32
        %add3A_947 = arith.addi %mul3A_945, %add3A_946 : i32
        %get3A_948 = arith.index_cast %add3A_947 : i32 to index
        %get3A_949 = arith.constant 32 : index
        %get3A_950 = tpu.vector_load %arg8[%get3A_948, %get3A_949] {strides = array<i32>} : memref<128x64xf32, #tpu.memory_space<vmem>>, vector<1x16xf32>,
        %get3A_951 = vector.shape_cast %get3A_950 : vector<1x16xf32> to vector<16xf32>
        %add3A_952 = arith.addf %get3A_943, %get3A_951 : vector<16xf32>
        %swap3A_953 = arith.constant 0 : i32
        %swap3A_954 = arith.constant 5 : i32
        %swap3A_955 = arith.index_cast %swap3A_953 : i32 to index
        %swap3A_956 = arith.index_cast %scan3A_319 : i32 to index
        %swap3A_957 = arith.index_cast %swap3A_954 : i32 to index
        %swap3A_958 = arith.constant 32 : index
        %swap3A_959 = tpu.vector_load %arg10[%swap3A_955, %swap3A_956, %swap3A_957, %swap3A_958] {strides = array<i32>} : memref<2x16x8x64xf32, #tpu.memory_space<vmem>>, vector<1x1x1x16xf32>,
        %swap3A_960 = vector.shape_cast %swap3A_959 : vector<1x1x1x16xf32> to vector<16xf32>
        %swap3A_961 = vector.shape_cast %add3A_952 : vector<16xf32> to vector<1x1x1x16xf32>
        tpu.vector_store %arg10[%swap3A_955, %swap3A_956, %swap3A_957, %swap3A_958], %swap3A_961 {strides = array<i32>} : memref<2x16x8x64xf32, #tpu.memory_space<vmem>>, vector<1x1x1x16xf32>,
        %mul3A_962 = arith.constant 8 : i32
        %mul3A_963 = arith.muli %scan3A_319, %mul3A_962 : i32
        %add3A_964 = arith.constant 5 : i32
        %add3A_965 = arith.addi %mul3A_963, %add3A_964 : i32
        %get3A_966 = arith.constant 2 : i32
        %get3A_967 = arith.index_cast %get3A_966 : i32 to index
        %get3A_968 = arith.index_cast %add3A_965 : i32 to index
        %get3A_969 = arith.constant 48 : index
        %get3A_970 = tpu.vector_load %arg9[%get3A_967, %get3A_968, %get3A_969] {strides = array<i32>} : memref<4x128x128xf32, #tpu.memory_space<vmem>>, vector<1x1x16xf32>,
        %get3A_971 = vector.shape_cast %get3A_970 : vector<1x1x16xf32> to vector<16xf32>
        %mul3A_972 = arith.constant 8 : i32
        %mul3A_973 = arith.muli %scan3A_319, %mul3A_972 : i32
        %add3A_974 = arith.constant 5 : i32
        %add3A_975 = arith.addi %mul3A_973, %add3A_974 : i32
        %get3A_976 = arith.index_cast %add3A_975 : i32 to index
        %get3A_977 = arith.constant 48 : index
        %get3A_978 = tpu.vector_load %arg8[%get3A_976, %get3A_977] {strides = array<i32>} : memref<128x64xf32, #tpu.memory_space<vmem>>, vector<1x16xf32>,
        %get3A_979 = vector.shape_cast %get3A_978 : vector<1x16xf32> to vector<16xf32>
        %add3A_980 = arith.addf %get3A_971, %get3A_979 : vector<16xf32>
        %swap3A_981 = arith.constant 0 : i32
        %swap3A_982 = arith.constant 5 : i32
        %swap3A_983 = arith.index_cast %swap3A_981 : i32 to index
        %swap3A_984 = arith.index_cast %scan3A_319 : i32 to index
        %swap3A_985 = arith.index_cast %swap3A_982 : i32 to index
        %swap3A_986 = arith.constant 48 : index
        %swap3A_987 = tpu.vector_load %arg10[%swap3A_983, %swap3A_984, %swap3A_985, %swap3A_986] {strides = array<i32>} : memref<2x16x8x64xf32, #tpu.memory_space<vmem>>, vector<1x1x1x16xf32>,
        %swap3A_988 = vector.shape_cast %swap3A_987 : vector<1x1x1x16xf32> to vector<16xf32>
        %swap3A_989 = vector.shape_cast %add3A_980 : vector<16xf32> to vector<1x1x1x16xf32>
        tpu.vector_store %arg10[%swap3A_983, %swap3A_984, %swap3A_985, %swap3A_986], %swap3A_989 {strides = array<i32>} : memref<2x16x8x64xf32, #tpu.memory_space<vmem>>, vector<1x1x1x16xf32>,
        %mul3A_990 = arith.constant 8 : i32
        %mul3A_991 = arith.muli %scan3A_319, %mul3A_990 : i32
        %add3A_992 = arith.constant 6 : i32
        %add3A_993 = arith.addi %mul3A_991, %add3A_992 : i32
        %get3A_994 = arith.constant 2 : i32
        %get3A_995 = arith.index_cast %get3A_994 : i32 to index
        %get3A_996 = arith.index_cast %add3A_993 : i32 to index
        %get3A_997 = arith.constant 0 : index
        %get3A_998 = tpu.vector_load %arg9[%get3A_995, %get3A_996, %get3A_997] {strides = array<i32>} : memref<4x128x128xf32, #tpu.memory_space<vmem>>, vector<1x1x16xf32>,
        %get3A_999 = vector.shape_cast %get3A_998 : vector<1x1x16xf32> to vector<16xf32>
        %mul3A_1000 = arith.constant 8 : i32
        %mul3A_1001 = arith.muli %scan3A_319, %mul3A_1000 : i32
        %add3A_1002 = arith.constant 6 : i32
        %add3A_1003 = arith.addi %mul3A_1001, %add3A_1002 : i32
        %get3A_1004 = arith.index_cast %add3A_1003 : i32 to index
        %get3A_1005 = arith.constant 0 : index
        %get3A_1006 = tpu.vector_load %arg8[%get3A_1004, %get3A_1005] {strides = array<i32>} : memref<128x64xf32, #tpu.memory_space<vmem>>, vector<1x16xf32>,
        %get3A_1007 = vector.shape_cast %get3A_1006 : vector<1x16xf32> to vector<16xf32>
        %add3A_1008 = arith.addf %get3A_999, %get3A_1007 : vector<16xf32>
        %swap3A_1009 = arith.constant 0 : i32
        %swap3A_1010 = arith.constant 6 : i32
        %swap3A_1011 = arith.index_cast %swap3A_1009 : i32 to index
        %swap3A_1012 = arith.index_cast %scan3A_319 : i32 to index
        %swap3A_1013 = arith.index_cast %swap3A_1010 : i32 to index
        %swap3A_1014 = arith.constant 0 : index
        %swap3A_1015 = tpu.vector_load %arg10[%swap3A_1011, %swap3A_1012, %swap3A_1013, %swap3A_1014] {strides = array<i32>} : memref<2x16x8x64xf32, #tpu.memory_space<vmem>>, vector<1x1x1x16xf32>,
        %swap3A_1016 = vector.shape_cast %swap3A_1015 : vector<1x1x1x16xf32> to vector<16xf32>
        %swap3A_1017 = vector.shape_cast %add3A_1008 : vector<16xf32> to vector<1x1x1x16xf32>
        tpu.vector_store %arg10[%swap3A_1011, %swap3A_1012, %swap3A_1013, %swap3A_1014], %swap3A_1017 {strides = array<i32>} : memref<2x16x8x64xf32, #tpu.memory_space<vmem>>, vector<1x1x1x16xf32>,
        %mul3A_1018 = arith.constant 8 : i32
        %mul3A_1019 = arith.muli %scan3A_319, %mul3A_1018 : i32
        %add3A_1020 = arith.constant 6 : i32
        %add3A_1021 = arith.addi %mul3A_1019, %add3A_1020 : i32
        %get3A_1022 = arith.constant 2 : i32
        %get3A_1023 = arith.index_cast %get3A_1022 : i32 to index
        %get3A_1024 = arith.index_cast %add3A_1021 : i32 to index
        %get3A_1025 = arith.constant 16 : index
        %get3A_1026 = tpu.vector_load %arg9[%get3A_1023, %get3A_1024, %get3A_1025] {strides = array<i32>} : memref<4x128x128xf32, #tpu.memory_space<vmem>>, vector<1x1x16xf32>,
        %get3A_1027 = vector.shape_cast %get3A_1026 : vector<1x1x16xf32> to vector<16xf32>
        %mul3A_1028 = arith.constant 8 : i32
        %mul3A_1029 = arith.muli %scan3A_319, %mul3A_1028 : i32
        %add3A_1030 = arith.constant 6 : i32
        %add3A_1031 = arith.addi %mul3A_1029, %add3A_1030 : i32
        %get3A_1032 = arith.index_cast %add3A_1031 : i32 to index
        %get3A_1033 = arith.constant 16 : index
        %get3A_1034 = tpu.vector_load %arg8[%get3A_1032, %get3A_1033] {strides = array<i32>} : memref<128x64xf32, #tpu.memory_space<vmem>>, vector<1x16xf32>,
        %get3A_1035 = vector.shape_cast %get3A_1034 : vector<1x16xf32> to vector<16xf32>
        %add3A_1036 = arith.addf %get3A_1027, %get3A_1035 : vector<16xf32>
        %swap3A_1037 = arith.constant 0 : i32
        %swap3A_1038 = arith.constant 6 : i32
        %swap3A_1039 = arith.index_cast %swap3A_1037 : i32 to index
        %swap3A_1040 = arith.index_cast %scan3A_319 : i32 to index
        %swap3A_1041 = arith.index_cast %swap3A_1038 : i32 to index
        %swap3A_1042 = arith.constant 16 : index
        %swap3A_1043 = tpu.vector_load %arg10[%swap3A_1039, %swap3A_1040, %swap3A_1041, %swap3A_1042] {strides = array<i32>} : memref<2x16x8x64xf32, #tpu.memory_space<vmem>>, vector<1x1x1x16xf32>,
        %swap3A_1044 = vector.shape_cast %swap3A_1043 : vector<1x1x1x16xf32> to vector<16xf32>
        %swap3A_1045 = vector.shape_cast %add3A_1036 : vector<16xf32> to vector<1x1x1x16xf32>
        tpu.vector_store %arg10[%swap3A_1039, %swap3A_1040, %swap3A_1041, %swap3A_1042], %swap3A_1045 {strides = array<i32>} : memref<2x16x8x64xf32, #tpu.memory_space<vmem>>, vector<1x1x1x16xf32>,
        %mul3A_1046 = arith.constant 8 : i32
        %mul3A_1047 = arith.muli %scan3A_319, %mul3A_1046 : i32
        %add3A_1048 = arith.constant 6 : i32
        %add3A_1049 = arith.addi %mul3A_1047, %add3A_1048 : i32
        %get3A_1050 = arith.constant 2 : i32
        %get3A_1051 = arith.index_cast %get3A_1050 : i32 to index
        %get3A_1052 = arith.index_cast %add3A_1049 : i32 to index
        %get3A_1053 = arith.constant 32 : index
        %get3A_1054 = tpu.vector_load %arg9[%get3A_1051, %get3A_1052, %get3A_1053] {strides = array<i32>} : memref<4x128x128xf32, #tpu.memory_space<vmem>>, vector<1x1x16xf32>,
        %get3A_1055 = vector.shape_cast %get3A_1054 : vector<1x1x16xf32> to vector<16xf32>
        %mul3A_1056 = arith.constant 8 : i32
        %mul3A_1057 = arith.muli %scan3A_319, %mul3A_1056 : i32
        %add3A_1058 = arith.constant 6 : i32
        %add3A_1059 = arith.addi %mul3A_1057, %add3A_1058 : i32
        %get3A_1060 = arith.index_cast %add3A_1059 : i32 to index
        %get3A_1061 = arith.constant 32 : index
        %get3A_1062 = tpu.vector_load %arg8[%get3A_1060, %get3A_1061] {strides = array<i32>} : memref<128x64xf32, #tpu.memory_space<vmem>>, vector<1x16xf32>,
        %get3A_1063 = vector.shape_cast %get3A_1062 : vector<1x16xf32> to vector<16xf32>
        %add3A_1064 = arith.addf %get3A_1055, %get3A_1063 : vector<16xf32>
        %swap3A_1065 = arith.constant 0 : i32
        %swap3A_1066 = arith.constant 6 : i32
        %swap3A_1067 = arith.index_cast %swap3A_1065 : i32 to index
        %swap3A_1068 = arith.index_cast %scan3A_319 : i32 to index
        %swap3A_1069 = arith.index_cast %swap3A_1066 : i32 to index
        %swap3A_1070 = arith.constant 32 : index
        %swap3A_1071 = tpu.vector_load %arg10[%swap3A_1067, %swap3A_1068, %swap3A_1069, %swap3A_1070] {strides = array<i32>} : memref<2x16x8x64xf32, #tpu.memory_space<vmem>>, vector<1x1x1x16xf32>,
        %swap3A_1072 = vector.shape_cast %swap3A_1071 : vector<1x1x1x16xf32> to vector<16xf32>
        %swap3A_1073 = vector.shape_cast %add3A_1064 : vector<16xf32> to vector<1x1x1x16xf32>
        tpu.vector_store %arg10[%swap3A_1067, %swap3A_1068, %swap3A_1069, %swap3A_1070], %swap3A_1073 {strides = array<i32>} : memref<2x16x8x64xf32, #tpu.memory_space<vmem>>, vector<1x1x1x16xf32>,
        %mul3A_1074 = arith.constant 8 : i32
        %mul3A_1075 = arith.muli %scan3A_319, %mul3A_1074 : i32
        %add3A_1076 = arith.constant 6 : i32
        %add3A_1077 = arith.addi %mul3A_1075, %add3A_1076 : i32
        %get3A_1078 = arith.constant 2 : i32
        %get3A_1079 = arith.index_cast %get3A_1078 : i32 to index
        %get3A_1080 = arith.index_cast %add3A_1077 : i32 to index
        %get3A_1081 = arith.constant 48 : index
        %get3A_1082 = tpu.vector_load %arg9[%get3A_1079, %get3A_1080, %get3A_1081] {strides = array<i32>} : memref<4x128x128xf32, #tpu.memory_space<vmem>>, vector<1x1x16xf32>,
        %get3A_1083 = vector.shape_cast %get3A_1082 : vector<1x1x16xf32> to vector<16xf32>
        %mul3A_1084 = arith.constant 8 : i32
        %mul3A_1085 = arith.muli %scan3A_319, %mul3A_1084 : i32
        %add3A_1086 = arith.constant 6 : i32
        %add3A_1087 = arith.addi %mul3A_1085, %add3A_1086 : i32
        %get3A_1088 = arith.index_cast %add3A_1087 : i32 to index
        %get3A_1089 = arith.constant 48 : index
        %get3A_1090 = tpu.vector_load %arg8[%get3A_1088, %get3A_1089] {strides = array<i32>} : memref<128x64xf32, #tpu.memory_space<vmem>>, vector<1x16xf32>,
        %get3A_1091 = vector.shape_cast %get3A_1090 : vector<1x16xf32> to vector<16xf32>
        %add3A_1092 = arith.addf %get3A_1083, %get3A_1091 : vector<16xf32>
        %swap3A_1093 = arith.constant 0 : i32
        %swap3A_1094 = arith.constant 6 : i32
        %swap3A_1095 = arith.index_cast %swap3A_1093 : i32 to index
        %swap3A_1096 = arith.index_cast %scan3A_319 : i32 to index
        %swap3A_1097 = arith.index_cast %swap3A_1094 : i32 to index
        %swap3A_1098 = arith.constant 48 : index
        %swap3A_1099 = tpu.vector_load %arg10[%swap3A_1095, %swap3A_1096, %swap3A_1097, %swap3A_1098] {strides = array<i32>} : memref<2x16x8x64xf32, #tpu.memory_space<vmem>>, vector<1x1x1x16xf32>,
        %swap3A_1100 = vector.shape_cast %swap3A_1099 : vector<1x1x1x16xf32> to vector<16xf32>
        %swap3A_1101 = vector.shape_cast %add3A_1092 : vector<16xf32> to vector<1x1x1x16xf32>
        tpu.vector_store %arg10[%swap3A_1095, %swap3A_1096, %swap3A_1097, %swap3A_1098], %swap3A_1101 {strides = array<i32>} : memref<2x16x8x64xf32, #tpu.memory_space<vmem>>, vector<1x1x1x16xf32>,
        %mul3A_1102 = arith.constant 8 : i32
        %mul3A_1103 = arith.muli %scan3A_319, %mul3A_1102 : i32
        %add3A_1104 = arith.constant 7 : i32
        %add3A_1105 = arith.addi %mul3A_1103, %add3A_1104 : i32
        %get3A_1106 = arith.constant 2 : i32
        %get3A_1107 = arith.index_cast %get3A_1106 : i32 to index
        %get3A_1108 = arith.index_cast %add3A_1105 : i32 to index
        %get3A_1109 = arith.constant 0 : index
        %get3A_1110 = tpu.vector_load %arg9[%get3A_1107, %get3A_1108, %get3A_1109] {strides = array<i32>} : memref<4x128x128xf32, #tpu.memory_space<vmem>>, vector<1x1x16xf32>,
        %get3A_1111 = vector.shape_cast %get3A_1110 : vector<1x1x16xf32> to vector<16xf32>
        %mul3A_1112 = arith.constant 8 : i32
        %mul3A_1113 = arith.muli %scan3A_319, %mul3A_1112 : i32
        %add3A_1114 = arith.constant 7 : i32
        %add3A_1115 = arith.addi %mul3A_1113, %add3A_1114 : i32
        %get3A_1116 = arith.index_cast %add3A_1115 : i32 to index
        %get3A_1117 = arith.constant 0 : index
        %get3A_1118 = tpu.vector_load %arg8[%get3A_1116, %get3A_1117] {strides = array<i32>} : memref<128x64xf32, #tpu.memory_space<vmem>>, vector<1x16xf32>,
        %get3A_1119 = vector.shape_cast %get3A_1118 : vector<1x16xf32> to vector<16xf32>
        %add3A_1120 = arith.addf %get3A_1111, %get3A_1119 : vector<16xf32>
        %swap3A_1121 = arith.constant 0 : i32
        %swap3A_1122 = arith.constant 7 : i32
        %swap3A_1123 = arith.index_cast %swap3A_1121 : i32 to index
        %swap3A_1124 = arith.index_cast %scan3A_319 : i32 to index
        %swap3A_1125 = arith.index_cast %swap3A_1122 : i32 to index
        %swap3A_1126 = arith.constant 0 : index
        %swap3A_1127 = tpu.vector_load %arg10[%swap3A_1123, %swap3A_1124, %swap3A_1125, %swap3A_1126] {strides = array<i32>} : memref<2x16x8x64xf32, #tpu.memory_space<vmem>>, vector<1x1x1x16xf32>,
        %swap3A_1128 = vector.shape_cast %swap3A_1127 : vector<1x1x1x16xf32> to vector<16xf32>
        %swap3A_1129 = vector.shape_cast %add3A_1120 : vector<16xf32> to vector<1x1x1x16xf32>
        tpu.vector_store %arg10[%swap3A_1123, %swap3A_1124, %swap3A_1125, %swap3A_1126], %swap3A_1129 {strides = array<i32>} : memref<2x16x8x64xf32, #tpu.memory_space<vmem>>, vector<1x1x1x16xf32>,
        %mul3A_1130 = arith.constant 8 : i32
        %mul3A_1131 = arith.muli %scan3A_319, %mul3A_1130 : i32
        %add3A_1132 = arith.constant 7 : i32
        %add3A_1133 = arith.addi %mul3A_1131, %add3A_1132 : i32
        %get3A_1134 = arith.constant 2 : i32
        %get3A_1135 = arith.index_cast %get3A_1134 : i32 to index
        %get3A_1136 = arith.index_cast %add3A_1133 : i32 to index
        %get3A_1137 = arith.constant 16 : index
        %get3A_1138 = tpu.vector_load %arg9[%get3A_1135, %get3A_1136, %get3A_1137] {strides = array<i32>} : memref<4x128x128xf32, #tpu.memory_space<vmem>>, vector<1x1x16xf32>,
        %get3A_1139 = vector.shape_cast %get3A_1138 : vector<1x1x16xf32> to vector<16xf32>
        %mul3A_1140 = arith.constant 8 : i32
        %mul3A_1141 = arith.muli %scan3A_319, %mul3A_1140 : i32
        %add3A_1142 = arith.constant 7 : i32
        %add3A_1143 = arith.addi %mul3A_1141, %add3A_1142 : i32
        %get3A_1144 = arith.index_cast %add3A_1143 : i32 to index
        %get3A_1145 = arith.constant 16 : index
        %get3A_1146 = tpu.vector_load %arg8[%get3A_1144, %get3A_1145] {strides = array<i32>} : memref<128x64xf32, #tpu.memory_space<vmem>>, vector<1x16xf32>,
        %get3A_1147 = vector.shape_cast %get3A_1146 : vector<1x16xf32> to vector<16xf32>
        %add3A_1148 = arith.addf %get3A_1139, %get3A_1147 : vector<16xf32>
        %swap3A_1149 = arith.constant 0 : i32
        %swap3A_1150 = arith.constant 7 : i32
        %swap3A_1151 = arith.index_cast %swap3A_1149 : i32 to index
        %swap3A_1152 = arith.index_cast %scan3A_319 : i32 to index
        %swap3A_1153 = arith.index_cast %swap3A_1150 : i32 to index
        %swap3A_1154 = arith.constant 16 : index
        %swap3A_1155 = tpu.vector_load %arg10[%swap3A_1151, %swap3A_1152, %swap3A_1153, %swap3A_1154] {strides = array<i32>} : memref<2x16x8x64xf32, #tpu.memory_space<vmem>>, vector<1x1x1x16xf32>,
        %swap3A_1156 = vector.shape_cast %swap3A_1155 : vector<1x1x1x16xf32> to vector<16xf32>
        %swap3A_1157 = vector.shape_cast %add3A_1148 : vector<16xf32> to vector<1x1x1x16xf32>
        tpu.vector_store %arg10[%swap3A_1151, %swap3A_1152, %swap3A_1153, %swap3A_1154], %swap3A_1157 {strides = array<i32>} : memref<2x16x8x64xf32, #tpu.memory_space<vmem>>, vector<1x1x1x16xf32>,
        %mul3A_1158 = arith.constant 8 : i32
        %mul3A_1159 = arith.muli %scan3A_319, %mul3A_1158 : i32
        %add3A_1160 = arith.constant 7 : i32
        %add3A_1161 = arith.addi %mul3A_1159, %add3A_1160 : i32
        %get3A_1162 = arith.constant 2 : i32
        %get3A_1163 = arith.index_cast %get3A_1162 : i32 to index
        %get3A_1164 = arith.index_cast %add3A_1161 : i32 to index
        %get3A_1165 = arith.constant 32 : index
        %get3A_1166 = tpu.vector_load %arg9[%get3A_1163, %get3A_1164, %get3A_1165] {strides = array<i32>} : memref<4x128x128xf32, #tpu.memory_space<vmem>>, vector<1x1x16xf32>,
        %get3A_1167 = vector.shape_cast %get3A_1166 : vector<1x1x16xf32> to vector<16xf32>
        %mul3A_1168 = arith.constant 8 : i32
        %mul3A_1169 = arith.muli %scan3A_319, %mul3A_1168 : i32
        %add3A_1170 = arith.constant 7 : i32
        %add3A_1171 = arith.addi %mul3A_1169, %add3A_1170 : i32
        %get3A_1172 = arith.index_cast %add3A_1171 : i32 to index
        %get3A_1173 = arith.constant 32 : index
        %get3A_1174 = tpu.vector_load %arg8[%get3A_1172, %get3A_1173] {strides = array<i32>} : memref<128x64xf32, #tpu.memory_space<vmem>>, vector<1x16xf32>,
        %get3A_1175 = vector.shape_cast %get3A_1174 : vector<1x16xf32> to vector<16xf32>
        %add3A_1176 = arith.addf %get3A_1167, %get3A_1175 : vector<16xf32>
        %swap3A_1177 = arith.constant 0 : i32
        %swap3A_1178 = arith.constant 7 : i32
        %swap3A_1179 = arith.index_cast %swap3A_1177 : i32 to index
        %swap3A_1180 = arith.index_cast %scan3A_319 : i32 to index
        %swap3A_1181 = arith.index_cast %swap3A_1178 : i32 to index
        %swap3A_1182 = arith.constant 32 : index
        %swap3A_1183 = tpu.vector_load %arg10[%swap3A_1179, %swap3A_1180, %swap3A_1181, %swap3A_1182] {strides = array<i32>} : memref<2x16x8x64xf32, #tpu.memory_space<vmem>>, vector<1x1x1x16xf32>,
        %swap3A_1184 = vector.shape_cast %swap3A_1183 : vector<1x1x1x16xf32> to vector<16xf32>
        %swap3A_1185 = vector.shape_cast %add3A_1176 : vector<16xf32> to vector<1x1x1x16xf32>
        tpu.vector_store %arg10[%swap3A_1179, %swap3A_1180, %swap3A_1181, %swap3A_1182], %swap3A_1185 {strides = array<i32>} : memref<2x16x8x64xf32, #tpu.memory_space<vmem>>, vector<1x1x1x16xf32>,
        %mul3A_1186 = arith.constant 8 : i32
        %mul3A_1187 = arith.muli %scan3A_319, %mul3A_1186 : i32
        %add3A_1188 = arith.constant 7 : i32
        %add3A_1189 = arith.addi %mul3A_1187, %add3A_1188 : i32
        %get3A_1190 = arith.constant 2 : i32
        %get3A_1191 = arith.index_cast %get3A_1190 : i32 to index
        %get3A_1192 = arith.index_cast %add3A_1189 : i32 to index
        %get3A_1193 = arith.constant 48 : index
        %get3A_1194 = tpu.vector_load %arg9[%get3A_1191, %get3A_1192, %get3A_1193] {strides = array<i32>} : memref<4x128x128xf32, #tpu.memory_space<vmem>>, vector<1x1x16xf32>,
        %get3A_1195 = vector.shape_cast %get3A_1194 : vector<1x1x16xf32> to vector<16xf32>
        %mul3A_1196 = arith.constant 8 : i32
        %mul3A_1197 = arith.muli %scan3A_319, %mul3A_1196 : i32
        %add3A_1198 = arith.constant 7 : i32
        %add3A_1199 = arith.addi %mul3A_1197, %add3A_1198 : i32
        %get3A_1200 = arith.index_cast %add3A_1199 : i32 to index
        %get3A_1201 = arith.constant 48 : index
        %get3A_1202 = tpu.vector_load %arg8[%get3A_1200, %get3A_1201] {strides = array<i32>} : memref<128x64xf32, #tpu.memory_space<vmem>>, vector<1x16xf32>,
        %get3A_1203 = vector.shape_cast %get3A_1202 : vector<1x16xf32> to vector<16xf32>
        %add3A_1204 = arith.addf %get3A_1195, %get3A_1203 : vector<16xf32>
        %swap3A_1205 = arith.constant 0 : i32
        %swap3A_1206 = arith.constant 7 : i32
        %swap3A_1207 = arith.index_cast %swap3A_1205 : i32 to index
        %swap3A_1208 = arith.index_cast %scan3A_319 : i32 to index
        %swap3A_1209 = arith.index_cast %swap3A_1206 : i32 to index
        %swap3A_1210 = arith.constant 48 : index
        %swap3A_1211 = tpu.vector_load %arg10[%swap3A_1207, %swap3A_1208, %swap3A_1209, %swap3A_1210] {strides = array<i32>} : memref<2x16x8x64xf32, #tpu.memory_space<vmem>>, vector<1x1x1x16xf32>,
        %swap3A_1212 = vector.shape_cast %swap3A_1211 : vector<1x1x1x16xf32> to vector<16xf32>
        %swap3A_1213 = vector.shape_cast %add3A_1204 : vector<16xf32> to vector<1x1x1x16xf32>
        tpu.vector_store %arg10[%swap3A_1207, %swap3A_1208, %swap3A_1209, %swap3A_1210], %swap3A_1213 {strides = array<i32>} : memref<2x16x8x64xf32, #tpu.memory_space<vmem>>, vector<1x1x1x16xf32>,
      }
      %scan3A_247 = arith.constant 16 : i32
      %dma_start3A_248 = arith.constant 0 : i32
      %dma_start3A_249 = arith.constant 0 : i32
      %dma_start3A_250 = arith.constant 0 : i32
      %dma_start3A_251 = arith.constant 0 : i32
      %dma_start3A_252 = tpu.memref_slice %arg10[%dma_start3A_248, %dma_start3A_249, %dma_start3A_250, %dma_start3A_251] : memref<2x16x8x64xf32, #tpu.memory_space<vmem>> -> memref<1x16x8x64xf32, #tpu.memory_space<vmem>>
      %dma_start3A_253 = tpu.memref_squeeze %dma_start3A_252 : memref<1x16x8x64xf32, #tpu.memory_space<vmem>> -> memref<16x8x64xf32, #tpu.memory_space<vmem>>
      %dma_start3A_254 = arith.constant 0 : i32
      %dma_start3A_255 = arith.constant 0 : i32
      %dma_start3A_256 = tpu.memref_slice %arg6[%add3A_218, %mul3A_4, %dma_start3A_254, %dma_start3A_255] : memref<128x512x8x64xf32, #tpu.memory_space<hbm>> -> memref<1x16x8x64xf32, #tpu.memory_space<hbm>>
      %dma_start3A_257 = tpu.memref_squeeze %dma_start3A_256 : memref<1x16x8x64xf32, #tpu.memory_space<hbm>> -> memref<16x8x64xf32, #tpu.memory_space<hbm>>
      %dma_start3A_258 = arith.constant 0 : i32
      %dma_start3A_259 = arith.constant 0 : i32
      %dma_start3A_260 = tpu.memref_slice %arg6[%add3A_218, %mul3A_4, %dma_start3A_258, %dma_start3A_259] : memref<128x512x8x64xf32, #tpu.memory_space<hbm>> -> memref<1x16x8x64xf32, #tpu.memory_space<hbm>>
      %dma_start3A_261 = tpu.memref_squeeze %dma_start3A_260 : memref<1x16x8x64xf32, #tpu.memory_space<hbm>> -> memref<16x8x64xf32, #tpu.memory_space<hbm>>
      %dma_start3A_262 = arith.constant 0 : i32
      %dma_start3A_263 = arith.constant 0 : i32
      %dma_start3A_264 = arith.constant 0 : i32
      %dma_start3A_265 = tpu.memref_slice %arg10[%dma_start3A_248, %dma_start3A_262, %dma_start3A_263, %dma_start3A_264] : memref<2x16x8x64xf32, #tpu.memory_space<vmem>> -> memref<1x16x8x64xf32, #tpu.memory_space<vmem>>
      %dma_start3A_266 = tpu.memref_squeeze %dma_start3A_265 : memref<1x16x8x64xf32, #tpu.memory_space<vmem>> -> memref<16x8x64xf32, #tpu.memory_space<vmem>>
      tpu.enqueue_dma source(%dma_start3A_266 : memref<16x8x64xf32, #tpu.memory_space<vmem>>) target(%dma_start3A_261 : memref<16x8x64xf32, #tpu.memory_space<hbm>>) target_semaphore(%arg15 : memref<!tpu.dma_semaphore, #tpu.memory_space<semaphore_mem>>)
      %mul3A_267 = arith.constant 4 : i32
      %mul3A_268 = arith.muli %mul3A_267, %scan3A_114 : i32
      %add3A_269 = arith.constant 3 : i32
      %add3A_270 = arith.addi %mul3A_268, %add3A_269 : i32
      %add3A_271 = arith.constant 3 : i32
      %add3A_272 = arith.addi %add3A_270, %add3A_271 : i32
      %lt3A_273 = arith.constant 128 : i32
      %lt3A_274 = arith.cmpi slt, %add3A_272, %lt3A_273 : i32
      %convert_element_type3A_275 = arith.extui %lt3A_274 : i1 to i32
      %cond3A_276 = arith.constant 0 : i32
      %cond3A_277 = arith.cmpi ne, %convert_element_type3A_275, %cond3A_276 : i32
      scf.if %cond3A_277 {
        %dma_start3A_319 = arith.constant 2 : i32
        %dma_start3A_320 = arith.constant 0 : i32
        %dma_start3A_321 = arith.constant 0 : i32
        %dma_start3A_322 = tpu.memref_slice %arg9[%dma_start3A_319, %dma_start3A_320, %dma_start3A_321] : memref<4x128x128xf32, #tpu.memory_space<vmem>> -> memref<1x128x128xf32, #tpu.memory_space<vmem>>
        %dma_start3A_323 = tpu.memref_squeeze %dma_start3A_322 : memref<1x128x128xf32, #tpu.memory_space<vmem>> -> memref<128x128xf32, #tpu.memory_space<vmem>>
        %dma_start3A_324 = arith.constant 0 : i32
        %dma_start3A_325 = tpu.memref_slice %arg7[%add3A_272, %dma_start3A_324] : memref<128x128xi32, #tpu.memory_space<vmem>> -> memref<1x128xi32, #tpu.memory_space<vmem>>
        %dma_start3A_326 = tpu.memref_squeeze %dma_start3A_325 : memref<1x128xi32, #tpu.memory_space<vmem>> -> memref<128xi32, #tpu.memory_space<vmem>>
        %dma_start3A_327 = arith.constant 0 : i32
        %dma_start3A_328 = arith.constant 0 : i32
        %dma_start3A_329 = tpu.memref_slice %arg4[%dma_start3A_327, %dma_start3A_328] : memref<4096x128xf32, #tpu.memory_space<hbm>> -> memref<4096x128xf32, #tpu.memory_space<hbm>>
        tpu.enqueue_indirect_dma source(%dma_start3A_329 : memref<4096x128xf32, #tpu.memory_space<hbm>>) target(%dma_start3A_323 : memref<128x128xf32, #tpu.memory_space<vmem>>) offsets(%dma_start3A_326 : memref<128xi32, #tpu.memory_space<vmem>>) semaphore(%arg13 : memref<!tpu.dma_semaphore, #tpu.memory_space<semaphore_mem>>)
      } else {
      }
      %dma_wait3A_278 = arith.constant 3 : i32
      %dma_wait3A_279 = arith.constant 0 : i32
      %dma_wait3A_280 = arith.constant 0 : i32
      %dma_wait3A_281 = tpu.memref_slice %arg9[%dma_wait3A_278, %dma_wait3A_279, %dma_wait3A_280] : memref<4x128x128xf32, #tpu.memory_space<vmem>> -> memref<1x128x128xf32, #tpu.memory_space<vmem>>
      %dma_wait3A_282 = tpu.memref_squeeze %dma_wait3A_281 : memref<1x128x128xf32, #tpu.memory_space<vmem>> -> memref<128x128xf32, #tpu.memory_space<vmem>>
      %dma_wait3A_283 = arith.constant 0 : i32
      %dma_wait3A_284 = tpu.memref_slice %arg7[%add3A_270, %dma_wait3A_283] : memref<128x128xi32, #tpu.memory_space<vmem>> -> memref<1x128xi32, #tpu.memory_space<vmem>>
      %dma_wait3A_285 = tpu.memref_squeeze %dma_wait3A_284 : memref<1x128xi32, #tpu.memory_space<vmem>> -> memref<128xi32, #tpu.memory_space<vmem>>
      %dma_wait3A_286 = arith.constant 0 : i32
      %dma_wait3A_287 = arith.constant 0 : i32
      %dma_wait3A_288 = tpu.memref_slice %arg4[%dma_wait3A_286, %dma_wait3A_287] : memref<4096x128xf32, #tpu.memory_space<hbm>> -> memref<4096x128xf32, #tpu.memory_space<hbm>>
      tpu.wait_indirect_dma semaphore(%arg14 : memref<!tpu.dma_semaphore, #tpu.memory_space<semaphore_mem>>) src(%dma_wait3A_288 : memref<4096x128xf32, #tpu.memory_space<hbm>>) dst(%dma_wait3A_282 : memref<128x128xf32, #tpu.memory_space<vmem>>)
      %ge3A_289 = arith.constant 2 : i32
      %ge3A_290 = arith.cmpi sge, %add3A_270, %ge3A_289 : i32
      %convert_element_type3A_291 = arith.extui %ge3A_290 : i1 to i32
      %cond3A_292 = arith.constant 0 : i32
      %cond3A_293 = arith.cmpi ne, %convert_element_type3A_291, %cond3A_292 : i32
      scf.if %cond3A_293 {
        %sub3A = arith.constant 2 : i32
        %sub3A_319 = arith.subi %add3A_270, %sub3A : i32
        %dma_wait3A_320 = arith.constant 1 : i32
        %dma_wait3A_321 = arith.constant 0 : i32
        %dma_wait3A_322 = arith.constant 0 : i32
        %dma_wait3A_323 = arith.constant 0 : i32
        %dma_wait3A_324 = tpu.memref_slice %arg10[%dma_wait3A_320, %dma_wait3A_321, %dma_wait3A_322, %dma_wait3A_323] : memref<2x16x8x64xf32, #tpu.memory_space<vmem>> -> memref<1x16x8x64xf32, #tpu.memory_space<vmem>>
        %dma_wait3A_325 = tpu.memref_squeeze %dma_wait3A_324 : memref<1x16x8x64xf32, #tpu.memory_space<vmem>> -> memref<16x8x64xf32, #tpu.memory_space<vmem>>
        %dma_wait3A_326 = arith.constant 0 : i32
        %dma_wait3A_327 = arith.constant 0 : i32
        %dma_wait3A_328 = tpu.memref_slice %arg6[%sub3A_319, %mul3A_4, %dma_wait3A_326, %dma_wait3A_327] : memref<128x512x8x64xf32, #tpu.memory_space<hbm>> -> memref<1x16x8x64xf32, #tpu.memory_space<hbm>>
        %dma_wait3A_329 = tpu.memref_squeeze %dma_wait3A_328 : memref<1x16x8x64xf32, #tpu.memory_space<hbm>> -> memref<16x8x64xf32, #tpu.memory_space<hbm>>
        %dma_wait3A_330 = arith.constant 0 : i32
        %dma_wait3A_331 = arith.constant 0 : i32
        %dma_wait3A_332 = tpu.memref_slice %arg6[%sub3A_319, %mul3A_4, %dma_wait3A_330, %dma_wait3A_331] : memref<128x512x8x64xf32, #tpu.memory_space<hbm>> -> memref<1x16x8x64xf32, #tpu.memory_space<hbm>>
        %dma_wait3A_333 = tpu.memref_squeeze %dma_wait3A_332 : memref<1x16x8x64xf32, #tpu.memory_space<hbm>> -> memref<16x8x64xf32, #tpu.memory_space<hbm>>
        %dma_wait3A_334 = arith.constant 0 : i32
        %dma_wait3A_335 = arith.constant 0 : i32
        %dma_wait3A_336 = arith.constant 0 : i32
        %dma_wait3A_337 = tpu.memref_slice %arg10[%dma_wait3A_320, %dma_wait3A_334, %dma_wait3A_335, %dma_wait3A_336] : memref<2x16x8x64xf32, #tpu.memory_space<vmem>> -> memref<1x16x8x64xf32, #tpu.memory_space<vmem>>
        %dma_wait3A_338 = tpu.memref_squeeze %dma_wait3A_337 : memref<1x16x8x64xf32, #tpu.memory_space<vmem>> -> memref<16x8x64xf32, #tpu.memory_space<vmem>>
        tpu.wait_dma2 semaphore(%arg16 : memref<!tpu.dma_semaphore, #tpu.memory_space<semaphore_mem>>) src(%dma_wait3A_338 : memref<16x8x64xf32, #tpu.memory_space<vmem>>) dst(%dma_wait3A_333 : memref<16x8x64xf32, #tpu.memory_space<hbm>>)
      } else {
      }
      %scan3A_294 = arith.constant 0 : i32
      %scan3A_295 = arith.constant 0 : i32
      %scan3A_296 = arith.constant 16 : i32
      %scan3A_297 = arith.addi %scan3A_295, %scan3A_296 : i32
      %scan3A_298 = arith.constant 1 : i32
      scf.for %scan3A_319 = %scan3A_295 to %scan3A_297 step %scan3A_298  : i32 {
        %mul3A_320 = arith.constant 8 : i32
        %mul3A_321 = arith.muli %scan3A_319, %mul3A_320 : i32
        %add3A_322 = arith.constant 0 : i32
        %add3A_323 = arith.addi %mul3A_321, %add3A_322 : i32
        %get3A = arith.constant 3 : i32
        %get3A_324 = arith.index_cast %get3A : i32 to index
        %get3A_325 = arith.index_cast %add3A_323 : i32 to index
        %get3A_326 = arith.constant 0 : index
        %get3A_327 = tpu.vector_load %arg9[%get3A_324, %get3A_325, %get3A_326] {strides = array<i32>} : memref<4x128x128xf32, #tpu.memory_space<vmem>>, vector<1x1x16xf32>,
        %get3A_328 = vector.shape_cast %get3A_327 : vector<1x1x16xf32> to vector<16xf32>
        %mul3A_329 = arith.constant 8 : i32
        %mul3A_330 = arith.muli %scan3A_319, %mul3A_329 : i32
        %add3A_331 = arith.constant 0 : i32
        %add3A_332 = arith.addi %mul3A_330, %add3A_331 : i32
        %get3A_333 = arith.index_cast %add3A_332 : i32 to index
        %get3A_334 = arith.constant 0 : index
        %get3A_335 = tpu.vector_load %arg8[%get3A_333, %get3A_334] {strides = array<i32>} : memref<128x64xf32, #tpu.memory_space<vmem>>, vector<1x16xf32>,
        %get3A_336 = vector.shape_cast %get3A_335 : vector<1x16xf32> to vector<16xf32>
        %add3A_337 = arith.addf %get3A_328, %get3A_336 : vector<16xf32>
        %swap3A = arith.constant 1 : i32
        %swap3A_338 = arith.constant 0 : i32
        %swap3A_339 = arith.index_cast %swap3A : i32 to index
        %swap3A_340 = arith.index_cast %scan3A_319 : i32 to index
        %swap3A_341 = arith.index_cast %swap3A_338 : i32 to index
        %swap3A_342 = arith.constant 0 : index
        %swap3A_343 = tpu.vector_load %arg10[%swap3A_339, %swap3A_340, %swap3A_341, %swap3A_342] {strides = array<i32>} : memref<2x16x8x64xf32, #tpu.memory_space<vmem>>, vector<1x1x1x16xf32>,
        %swap3A_344 = vector.shape_cast %swap3A_343 : vector<1x1x1x16xf32> to vector<16xf32>
        %swap3A_345 = vector.shape_cast %add3A_337 : vector<16xf32> to vector<1x1x1x16xf32>
        tpu.vector_store %arg10[%swap3A_339, %swap3A_340, %swap3A_341, %swap3A_342], %swap3A_345 {strides = array<i32>} : memref<2x16x8x64xf32, #tpu.memory_space<vmem>>, vector<1x1x1x16xf32>,
        %mul3A_346 = arith.constant 8 : i32
        %mul3A_347 = arith.muli %scan3A_319, %mul3A_346 : i32
        %add3A_348 = arith.constant 0 : i32
        %add3A_349 = arith.addi %mul3A_347, %add3A_348 : i32
        %get3A_350 = arith.constant 3 : i32
        %get3A_351 = arith.index_cast %get3A_350 : i32 to index
        %get3A_352 = arith.index_cast %add3A_349 : i32 to index
        %get3A_353 = arith.constant 16 : index
        %get3A_354 = tpu.vector_load %arg9[%get3A_351, %get3A_352, %get3A_353] {strides = array<i32>} : memref<4x128x128xf32, #tpu.memory_space<vmem>>, vector<1x1x16xf32>,
        %get3A_355 = vector.shape_cast %get3A_354 : vector<1x1x16xf32> to vector<16xf32>
        %mul3A_356 = arith.constant 8 : i32
        %mul3A_357 = arith.muli %scan3A_319, %mul3A_356 : i32
        %add3A_358 = arith.constant 0 : i32
        %add3A_359 = arith.addi %mul3A_357, %add3A_358 : i32
        %get3A_360 = arith.index_cast %add3A_359 : i32 to index
        %get3A_361 = arith.constant 16 : index
        %get3A_362 = tpu.vector_load %arg8[%get3A_360, %get3A_361] {strides = array<i32>} : memref<128x64xf32, #tpu.memory_space<vmem>>, vector<1x16xf32>,
        %get3A_363 = vector.shape_cast %get3A_362 : vector<1x16xf32> to vector<16xf32>
        %add3A_364 = arith.addf %get3A_355, %get3A_363 : vector<16xf32>
        %swap3A_365 = arith.constant 1 : i32
        %swap3A_366 = arith.constant 0 : i32
        %swap3A_367 = arith.index_cast %swap3A_365 : i32 to index
        %swap3A_368 = arith.index_cast %scan3A_319 : i32 to index
        %swap3A_369 = arith.index_cast %swap3A_366 : i32 to index
        %swap3A_370 = arith.constant 16 : index
        %swap3A_371 = tpu.vector_load %arg10[%swap3A_367, %swap3A_368, %swap3A_369, %swap3A_370] {strides = array<i32>} : memref<2x16x8x64xf32, #tpu.memory_space<vmem>>, vector<1x1x1x16xf32>,
        %swap3A_372 = vector.shape_cast %swap3A_371 : vector<1x1x1x16xf32> to vector<16xf32>
        %swap3A_373 = vector.shape_cast %add3A_364 : vector<16xf32> to vector<1x1x1x16xf32>
        tpu.vector_store %arg10[%swap3A_367, %swap3A_368, %swap3A_369, %swap3A_370], %swap3A_373 {strides = array<i32>} : memref<2x16x8x64xf32, #tpu.memory_space<vmem>>, vector<1x1x1x16xf32>,
        %mul3A_374 = arith.constant 8 : i32
        %mul3A_375 = arith.muli %scan3A_319, %mul3A_374 : i32
        %add3A_376 = arith.constant 0 : i32
        %add3A_377 = arith.addi %mul3A_375, %add3A_376 : i32
        %get3A_378 = arith.constant 3 : i32
        %get3A_379 = arith.index_cast %get3A_378 : i32 to index
        %get3A_380 = arith.index_cast %add3A_377 : i32 to index
        %get3A_381 = arith.constant 32 : index
        %get3A_382 = tpu.vector_load %arg9[%get3A_379, %get3A_380, %get3A_381] {strides = array<i32>} : memref<4x128x128xf32, #tpu.memory_space<vmem>>, vector<1x1x16xf32>,
        %get3A_383 = vector.shape_cast %get3A_382 : vector<1x1x16xf32> to vector<16xf32>
        %mul3A_384 = arith.constant 8 : i32
        %mul3A_385 = arith.muli %scan3A_319, %mul3A_384 : i32
        %add3A_386 = arith.constant 0 : i32
        %add3A_387 = arith.addi %mul3A_385, %add3A_386 : i32
        %get3A_388 = arith.index_cast %add3A_387 : i32 to index
        %get3A_389 = arith.constant 32 : index
        %get3A_390 = tpu.vector_load %arg8[%get3A_388, %get3A_389] {strides = array<i32>} : memref<128x64xf32, #tpu.memory_space<vmem>>, vector<1x16xf32>,
        %get3A_391 = vector.shape_cast %get3A_390 : vector<1x16xf32> to vector<16xf32>
        %add3A_392 = arith.addf %get3A_383, %get3A_391 : vector<16xf32>
        %swap3A_393 = arith.constant 1 : i32
        %swap3A_394 = arith.constant 0 : i32
        %swap3A_395 = arith.index_cast %swap3A_393 : i32 to index
        %swap3A_396 = arith.index_cast %scan3A_319 : i32 to index
        %swap3A_397 = arith.index_cast %swap3A_394 : i32 to index
        %swap3A_398 = arith.constant 32 : index
        %swap3A_399 = tpu.vector_load %arg10[%swap3A_395, %swap3A_396, %swap3A_397, %swap3A_398] {strides = array<i32>} : memref<2x16x8x64xf32, #tpu.memory_space<vmem>>, vector<1x1x1x16xf32>,
        %swap3A_400 = vector.shape_cast %swap3A_399 : vector<1x1x1x16xf32> to vector<16xf32>
        %swap3A_401 = vector.shape_cast %add3A_392 : vector<16xf32> to vector<1x1x1x16xf32>
        tpu.vector_store %arg10[%swap3A_395, %swap3A_396, %swap3A_397, %swap3A_398], %swap3A_401 {strides = array<i32>} : memref<2x16x8x64xf32, #tpu.memory_space<vmem>>, vector<1x1x1x16xf32>,
        %mul3A_402 = arith.constant 8 : i32
        %mul3A_403 = arith.muli %scan3A_319, %mul3A_402 : i32
        %add3A_404 = arith.constant 0 : i32
        %add3A_405 = arith.addi %mul3A_403, %add3A_404 : i32
        %get3A_406 = arith.constant 3 : i32
        %get3A_407 = arith.index_cast %get3A_406 : i32 to index
        %get3A_408 = arith.index_cast %add3A_405 : i32 to index
        %get3A_409 = arith.constant 48 : index
        %get3A_410 = tpu.vector_load %arg9[%get3A_407, %get3A_408, %get3A_409] {strides = array<i32>} : memref<4x128x128xf32, #tpu.memory_space<vmem>>, vector<1x1x16xf32>,
        %get3A_411 = vector.shape_cast %get3A_410 : vector<1x1x16xf32> to vector<16xf32>
        %mul3A_412 = arith.constant 8 : i32
        %mul3A_413 = arith.muli %scan3A_319, %mul3A_412 : i32
        %add3A_414 = arith.constant 0 : i32
        %add3A_415 = arith.addi %mul3A_413, %add3A_414 : i32
        %get3A_416 = arith.index_cast %add3A_415 : i32 to index
        %get3A_417 = arith.constant 48 : index
        %get3A_418 = tpu.vector_load %arg8[%get3A_416, %get3A_417] {strides = array<i32>} : memref<128x64xf32, #tpu.memory_space<vmem>>, vector<1x16xf32>,
        %get3A_419 = vector.shape_cast %get3A_418 : vector<1x16xf32> to vector<16xf32>
        %add3A_420 = arith.addf %get3A_411, %get3A_419 : vector<16xf32>
        %swap3A_421 = arith.constant 1 : i32
        %swap3A_422 = arith.constant 0 : i32
        %swap3A_423 = arith.index_cast %swap3A_421 : i32 to index
        %swap3A_424 = arith.index_cast %scan3A_319 : i32 to index
        %swap3A_425 = arith.index_cast %swap3A_422 : i32 to index
        %swap3A_426 = arith.constant 48 : index
        %swap3A_427 = tpu.vector_load %arg10[%swap3A_423, %swap3A_424, %swap3A_425, %swap3A_426] {strides = array<i32>} : memref<2x16x8x64xf32, #tpu.memory_space<vmem>>, vector<1x1x1x16xf32>,
        %swap3A_428 = vector.shape_cast %swap3A_427 : vector<1x1x1x16xf32> to vector<16xf32>
        %swap3A_429 = vector.shape_cast %add3A_420 : vector<16xf32> to vector<1x1x1x16xf32>
        tpu.vector_store %arg10[%swap3A_423, %swap3A_424, %swap3A_425, %swap3A_426], %swap3A_429 {strides = array<i32>} : memref<2x16x8x64xf32, #tpu.memory_space<vmem>>, vector<1x1x1x16xf32>,
        %mul3A_430 = arith.constant 8 : i32
        %mul3A_431 = arith.muli %scan3A_319, %mul3A_430 : i32
        %add3A_432 = arith.constant 1 : i32
        %add3A_433 = arith.addi %mul3A_431, %add3A_432 : i32
        %get3A_434 = arith.constant 3 : i32
        %get3A_435 = arith.index_cast %get3A_434 : i32 to index
        %get3A_436 = arith.index_cast %add3A_433 : i32 to index
        %get3A_437 = arith.constant 0 : index
        %get3A_438 = tpu.vector_load %arg9[%get3A_435, %get3A_436, %get3A_437] {strides = array<i32>} : memref<4x128x128xf32, #tpu.memory_space<vmem>>, vector<1x1x16xf32>,
        %get3A_439 = vector.shape_cast %get3A_438 : vector<1x1x16xf32> to vector<16xf32>
        %mul3A_440 = arith.constant 8 : i32
        %mul3A_441 = arith.muli %scan3A_319, %mul3A_440 : i32
        %add3A_442 = arith.constant 1 : i32
        %add3A_443 = arith.addi %mul3A_441, %add3A_442 : i32
        %get3A_444 = arith.index_cast %add3A_443 : i32 to index
        %get3A_445 = arith.constant 0 : index
        %get3A_446 = tpu.vector_load %arg8[%get3A_444, %get3A_445] {strides = array<i32>} : memref<128x64xf32, #tpu.memory_space<vmem>>, vector<1x16xf32>,
        %get3A_447 = vector.shape_cast %get3A_446 : vector<1x16xf32> to vector<16xf32>
        %add3A_448 = arith.addf %get3A_439, %get3A_447 : vector<16xf32>
        %swap3A_449 = arith.constant 1 : i32
        %swap3A_450 = arith.constant 1 : i32
        %swap3A_451 = arith.index_cast %swap3A_449 : i32 to index
        %swap3A_452 = arith.index_cast %scan3A_319 : i32 to index
        %swap3A_453 = arith.index_cast %swap3A_450 : i32 to index
        %swap3A_454 = arith.constant 0 : index
        %swap3A_455 = tpu.vector_load %arg10[%swap3A_451, %swap3A_452, %swap3A_453, %swap3A_454] {strides = array<i32>} : memref<2x16x8x64xf32, #tpu.memory_space<vmem>>, vector<1x1x1x16xf32>,
        %swap3A_456 = vector.shape_cast %swap3A_455 : vector<1x1x1x16xf32> to vector<16xf32>
        %swap3A_457 = vector.shape_cast %add3A_448 : vector<16xf32> to vector<1x1x1x16xf32>
        tpu.vector_store %arg10[%swap3A_451, %swap3A_452, %swap3A_453, %swap3A_454], %swap3A_457 {strides = array<i32>} : memref<2x16x8x64xf32, #tpu.memory_space<vmem>>, vector<1x1x1x16xf32>,
        %mul3A_458 = arith.constant 8 : i32
        %mul3A_459 = arith.muli %scan3A_319, %mul3A_458 : i32
        %add3A_460 = arith.constant 1 : i32
        %add3A_461 = arith.addi %mul3A_459, %add3A_460 : i32
        %get3A_462 = arith.constant 3 : i32
        %get3A_463 = arith.index_cast %get3A_462 : i32 to index
        %get3A_464 = arith.index_cast %add3A_461 : i32 to index
        %get3A_465 = arith.constant 16 : index
        %get3A_466 = tpu.vector_load %arg9[%get3A_463, %get3A_464, %get3A_465] {strides = array<i32>} : memref<4x128x128xf32, #tpu.memory_space<vmem>>, vector<1x1x16xf32>,
        %get3A_467 = vector.shape_cast %get3A_466 : vector<1x1x16xf32> to vector<16xf32>
        %mul3A_468 = arith.constant 8 : i32
        %mul3A_469 = arith.muli %scan3A_319, %mul3A_468 : i32
        %add3A_470 = arith.constant 1 : i32
        %add3A_471 = arith.addi %mul3A_469, %add3A_470 : i32
        %get3A_472 = arith.index_cast %add3A_471 : i32 to index
        %get3A_473 = arith.constant 16 : index
        %get3A_474 = tpu.vector_load %arg8[%get3A_472, %get3A_473] {strides = array<i32>} : memref<128x64xf32, #tpu.memory_space<vmem>>, vector<1x16xf32>,
        %get3A_475 = vector.shape_cast %get3A_474 : vector<1x16xf32> to vector<16xf32>
        %add3A_476 = arith.addf %get3A_467, %get3A_475 : vector<16xf32>
        %swap3A_477 = arith.constant 1 : i32
        %swap3A_478 = arith.constant 1 : i32
        %swap3A_479 = arith.index_cast %swap3A_477 : i32 to index
        %swap3A_480 = arith.index_cast %scan3A_319 : i32 to index
        %swap3A_481 = arith.index_cast %swap3A_478 : i32 to index
        %swap3A_482 = arith.constant 16 : index
        %swap3A_483 = tpu.vector_load %arg10[%swap3A_479, %swap3A_480, %swap3A_481, %swap3A_482] {strides = array<i32>} : memref<2x16x8x64xf32, #tpu.memory_space<vmem>>, vector<1x1x1x16xf32>,
        %swap3A_484 = vector.shape_cast %swap3A_483 : vector<1x1x1x16xf32> to vector<16xf32>
        %swap3A_485 = vector.shape_cast %add3A_476 : vector<16xf32> to vector<1x1x1x16xf32>
        tpu.vector_store %arg10[%swap3A_479, %swap3A_480, %swap3A_481, %swap3A_482], %swap3A_485 {strides = array<i32>} : memref<2x16x8x64xf32, #tpu.memory_space<vmem>>, vector<1x1x1x16xf32>,
        %mul3A_486 = arith.constant 8 : i32
        %mul3A_487 = arith.muli %scan3A_319, %mul3A_486 : i32
        %add3A_488 = arith.constant 1 : i32
        %add3A_489 = arith.addi %mul3A_487, %add3A_488 : i32
        %get3A_490 = arith.constant 3 : i32
        %get3A_491 = arith.index_cast %get3A_490 : i32 to index
        %get3A_492 = arith.index_cast %add3A_489 : i32 to index
        %get3A_493 = arith.constant 32 : index
        %get3A_494 = tpu.vector_load %arg9[%get3A_491, %get3A_492, %get3A_493] {strides = array<i32>} : memref<4x128x128xf32, #tpu.memory_space<vmem>>, vector<1x1x16xf32>,
        %get3A_495 = vector.shape_cast %get3A_494 : vector<1x1x16xf32> to vector<16xf32>
        %mul3A_496 = arith.constant 8 : i32
        %mul3A_497 = arith.muli %scan3A_319, %mul3A_496 : i32
        %add3A_498 = arith.constant 1 : i32
        %add3A_499 = arith.addi %mul3A_497, %add3A_498 : i32
        %get3A_500 = arith.index_cast %add3A_499 : i32 to index
        %get3A_501 = arith.constant 32 : index
        %get3A_502 = tpu.vector_load %arg8[%get3A_500, %get3A_501] {strides = array<i32>} : memref<128x64xf32, #tpu.memory_space<vmem>>, vector<1x16xf32>,
        %get3A_503 = vector.shape_cast %get3A_502 : vector<1x16xf32> to vector<16xf32>
        %add3A_504 = arith.addf %get3A_495, %get3A_503 : vector<16xf32>
        %swap3A_505 = arith.constant 1 : i32
        %swap3A_506 = arith.constant 1 : i32
        %swap3A_507 = arith.index_cast %swap3A_505 : i32 to index
        %swap3A_508 = arith.index_cast %scan3A_319 : i32 to index
        %swap3A_509 = arith.index_cast %swap3A_506 : i32 to index
        %swap3A_510 = arith.constant 32 : index
        %swap3A_511 = tpu.vector_load %arg10[%swap3A_507, %swap3A_508, %swap3A_509, %swap3A_510] {strides = array<i32>} : memref<2x16x8x64xf32, #tpu.memory_space<vmem>>, vector<1x1x1x16xf32>,
        %swap3A_512 = vector.shape_cast %swap3A_511 : vector<1x1x1x16xf32> to vector<16xf32>
        %swap3A_513 = vector.shape_cast %add3A_504 : vector<16xf32> to vector<1x1x1x16xf32>
        tpu.vector_store %arg10[%swap3A_507, %swap3A_508, %swap3A_509, %swap3A_510], %swap3A_513 {strides = array<i32>} : memref<2x16x8x64xf32, #tpu.memory_space<vmem>>, vector<1x1x1x16xf32>,
        %mul3A_514 = arith.constant 8 : i32
        %mul3A_515 = arith.muli %scan3A_319, %mul3A_514 : i32
        %add3A_516 = arith.constant 1 : i32
        %add3A_517 = arith.addi %mul3A_515, %add3A_516 : i32
        %get3A_518 = arith.constant 3 : i32
        %get3A_519 = arith.index_cast %get3A_518 : i32 to index
        %get3A_520 = arith.index_cast %add3A_517 : i32 to index
        %get3A_521 = arith.constant 48 : index
        %get3A_522 = tpu.vector_load %arg9[%get3A_519, %get3A_520, %get3A_521] {strides = array<i32>} : memref<4x128x128xf32, #tpu.memory_space<vmem>>, vector<1x1x16xf32>,
        %get3A_523 = vector.shape_cast %get3A_522 : vector<1x1x16xf32> to vector<16xf32>
        %mul3A_524 = arith.constant 8 : i32
        %mul3A_525 = arith.muli %scan3A_319, %mul3A_524 : i32
        %add3A_526 = arith.constant 1 : i32
        %add3A_527 = arith.addi %mul3A_525, %add3A_526 : i32
        %get3A_528 = arith.index_cast %add3A_527 : i32 to index
        %get3A_529 = arith.constant 48 : index
        %get3A_530 = tpu.vector_load %arg8[%get3A_528, %get3A_529] {strides = array<i32>} : memref<128x64xf32, #tpu.memory_space<vmem>>, vector<1x16xf32>,
        %get3A_531 = vector.shape_cast %get3A_530 : vector<1x16xf32> to vector<16xf32>
        %add3A_532 = arith.addf %get3A_523, %get3A_531 : vector<16xf32>
        %swap3A_533 = arith.constant 1 : i32
        %swap3A_534 = arith.constant 1 : i32
        %swap3A_535 = arith.index_cast %swap3A_533 : i32 to index
        %swap3A_536 = arith.index_cast %scan3A_319 : i32 to index
        %swap3A_537 = arith.index_cast %swap3A_534 : i32 to index
        %swap3A_538 = arith.constant 48 : index
        %swap3A_539 = tpu.vector_load %arg10[%swap3A_535, %swap3A_536, %swap3A_537, %swap3A_538] {strides = array<i32>} : memref<2x16x8x64xf32, #tpu.memory_space<vmem>>, vector<1x1x1x16xf32>,
        %swap3A_540 = vector.shape_cast %swap3A_539 : vector<1x1x1x16xf32> to vector<16xf32>
        %swap3A_541 = vector.shape_cast %add3A_532 : vector<16xf32> to vector<1x1x1x16xf32>
        tpu.vector_store %arg10[%swap3A_535, %swap3A_536, %swap3A_537, %swap3A_538], %swap3A_541 {strides = array<i32>} : memref<2x16x8x64xf32, #tpu.memory_space<vmem>>, vector<1x1x1x16xf32>,
        %mul3A_542 = arith.constant 8 : i32
        %mul3A_543 = arith.muli %scan3A_319, %mul3A_542 : i32
        %add3A_544 = arith.constant 2 : i32
        %add3A_545 = arith.addi %mul3A_543, %add3A_544 : i32
        %get3A_546 = arith.constant 3 : i32
        %get3A_547 = arith.index_cast %get3A_546 : i32 to index
        %get3A_548 = arith.index_cast %add3A_545 : i32 to index
        %get3A_549 = arith.constant 0 : index
        %get3A_550 = tpu.vector_load %arg9[%get3A_547, %get3A_548, %get3A_549] {strides = array<i32>} : memref<4x128x128xf32, #tpu.memory_space<vmem>>, vector<1x1x16xf32>,
        %get3A_551 = vector.shape_cast %get3A_550 : vector<1x1x16xf32> to vector<16xf32>
        %mul3A_552 = arith.constant 8 : i32
        %mul3A_553 = arith.muli %scan3A_319, %mul3A_552 : i32
        %add3A_554 = arith.constant 2 : i32
        %add3A_555 = arith.addi %mul3A_553, %add3A_554 : i32
        %get3A_556 = arith.index_cast %add3A_555 : i32 to index
        %get3A_557 = arith.constant 0 : index
        %get3A_558 = tpu.vector_load %arg8[%get3A_556, %get3A_557] {strides = array<i32>} : memref<128x64xf32, #tpu.memory_space<vmem>>, vector<1x16xf32>,
        %get3A_559 = vector.shape_cast %get3A_558 : vector<1x16xf32> to vector<16xf32>
        %add3A_560 = arith.addf %get3A_551, %get3A_559 : vector<16xf32>
        %swap3A_561 = arith.constant 1 : i32
        %swap3A_562 = arith.constant 2 : i32
        %swap3A_563 = arith.index_cast %swap3A_561 : i32 to index
        %swap3A_564 = arith.index_cast %scan3A_319 : i32 to index
        %swap3A_565 = arith.index_cast %swap3A_562 : i32 to index
        %swap3A_566 = arith.constant 0 : index
        %swap3A_567 = tpu.vector_load %arg10[%swap3A_563, %swap3A_564, %swap3A_565, %swap3A_566] {strides = array<i32>} : memref<2x16x8x64xf32, #tpu.memory_space<vmem>>, vector<1x1x1x16xf32>,
        %swap3A_568 = vector.shape_cast %swap3A_567 : vector<1x1x1x16xf32> to vector<16xf32>
        %swap3A_569 = vector.shape_cast %add3A_560 : vector<16xf32> to vector<1x1x1x16xf32>
        tpu.vector_store %arg10[%swap3A_563, %swap3A_564, %swap3A_565, %swap3A_566], %swap3A_569 {strides = array<i32>} : memref<2x16x8x64xf32, #tpu.memory_space<vmem>>, vector<1x1x1x16xf32>,
        %mul3A_570 = arith.constant 8 : i32
        %mul3A_571 = arith.muli %scan3A_319, %mul3A_570 : i32
        %add3A_572 = arith.constant 2 : i32
        %add3A_573 = arith.addi %mul3A_571, %add3A_572 : i32
        %get3A_574 = arith.constant 3 : i32
        %get3A_575 = arith.index_cast %get3A_574 : i32 to index
        %get3A_576 = arith.index_cast %add3A_573 : i32 to index
        %get3A_577 = arith.constant 16 : index
        %get3A_578 = tpu.vector_load %arg9[%get3A_575, %get3A_576, %get3A_577] {strides = array<i32>} : memref<4x128x128xf32, #tpu.memory_space<vmem>>, vector<1x1x16xf32>,
        %get3A_579 = vector.shape_cast %get3A_578 : vector<1x1x16xf32> to vector<16xf32>
        %mul3A_580 = arith.constant 8 : i32
        %mul3A_581 = arith.muli %scan3A_319, %mul3A_580 : i32
        %add3A_582 = arith.constant 2 : i32
        %add3A_583 = arith.addi %mul3A_581, %add3A_582 : i32
        %get3A_584 = arith.index_cast %add3A_583 : i32 to index
        %get3A_585 = arith.constant 16 : index
        %get3A_586 = tpu.vector_load %arg8[%get3A_584, %get3A_585] {strides = array<i32>} : memref<128x64xf32, #tpu.memory_space<vmem>>, vector<1x16xf32>,
        %get3A_587 = vector.shape_cast %get3A_586 : vector<1x16xf32> to vector<16xf32>
        %add3A_588 = arith.addf %get3A_579, %get3A_587 : vector<16xf32>
        %swap3A_589 = arith.constant 1 : i32
        %swap3A_590 = arith.constant 2 : i32
        %swap3A_591 = arith.index_cast %swap3A_589 : i32 to index
        %swap3A_592 = arith.index_cast %scan3A_319 : i32 to index
        %swap3A_593 = arith.index_cast %swap3A_590 : i32 to index
        %swap3A_594 = arith.constant 16 : index
        %swap3A_595 = tpu.vector_load %arg10[%swap3A_591, %swap3A_592, %swap3A_593, %swap3A_594] {strides = array<i32>} : memref<2x16x8x64xf32, #tpu.memory_space<vmem>>, vector<1x1x1x16xf32>,
        %swap3A_596 = vector.shape_cast %swap3A_595 : vector<1x1x1x16xf32> to vector<16xf32>
        %swap3A_597 = vector.shape_cast %add3A_588 : vector<16xf32> to vector<1x1x1x16xf32>
        tpu.vector_store %arg10[%swap3A_591, %swap3A_592, %swap3A_593, %swap3A_594], %swap3A_597 {strides = array<i32>} : memref<2x16x8x64xf32, #tpu.memory_space<vmem>>, vector<1x1x1x16xf32>,
        %mul3A_598 = arith.constant 8 : i32
        %mul3A_599 = arith.muli %scan3A_319, %mul3A_598 : i32
        %add3A_600 = arith.constant 2 : i32
        %add3A_601 = arith.addi %mul3A_599, %add3A_600 : i32
        %get3A_602 = arith.constant 3 : i32
        %get3A_603 = arith.index_cast %get3A_602 : i32 to index
        %get3A_604 = arith.index_cast %add3A_601 : i32 to index
        %get3A_605 = arith.constant 32 : index
        %get3A_606 = tpu.vector_load %arg9[%get3A_603, %get3A_604, %get3A_605] {strides = array<i32>} : memref<4x128x128xf32, #tpu.memory_space<vmem>>, vector<1x1x16xf32>,
        %get3A_607 = vector.shape_cast %get3A_606 : vector<1x1x16xf32> to vector<16xf32>
        %mul3A_608 = arith.constant 8 : i32
        %mul3A_609 = arith.muli %scan3A_319, %mul3A_608 : i32
        %add3A_610 = arith.constant 2 : i32
        %add3A_611 = arith.addi %mul3A_609, %add3A_610 : i32
        %get3A_612 = arith.index_cast %add3A_611 : i32 to index
        %get3A_613 = arith.constant 32 : index
        %get3A_614 = tpu.vector_load %arg8[%get3A_612, %get3A_613] {strides = array<i32>} : memref<128x64xf32, #tpu.memory_space<vmem>>, vector<1x16xf32>,
        %get3A_615 = vector.shape_cast %get3A_614 : vector<1x16xf32> to vector<16xf32>
        %add3A_616 = arith.addf %get3A_607, %get3A_615 : vector<16xf32>
        %swap3A_617 = arith.constant 1 : i32
        %swap3A_618 = arith.constant 2 : i32
        %swap3A_619 = arith.index_cast %swap3A_617 : i32 to index
        %swap3A_620 = arith.index_cast %scan3A_319 : i32 to index
        %swap3A_621 = arith.index_cast %swap3A_618 : i32 to index
        %swap3A_622 = arith.constant 32 : index
        %swap3A_623 = tpu.vector_load %arg10[%swap3A_619, %swap3A_620, %swap3A_621, %swap3A_622] {strides = array<i32>} : memref<2x16x8x64xf32, #tpu.memory_space<vmem>>, vector<1x1x1x16xf32>,
        %swap3A_624 = vector.shape_cast %swap3A_623 : vector<1x1x1x16xf32> to vector<16xf32>
        %swap3A_625 = vector.shape_cast %add3A_616 : vector<16xf32> to vector<1x1x1x16xf32>
        tpu.vector_store %arg10[%swap3A_619, %swap3A_620, %swap3A_621, %swap3A_622], %swap3A_625 {strides = array<i32>} : memref<2x16x8x64xf32, #tpu.memory_space<vmem>>, vector<1x1x1x16xf32>,
        %mul3A_626 = arith.constant 8 : i32
        %mul3A_627 = arith.muli %scan3A_319, %mul3A_626 : i32
        %add3A_628 = arith.constant 2 : i32
        %add3A_629 = arith.addi %mul3A_627, %add3A_628 : i32
        %get3A_630 = arith.constant 3 : i32
        %get3A_631 = arith.index_cast %get3A_630 : i32 to index
        %get3A_632 = arith.index_cast %add3A_629 : i32 to index
        %get3A_633 = arith.constant 48 : index
        %get3A_634 = tpu.vector_load %arg9[%get3A_631, %get3A_632, %get3A_633] {strides = array<i32>} : memref<4x128x128xf32, #tpu.memory_space<vmem>>, vector<1x1x16xf32>,
        %get3A_635 = vector.shape_cast %get3A_634 : vector<1x1x16xf32> to vector<16xf32>
        %mul3A_636 = arith.constant 8 : i32
        %mul3A_637 = arith.muli %scan3A_319, %mul3A_636 : i32
        %add3A_638 = arith.constant 2 : i32
        %add3A_639 = arith.addi %mul3A_637, %add3A_638 : i32
        %get3A_640 = arith.index_cast %add3A_639 : i32 to index
        %get3A_641 = arith.constant 48 : index
        %get3A_642 = tpu.vector_load %arg8[%get3A_640, %get3A_641] {strides = array<i32>} : memref<128x64xf32, #tpu.memory_space<vmem>>, vector<1x16xf32>,
        %get3A_643 = vector.shape_cast %get3A_642 : vector<1x16xf32> to vector<16xf32>
        %add3A_644 = arith.addf %get3A_635, %get3A_643 : vector<16xf32>
        %swap3A_645 = arith.constant 1 : i32
        %swap3A_646 = arith.constant 2 : i32
        %swap3A_647 = arith.index_cast %swap3A_645 : i32 to index
        %swap3A_648 = arith.index_cast %scan3A_319 : i32 to index
        %swap3A_649 = arith.index_cast %swap3A_646 : i32 to index
        %swap3A_650 = arith.constant 48 : index
        %swap3A_651 = tpu.vector_load %arg10[%swap3A_647, %swap3A_648, %swap3A_649, %swap3A_650] {strides = array<i32>} : memref<2x16x8x64xf32, #tpu.memory_space<vmem>>, vector<1x1x1x16xf32>,
        %swap3A_652 = vector.shape_cast %swap3A_651 : vector<1x1x1x16xf32> to vector<16xf32>
        %swap3A_653 = vector.shape_cast %add3A_644 : vector<16xf32> to vector<1x1x1x16xf32>
        tpu.vector_store %arg10[%swap3A_647, %swap3A_648, %swap3A_649, %swap3A_650], %swap3A_653 {strides = array<i32>} : memref<2x16x8x64xf32, #tpu.memory_space<vmem>>, vector<1x1x1x16xf32>,
        %mul3A_654 = arith.constant 8 : i32
        %mul3A_655 = arith.muli %scan3A_319, %mul3A_654 : i32
        %add3A_656 = arith.constant 3 : i32
        %add3A_657 = arith.addi %mul3A_655, %add3A_656 : i32
        %get3A_658 = arith.constant 3 : i32
        %get3A_659 = arith.index_cast %get3A_658 : i32 to index
        %get3A_660 = arith.index_cast %add3A_657 : i32 to index
        %get3A_661 = arith.constant 0 : index
        %get3A_662 = tpu.vector_load %arg9[%get3A_659, %get3A_660, %get3A_661] {strides = array<i32>} : memref<4x128x128xf32, #tpu.memory_space<vmem>>, vector<1x1x16xf32>,
        %get3A_663 = vector.shape_cast %get3A_662 : vector<1x1x16xf32> to vector<16xf32>
        %mul3A_664 = arith.constant 8 : i32
        %mul3A_665 = arith.muli %scan3A_319, %mul3A_664 : i32
        %add3A_666 = arith.constant 3 : i32
        %add3A_667 = arith.addi %mul3A_665, %add3A_666 : i32
        %get3A_668 = arith.index_cast %add3A_667 : i32 to index
        %get3A_669 = arith.constant 0 : index
        %get3A_670 = tpu.vector_load %arg8[%get3A_668, %get3A_669] {strides = array<i32>} : memref<128x64xf32, #tpu.memory_space<vmem>>, vector<1x16xf32>,
        %get3A_671 = vector.shape_cast %get3A_670 : vector<1x16xf32> to vector<16xf32>
        %add3A_672 = arith.addf %get3A_663, %get3A_671 : vector<16xf32>
        %swap3A_673 = arith.constant 1 : i32
        %swap3A_674 = arith.constant 3 : i32
        %swap3A_675 = arith.index_cast %swap3A_673 : i32 to index
        %swap3A_676 = arith.index_cast %scan3A_319 : i32 to index
        %swap3A_677 = arith.index_cast %swap3A_674 : i32 to index
        %swap3A_678 = arith.constant 0 : index
        %swap3A_679 = tpu.vector_load %arg10[%swap3A_675, %swap3A_676, %swap3A_677, %swap3A_678] {strides = array<i32>} : memref<2x16x8x64xf32, #tpu.memory_space<vmem>>, vector<1x1x1x16xf32>,
        %swap3A_680 = vector.shape_cast %swap3A_679 : vector<1x1x1x16xf32> to vector<16xf32>
        %swap3A_681 = vector.shape_cast %add3A_672 : vector<16xf32> to vector<1x1x1x16xf32>
        tpu.vector_store %arg10[%swap3A_675, %swap3A_676, %swap3A_677, %swap3A_678], %swap3A_681 {strides = array<i32>} : memref<2x16x8x64xf32, #tpu.memory_space<vmem>>, vector<1x1x1x16xf32>,
        %mul3A_682 = arith.constant 8 : i32
        %mul3A_683 = arith.muli %scan3A_319, %mul3A_682 : i32
        %add3A_684 = arith.constant 3 : i32
        %add3A_685 = arith.addi %mul3A_683, %add3A_684 : i32
        %get3A_686 = arith.constant 3 : i32
        %get3A_687 = arith.index_cast %get3A_686 : i32 to index
        %get3A_688 = arith.index_cast %add3A_685 : i32 to index
        %get3A_689 = arith.constant 16 : index
        %get3A_690 = tpu.vector_load %arg9[%get3A_687, %get3A_688, %get3A_689] {strides = array<i32>} : memref<4x128x128xf32, #tpu.memory_space<vmem>>, vector<1x1x16xf32>,
        %get3A_691 = vector.shape_cast %get3A_690 : vector<1x1x16xf32> to vector<16xf32>
        %mul3A_692 = arith.constant 8 : i32
        %mul3A_693 = arith.muli %scan3A_319, %mul3A_692 : i32
        %add3A_694 = arith.constant 3 : i32
        %add3A_695 = arith.addi %mul3A_693, %add3A_694 : i32
        %get3A_696 = arith.index_cast %add3A_695 : i32 to index
        %get3A_697 = arith.constant 16 : index
        %get3A_698 = tpu.vector_load %arg8[%get3A_696, %get3A_697] {strides = array<i32>} : memref<128x64xf32, #tpu.memory_space<vmem>>, vector<1x16xf32>,
        %get3A_699 = vector.shape_cast %get3A_698 : vector<1x16xf32> to vector<16xf32>
        %add3A_700 = arith.addf %get3A_691, %get3A_699 : vector<16xf32>
        %swap3A_701 = arith.constant 1 : i32
        %swap3A_702 = arith.constant 3 : i32
        %swap3A_703 = arith.index_cast %swap3A_701 : i32 to index
        %swap3A_704 = arith.index_cast %scan3A_319 : i32 to index
        %swap3A_705 = arith.index_cast %swap3A_702 : i32 to index
        %swap3A_706 = arith.constant 16 : index
        %swap3A_707 = tpu.vector_load %arg10[%swap3A_703, %swap3A_704, %swap3A_705, %swap3A_706] {strides = array<i32>} : memref<2x16x8x64xf32, #tpu.memory_space<vmem>>, vector<1x1x1x16xf32>,
        %swap3A_708 = vector.shape_cast %swap3A_707 : vector<1x1x1x16xf32> to vector<16xf32>
        %swap3A_709 = vector.shape_cast %add3A_700 : vector<16xf32> to vector<1x1x1x16xf32>
        tpu.vector_store %arg10[%swap3A_703, %swap3A_704, %swap3A_705, %swap3A_706], %swap3A_709 {strides = array<i32>} : memref<2x16x8x64xf32, #tpu.memory_space<vmem>>, vector<1x1x1x16xf32>,
        %mul3A_710 = arith.constant 8 : i32
        %mul3A_711 = arith.muli %scan3A_319, %mul3A_710 : i32
        %add3A_712 = arith.constant 3 : i32
        %add3A_713 = arith.addi %mul3A_711, %add3A_712 : i32
        %get3A_714 = arith.constant 3 : i32
        %get3A_715 = arith.index_cast %get3A_714 : i32 to index
        %get3A_716 = arith.index_cast %add3A_713 : i32 to index
        %get3A_717 = arith.constant 32 : index
        %get3A_718 = tpu.vector_load %arg9[%get3A_715, %get3A_716, %get3A_717] {strides = array<i32>} : memref<4x128x128xf32, #tpu.memory_space<vmem>>, vector<1x1x16xf32>,
        %get3A_719 = vector.shape_cast %get3A_718 : vector<1x1x16xf32> to vector<16xf32>
        %mul3A_720 = arith.constant 8 : i32
        %mul3A_721 = arith.muli %scan3A_319, %mul3A_720 : i32
        %add3A_722 = arith.constant 3 : i32
        %add3A_723 = arith.addi %mul3A_721, %add3A_722 : i32
        %get3A_724 = arith.index_cast %add3A_723 : i32 to index
        %get3A_725 = arith.constant 32 : index
        %get3A_726 = tpu.vector_load %arg8[%get3A_724, %get3A_725] {strides = array<i32>} : memref<128x64xf32, #tpu.memory_space<vmem>>, vector<1x16xf32>,
        %get3A_727 = vector.shape_cast %get3A_726 : vector<1x16xf32> to vector<16xf32>
        %add3A_728 = arith.addf %get3A_719, %get3A_727 : vector<16xf32>
        %swap3A_729 = arith.constant 1 : i32
        %swap3A_730 = arith.constant 3 : i32
        %swap3A_731 = arith.index_cast %swap3A_729 : i32 to index
        %swap3A_732 = arith.index_cast %scan3A_319 : i32 to index
        %swap3A_733 = arith.index_cast %swap3A_730 : i32 to index
        %swap3A_734 = arith.constant 32 : index
        %swap3A_735 = tpu.vector_load %arg10[%swap3A_731, %swap3A_732, %swap3A_733, %swap3A_734] {strides = array<i32>} : memref<2x16x8x64xf32, #tpu.memory_space<vmem>>, vector<1x1x1x16xf32>,
        %swap3A_736 = vector.shape_cast %swap3A_735 : vector<1x1x1x16xf32> to vector<16xf32>
        %swap3A_737 = vector.shape_cast %add3A_728 : vector<16xf32> to vector<1x1x1x16xf32>
        tpu.vector_store %arg10[%swap3A_731, %swap3A_732, %swap3A_733, %swap3A_734], %swap3A_737 {strides = array<i32>} : memref<2x16x8x64xf32, #tpu.memory_space<vmem>>, vector<1x1x1x16xf32>,
        %mul3A_738 = arith.constant 8 : i32
        %mul3A_739 = arith.muli %scan3A_319, %mul3A_738 : i32
        %add3A_740 = arith.constant 3 : i32
        %add3A_741 = arith.addi %mul3A_739, %add3A_740 : i32
        %get3A_742 = arith.constant 3 : i32
        %get3A_743 = arith.index_cast %get3A_742 : i32 to index
        %get3A_744 = arith.index_cast %add3A_741 : i32 to index
        %get3A_745 = arith.constant 48 : index
        %get3A_746 = tpu.vector_load %arg9[%get3A_743, %get3A_744, %get3A_745] {strides = array<i32>} : memref<4x128x128xf32, #tpu.memory_space<vmem>>, vector<1x1x16xf32>,
        %get3A_747 = vector.shape_cast %get3A_746 : vector<1x1x16xf32> to vector<16xf32>
        %mul3A_748 = arith.constant 8 : i32
        %mul3A_749 = arith.muli %scan3A_319, %mul3A_748 : i32
        %add3A_750 = arith.constant 3 : i32
        %add3A_751 = arith.addi %mul3A_749, %add3A_750 : i32
        %get3A_752 = arith.index_cast %add3A_751 : i32 to index
        %get3A_753 = arith.constant 48 : index
        %get3A_754 = tpu.vector_load %arg8[%get3A_752, %get3A_753] {strides = array<i32>} : memref<128x64xf32, #tpu.memory_space<vmem>>, vector<1x16xf32>,
        %get3A_755 = vector.shape_cast %get3A_754 : vector<1x16xf32> to vector<16xf32>
        %add3A_756 = arith.addf %get3A_747, %get3A_755 : vector<16xf32>
        %swap3A_757 = arith.constant 1 : i32
        %swap3A_758 = arith.constant 3 : i32
        %swap3A_759 = arith.index_cast %swap3A_757 : i32 to index
        %swap3A_760 = arith.index_cast %scan3A_319 : i32 to index
        %swap3A_761 = arith.index_cast %swap3A_758 : i32 to index
        %swap3A_762 = arith.constant 48 : index
        %swap3A_763 = tpu.vector_load %arg10[%swap3A_759, %swap3A_760, %swap3A_761, %swap3A_762] {strides = array<i32>} : memref<2x16x8x64xf32, #tpu.memory_space<vmem>>, vector<1x1x1x16xf32>,
        %swap3A_764 = vector.shape_cast %swap3A_763 : vector<1x1x1x16xf32> to vector<16xf32>
        %swap3A_765 = vector.shape_cast %add3A_756 : vector<16xf32> to vector<1x1x1x16xf32>
        tpu.vector_store %arg10[%swap3A_759, %swap3A_760, %swap3A_761, %swap3A_762], %swap3A_765 {strides = array<i32>} : memref<2x16x8x64xf32, #tpu.memory_space<vmem>>, vector<1x1x1x16xf32>,
        %mul3A_766 = arith.constant 8 : i32
        %mul3A_767 = arith.muli %scan3A_319, %mul3A_766 : i32
        %add3A_768 = arith.constant 4 : i32
        %add3A_769 = arith.addi %mul3A_767, %add3A_768 : i32
        %get3A_770 = arith.constant 3 : i32
        %get3A_771 = arith.index_cast %get3A_770 : i32 to index
        %get3A_772 = arith.index_cast %add3A_769 : i32 to index
        %get3A_773 = arith.constant 0 : index
        %get3A_774 = tpu.vector_load %arg9[%get3A_771, %get3A_772, %get3A_773] {strides = array<i32>} : memref<4x128x128xf32, #tpu.memory_space<vmem>>, vector<1x1x16xf32>,
        %get3A_775 = vector.shape_cast %get3A_774 : vector<1x1x16xf32> to vector<16xf32>
        %mul3A_776 = arith.constant 8 : i32
        %mul3A_777 = arith.muli %scan3A_319, %mul3A_776 : i32
        %add3A_778 = arith.constant 4 : i32
        %add3A_779 = arith.addi %mul3A_777, %add3A_778 : i32
        %get3A_780 = arith.index_cast %add3A_779 : i32 to index
        %get3A_781 = arith.constant 0 : index
        %get3A_782 = tpu.vector_load %arg8[%get3A_780, %get3A_781] {strides = array<i32>} : memref<128x64xf32, #tpu.memory_space<vmem>>, vector<1x16xf32>,
        %get3A_783 = vector.shape_cast %get3A_782 : vector<1x16xf32> to vector<16xf32>
        %add3A_784 = arith.addf %get3A_775, %get3A_783 : vector<16xf32>
        %swap3A_785 = arith.constant 1 : i32
        %swap3A_786 = arith.constant 4 : i32
        %swap3A_787 = arith.index_cast %swap3A_785 : i32 to index
        %swap3A_788 = arith.index_cast %scan3A_319 : i32 to index
        %swap3A_789 = arith.index_cast %swap3A_786 : i32 to index
        %swap3A_790 = arith.constant 0 : index
        %swap3A_791 = tpu.vector_load %arg10[%swap3A_787, %swap3A_788, %swap3A_789, %swap3A_790] {strides = array<i32>} : memref<2x16x8x64xf32, #tpu.memory_space<vmem>>, vector<1x1x1x16xf32>,
        %swap3A_792 = vector.shape_cast %swap3A_791 : vector<1x1x1x16xf32> to vector<16xf32>
        %swap3A_793 = vector.shape_cast %add3A_784 : vector<16xf32> to vector<1x1x1x16xf32>
        tpu.vector_store %arg10[%swap3A_787, %swap3A_788, %swap3A_789, %swap3A_790], %swap3A_793 {strides = array<i32>} : memref<2x16x8x64xf32, #tpu.memory_space<vmem>>, vector<1x1x1x16xf32>,
        %mul3A_794 = arith.constant 8 : i32
        %mul3A_795 = arith.muli %scan3A_319, %mul3A_794 : i32
        %add3A_796 = arith.constant 4 : i32
        %add3A_797 = arith.addi %mul3A_795, %add3A_796 : i32
        %get3A_798 = arith.constant 3 : i32
        %get3A_799 = arith.index_cast %get3A_798 : i32 to index
        %get3A_800 = arith.index_cast %add3A_797 : i32 to index
        %get3A_801 = arith.constant 16 : index
        %get3A_802 = tpu.vector_load %arg9[%get3A_799, %get3A_800, %get3A_801] {strides = array<i32>} : memref<4x128x128xf32, #tpu.memory_space<vmem>>, vector<1x1x16xf32>,
        %get3A_803 = vector.shape_cast %get3A_802 : vector<1x1x16xf32> to vector<16xf32>
        %mul3A_804 = arith.constant 8 : i32
        %mul3A_805 = arith.muli %scan3A_319, %mul3A_804 : i32
        %add3A_806 = arith.constant 4 : i32
        %add3A_807 = arith.addi %mul3A_805, %add3A_806 : i32
        %get3A_808 = arith.index_cast %add3A_807 : i32 to index
        %get3A_809 = arith.constant 16 : index
        %get3A_810 = tpu.vector_load %arg8[%get3A_808, %get3A_809] {strides = array<i32>} : memref<128x64xf32, #tpu.memory_space<vmem>>, vector<1x16xf32>,
        %get3A_811 = vector.shape_cast %get3A_810 : vector<1x16xf32> to vector<16xf32>
        %add3A_812 = arith.addf %get3A_803, %get3A_811 : vector<16xf32>
        %swap3A_813 = arith.constant 1 : i32
        %swap3A_814 = arith.constant 4 : i32
        %swap3A_815 = arith.index_cast %swap3A_813 : i32 to index
        %swap3A_816 = arith.index_cast %scan3A_319 : i32 to index
        %swap3A_817 = arith.index_cast %swap3A_814 : i32 to index
        %swap3A_818 = arith.constant 16 : index
        %swap3A_819 = tpu.vector_load %arg10[%swap3A_815, %swap3A_816, %swap3A_817, %swap3A_818] {strides = array<i32>} : memref<2x16x8x64xf32, #tpu.memory_space<vmem>>, vector<1x1x1x16xf32>,
        %swap3A_820 = vector.shape_cast %swap3A_819 : vector<1x1x1x16xf32> to vector<16xf32>
        %swap3A_821 = vector.shape_cast %add3A_812 : vector<16xf32> to vector<1x1x1x16xf32>
        tpu.vector_store %arg10[%swap3A_815, %swap3A_816, %swap3A_817, %swap3A_818], %swap3A_821 {strides = array<i32>} : memref<2x16x8x64xf32, #tpu.memory_space<vmem>>, vector<1x1x1x16xf32>,
        %mul3A_822 = arith.constant 8 : i32
        %mul3A_823 = arith.muli %scan3A_319, %mul3A_822 : i32
        %add3A_824 = arith.constant 4 : i32
        %add3A_825 = arith.addi %mul3A_823, %add3A_824 : i32
        %get3A_826 = arith.constant 3 : i32
        %get3A_827 = arith.index_cast %get3A_826 : i32 to index
        %get3A_828 = arith.index_cast %add3A_825 : i32 to index
        %get3A_829 = arith.constant 32 : index
        %get3A_830 = tpu.vector_load %arg9[%get3A_827, %get3A_828, %get3A_829] {strides = array<i32>} : memref<4x128x128xf32, #tpu.memory_space<vmem>>, vector<1x1x16xf32>,
        %get3A_831 = vector.shape_cast %get3A_830 : vector<1x1x16xf32> to vector<16xf32>
        %mul3A_832 = arith.constant 8 : i32
        %mul3A_833 = arith.muli %scan3A_319, %mul3A_832 : i32
        %add3A_834 = arith.constant 4 : i32
        %add3A_835 = arith.addi %mul3A_833, %add3A_834 : i32
        %get3A_836 = arith.index_cast %add3A_835 : i32 to index
        %get3A_837 = arith.constant 32 : index
        %get3A_838 = tpu.vector_load %arg8[%get3A_836, %get3A_837] {strides = array<i32>} : memref<128x64xf32, #tpu.memory_space<vmem>>, vector<1x16xf32>,
        %get3A_839 = vector.shape_cast %get3A_838 : vector<1x16xf32> to vector<16xf32>
        %add3A_840 = arith.addf %get3A_831, %get3A_839 : vector<16xf32>
        %swap3A_841 = arith.constant 1 : i32
        %swap3A_842 = arith.constant 4 : i32
        %swap3A_843 = arith.index_cast %swap3A_841 : i32 to index
        %swap3A_844 = arith.index_cast %scan3A_319 : i32 to index
        %swap3A_845 = arith.index_cast %swap3A_842 : i32 to index
        %swap3A_846 = arith.constant 32 : index
        %swap3A_847 = tpu.vector_load %arg10[%swap3A_843, %swap3A_844, %swap3A_845, %swap3A_846] {strides = array<i32>} : memref<2x16x8x64xf32, #tpu.memory_space<vmem>>, vector<1x1x1x16xf32>,
        %swap3A_848 = vector.shape_cast %swap3A_847 : vector<1x1x1x16xf32> to vector<16xf32>
        %swap3A_849 = vector.shape_cast %add3A_840 : vector<16xf32> to vector<1x1x1x16xf32>
        tpu.vector_store %arg10[%swap3A_843, %swap3A_844, %swap3A_845, %swap3A_846], %swap3A_849 {strides = array<i32>} : memref<2x16x8x64xf32, #tpu.memory_space<vmem>>, vector<1x1x1x16xf32>,
        %mul3A_850 = arith.constant 8 : i32
        %mul3A_851 = arith.muli %scan3A_319, %mul3A_850 : i32
        %add3A_852 = arith.constant 4 : i32
        %add3A_853 = arith.addi %mul3A_851, %add3A_852 : i32
        %get3A_854 = arith.constant 3 : i32
        %get3A_855 = arith.index_cast %get3A_854 : i32 to index
        %get3A_856 = arith.index_cast %add3A_853 : i32 to index
        %get3A_857 = arith.constant 48 : index
        %get3A_858 = tpu.vector_load %arg9[%get3A_855, %get3A_856, %get3A_857] {strides = array<i32>} : memref<4x128x128xf32, #tpu.memory_space<vmem>>, vector<1x1x16xf32>,
        %get3A_859 = vector.shape_cast %get3A_858 : vector<1x1x16xf32> to vector<16xf32>
        %mul3A_860 = arith.constant 8 : i32
        %mul3A_861 = arith.muli %scan3A_319, %mul3A_860 : i32
        %add3A_862 = arith.constant 4 : i32
        %add3A_863 = arith.addi %mul3A_861, %add3A_862 : i32
        %get3A_864 = arith.index_cast %add3A_863 : i32 to index
        %get3A_865 = arith.constant 48 : index
        %get3A_866 = tpu.vector_load %arg8[%get3A_864, %get3A_865] {strides = array<i32>} : memref<128x64xf32, #tpu.memory_space<vmem>>, vector<1x16xf32>,
        %get3A_867 = vector.shape_cast %get3A_866 : vector<1x16xf32> to vector<16xf32>
        %add3A_868 = arith.addf %get3A_859, %get3A_867 : vector<16xf32>
        %swap3A_869 = arith.constant 1 : i32
        %swap3A_870 = arith.constant 4 : i32
        %swap3A_871 = arith.index_cast %swap3A_869 : i32 to index
        %swap3A_872 = arith.index_cast %scan3A_319 : i32 to index
        %swap3A_873 = arith.index_cast %swap3A_870 : i32 to index
        %swap3A_874 = arith.constant 48 : index
        %swap3A_875 = tpu.vector_load %arg10[%swap3A_871, %swap3A_872, %swap3A_873, %swap3A_874] {strides = array<i32>} : memref<2x16x8x64xf32, #tpu.memory_space<vmem>>, vector<1x1x1x16xf32>,
        %swap3A_876 = vector.shape_cast %swap3A_875 : vector<1x1x1x16xf32> to vector<16xf32>
        %swap3A_877 = vector.shape_cast %add3A_868 : vector<16xf32> to vector<1x1x1x16xf32>
        tpu.vector_store %arg10[%swap3A_871, %swap3A_872, %swap3A_873, %swap3A_874], %swap3A_877 {strides = array<i32>} : memref<2x16x8x64xf32, #tpu.memory_space<vmem>>, vector<1x1x1x16xf32>,
        %mul3A_878 = arith.constant 8 : i32
        %mul3A_879 = arith.muli %scan3A_319, %mul3A_878 : i32
        %add3A_880 = arith.constant 5 : i32
        %add3A_881 = arith.addi %mul3A_879, %add3A_880 : i32
        %get3A_882 = arith.constant 3 : i32
        %get3A_883 = arith.index_cast %get3A_882 : i32 to index
        %get3A_884 = arith.index_cast %add3A_881 : i32 to index
        %get3A_885 = arith.constant 0 : index
        %get3A_886 = tpu.vector_load %arg9[%get3A_883, %get3A_884, %get3A_885] {strides = array<i32>} : memref<4x128x128xf32, #tpu.memory_space<vmem>>, vector<1x1x16xf32>,
        %get3A_887 = vector.shape_cast %get3A_886 : vector<1x1x16xf32> to vector<16xf32>
        %mul3A_888 = arith.constant 8 : i32
        %mul3A_889 = arith.muli %scan3A_319, %mul3A_888 : i32
        %add3A_890 = arith.constant 5 : i32
        %add3A_891 = arith.addi %mul3A_889, %add3A_890 : i32
        %get3A_892 = arith.index_cast %add3A_891 : i32 to index
        %get3A_893 = arith.constant 0 : index
        %get3A_894 = tpu.vector_load %arg8[%get3A_892, %get3A_893] {strides = array<i32>} : memref<128x64xf32, #tpu.memory_space<vmem>>, vector<1x16xf32>,
        %get3A_895 = vector.shape_cast %get3A_894 : vector<1x16xf32> to vector<16xf32>
        %add3A_896 = arith.addf %get3A_887, %get3A_895 : vector<16xf32>
        %swap3A_897 = arith.constant 1 : i32
        %swap3A_898 = arith.constant 5 : i32
        %swap3A_899 = arith.index_cast %swap3A_897 : i32 to index
        %swap3A_900 = arith.index_cast %scan3A_319 : i32 to index
        %swap3A_901 = arith.index_cast %swap3A_898 : i32 to index
        %swap3A_902 = arith.constant 0 : index
        %swap3A_903 = tpu.vector_load %arg10[%swap3A_899, %swap3A_900, %swap3A_901, %swap3A_902] {strides = array<i32>} : memref<2x16x8x64xf32, #tpu.memory_space<vmem>>, vector<1x1x1x16xf32>,
        %swap3A_904 = vector.shape_cast %swap3A_903 : vector<1x1x1x16xf32> to vector<16xf32>
        %swap3A_905 = vector.shape_cast %add3A_896 : vector<16xf32> to vector<1x1x1x16xf32>
        tpu.vector_store %arg10[%swap3A_899, %swap3A_900, %swap3A_901, %swap3A_902], %swap3A_905 {strides = array<i32>} : memref<2x16x8x64xf32, #tpu.memory_space<vmem>>, vector<1x1x1x16xf32>,
        %mul3A_906 = arith.constant 8 : i32
        %mul3A_907 = arith.muli %scan3A_319, %mul3A_906 : i32
        %add3A_908 = arith.constant 5 : i32
        %add3A_909 = arith.addi %mul3A_907, %add3A_908 : i32
        %get3A_910 = arith.constant 3 : i32
        %get3A_911 = arith.index_cast %get3A_910 : i32 to index
        %get3A_912 = arith.index_cast %add3A_909 : i32 to index
        %get3A_913 = arith.constant 16 : index
        %get3A_914 = tpu.vector_load %arg9[%get3A_911, %get3A_912, %get3A_913] {strides = array<i32>} : memref<4x128x128xf32, #tpu.memory_space<vmem>>, vector<1x1x16xf32>,
        %get3A_915 = vector.shape_cast %get3A_914 : vector<1x1x16xf32> to vector<16xf32>
        %mul3A_916 = arith.constant 8 : i32
        %mul3A_917 = arith.muli %scan3A_319, %mul3A_916 : i32
        %add3A_918 = arith.constant 5 : i32
        %add3A_919 = arith.addi %mul3A_917, %add3A_918 : i32
        %get3A_920 = arith.index_cast %add3A_919 : i32 to index
        %get3A_921 = arith.constant 16 : index
        %get3A_922 = tpu.vector_load %arg8[%get3A_920, %get3A_921] {strides = array<i32>} : memref<128x64xf32, #tpu.memory_space<vmem>>, vector<1x16xf32>,
        %get3A_923 = vector.shape_cast %get3A_922 : vector<1x16xf32> to vector<16xf32>
        %add3A_924 = arith.addf %get3A_915, %get3A_923 : vector<16xf32>
        %swap3A_925 = arith.constant 1 : i32
        %swap3A_926 = arith.constant 5 : i32
        %swap3A_927 = arith.index_cast %swap3A_925 : i32 to index
        %swap3A_928 = arith.index_cast %scan3A_319 : i32 to index
        %swap3A_929 = arith.index_cast %swap3A_926 : i32 to index
        %swap3A_930 = arith.constant 16 : index
        %swap3A_931 = tpu.vector_load %arg10[%swap3A_927, %swap3A_928, %swap3A_929, %swap3A_930] {strides = array<i32>} : memref<2x16x8x64xf32, #tpu.memory_space<vmem>>, vector<1x1x1x16xf32>,
        %swap3A_932 = vector.shape_cast %swap3A_931 : vector<1x1x1x16xf32> to vector<16xf32>
        %swap3A_933 = vector.shape_cast %add3A_924 : vector<16xf32> to vector<1x1x1x16xf32>
        tpu.vector_store %arg10[%swap3A_927, %swap3A_928, %swap3A_929, %swap3A_930], %swap3A_933 {strides = array<i32>} : memref<2x16x8x64xf32, #tpu.memory_space<vmem>>, vector<1x1x1x16xf32>,
        %mul3A_934 = arith.constant 8 : i32
        %mul3A_935 = arith.muli %scan3A_319, %mul3A_934 : i32
        %add3A_936 = arith.constant 5 : i32
        %add3A_937 = arith.addi %mul3A_935, %add3A_936 : i32
        %get3A_938 = arith.constant 3 : i32
        %get3A_939 = arith.index_cast %get3A_938 : i32 to index
        %get3A_940 = arith.index_cast %add3A_937 : i32 to index
        %get3A_941 = arith.constant 32 : index
        %get3A_942 = tpu.vector_load %arg9[%get3A_939, %get3A_940, %get3A_941] {strides = array<i32>} : memref<4x128x128xf32, #tpu.memory_space<vmem>>, vector<1x1x16xf32>,
        %get3A_943 = vector.shape_cast %get3A_942 : vector<1x1x16xf32> to vector<16xf32>
        %mul3A_944 = arith.constant 8 : i32
        %mul3A_945 = arith.muli %scan3A_319, %mul3A_944 : i32
        %add3A_946 = arith.constant 5 : i32
        %add3A_947 = arith.addi %mul3A_945, %add3A_946 : i32
        %get3A_948 = arith.index_cast %add3A_947 : i32 to index
        %get3A_949 = arith.constant 32 : index
        %get3A_950 = tpu.vector_load %arg8[%get3A_948, %get3A_949] {strides = array<i32>} : memref<128x64xf32, #tpu.memory_space<vmem>>, vector<1x16xf32>,
        %get3A_951 = vector.shape_cast %get3A_950 : vector<1x16xf32> to vector<16xf32>
        %add3A_952 = arith.addf %get3A_943, %get3A_951 : vector<16xf32>
        %swap3A_953 = arith.constant 1 : i32
        %swap3A_954 = arith.constant 5 : i32
        %swap3A_955 = arith.index_cast %swap3A_953 : i32 to index
        %swap3A_956 = arith.index_cast %scan3A_319 : i32 to index
        %swap3A_957 = arith.index_cast %swap3A_954 : i32 to index
        %swap3A_958 = arith.constant 32 : index
        %swap3A_959 = tpu.vector_load %arg10[%swap3A_955, %swap3A_956, %swap3A_957, %swap3A_958] {strides = array<i32>} : memref<2x16x8x64xf32, #tpu.memory_space<vmem>>, vector<1x1x1x16xf32>,
        %swap3A_960 = vector.shape_cast %swap3A_959 : vector<1x1x1x16xf32> to vector<16xf32>
        %swap3A_961 = vector.shape_cast %add3A_952 : vector<16xf32> to vector<1x1x1x16xf32>
        tpu.vector_store %arg10[%swap3A_955, %swap3A_956, %swap3A_957, %swap3A_958], %swap3A_961 {strides = array<i32>} : memref<2x16x8x64xf32, #tpu.memory_space<vmem>>, vector<1x1x1x16xf32>,
        %mul3A_962 = arith.constant 8 : i32
        %mul3A_963 = arith.muli %scan3A_319, %mul3A_962 : i32
        %add3A_964 = arith.constant 5 : i32
        %add3A_965 = arith.addi %mul3A_963, %add3A_964 : i32
        %get3A_966 = arith.constant 3 : i32
        %get3A_967 = arith.index_cast %get3A_966 : i32 to index
        %get3A_968 = arith.index_cast %add3A_965 : i32 to index
        %get3A_969 = arith.constant 48 : index
        %get3A_970 = tpu.vector_load %arg9[%get3A_967, %get3A_968, %get3A_969] {strides = array<i32>} : memref<4x128x128xf32, #tpu.memory_space<vmem>>, vector<1x1x16xf32>,
        %get3A_971 = vector.shape_cast %get3A_970 : vector<1x1x16xf32> to vector<16xf32>
        %mul3A_972 = arith.constant 8 : i32
        %mul3A_973 = arith.muli %scan3A_319, %mul3A_972 : i32
        %add3A_974 = arith.constant 5 : i32
        %add3A_975 = arith.addi %mul3A_973, %add3A_974 : i32
        %get3A_976 = arith.index_cast %add3A_975 : i32 to index
        %get3A_977 = arith.constant 48 : index
        %get3A_978 = tpu.vector_load %arg8[%get3A_976, %get3A_977] {strides = array<i32>} : memref<128x64xf32, #tpu.memory_space<vmem>>, vector<1x16xf32>,
        %get3A_979 = vector.shape_cast %get3A_978 : vector<1x16xf32> to vector<16xf32>
        %add3A_980 = arith.addf %get3A_971, %get3A_979 : vector<16xf32>
        %swap3A_981 = arith.constant 1 : i32
        %swap3A_982 = arith.constant 5 : i32
        %swap3A_983 = arith.index_cast %swap3A_981 : i32 to index
        %swap3A_984 = arith.index_cast %scan3A_319 : i32 to index
        %swap3A_985 = arith.index_cast %swap3A_982 : i32 to index
        %swap3A_986 = arith.constant 48 : index
        %swap3A_987 = tpu.vector_load %arg10[%swap3A_983, %swap3A_984, %swap3A_985, %swap3A_986] {strides = array<i32>} : memref<2x16x8x64xf32, #tpu.memory_space<vmem>>, vector<1x1x1x16xf32>,
        %swap3A_988 = vector.shape_cast %swap3A_987 : vector<1x1x1x16xf32> to vector<16xf32>
        %swap3A_989 = vector.shape_cast %add3A_980 : vector<16xf32> to vector<1x1x1x16xf32>
        tpu.vector_store %arg10[%swap3A_983, %swap3A_984, %swap3A_985, %swap3A_986], %swap3A_989 {strides = array<i32>} : memref<2x16x8x64xf32, #tpu.memory_space<vmem>>, vector<1x1x1x16xf32>,
        %mul3A_990 = arith.constant 8 : i32
        %mul3A_991 = arith.muli %scan3A_319, %mul3A_990 : i32
        %add3A_992 = arith.constant 6 : i32
        %add3A_993 = arith.addi %mul3A_991, %add3A_992 : i32
        %get3A_994 = arith.constant 3 : i32
        %get3A_995 = arith.index_cast %get3A_994 : i32 to index
        %get3A_996 = arith.index_cast %add3A_993 : i32 to index
        %get3A_997 = arith.constant 0 : index
        %get3A_998 = tpu.vector_load %arg9[%get3A_995, %get3A_996, %get3A_997] {strides = array<i32>} : memref<4x128x128xf32, #tpu.memory_space<vmem>>, vector<1x1x16xf32>,
        %get3A_999 = vector.shape_cast %get3A_998 : vector<1x1x16xf32> to vector<16xf32>
        %mul3A_1000 = arith.constant 8 : i32
        %mul3A_1001 = arith.muli %scan3A_319, %mul3A_1000 : i32
        %add3A_1002 = arith.constant 6 : i32
        %add3A_1003 = arith.addi %mul3A_1001, %add3A_1002 : i32
        %get3A_1004 = arith.index_cast %add3A_1003 : i32 to index
        %get3A_1005 = arith.constant 0 : index
        %get3A_1006 = tpu.vector_load %arg8[%get3A_1004, %get3A_1005] {strides = array<i32>} : memref<128x64xf32, #tpu.memory_space<vmem>>, vector<1x16xf32>,
        %get3A_1007 = vector.shape_cast %get3A_1006 : vector<1x16xf32> to vector<16xf32>
        %add3A_1008 = arith.addf %get3A_999, %get3A_1007 : vector<16xf32>
        %swap3A_1009 = arith.constant 1 : i32
        %swap3A_1010 = arith.constant 6 : i32
        %swap3A_1011 = arith.index_cast %swap3A_1009 : i32 to index
        %swap3A_1012 = arith.index_cast %scan3A_319 : i32 to index
        %swap3A_1013 = arith.index_cast %swap3A_1010 : i32 to index
        %swap3A_1014 = arith.constant 0 : index
        %swap3A_1015 = tpu.vector_load %arg10[%swap3A_1011, %swap3A_1012, %swap3A_1013, %swap3A_1014] {strides = array<i32>} : memref<2x16x8x64xf32, #tpu.memory_space<vmem>>, vector<1x1x1x16xf32>,
        %swap3A_1016 = vector.shape_cast %swap3A_1015 : vector<1x1x1x16xf32> to vector<16xf32>
        %swap3A_1017 = vector.shape_cast %add3A_1008 : vector<16xf32> to vector<1x1x1x16xf32>
        tpu.vector_store %arg10[%swap3A_1011, %swap3A_1012, %swap3A_1013, %swap3A_1014], %swap3A_1017 {strides = array<i32>} : memref<2x16x8x64xf32, #tpu.memory_space<vmem>>, vector<1x1x1x16xf32>,
        %mul3A_1018 = arith.constant 8 : i32
        %mul3A_1019 = arith.muli %scan3A_319, %mul3A_1018 : i32
        %add3A_1020 = arith.constant 6 : i32
        %add3A_1021 = arith.addi %mul3A_1019, %add3A_1020 : i32
        %get3A_1022 = arith.constant 3 : i32
        %get3A_1023 = arith.index_cast %get3A_1022 : i32 to index
        %get3A_1024 = arith.index_cast %add3A_1021 : i32 to index
        %get3A_1025 = arith.constant 16 : index
        %get3A_1026 = tpu.vector_load %arg9[%get3A_1023, %get3A_1024, %get3A_1025] {strides = array<i32>} : memref<4x128x128xf32, #tpu.memory_space<vmem>>, vector<1x1x16xf32>,
        %get3A_1027 = vector.shape_cast %get3A_1026 : vector<1x1x16xf32> to vector<16xf32>
        %mul3A_1028 = arith.constant 8 : i32
        %mul3A_1029 = arith.muli %scan3A_319, %mul3A_1028 : i32
        %add3A_1030 = arith.constant 6 : i32
        %add3A_1031 = arith.addi %mul3A_1029, %add3A_1030 : i32
        %get3A_1032 = arith.index_cast %add3A_1031 : i32 to index
        %get3A_1033 = arith.constant 16 : index
        %get3A_1034 = tpu.vector_load %arg8[%get3A_1032, %get3A_1033] {strides = array<i32>} : memref<128x64xf32, #tpu.memory_space<vmem>>, vector<1x16xf32>,
        %get3A_1035 = vector.shape_cast %get3A_1034 : vector<1x16xf32> to vector<16xf32>
        %add3A_1036 = arith.addf %get3A_1027, %get3A_1035 : vector<16xf32>
        %swap3A_1037 = arith.constant 1 : i32
        %swap3A_1038 = arith.constant 6 : i32
        %swap3A_1039 = arith.index_cast %swap3A_1037 : i32 to index
        %swap3A_1040 = arith.index_cast %scan3A_319 : i32 to index
        %swap3A_1041 = arith.index_cast %swap3A_1038 : i32 to index
        %swap3A_1042 = arith.constant 16 : index
        %swap3A_1043 = tpu.vector_load %arg10[%swap3A_1039, %swap3A_1040, %swap3A_1041, %swap3A_1042] {strides = array<i32>} : memref<2x16x8x64xf32, #tpu.memory_space<vmem>>, vector<1x1x1x16xf32>,
        %swap3A_1044 = vector.shape_cast %swap3A_1043 : vector<1x1x1x16xf32> to vector<16xf32>
        %swap3A_1045 = vector.shape_cast %add3A_1036 : vector<16xf32> to vector<1x1x1x16xf32>
        tpu.vector_store %arg10[%swap3A_1039, %swap3A_1040, %swap3A_1041, %swap3A_1042], %swap3A_1045 {strides = array<i32>} : memref<2x16x8x64xf32, #tpu.memory_space<vmem>>, vector<1x1x1x16xf32>,
        %mul3A_1046 = arith.constant 8 : i32
        %mul3A_1047 = arith.muli %scan3A_319, %mul3A_1046 : i32
        %add3A_1048 = arith.constant 6 : i32
        %add3A_1049 = arith.addi %mul3A_1047, %add3A_1048 : i32
        %get3A_1050 = arith.constant 3 : i32
        %get3A_1051 = arith.index_cast %get3A_1050 : i32 to index
        %get3A_1052 = arith.index_cast %add3A_1049 : i32 to index
        %get3A_1053 = arith.constant 32 : index
        %get3A_1054 = tpu.vector_load %arg9[%get3A_1051, %get3A_1052, %get3A_1053] {strides = array<i32>} : memref<4x128x128xf32, #tpu.memory_space<vmem>>, vector<1x1x16xf32>,
        %get3A_1055 = vector.shape_cast %get3A_1054 : vector<1x1x16xf32> to vector<16xf32>
        %mul3A_1056 = arith.constant 8 : i32
        %mul3A_1057 = arith.muli %scan3A_319, %mul3A_1056 : i32
        %add3A_1058 = arith.constant 6 : i32
        %add3A_1059 = arith.addi %mul3A_1057, %add3A_1058 : i32
        %get3A_1060 = arith.index_cast %add3A_1059 : i32 to index
        %get3A_1061 = arith.constant 32 : index
        %get3A_1062 = tpu.vector_load %arg8[%get3A_1060, %get3A_1061] {strides = array<i32>} : memref<128x64xf32, #tpu.memory_space<vmem>>, vector<1x16xf32>,
        %get3A_1063 = vector.shape_cast %get3A_1062 : vector<1x16xf32> to vector<16xf32>
        %add3A_1064 = arith.addf %get3A_1055, %get3A_1063 : vector<16xf32>
        %swap3A_1065 = arith.constant 1 : i32
        %swap3A_1066 = arith.constant 6 : i32
        %swap3A_1067 = arith.index_cast %swap3A_1065 : i32 to index
        %swap3A_1068 = arith.index_cast %scan3A_319 : i32 to index
        %swap3A_1069 = arith.index_cast %swap3A_1066 : i32 to index
        %swap3A_1070 = arith.constant 32 : index
        %swap3A_1071 = tpu.vector_load %arg10[%swap3A_1067, %swap3A_1068, %swap3A_1069, %swap3A_1070] {strides = array<i32>} : memref<2x16x8x64xf32, #tpu.memory_space<vmem>>, vector<1x1x1x16xf32>,
        %swap3A_1072 = vector.shape_cast %swap3A_1071 : vector<1x1x1x16xf32> to vector<16xf32>
        %swap3A_1073 = vector.shape_cast %add3A_1064 : vector<16xf32> to vector<1x1x1x16xf32>
        tpu.vector_store %arg10[%swap3A_1067, %swap3A_1068, %swap3A_1069, %swap3A_1070], %swap3A_1073 {strides = array<i32>} : memref<2x16x8x64xf32, #tpu.memory_space<vmem>>, vector<1x1x1x16xf32>,
        %mul3A_1074 = arith.constant 8 : i32
        %mul3A_1075 = arith.muli %scan3A_319, %mul3A_1074 : i32
        %add3A_1076 = arith.constant 6 : i32
        %add3A_1077 = arith.addi %mul3A_1075, %add3A_1076 : i32
        %get3A_1078 = arith.constant 3 : i32
        %get3A_1079 = arith.index_cast %get3A_1078 : i32 to index
        %get3A_1080 = arith.index_cast %add3A_1077 : i32 to index
        %get3A_1081 = arith.constant 48 : index
        %get3A_1082 = tpu.vector_load %arg9[%get3A_1079, %get3A_1080, %get3A_1081] {strides = array<i32>} : memref<4x128x128xf32, #tpu.memory_space<vmem>>, vector<1x1x16xf32>,
        %get3A_1083 = vector.shape_cast %get3A_1082 : vector<1x1x16xf32> to vector<16xf32>
        %mul3A_1084 = arith.constant 8 : i32
        %mul3A_1085 = arith.muli %scan3A_319, %mul3A_1084 : i32
        %add3A_1086 = arith.constant 6 : i32
        %add3A_1087 = arith.addi %mul3A_1085, %add3A_1086 : i32
        %get3A_1088 = arith.index_cast %add3A_1087 : i32 to index
        %get3A_1089 = arith.constant 48 : index
        %get3A_1090 = tpu.vector_load %arg8[%get3A_1088, %get3A_1089] {strides = array<i32>} : memref<128x64xf32, #tpu.memory_space<vmem>>, vector<1x16xf32>,
        %get3A_1091 = vector.shape_cast %get3A_1090 : vector<1x16xf32> to vector<16xf32>
        %add3A_1092 = arith.addf %get3A_1083, %get3A_1091 : vector<16xf32>
        %swap3A_1093 = arith.constant 1 : i32
        %swap3A_1094 = arith.constant 6 : i32
        %swap3A_1095 = arith.index_cast %swap3A_1093 : i32 to index
        %swap3A_1096 = arith.index_cast %scan3A_319 : i32 to index
        %swap3A_1097 = arith.index_cast %swap3A_1094 : i32 to index
        %swap3A_1098 = arith.constant 48 : index
        %swap3A_1099 = tpu.vector_load %arg10[%swap3A_1095, %swap3A_1096, %swap3A_1097, %swap3A_1098] {strides = array<i32>} : memref<2x16x8x64xf32, #tpu.memory_space<vmem>>, vector<1x1x1x16xf32>,
        %swap3A_1100 = vector.shape_cast %swap3A_1099 : vector<1x1x1x16xf32> to vector<16xf32>
        %swap3A_1101 = vector.shape_cast %add3A_1092 : vector<16xf32> to vector<1x1x1x16xf32>
        tpu.vector_store %arg10[%swap3A_1095, %swap3A_1096, %swap3A_1097, %swap3A_1098], %swap3A_1101 {strides = array<i32>} : memref<2x16x8x64xf32, #tpu.memory_space<vmem>>, vector<1x1x1x16xf32>,
        %mul3A_1102 = arith.constant 8 : i32
        %mul3A_1103 = arith.muli %scan3A_319, %mul3A_1102 : i32
        %add3A_1104 = arith.constant 7 : i32
        %add3A_1105 = arith.addi %mul3A_1103, %add3A_1104 : i32
        %get3A_1106 = arith.constant 3 : i32
        %get3A_1107 = arith.index_cast %get3A_1106 : i32 to index
        %get3A_1108 = arith.index_cast %add3A_1105 : i32 to index
        %get3A_1109 = arith.constant 0 : index
        %get3A_1110 = tpu.vector_load %arg9[%get3A_1107, %get3A_1108, %get3A_1109] {strides = array<i32>} : memref<4x128x128xf32, #tpu.memory_space<vmem>>, vector<1x1x16xf32>,
        %get3A_1111 = vector.shape_cast %get3A_1110 : vector<1x1x16xf32> to vector<16xf32>
        %mul3A_1112 = arith.constant 8 : i32
        %mul3A_1113 = arith.muli %scan3A_319, %mul3A_1112 : i32
        %add3A_1114 = arith.constant 7 : i32
        %add3A_1115 = arith.addi %mul3A_1113, %add3A_1114 : i32
        %get3A_1116 = arith.index_cast %add3A_1115 : i32 to index
        %get3A_1117 = arith.constant 0 : index
        %get3A_1118 = tpu.vector_load %arg8[%get3A_1116, %get3A_1117] {strides = array<i32>} : memref<128x64xf32, #tpu.memory_space<vmem>>, vector<1x16xf32>,
        %get3A_1119 = vector.shape_cast %get3A_1118 : vector<1x16xf32> to vector<16xf32>
        %add3A_1120 = arith.addf %get3A_1111, %get3A_1119 : vector<16xf32>
        %swap3A_1121 = arith.constant 1 : i32
        %swap3A_1122 = arith.constant 7 : i32
        %swap3A_1123 = arith.index_cast %swap3A_1121 : i32 to index
        %swap3A_1124 = arith.index_cast %scan3A_319 : i32 to index
        %swap3A_1125 = arith.index_cast %swap3A_1122 : i32 to index
        %swap3A_1126 = arith.constant 0 : index
        %swap3A_1127 = tpu.vector_load %arg10[%swap3A_1123, %swap3A_1124, %swap3A_1125, %swap3A_1126] {strides = array<i32>} : memref<2x16x8x64xf32, #tpu.memory_space<vmem>>, vector<1x1x1x16xf32>,
        %swap3A_1128 = vector.shape_cast %swap3A_1127 : vector<1x1x1x16xf32> to vector<16xf32>
        %swap3A_1129 = vector.shape_cast %add3A_1120 : vector<16xf32> to vector<1x1x1x16xf32>
        tpu.vector_store %arg10[%swap3A_1123, %swap3A_1124, %swap3A_1125, %swap3A_1126], %swap3A_1129 {strides = array<i32>} : memref<2x16x8x64xf32, #tpu.memory_space<vmem>>, vector<1x1x1x16xf32>,
        %mul3A_1130 = arith.constant 8 : i32
        %mul3A_1131 = arith.muli %scan3A_319, %mul3A_1130 : i32
        %add3A_1132 = arith.constant 7 : i32
        %add3A_1133 = arith.addi %mul3A_1131, %add3A_1132 : i32
        %get3A_1134 = arith.constant 3 : i32
        %get3A_1135 = arith.index_cast %get3A_1134 : i32 to index
        %get3A_1136 = arith.index_cast %add3A_1133 : i32 to index
        %get3A_1137 = arith.constant 16 : index
        %get3A_1138 = tpu.vector_load %arg9[%get3A_1135, %get3A_1136, %get3A_1137] {strides = array<i32>} : memref<4x128x128xf32, #tpu.memory_space<vmem>>, vector<1x1x16xf32>,
        %get3A_1139 = vector.shape_cast %get3A_1138 : vector<1x1x16xf32> to vector<16xf32>
        %mul3A_1140 = arith.constant 8 : i32
        %mul3A_1141 = arith.muli %scan3A_319, %mul3A_1140 : i32
        %add3A_1142 = arith.constant 7 : i32
        %add3A_1143 = arith.addi %mul3A_1141, %add3A_1142 : i32
        %get3A_1144 = arith.index_cast %add3A_1143 : i32 to index
        %get3A_1145 = arith.constant 16 : index
        %get3A_1146 = tpu.vector_load %arg8[%get3A_1144, %get3A_1145] {strides = array<i32>} : memref<128x64xf32, #tpu.memory_space<vmem>>, vector<1x16xf32>,
        %get3A_1147 = vector.shape_cast %get3A_1146 : vector<1x16xf32> to vector<16xf32>
        %add3A_1148 = arith.addf %get3A_1139, %get3A_1147 : vector<16xf32>
        %swap3A_1149 = arith.constant 1 : i32
        %swap3A_1150 = arith.constant 7 : i32
        %swap3A_1151 = arith.index_cast %swap3A_1149 : i32 to index
        %swap3A_1152 = arith.index_cast %scan3A_319 : i32 to index
        %swap3A_1153 = arith.index_cast %swap3A_1150 : i32 to index
        %swap3A_1154 = arith.constant 16 : index
        %swap3A_1155 = tpu.vector_load %arg10[%swap3A_1151, %swap3A_1152, %swap3A_1153, %swap3A_1154] {strides = array<i32>} : memref<2x16x8x64xf32, #tpu.memory_space<vmem>>, vector<1x1x1x16xf32>,
        %swap3A_1156 = vector.shape_cast %swap3A_1155 : vector<1x1x1x16xf32> to vector<16xf32>
        %swap3A_1157 = vector.shape_cast %add3A_1148 : vector<16xf32> to vector<1x1x1x16xf32>
        tpu.vector_store %arg10[%swap3A_1151, %swap3A_1152, %swap3A_1153, %swap3A_1154], %swap3A_1157 {strides = array<i32>} : memref<2x16x8x64xf32, #tpu.memory_space<vmem>>, vector<1x1x1x16xf32>,
        %mul3A_1158 = arith.constant 8 : i32
        %mul3A_1159 = arith.muli %scan3A_319, %mul3A_1158 : i32
        %add3A_1160 = arith.constant 7 : i32
        %add3A_1161 = arith.addi %mul3A_1159, %add3A_1160 : i32
        %get3A_1162 = arith.constant 3 : i32
        %get3A_1163 = arith.index_cast %get3A_1162 : i32 to index
        %get3A_1164 = arith.index_cast %add3A_1161 : i32 to index
        %get3A_1165 = arith.constant 32 : index
        %get3A_1166 = tpu.vector_load %arg9[%get3A_1163, %get3A_1164, %get3A_1165] {strides = array<i32>} : memref<4x128x128xf32, #tpu.memory_space<vmem>>, vector<1x1x16xf32>,
        %get3A_1167 = vector.shape_cast %get3A_1166 : vector<1x1x16xf32> to vector<16xf32>
        %mul3A_1168 = arith.constant 8 : i32
        %mul3A_1169 = arith.muli %scan3A_319, %mul3A_1168 : i32
        %add3A_1170 = arith.constant 7 : i32
        %add3A_1171 = arith.addi %mul3A_1169, %add3A_1170 : i32
        %get3A_1172 = arith.index_cast %add3A_1171 : i32 to index
        %get3A_1173 = arith.constant 32 : index
        %get3A_1174 = tpu.vector_load %arg8[%get3A_1172, %get3A_1173] {strides = array<i32>} : memref<128x64xf32, #tpu.memory_space<vmem>>, vector<1x16xf32>,
        %get3A_1175 = vector.shape_cast %get3A_1174 : vector<1x16xf32> to vector<16xf32>
        %add3A_1176 = arith.addf %get3A_1167, %get3A_1175 : vector<16xf32>
        %swap3A_1177 = arith.constant 1 : i32
        %swap3A_1178 = arith.constant 7 : i32
        %swap3A_1179 = arith.index_cast %swap3A_1177 : i32 to index
        %swap3A_1180 = arith.index_cast %scan3A_319 : i32 to index
        %swap3A_1181 = arith.index_cast %swap3A_1178 : i32 to index
        %swap3A_1182 = arith.constant 32 : index
        %swap3A_1183 = tpu.vector_load %arg10[%swap3A_1179, %swap3A_1180, %swap3A_1181, %swap3A_1182] {strides = array<i32>} : memref<2x16x8x64xf32, #tpu.memory_space<vmem>>, vector<1x1x1x16xf32>,
        %swap3A_1184 = vector.shape_cast %swap3A_1183 : vector<1x1x1x16xf32> to vector<16xf32>
        %swap3A_1185 = vector.shape_cast %add3A_1176 : vector<16xf32> to vector<1x1x1x16xf32>
        tpu.vector_store %arg10[%swap3A_1179, %swap3A_1180, %swap3A_1181, %swap3A_1182], %swap3A_1185 {strides = array<i32>} : memref<2x16x8x64xf32, #tpu.memory_space<vmem>>, vector<1x1x1x16xf32>,
        %mul3A_1186 = arith.constant 8 : i32
        %mul3A_1187 = arith.muli %scan3A_319, %mul3A_1186 : i32
        %add3A_1188 = arith.constant 7 : i32
        %add3A_1189 = arith.addi %mul3A_1187, %add3A_1188 : i32
        %get3A_1190 = arith.constant 3 : i32
        %get3A_1191 = arith.index_cast %get3A_1190 : i32 to index
        %get3A_1192 = arith.index_cast %add3A_1189 : i32 to index
        %get3A_1193 = arith.constant 48 : index
        %get3A_1194 = tpu.vector_load %arg9[%get3A_1191, %get3A_1192, %get3A_1193] {strides = array<i32>} : memref<4x128x128xf32, #tpu.memory_space<vmem>>, vector<1x1x16xf32>,
        %get3A_1195 = vector.shape_cast %get3A_1194 : vector<1x1x16xf32> to vector<16xf32>
        %mul3A_1196 = arith.constant 8 : i32
        %mul3A_1197 = arith.muli %scan3A_319, %mul3A_1196 : i32
        %add3A_1198 = arith.constant 7 : i32
        %add3A_1199 = arith.addi %mul3A_1197, %add3A_1198 : i32
        %get3A_1200 = arith.index_cast %add3A_1199 : i32 to index
        %get3A_1201 = arith.constant 48 : index
        %get3A_1202 = tpu.vector_load %arg8[%get3A_1200, %get3A_1201] {strides = array<i32>} : memref<128x64xf32, #tpu.memory_space<vmem>>, vector<1x16xf32>,
        %get3A_1203 = vector.shape_cast %get3A_1202 : vector<1x16xf32> to vector<16xf32>
        %add3A_1204 = arith.addf %get3A_1195, %get3A_1203 : vector<16xf32>
        %swap3A_1205 = arith.constant 1 : i32
        %swap3A_1206 = arith.constant 7 : i32
        %swap3A_1207 = arith.index_cast %swap3A_1205 : i32 to index
        %swap3A_1208 = arith.index_cast %scan3A_319 : i32 to index
        %swap3A_1209 = arith.index_cast %swap3A_1206 : i32 to index
        %swap3A_1210 = arith.constant 48 : index
        %swap3A_1211 = tpu.vector_load %arg10[%swap3A_1207, %swap3A_1208, %swap3A_1209, %swap3A_1210] {strides = array<i32>} : memref<2x16x8x64xf32, #tpu.memory_space<vmem>>, vector<1x1x1x16xf32>,
        %swap3A_1212 = vector.shape_cast %swap3A_1211 : vector<1x1x1x16xf32> to vector<16xf32>
        %swap3A_1213 = vector.shape_cast %add3A_1204 : vector<16xf32> to vector<1x1x1x16xf32>
        tpu.vector_store %arg10[%swap3A_1207, %swap3A_1208, %swap3A_1209, %swap3A_1210], %swap3A_1213 {strides = array<i32>} : memref<2x16x8x64xf32, #tpu.memory_space<vmem>>, vector<1x1x1x16xf32>,
      }
      %scan3A_299 = arith.constant 16 : i32
      %dma_start3A_300 = arith.constant 1 : i32
      %dma_start3A_301 = arith.constant 0 : i32
      %dma_start3A_302 = arith.constant 0 : i32
      %dma_start3A_303 = arith.constant 0 : i32
      %dma_start3A_304 = tpu.memref_slice %arg10[%dma_start3A_300, %dma_start3A_301, %dma_start3A_302, %dma_start3A_303] : memref<2x16x8x64xf32, #tpu.memory_space<vmem>> -> memref<1x16x8x64xf32, #tpu.memory_space<vmem>>
      %dma_start3A_305 = tpu.memref_squeeze %dma_start3A_304 : memref<1x16x8x64xf32, #tpu.memory_space<vmem>> -> memref<16x8x64xf32, #tpu.memory_space<vmem>>
      %dma_start3A_306 = arith.constant 0 : i32
      %dma_start3A_307 = arith.constant 0 : i32
      %dma_start3A_308 = tpu.memref_slice %arg6[%add3A_270, %mul3A_4, %dma_start3A_306, %dma_start3A_307] : memref<128x512x8x64xf32, #tpu.memory_space<hbm>> -> memref<1x16x8x64xf32, #tpu.memory_space<hbm>>
      %dma_start3A_309 = tpu.memref_squeeze %dma_start3A_308 : memref<1x16x8x64xf32, #tpu.memory_space<hbm>> -> memref<16x8x64xf32, #tpu.memory_space<hbm>>
      %dma_start3A_310 = arith.constant 0 : i32
      %dma_start3A_311 = arith.constant 0 : i32
      %dma_start3A_312 = tpu.memref_slice %arg6[%add3A_270, %mul3A_4, %dma_start3A_310, %dma_start3A_311] : memref<128x512x8x64xf32, #tpu.memory_space<hbm>> -> memref<1x16x8x64xf32, #tpu.memory_space<hbm>>
      %dma_start3A_313 = tpu.memref_squeeze %dma_start3A_312 : memref<1x16x8x64xf32, #tpu.memory_space<hbm>> -> memref<16x8x64xf32, #tpu.memory_space<hbm>>
      %dma_start3A_314 = arith.constant 0 : i32
      %dma_start3A_315 = arith.constant 0 : i32
      %dma_start3A_316 = arith.constant 0 : i32
      %dma_start3A_317 = tpu.memref_slice %arg10[%dma_start3A_300, %dma_start3A_314, %dma_start3A_315, %dma_start3A_316] : memref<2x16x8x64xf32, #tpu.memory_space<vmem>> -> memref<1x16x8x64xf32, #tpu.memory_space<vmem>>
      %dma_start3A_318 = tpu.memref_squeeze %dma_start3A_317 : memref<1x16x8x64xf32, #tpu.memory_space<vmem>> -> memref<16x8x64xf32, #tpu.memory_space<vmem>>
      tpu.enqueue_dma source(%dma_start3A_318 : memref<16x8x64xf32, #tpu.memory_space<vmem>>) target(%dma_start3A_313 : memref<16x8x64xf32, #tpu.memory_space<hbm>>) target_semaphore(%arg16 : memref<!tpu.dma_semaphore, #tpu.memory_space<semaphore_mem>>)
    }
    %scan3A_73 = arith.constant 32 : i32
    %dma_wait3A_74 = arith.constant 0 : i32
    %dma_wait3A_75 = arith.constant 126 : i32
    %dma_wait3A_76 = arith.constant 0 : i32
    %dma_wait3A_77 = arith.constant 0 : i32
    %dma_wait3A_78 = arith.constant 0 : i32
    %dma_wait3A_79 = tpu.memref_slice %arg10[%dma_wait3A_74, %dma_wait3A_76, %dma_wait3A_77, %dma_wait3A_78] : memref<2x16x8x64xf32, #tpu.memory_space<vmem>> -> memref<1x16x8x64xf32, #tpu.memory_space<vmem>>
    %dma_wait3A_80 = tpu.memref_squeeze %dma_wait3A_79 : memref<1x16x8x64xf32, #tpu.memory_space<vmem>> -> memref<16x8x64xf32, #tpu.memory_space<vmem>>
    %dma_wait3A_81 = arith.constant 0 : i32
    %dma_wait3A_82 = arith.constant 0 : i32
    %dma_wait3A_83 = tpu.memref_slice %arg6[%dma_wait3A_75, %mul3A_4, %dma_wait3A_81, %dma_wait3A_82] : memref<128x512x8x64xf32, #tpu.memory_space<hbm>> -> memref<1x16x8x64xf32, #tpu.memory_space<hbm>>
    %dma_wait3A_84 = tpu.memref_squeeze %dma_wait3A_83 : memref<1x16x8x64xf32, #tpu.memory_space<hbm>> -> memref<16x8x64xf32, #tpu.memory_space<hbm>>
    %dma_wait3A_85 = arith.constant 0 : i32
    %dma_wait3A_86 = arith.constant 0 : i32
    %dma_wait3A_87 = tpu.memref_slice %arg6[%dma_wait3A_75, %mul3A_4, %dma_wait3A_85, %dma_wait3A_86] : memref<128x512x8x64xf32, #tpu.memory_space<hbm>> -> memref<1x16x8x64xf32, #tpu.memory_space<hbm>>
    %dma_wait3A_88 = tpu.memref_squeeze %dma_wait3A_87 : memref<1x16x8x64xf32, #tpu.memory_space<hbm>> -> memref<16x8x64xf32, #tpu.memory_space<hbm>>
    %dma_wait3A_89 = arith.constant 0 : i32
    %dma_wait3A_90 = arith.constant 0 : i32
    %dma_wait3A_91 = arith.constant 0 : i32
    %dma_wait3A_92 = tpu.memref_slice %arg10[%dma_wait3A_74, %dma_wait3A_89, %dma_wait3A_90, %dma_wait3A_91] : memref<2x16x8x64xf32, #tpu.memory_space<vmem>> -> memref<1x16x8x64xf32, #tpu.memory_space<vmem>>
    %dma_wait3A_93 = tpu.memref_squeeze %dma_wait3A_92 : memref<1x16x8x64xf32, #tpu.memory_space<vmem>> -> memref<16x8x64xf32, #tpu.memory_space<vmem>>
    tpu.wait_dma2 semaphore(%arg15 : memref<!tpu.dma_semaphore, #tpu.memory_space<semaphore_mem>>) src(%dma_wait3A_93 : memref<16x8x64xf32, #tpu.memory_space<vmem>>) dst(%dma_wait3A_88 : memref<16x8x64xf32, #tpu.memory_space<hbm>>)
    %dma_wait3A_94 = arith.constant 1 : i32
    %dma_wait3A_95 = arith.constant 127 : i32
    %dma_wait3A_96 = arith.constant 0 : i32
    %dma_wait3A_97 = arith.constant 0 : i32
    %dma_wait3A_98 = arith.constant 0 : i32
    %dma_wait3A_99 = tpu.memref_slice %arg10[%dma_wait3A_94, %dma_wait3A_96, %dma_wait3A_97, %dma_wait3A_98] : memref<2x16x8x64xf32, #tpu.memory_space<vmem>> -> memref<1x16x8x64xf32, #tpu.memory_space<vmem>>
    %dma_wait3A_100 = tpu.memref_squeeze %dma_wait3A_99 : memref<1x16x8x64xf32, #tpu.memory_space<vmem>> -> memref<16x8x64xf32, #tpu.memory_space<vmem>>
    %dma_wait3A_101 = arith.constant 0 : i32
    %dma_wait3A_102 = arith.constant 0 : i32
    %dma_wait3A_103 = tpu.memref_slice %arg6[%dma_wait3A_95, %mul3A_4, %dma_wait3A_101, %dma_wait3A_102] : memref<128x512x8x64xf32, #tpu.memory_space<hbm>> -> memref<1x16x8x64xf32, #tpu.memory_space<hbm>>
    %dma_wait3A_104 = tpu.memref_squeeze %dma_wait3A_103 : memref<1x16x8x64xf32, #tpu.memory_space<hbm>> -> memref<16x8x64xf32, #tpu.memory_space<hbm>>
    %dma_wait3A_105 = arith.constant 0 : i32
    %dma_wait3A_106 = arith.constant 0 : i32
    %dma_wait3A_107 = tpu.memref_slice %arg6[%dma_wait3A_95, %mul3A_4, %dma_wait3A_105, %dma_wait3A_106] : memref<128x512x8x64xf32, #tpu.memory_space<hbm>> -> memref<1x16x8x64xf32, #tpu.memory_space<hbm>>
    %dma_wait3A_108 = tpu.memref_squeeze %dma_wait3A_107 : memref<1x16x8x64xf32, #tpu.memory_space<hbm>> -> memref<16x8x64xf32, #tpu.memory_space<hbm>>
    %dma_wait3A_109 = arith.constant 0 : i32
    %dma_wait3A_110 = arith.constant 0 : i32
    %dma_wait3A_111 = arith.constant 0 : i32
    %dma_wait3A_112 = tpu.memref_slice %arg10[%dma_wait3A_94, %dma_wait3A_109, %dma_wait3A_110, %dma_wait3A_111] : memref<2x16x8x64xf32, #tpu.memory_space<vmem>> -> memref<1x16x8x64xf32, #tpu.memory_space<vmem>>
    %dma_wait3A_113 = tpu.memref_squeeze %dma_wait3A_112 : memref<1x16x8x64xf32, #tpu.memory_space<vmem>> -> memref<16x8x64xf32, #tpu.memory_space<vmem>>
    tpu.wait_dma2 semaphore(%arg16 : memref<!tpu.dma_semaphore, #tpu.memory_space<semaphore_mem>>) src(%dma_wait3A_113 : memref<16x8x64xf32, #tpu.memory_space<vmem>>) dst(%dma_wait3A_108 : memref<16x8x64xf32, #tpu.memory_space<hbm>>)
    return
  }
}

</mosaic_0001>

<sc_bundles>
// kernel: _run.3.cloned.1.call-start
scs
__scs_entry_jumppad:
0x0: {  	(pc) =	sbr.rel $0x88, $3  }
0x1: {  	(tag) =	ssettag $0x0;
	lr =	simm.s32 $0x1  }
0x2: {  	[smem:$0x3F9D] =	sst lr;
	_ =	strace $0xD0000000  }
0x3: {  	_ = 	snop  }
0x4: {  	_ = 	snop  }
0x5: {  	_ = 	snop  }
0x6: {  	_ = 	snop  }
0x7: {  	_ = 	snop  }
__scs_overlays_trampoline_lowered:
0x8: {  	[smem:$0x3FAC] =	sst s0  }
0x9: {  	[smem:$0x3FAD] =	sst s1  }
0xa: {  	[smem:$0x3FAE] =	sst s2  }
0xb: {  	[smem:$0x3FAF] =	sst s3  }
0xc: {  	[smem:$0x3FB0] =	sst s4  }
0xd: {  	[smem:$0x3FB1] =	sst s5  }
0xe: {  	[smem:$0x3FB2] =	sst s6  }
0xf: {  	[smem:$0x3FB3] =	sst s7  }
0x10: {  	[smem:$0x3FB4] =	sst s8  }
0x11: {  	[smem:$0x3FB5] =	sst s9;
	s0 =	simm.s32 @!p0 $0x0  }
0x12: {  	s1 =	sld [smem:$0x3F9B];
	s0 =	simm.s32 @p0 $0x1  }
0x13: {  	[smem:$0x3FB6] =	sst s0;
	s0 =	simm.s32 @!p1 $0x0  }
0x14: {  	s2 =	sld [smem:$0x3F9A];
	s0 =	simm.s32 @p1 $0x1  }
0x15: {  	[smem:$0x3FB7] =	sst s0;
	s0 =	simm.s32 @!p2 $0x0  }
0x16: {  	s3 =	sld [smem:$0x3FDB];
	s0 =	simm.s32 @p2 $0x1  }
0x17: {  	s4 =	simm.s32 $0x1BF5;
	[smem:$0x3FB9] =	sst s0  }
0x18: {  	s0 =	sld [smem:$0x3F9C];
	_ =	swait.ge [sflag:s4], $0x0  }
0x19: {  	s7 =	sld [smem:$0x3F9D]  }
0x1a: {  	s8 =	sadd.s32 $0xFFFFE003, lr  }
0x1b: {  	s9 =	sadd.s32 $0xFFFFFEF7, lr;
	s5 =	simm.s32 $0xFFFFFFFF;
	p2 =	slt.u32 s8, $0xFFFFF086  }
0x1c: {  	p1 =	slt.u32 s9, $0xF7A;
	s5 =	simm.s32 @!p2 $0x0  }
0x1d: {  	s5 =	simm.s32 @p1 $0x1;
	p0 =	seq.s32 s7, s2  }
0x1e: {  	s7 =	smul.u32 @!p0 $0xF7A, s2;
	p2 =	seq.s32 @!p0 s5, $0x0  }
0x1f: {  	s9 =	smul.u32 $0xF7A, s1;
	s8 =	simm.s32 @!p0 $0x1BF5;
	p2 =	por !p2, p0  }
0x20: {  	[sflag:s8] =	ssyncset.s32 @!p0 $0xFFFFF086;
	s6 =	sadd.s32 @!p0 s3, s7;
	s7 =	simm.s32 @!p0 $0x108  }
0x21: {  	s3 =	sadd.s32 s3, s9;
	s6 =	sadd.s32 @!p0 $0x88, s6;
	s7 =	simm.s32 @p2 $0x1082  }
0x22: {  	[simem:s7], [sflag:s8] =	dma.local @!p0 [hbm:s6], $0xF7A  }
0x23: {  	s9 =	sor.u32 $0xD0000000, s2;
	s6 =	simm.s32 $0x108;
	_ =	swait.ge @!p0 [sflag:s8], $0x0  }
0x24: {  	s3 =	sadd.s32 $0x88, s3;
	s6 =	simm.s32 @!p1 $0x1082;
	[sflag:s4] =	ssyncset.s32 $0xFFFFF086  }
0x25: {  	[simem:s6], [sflag:s4] =	dma.local [hbm:s3], $0xF7A  }
0x26: {  	[smem:$0x3F9D] =	sst s1;
	(tag) =	ssettag s2;
	_ =	strace s9  }
0x27: {  	s1 =	sld [smem:$0x3FAD]  }
0x28: {  	s2 =	sld [smem:$0x3FAE]  }
0x29: {  	s4 =	sld [smem:$0x3FB0]  }
0x2a: {  	p0 =	seq.s32 s5, $0x0;
	s5 =	sld [smem:$0x3FB1]  }
0x2b: {  	s6 =	sld [smem:$0x3FB2]  }
0x2c: {  	s7 =	sld [smem:$0x3FB3]  }
0x2d: {  	s3 =	simm.s32 $0x108;
	s8 =	sld [smem:$0x3FB4]  }
0x2e: {  	s3 =	simm.s32 @!p0 $0x1082;
	s9 =	sld [smem:$0x3FB5]  }
0x2f: {  	lr =	sadd.s32 s0, s3;
	s0 =	sld [smem:$0x3FAC]  }
0x30: {  	s3 =	sld [smem:$0x3FAF]  }
0x31: {  	[smem:$0x3FB8] =	sst s10  }
0x32: {  	s10 =	sld [smem:$0x3FB6];
	_ =	sdelay $0x3  }
0x33: {  	p0 =	seq.s32 s10, $0x1;
	s10 =	sld [smem:$0x3FB8];
	_ =	sdelay $0x3  }
0x34: {  	[smem:$0x3FB8] =	sst s10  }
0x35: {  	s10 =	sld [smem:$0x3FB7];
	_ =	sdelay $0x3  }
0x36: {  	p1 =	seq.s32 s10, $0x1;
	s10 =	sld [smem:$0x3FB8];
	_ =	sdelay $0x3  }
0x37: {  	[smem:$0x3FB8] =	sst s10  }
0x38: {  	s10 =	sld [smem:$0x3FB9]  }
0x39: {  	_ = 	snop;
	(pc) =	sbr.ind lr, $3  }
0x3a: {  	_ = 	snop  }
0x3b: {  	_ = 	snop  }
0x3c: {  	p2 =	seq.s32 s10, $0x1;
	s10 =	sld [smem:$0x3FB8]  }
0x3d: {  	_ =	shalt  }
0x3e: {  	_ =	shalt  }
0x3f: {  	_ =	shalt  }
0x40: {  	_ =	shalt  }
0x41: {  	_ =	shalt  }
0x42: {  	_ =	shalt  }
0x43: {  	_ =	shalt  }
0x44: {  	_ =	shalt  }
0x45: {  	_ =	shalt  }
0x46: {  	_ =	shalt  }
0x47: {  	_ =	shalt  }
0x48: {  	_ =	shalt  }
0x49: {  	_ =	shalt  }
0x4a: {  	_ =	shalt  }
0x4b: {  	_ =	shalt  }
0x4c: {  	_ =	shalt  }
0x4d: {  	_ =	shalt  }
0x4e: {  	_ =	shalt  }
0x4f: {  	_ =	shalt  }
0x50: {  	_ =	shalt  }
0x51: {  	_ =	shalt  }
0x52: {  	_ =	shalt  }
0x53: {  	_ =	shalt  }
0x54: {  	_ =	shalt  }
0x55: {  	_ =	shalt  }
0x56: {  	_ =	shalt  }
0x57: {  	_ =	shalt  }
0x58: {  	_ =	shalt  }
0x59: {  	_ =	shalt  }
0x5a: {  	_ =	shalt  }
0x5b: {  	_ =	shalt  }
0x5c: {  	_ =	shalt  }
0x5d: {  	_ =	shalt  }
0x5e: {  	_ =	shalt  }
0x5f: {  	_ =	shalt  }
0x60: {  	_ =	shalt  }
0x61: {  	_ =	shalt  }
0x62: {  	_ =	shalt  }
0x63: {  	_ =	shalt  }
0x64: {  	_ =	shalt  }
0x65: {  	_ =	shalt  }
0x66: {  	_ =	shalt  }
0x67: {  	_ =	shalt  }
0x68: {  	_ =	shalt  }
0x69: {  	_ =	shalt  }
0x6a: {  	_ =	shalt  }
0x6b: {  	_ =	shalt  }
0x6c: {  	_ =	shalt  }
0x6d: {  	_ =	shalt  }
0x6e: {  	_ =	shalt  }
0x6f: {  	_ =	shalt  }
0x70: {  	_ =	shalt  }
0x71: {  	_ =	shalt  }
0x72: {  	_ =	shalt  }
0x73: {  	_ =	shalt  }
0x74: {  	_ =	shalt  }
0x75: {  	_ =	shalt  }
0x76: {  	_ =	shalt  }
0x77: {  	_ =	shalt  }
0x78: {  	_ =	shalt  }
0x79: {  	_ =	shalt  }
0x7a: {  	_ =	shalt  }
0x7b: {  	_ =	shalt  }
0x7c: {  	_ =	shalt  }
0x7d: {  	_ =	shalt  }
0x7e: {  	_ =	shalt  }
0x7f: {  	_ =	shalt  }
0x80: {  	_ =	shalt  }
0x81: {  	_ =	shalt  }
0x82: {  	_ =	shalt  }
0x83: {  	_ =	shalt  }
0x84: {  	_ =	shalt  }
0x85: {  	_ =	shalt  }
0x86: {  	_ =	shalt  }
0x87: {  	_ =	shalt  }
.Lfunc_end0:
.L_simem_size_0:
called_computation_lowered:
.L_overlay_start_0:
0x88: {  	s2 =	sld [smem:$0x3FD9]  }
0x89: {  	s3 =	sld [smem:$0x3FFE];
	_ =	sdelay $0x1  }
0x8a: {  	s1 =	srdreg.scid  }
0x8b: {  	s0 =	sand.u32 $0x1, s1  }
0x8c: {  	s17 =	sshll.u32 s0, $0xA;
	s2 =	sadd.s32 s3, s2  }
0x8d: {  	s2 =	sadd.s32 s2, s17  }
0x8e: {  	[smem:$0x3FC4] =	sst s2  }
0x8f: {  	_ = 	snop  }
0x90: {  	s2 =	sld [smem:$0x3FC9]  }
0x91: {  	s18 =	sld [smem:$0x3FC8]  }
0x92: {  	s4 =	sld [smem:$0x3FC7]  }
0x93: {  	s5 =	sld [smem:$0x3FC6];
	(tm) =	ssettm $0x1  }
0x94: {  	s6 =	sld [smem:$0x3FFB];
	_ =	sdelay $0x3  }
0x95: {  	_ =	strace s6  }
0x96: {  	s6 =	sld [smem:$0x3FFC];
	_ =	sdelay $0x3  }
0x97: {  	_ =	strace s6  }
0x98: {  	s6 =	sld [smem:$0x3FFD];
	_ =	sdelay $0x3  }
0x99: {  	_ =	strace s6  }
0x9a: {  	_ =	strace $0x8FFFFFFF  }
0x9b: {  	s19 =	sld [smem:$0x3FDB];
	_ =	sdelay $0x1  }
0x9c: {  	s7 =	simm.s32 $_scs_section_size  }
0x9d: {  	s8 =	simm.s32 $_size__tile_overlayer_lowered;
	s9 =	simm.s32 $_tile_overlayer_lowered  }
0x9e: {  	s22 =	simm.s32 $0x1BFF;
	s21 =	sshll.u32 s9, $0x1;
	s6 =	sadd.s32 s7, s19  }
0x9f: {  	s10 =	simm.s32 $0x0;
	s20 =	sshll.u32 s8, $0x1;
	s8 =	sadd.s32 s21, s6  }
0xa0: {  	[timem:s10], [sflag:s22] =	dma.local [hbm:s8], s20  }
0xa1: {  	_ =	swait.ge [sflag:s22], s20  }
0xa2: {  	s7 =	ssub.s32 $0x0, s20;
	[sflag:s22] =	ssyncset.done $0x0  }
0xa3: {  	[sflag:s22] =	ssyncadd.s32 s7;
	_ =	sdelay $0x1  }
0xa4: {  	s23 =	simm.s32 $0x1B8B  }
0xa5: {  	_ =	swait.ge [sflag:s23], $0x1  }
0xa6: {  	[sflag:s23] =	ssyncset.done $0x0  }
0xa7: {  	s25 =	simm.s32 $0x1B8E;
	s24 =	sld [smem:$0x3FFE];
	[sflag:s23] =	ssyncadd.s32 $0xFFFFFFFF  }
0xa8: {  	s26 =	simm.s32 $execute0_lowered;
	[smem:$0x3FD2] =	sst s25  }
0xa9: {  	s8 =	sshll.u32 s26, $0x1;
	_ =	strace $0x80000046;
	[dreg:$0x1] =	wrdreg $0xFFFFFFFF  }
0xaa: {  	s28 =	simm.s32 $_size_execute0_lowered;
	s6 =	sadd.s32 s6, s8;
	[dreg:$0x0] =	wrdreg $0x0  }
0xab: {  	s8 =	sshll.u32 s28, $0x1;
	[dreg:$0x2] =	wrdreg s6  }
0xac: {  	[dreg:$0x3] =	wrdreg s8  }
0xad: {  	[dreg:$0x4] =	wrdreg $0xC0  }
0xae: {  	_ =	task [dreg:s10], $0x5FFFF  }
0xaf: {  	[dreg:$0x1] =	wrdreg $0xFFFFFFFF  }
0xb0: {  	[dreg:$0x0] =	wrdreg $0x60  }
0xb1: {  	[dreg:$0x2] =	wrdreg s2  }
0xb2: {  	[dreg:$0x3] =	wrdreg s5  }
0xb3: {  	[dreg:$0x4] =	wrdreg s18  }
0xb4: {  	[dreg:$0x5] =	wrdreg s4  }
0xb5: {  	[dreg:$0x6] =	wrdreg s24  }
0xb6: {  	[dreg:$0x7] =	wrdreg $0x9  }
0xb7: {  	_ =	task.clear_ibuf [dreg:s10], $0x8FFFF;
	_ =	strace $0x90000046  }
0xb8: {  	s29 =	simm.s32 $0x9;
	_ =	strace $0x80000048  }
0xb9: {  	_ =	swait.ge [sflag:s29], $0x1  }
0xba: {  	[sflag:s29] =	ssyncadd.s32 $0xFFFFFFFF  }
0xbb: {  	_ =	strace $0x90000048  }
0xbc: {  	_ =	sfence  }
0xbd: {  	s30 =	sld [smem:$0x0];
	_ =	sdelay $0x2  }
0xbe: {  	s31 =	sshll.u32 s1, $0xD;
	s1 =	sshrl.u32 s1, $0x2  }
0xbf: {  	s3 =	sand.u32 $0x4000, s31;
	s1 =	sadd.s32 s1, s30  }
0xc0: {  	s0 =	sor.u32 s3, s0;
	s1 =	sshll.u32 s1, $0x11  }
0xc1: {  	s0 =	sor.u32 s1, s0  }
0xc2: {  	s0 =	sadd.s32 $0x8F2B, s0  }
0xc3: {  	[sflag:s0] =	ssyncadd.remote.s32 $0x1  }
0xc4: {  	_ =	sfence.sel $0xFFFF  }
0xc5: {  	[dreg:$0x0] =	wrdreg $0xFFFFFFFF;
	(pc) =	sbr.abs _section_cstart, $3  }
0xc6: {  	[dreg:$0x1] =	wrdreg $0xFFFFFFFF  }
0xc7: {  	_ =	task.clear_ibuf [dreg:s10], $0x2FFFF;
	_ =	strace $0x9FFFFFFF  }
0xc8: {  	(tm) =	ssettm $0x7FFFFFFF  }
0xc9: {  	_ =	shalt  }
tec
execute0_lowered:
.L_overlay_start_1:
0x0: {  	(tag) =	ssettag $0x1  }
0x1: {  	s0 =	rddreg [dreg:$0x0]  }
0x2: {  	s2 =	rddreg [dreg:$0x1]  }
0x3: {  	s1 =	rddreg [dreg:$0x2]  }
0x4: {  	s3 =	rddreg [dreg:$0x4];
	s4 =	simm.s32 $0x0;
	s5 =	srdreg.scid  }
0x5: {  	s7 =	stileid.u32;
	s12 =	simm.s32 $0x7;
	s13 =	simm.s32 $0x80  }
0x6: {  	s14 =	simm.s32 $0x8000;
	s15 =	simm.s32 $0x1;
	s18 =	simm.s32 $0x100  }
0x7: {  	s19 =	simm.s32 $0x10000;
	s20 =	simm.s32 $0x14000;
	s21 =	simm.s32 $0x18000  }
0x8: {  	s22 =	simm.s32 $0x2;
	s23 =	simm.s32 $0x6;
	s24 =	simm.s32 $0x1C000  }
0x9: {  	s25 =	simm.s32 $0x3;
	s26 =	simm.s32 $0x5;
	s28 =	simm.s32 $0x4  }
0xa: {  	s29 =	simm.s32 $0x0;
	[smem:$0x7FF] =	sst s4;
	s6 =	sand.u32 $0x1, s5  }
0xb: {  	s7 =	sshll.u32 s7, $0x1;
	s5 =	sadd.s32 $0x400, s3;
	s8 =	ssub.s32 $0x2, s6  }
0xc: {  	_ =	strace $0x80000047;
	s9 =	sor.u32 s6, s7;
	s31 =	sshrl.u32 s8, $0x1  }
0xd: {  	s7 =	sshll.u32 s9, $0x4;
	s10 =	sshll.u32 s9, $0x7;
	s11 =	ssub.s32 s8, s31  }
0xe: {  	s6 =	sadd.s32 s2, s7;
	s7 =	sadd.s32 s0, s10;
	s8 =	sshll.u32 s9, $0xE  }
0xf: {  	s9 =	sadd.s32 $0x10400, s3;
	s10 =	sadd.s32 $0x20400, s3;
	s11 =	smax.u32 s11, $0x1  }
.LBB2_1:
0x10: {  	[tilespmem:s4], [sflag:$0x7] =	stream.linear.gather [hbm4b:s6+s4], $0x80, $0x38;
	v63 =	vld [tilespmem:$0x0]  }
0x11: {  	_ =	swait.ge [sflag:s12], $0x80  }
0x12: {  	[sflag:s12] =	ssyncset.done $0x0  }
0x13: {  	[sflag:s12] =	ssyncadd.s32 $0xFFFFFF80  }
0x14: {  	s0 =	rddreg [dreg:$0x3]  }
0x15: {  	[tilespmem:s14], [sflag:$0x1] =	stream.indirect.gather [hbm4b:s0+s13], $0x80, s4, s13, $0xb8;
	v63 =	vld [tilespmem:$0x0]  }
0x16: {  	_ =	swait.ge [sflag:s15], $0x4000  }
0x17: {  	[sflag:s15] =	ssyncset.done $0x0  }
0x18: {  	s2 =	simm.s32 $0x8080;
	[sflag:s15] =	ssyncadd.s32 $0xFFFFC000  }
0x19: {  	v0 =	vld [tilespmem:s2+$0xFFFFFF80];
	_ =	sdelay $0x3  }
0x1a: {  	s0 =	simm.s32 $0x4080  }
0x1b: {  	[tilespmem:s0+$0xFFFFFF80] =	vst v0  }
0x1c: {  	v0 =	vld [tilespmem:s2+$0xFFFFFF90];
	_ =	sdelay $0x4  }
0x1d: {  	[tilespmem:s0+$0xFFFFFF90] =	vst v0  }
0x1e: {  	v0 =	vld [tilespmem:s2+$0xFFFFFFA0];
	_ =	sdelay $0x4  }
0x1f: {  	[tilespmem:s0+$0xFFFFFFA0] =	vst v0  }
0x20: {  	v0 =	vld [tilespmem:s2+$0xFFFFFFB0];
	_ =	sdelay $0x4  }
0x21: {  	[tilespmem:s0+$0xFFFFFFB0] =	vst v0  }
0x22: {  	v0 =	vld [tilespmem:s2+$0x0];
	_ =	sdelay $0x4  }
0x23: {  	[tilespmem:s0+$0x0] =	vst v0  }
0x24: {  	v0 =	vld [tilespmem:s2+$0x10];
	_ =	sdelay $0x4  }
0x25: {  	[tilespmem:s0+$0x10] =	vst v0  }
0x26: {  	v0 =	vld [tilespmem:s2+$0x20];
	_ =	sdelay $0x4  }
0x27: {  	[tilespmem:s0+$0x20] =	vst v0  }
0x28: {  	v0 =	vld [tilespmem:s2+$0x30];
	_ =	sdelay $0x4  }
0x29: {  	s3 =	simm.s32 $0x8180;
	s2 =	simm.s32 $0x0;
	[tilespmem:s0+$0x30] =	vst v0  }
.LBB2_2:
0x2a: {  	v0 =	vld [tilespmem:s3+$0xFFFFFF80];
	s2 =	sadd.s32 $0x2, s2  }
0x2b: {  	p0 =	slt.u32 s2, $0x7E;
	_ =	sdelay $0x2  }
0x2c: {  	s0 =	sadd.s32 $0x100, s0  }
0x2d: {  	[tilespmem:s0+$0xFFFFFF80] =	vst v0  }
0x2e: {  	v0 =	vld [tilespmem:s3+$0xFFFFFF90];
	_ =	sdelay $0x4  }
0x2f: {  	[tilespmem:s0+$0xFFFFFF90] =	vst v0  }
0x30: {  	v0 =	vld [tilespmem:s3+$0xFFFFFFA0];
	_ =	sdelay $0x4  }
0x31: {  	[tilespmem:s0+$0xFFFFFFA0] =	vst v0  }
0x32: {  	v0 =	vld [tilespmem:s3+$0xFFFFFFB0];
	_ =	sdelay $0x4  }
0x33: {  	[tilespmem:s0+$0xFFFFFFB0] =	vst v0  }
0x34: {  	v0 =	vld [tilespmem:s3+$0x0];
	_ =	sdelay $0x4  }
0x35: {  	[tilespmem:s0+$0x0] =	vst v0  }
0x36: {  	v0 =	vld [tilespmem:s3+$0x10];
	_ =	sdelay $0x4  }
0x37: {  	[tilespmem:s0+$0x10] =	vst v0  }
0x38: {  	v0 =	vld [tilespmem:s3+$0x20];
	_ =	sdelay $0x4  }
0x39: {  	[tilespmem:s0+$0x20] =	vst v0  }
0x3a: {  	v0 =	vld [tilespmem:s3+$0x30]  }
.Ltmp0:
0x3b: {  	(pc) =	sbr.rel @p0 .LBB2_2-.Ltmp0, $2  }
0x3c: {  	_ =	sdelay $0x2  }
0x3d: {  	s3 =	sadd.s32 $0x100, s3;
	[tilespmem:s0+$0x30] =	vst v0  }
0x3e: {  	s30 =	simm.s32 $0x0;
	s0 =	simm.s32 $0x400  }
0x3f: {  	[tilespmem:s30], [sflag:$0x7] =	stream.strided.gather [hbm4b:s7+s0], $0x4000, s14, s0, $0x38;
	v63 =	vld [tilespmem:$0x0]  }
0x40: {  	_ =	swait.ge [sflag:s12], $0x4000  }
0x41: {  	[sflag:s12] =	ssyncset.done $0x0  }
0x42: {  	[sflag:s12] =	ssyncadd.s32 $0xFFFFC000  }
0x43: {  	[tilespmem:s14], [sflag:$0x1] =	stream.indirect.gather [hbm4b:s1+s13], $0x80, s30, s13, $0xb8;
	v63 =	vld [tilespmem:$0x0]  }
0x44: {  	s31 =	simm.s32 $0xC000  }
0x45: {  	[tilespmem:s31], [sflag:$0x2] =	stream.indirect.gather [hbm4b:s1+s13], $0x80, s13, s13, $0xb8;
	v63 =	vld [tilespmem:$0x0]  }
0x46: {  	_ = 	snop  }
0x47: {  	[tilespmem:s19], [sflag:$0x3] =	stream.indirect.gather [hbm4b:s1+s13], $0x80, s18, s13, $0xb8;
	v63 =	vld [tilespmem:$0x0]  }
.LBB2_4:
0x48: {  	s31 =	sshllo.u32 s30, $0x2  }
0x49: {  	s0 =	sshll.u32 s31, $0x7  }
0x4a: {  	s0 =	sand.u32 $0x3FFFFF80, s0  }
0x4b: {  	[tilespmem:s20], [sflag:$0x4] =	stream.indirect.gather [hbm4b:s1+s13], $0x80, s0, s13, $0xb8;
	v63 =	vld [tilespmem:$0x0]  }
0x4c: {  	_ =	swait.ge [sflag:s15], $0x4000  }
0x4d: {  	p0 =	seq.s32 s30, $0x0;
	[sflag:s15] =	ssyncset.done $0x0  }
0x4e: {  	s0 =	simm.s32 @!p0 $0x5;
	[sflag:s15] =	ssyncadd.s32 $0xFFFFC000  }
0x4f: {  	_ =	swait.ge @!p0 [sflag:s0], $0x4000  }
0x50: {  	[sflag:s0] =	ssyncset.done @!p0 $0x0  }
0x51: {  	[sflag:s0] =	ssyncadd.s32 @!p0 $0xFFFFC000;
	s0 =	simm.s32 $0x0  }
0x52: {  	v0 =	vld [tilespmem:s0+$0x83B0]  }
0x53: {  	v1 =	vld [tilespmem:s0+$0x43B0]  }
0x54: {  	v2 =	vld [tilespmem:s0+$0x8000]  }
0x55: {  	v3 =	vld [tilespmem:s0+$0x4000]  }
0x56: {  	v4 =	vld [tilespmem:s0+$0x8010]  }
0x57: {  	v5 =	vld [tilespmem:s0+$0x4010]  }
0x58: {  	v6 =	vld [tilespmem:s0+$0x8020]  }
0x59: {  	v7 =	vld [tilespmem:s0+$0x8030];
	v0 =	vadd.f32 v1, v0  }
0x5a: {  	v1 =	vld [tilespmem:s0+$0x4020]  }
0x5b: {  	v2 =	vadd.f32 v3, v2;
	[tilespmem:s0+$0x183B0] =	vst v0;
	v0 =	vld [tilespmem:s0+$0x4030]  }
0x5c: {  	v3 =	vld [tilespmem:s0+$0x8080]  }
0x5d: {  	[tilespmem:s0+$0x18000] =	vst v2;
	v2 =	vadd.f32 v5, v4;
	v4 =	vld [tilespmem:s0+$0x4080]  }
0x5e: {  	v5 =	vld [tilespmem:s0+$0x4090]  }
0x5f: {  	[tilespmem:s0+$0x18010] =	vst v2;
	v2 =	vld [tilespmem:s0+$0x8090];
	v1 =	vadd.f32 v1, v6  }
0x60: {  	v6 =	vld [tilespmem:s0+$0x40A0];
	v0 =	vadd.f32 v0, v7  }
0x61: {  	[tilespmem:s0+$0x18020] =	vst v1;
	v1 =	vld [tilespmem:s0+$0x80A0]  }
0x62: {  	[tilespmem:s0+$0x18030] =	vst v0;
	v0 =	vadd.f32 v4, v3;
	v3 =	vld [tilespmem:s0+$0x80B0]  }
0x63: {  	v4 =	vld [tilespmem:s0+$0x40B0]  }
0x64: {  	[tilespmem:s0+$0x18080] =	vst v0;
	v0 =	vadd.f32 v5, v2;
	v2 =	vld [tilespmem:s0+$0x8100]  }
0x65: {  	v5 =	vld [tilespmem:s0+$0x4100]  }
0x66: {  	[tilespmem:s0+$0x18090] =	vst v0;
	v0 =	vadd.f32 v6, v1;
	v1 =	vld [tilespmem:s0+$0x8110]  }
0x67: {  	v6 =	vld [tilespmem:s0+$0x4110]  }
0x68: {  	[tilespmem:s0+$0x180A0] =	vst v0;
	v0 =	vadd.f32 v4, v3;
	v3 =	vld [tilespmem:s0+$0x8120]  }
0x69: {  	v4 =	vld [tilespmem:s0+$0x4120]  }
0x6a: {  	[tilespmem:s0+$0x180B0] =	vst v0;
	v0 =	vadd.f32 v5, v2;
	v2 =	vld [tilespmem:s0+$0x8130]  }
0x6b: {  	v5 =	vld [tilespmem:s0+$0x4130]  }
0x6c: {  	[tilespmem:s0+$0x18100] =	vst v0;
	v0 =	vadd.f32 v6, v1;
	v1 =	vld [tilespmem:s0+$0x8180]  }
0x6d: {  	v6 =	vld [tilespmem:s0+$0x4180]  }
0x6e: {  	[tilespmem:s0+$0x18110] =	vst v0;
	v0 =	vadd.f32 v4, v3;
	v3 =	vld [tilespmem:s0+$0x8190]  }
0x6f: {  	v4 =	vld [tilespmem:s0+$0x4190]  }
0x70: {  	[tilespmem:s0+$0x18120] =	vst v0;
	v0 =	vadd.f32 v5, v2;
	v2 =	vld [tilespmem:s0+$0x81A0]  }
0x71: {  	v5 =	vld [tilespmem:s0+$0x41A0]  }
0x72: {  	[tilespmem:s0+$0x18130] =	vst v0;
	v0 =	vadd.f32 v6, v1;
	v1 =	vld [tilespmem:s0+$0x81B0]  }
0x73: {  	v6 =	vld [tilespmem:s0+$0x41B0]  }
0x74: {  	[tilespmem:s0+$0x18180] =	vst v0;
	v0 =	vadd.f32 v4, v3;
	v3 =	vld [tilespmem:s0+$0x8200]  }
0x75: {  	v4 =	vld [tilespmem:s0+$0x4200]  }
0x76: {  	[tilespmem:s0+$0x18190] =	vst v0;
	v0 =	vadd.f32 v5, v2;
	v2 =	vld [tilespmem:s0+$0x8210]  }
0x77: {  	v5 =	vld [tilespmem:s0+$0x4210]  }
0x78: {  	[tilespmem:s0+$0x181A0] =	vst v0;
	v0 =	vadd.f32 v6, v1;
	v1 =	vld [tilespmem:s0+$0x8220]  }
0x79: {  	v6 =	vld [tilespmem:s0+$0x4220]  }
0x7a: {  	[tilespmem:s0+$0x181B0] =	vst v0;
	v0 =	vadd.f32 v4, v3;
	v3 =	vld [tilespmem:s0+$0x8230]  }
0x7b: {  	v4 =	vld [tilespmem:s0+$0x4230]  }
0x7c: {  	[tilespmem:s0+$0x18200] =	vst v0;
	v0 =	vadd.f32 v5, v2;
	v2 =	vld [tilespmem:s0+$0x8280]  }
0x7d: {  	v5 =	vld [tilespmem:s0+$0x4280]  }
0x7e: {  	[tilespmem:s0+$0x18210] =	vst v0;
	v0 =	vadd.f32 v6, v1;
	v1 =	vld [tilespmem:s0+$0x8290]  }
0x7f: {  	v6 =	vld [tilespmem:s0+$0x4290]  }
0x80: {  	[tilespmem:s0+$0x18220] =	vst v0;
	v0 =	vadd.f32 v4, v3;
	v3 =	vld [tilespmem:s0+$0x82A0]  }
0x81: {  	v4 =	vld [tilespmem:s0+$0x42A0]  }
0x82: {  	[tilespmem:s0+$0x18230] =	vst v0;
	v0 =	vadd.f32 v5, v2;
	v2 =	vld [tilespmem:s0+$0x82B0]  }
0x83: {  	v5 =	vld [tilespmem:s0+$0x42B0]  }
0x84: {  	[tilespmem:s0+$0x18280] =	vst v0;
	v0 =	vadd.f32 v6, v1;
	v1 =	vld [tilespmem:s0+$0x8300]  }
0x85: {  	v6 =	vld [tilespmem:s0+$0x4300]  }
0x86: {  	[tilespmem:s0+$0x18290] =	vst v0;
	v0 =	vadd.f32 v4, v3;
	v3 =	vld [tilespmem:s0+$0x8310]  }
0x87: {  	v4 =	vld [tilespmem:s0+$0x4310]  }
0x88: {  	[tilespmem:s0+$0x182A0] =	vst v0;
	v0 =	vadd.f32 v5, v2;
	v2 =	vld [tilespmem:s0+$0x8320]  }
0x89: {  	v5 =	vld [tilespmem:s0+$0x4320]  }
0x8a: {  	[tilespmem:s0+$0x182B0] =	vst v0;
	v0 =	vadd.f32 v6, v1;
	v1 =	vld [tilespmem:s0+$0x8330]  }
0x8b: {  	v6 =	vld [tilespmem:s0+$0x4330]  }
0x8c: {  	v8 =	vld [tilespmem:s0+$0x4380]  }
0x8d: {  	v7 =	vld [tilespmem:s0+$0x8380];
	[tilespmem:s0+$0x18300] =	vst v0;
	v0 =	vadd.f32 v4, v3  }
0x8e: {  	v3 =	vld [tilespmem:s0+$0x4390]  }
0x8f: {  	[tilespmem:s0+$0x18310] =	vst v0;
	v0 =	vadd.f32 v5, v2;
	v2 =	vld [tilespmem:s0+$0x8390]  }
0x90: {  	v4 =	vld [tilespmem:s0+$0x43A0];
	v5 =	vadd.f32 v6, v1  }
0x91: {  	s3 =	simm.s32 $0x400;
	[tilespmem:s0+$0x18320] =	vst v0;
	v0 =	vld [tilespmem:s0+$0x83A0]  }
0x92: {  	s2 =	simm.s32 $0x2000;
	v1 =	vld [tilespmem:s3+$0x83B0];
	[tilespmem:s0+$0x18330] =	vst v5;
	v5 =	vadd.f32 v8, v7  }
.LBB2_5:
0x93: {  	p1 =	sne.s32 s2, $0xF000;
	v6 =	vld [tilespmem:s3+$0x43B0]  }
0x94: {  	v7 =	vld [tilespmem:s3+$0x8000];
	[tilespmem:s0+$0x18380] =	vst v5;
	v2 =	vadd.f32 v3, v2  }
0x95: {  	v3 =	vld [tilespmem:s3+$0x4000]  }
0x96: {  	v5 =	vld [tilespmem:s3+$0x8010];
	[tilespmem:s0+$0x18390] =	vst v2;
	v0 =	vadd.f32 v4, v0  }
0x97: {  	v2 =	vld [tilespmem:s3+$0x4010]  }
0x98: {  	v4 =	vld [tilespmem:s3+$0x8020];
	v1 =	vadd.f32 v6, v1;
	[tilespmem:s0+$0x183A0] =	vst v0;
	s0 =	smov.u32 s3  }
0x99: {  	v0 =	vld [tilespmem:s0+$0x4020]  }
0x9a: {  	v3 =	vadd.f32 v3, v7;
	v6 =	vld [tilespmem:s0+$0x8030];
	[tilespmem:s0+$0x183B0] =	vst v1  }
0x9b: {  	v1 =	vld [tilespmem:s0+$0x4030]  }
0x9c: {  	[tilespmem:s0+$0x18000] =	vst v3;
	v2 =	vadd.f32 v2, v5;
	v3 =	vld [tilespmem:s0+$0x8080]  }
0x9d: {  	v5 =	vld [tilespmem:s0+$0x4080]  }
0x9e: {  	[tilespmem:s0+$0x18010] =	vst v2;
	v0 =	vadd.f32 v0, v4;
	v2 =	vld [tilespmem:s0+$0x8090]  }
0x9f: {  	v4 =	vld [tilespmem:s0+$0x4090]  }
0xa0: {  	[tilespmem:s0+$0x18020] =	vst v0;
	v0 =	vadd.f32 v1, v6;
	v1 =	vld [tilespmem:s0+$0x80A0]  }
0xa1: {  	v6 =	vld [tilespmem:s0+$0x40A0]  }
0xa2: {  	[tilespmem:s0+$0x18030] =	vst v0;
	v0 =	vadd.f32 v5, v3;
	v3 =	vld [tilespmem:s0+$0x80B0]  }
0xa3: {  	v5 =	vld [tilespmem:s0+$0x40B0]  }
0xa4: {  	[tilespmem:s0+$0x18080] =	vst v0;
	v0 =	vadd.f32 v4, v2;
	v2 =	vld [tilespmem:s0+$0x8100]  }
0xa5: {  	v4 =	vld [tilespmem:s0+$0x4100]  }
0xa6: {  	[tilespmem:s0+$0x18090] =	vst v0;
	v0 =	vadd.f32 v6, v1;
	v1 =	vld [tilespmem:s0+$0x8110]  }
0xa7: {  	v6 =	vld [tilespmem:s0+$0x4110]  }
0xa8: {  	[tilespmem:s0+$0x180A0] =	vst v0;
	v0 =	vadd.f32 v5, v3;
	v3 =	vld [tilespmem:s0+$0x8120]  }
0xa9: {  	v5 =	vld [tilespmem:s0+$0x4120]  }
0xaa: {  	[tilespmem:s0+$0x180B0] =	vst v0;
	v0 =	vadd.f32 v4, v2;
	v2 =	vld [tilespmem:s0+$0x8130]  }
0xab: {  	v4 =	vld [tilespmem:s0+$0x4130]  }
0xac: {  	[tilespmem:s0+$0x18100] =	vst v0;
	v0 =	vadd.f32 v6, v1;
	v1 =	vld [tilespmem:s0+$0x8180]  }
0xad: {  	v6 =	vld [tilespmem:s0+$0x4180]  }
0xae: {  	[tilespmem:s0+$0x18110] =	vst v0;
	v0 =	vadd.f32 v5, v3;
	v3 =	vld [tilespmem:s0+$0x8190]  }
0xaf: {  	v5 =	vld [tilespmem:s0+$0x4190]  }
0xb0: {  	[tilespmem:s0+$0x18120] =	vst v0;
	v0 =	vadd.f32 v4, v2;
	v2 =	vld [tilespmem:s0+$0x81A0]  }
0xb1: {  	v4 =	vld [tilespmem:s0+$0x41A0]  }
0xb2: {  	[tilespmem:s0+$0x18130] =	vst v0;
	v0 =	vadd.f32 v6, v1;
	v1 =	vld [tilespmem:s0+$0x81B0]  }
0xb3: {  	v6 =	vld [tilespmem:s0+$0x41B0]  }
0xb4: {  	[tilespmem:s0+$0x18180] =	vst v0;
	v0 =	vadd.f32 v5, v3;
	v3 =	vld [tilespmem:s0+$0x8200]  }
0xb5: {  	v5 =	vld [tilespmem:s0+$0x4200]  }
0xb6: {  	[tilespmem:s0+$0x18190] =	vst v0;
	v0 =	vadd.f32 v4, v2;
	v2 =	vld [tilespmem:s0+$0x8210]  }
0xb7: {  	v4 =	vld [tilespmem:s0+$0x4210]  }
0xb8: {  	[tilespmem:s0+$0x181A0] =	vst v0;
	v0 =	vadd.f32 v6, v1;
	v1 =	vld [tilespmem:s0+$0x8220]  }
0xb9: {  	v6 =	vld [tilespmem:s0+$0x4220]  }
0xba: {  	[tilespmem:s0+$0x181B0] =	vst v0;
	v0 =	vadd.f32 v5, v3;
	v3 =	vld [tilespmem:s0+$0x8230]  }
0xbb: {  	v5 =	vld [tilespmem:s0+$0x4230]  }
0xbc: {  	[tilespmem:s0+$0x18200] =	vst v0;
	v0 =	vadd.f32 v4, v2;
	v2 =	vld [tilespmem:s0+$0x8280]  }
0xbd: {  	v4 =	vld [tilespmem:s0+$0x4280]  }
0xbe: {  	[tilespmem:s0+$0x18210] =	vst v0;
	v0 =	vadd.f32 v6, v1;
	v1 =	vld [tilespmem:s0+$0x8290]  }
0xbf: {  	v6 =	vld [tilespmem:s0+$0x4290]  }
0xc0: {  	[tilespmem:s0+$0x18220] =	vst v0;
	v0 =	vadd.f32 v5, v3;
	v3 =	vld [tilespmem:s0+$0x82A0]  }
0xc1: {  	v5 =	vld [tilespmem:s0+$0x42A0]  }
0xc2: {  	[tilespmem:s0+$0x18230] =	vst v0;
	v0 =	vadd.f32 v4, v2;
	v2 =	vld [tilespmem:s0+$0x82B0]  }
0xc3: {  	v4 =	vld [tilespmem:s0+$0x42B0]  }
0xc4: {  	[tilespmem:s0+$0x18280] =	vst v0;
	v0 =	vadd.f32 v6, v1;
	v1 =	vld [tilespmem:s0+$0x8300]  }
0xc5: {  	v6 =	vld [tilespmem:s0+$0x4300]  }
0xc6: {  	[tilespmem:s0+$0x18290] =	vst v0;
	v0 =	vadd.f32 v5, v3;
	v3 =	vld [tilespmem:s0+$0x8310]  }
0xc7: {  	v5 =	vld [tilespmem:s0+$0x4310]  }
0xc8: {  	[tilespmem:s0+$0x182A0] =	vst v0;
	v0 =	vadd.f32 v4, v2;
	v2 =	vld [tilespmem:s0+$0x8320]  }
0xc9: {  	v4 =	vld [tilespmem:s0+$0x4320]  }
0xca: {  	[tilespmem:s0+$0x182B0] =	vst v0;
	v0 =	vadd.f32 v6, v1;
	v1 =	vld [tilespmem:s0+$0x8330]  }
0xcb: {  	v6 =	vld [tilespmem:s0+$0x4330]  }
0xcc: {  	[tilespmem:s0+$0x18300] =	vst v0;
	v0 =	vadd.f32 v5, v3;
	v5 =	vld [tilespmem:s0+$0x8380]  }
0xcd: {  	v7 =	vld [tilespmem:s0+$0x4380]  }
.Ltmp1:
0xce: {  	[tilespmem:s0+$0x18310] =	vst v0;
	v0 =	vadd.f32 v4, v2;
	v2 =	vld [tilespmem:s0+$0x8390];
	(pc) =	sbr.rel @p1 .LBB2_5-.Ltmp1, $4  }
0xcf: {  	v3 =	vld [tilespmem:s0+$0x4390]  }
0xd0: {  	[tilespmem:s0+$0x18320] =	vst v0;
	v6 =	vadd.f32 v6, v1;
	v0 =	vld [tilespmem:s0+$0x83A0]  }
0xd1: {  	s3 =	sshra.s32 s2, $0x2;
	v4 =	vld [tilespmem:s0+$0x43A0]  }
0xd2: {  	s2 =	sadd.s32 $0x1000, s2;
	v1 =	vld [tilespmem:s3+$0x83B0];
	[tilespmem:s0+$0x18330] =	vst v6;
	v5 =	vadd.f32 v7, v5  }
0xd3: {  	v6 =	vld [tilespmem:s3+$0x43B0]  }
0xd4: {  	v7 =	vld [tilespmem:s3+$0x8000];
	[tilespmem:s0+$0x18380] =	vst v5;
	v2 =	vadd.f32 v3, v2  }
0xd5: {  	v33 =	vld [tilespmem:s3+$0x4000]  }
0xd6: {  	v5 =	vld [tilespmem:s3+$0x8010];
	[tilespmem:s0+$0x18390] =	vst v2;
	v0 =	vadd.f32 v4, v0  }
0xd7: {  	v2 =	vld [tilespmem:s3+$0x4010]  }
0xd8: {  	v34 =	vld [tilespmem:s3+$0x8020];
	[tilespmem:s0+$0x183A0] =	vst v0  }
0xd9: {  	v36 =	vld [tilespmem:s3+$0x4020]  }
0xda: {  	v37 =	vld [tilespmem:s3+$0x8030]  }
0xdb: {  	v38 =	vld [tilespmem:s3+$0x4030]  }
0xdc: {  	v39 =	vld [tilespmem:s3+$0x8080]  }
0xdd: {  	v40 =	vld [tilespmem:s3+$0x4080]  }
0xde: {  	v41 =	vld [tilespmem:s3+$0x8090]  }
0xdf: {  	v42 =	vld [tilespmem:s3+$0x4090]  }
0xe0: {  	v43 =	vld [tilespmem:s3+$0x80A0]  }
0xe1: {  	v44 =	vld [tilespmem:s3+$0x40A0]  }
0xe2: {  	v46 =	vld [tilespmem:s3+$0x80B0]  }
0xe3: {  	v47 =	vld [tilespmem:s3+$0x40B0]  }
0xe4: {  	v49 =	vld [tilespmem:s3+$0x8100]  }
0xe5: {  	v50 =	vld [tilespmem:s3+$0x4100]  }
0xe6: {  	v52 =	vld [tilespmem:s3+$0x8110]  }
0xe7: {  	v53 =	vld [tilespmem:s3+$0x4110]  }
0xe8: {  	v55 =	vld [tilespmem:s3+$0x8120]  }
0xe9: {  	v56 =	vld [tilespmem:s3+$0x4120]  }
0xea: {  	v58 =	vld [tilespmem:s3+$0x8130]  }
0xeb: {  	v59 =	vld [tilespmem:s3+$0x4130]  }
0xec: {  	v61 =	vld [tilespmem:s3+$0x8180]  }
0xed: {  	v62 =	vld [tilespmem:s3+$0x4180]  }
0xee: {  	v10 =	vld [tilespmem:s3+$0x8190]  }
0xef: {  	v11 =	vld [tilespmem:s3+$0x4190]  }
0xf0: {  	v13 =	vld [tilespmem:s3+$0x81A0]  }
0xf1: {  	v14 =	vld [tilespmem:s3+$0x41A0]  }
0xf2: {  	v16 =	vld [tilespmem:s3+$0x81B0]  }
0xf3: {  	v17 =	vld [tilespmem:s3+$0x41B0]  }
0xf4: {  	v19 =	vld [tilespmem:s3+$0x8200]  }
0xf5: {  	v20 =	vld [tilespmem:s3+$0x4200]  }
0xf6: {  	v22 =	vld [tilespmem:s3+$0x8210]  }
0xf7: {  	v35 =	vadd.f32 v6, v1;
	v23 =	vld [tilespmem:s3+$0x4210]  }
0xf8: {  	v25 =	vld [tilespmem:s3+$0x8220];
	v3 =	vadd.f32 v33, v7  }
0xf9: {  	v26 =	vld [tilespmem:s3+$0x4220];
	[tilespmem:s3+$0x183B0] =	vst v35;
	v2 =	vadd.f32 v2, v5  }
0xfa: {  	v28 =	vld [tilespmem:s3+$0x8230];
	[tilespmem:s3+$0x18000] =	vst v3;
	v1 =	vadd.f32 v36, v34  }
0xfb: {  	v29 =	vld [tilespmem:s3+$0x4230];
	[tilespmem:s3+$0x18010] =	vst v2;
	v0 =	vadd.f32 v38, v37  }
0xfc: {  	v31 =	vld [tilespmem:s3+$0x8280];
	v45 =	vadd.f32 v40, v39;
	[tilespmem:s3+$0x18020] =	vst v1  }
0xfd: {  	v32 =	vld [tilespmem:s3+$0x4280];
	v48 =	vadd.f32 v42, v41;
	[tilespmem:s3+$0x18030] =	vst v0  }
0xfe: {  	v35 =	vld [tilespmem:s3+$0x4290];
	v51 =	vadd.f32 v44, v43;
	[tilespmem:s3+$0x18080] =	vst v45  }
0xff: {  	v54 =	vadd.f32 v47, v46;
	v34 =	vld [tilespmem:s3+$0x8290];
	[tilespmem:s3+$0x18090] =	vst v48  }
0x100: {  	v57 =	vadd.f32 v50, v49;
	v37 =	vld [tilespmem:s3+$0x82A0];
	[tilespmem:s3+$0x180A0] =	vst v51  }
0x101: {  	v60 =	vadd.f32 v53, v52;
	v38 =	vld [tilespmem:s3+$0x42A0];
	[tilespmem:s3+$0x180B0] =	vst v54  }
0x102: {  	v9 =	vadd.f32 v56, v55;
	v40 =	vld [tilespmem:s3+$0x82B0];
	[tilespmem:s3+$0x18100] =	vst v57  }
0x103: {  	v12 =	vadd.f32 v59, v58;
	v41 =	vld [tilespmem:s3+$0x42B0];
	[tilespmem:s3+$0x18110] =	vst v60  }
0x104: {  	v15 =	vadd.f32 v62, v61;
	v43 =	vld [tilespmem:s3+$0x8300];
	[tilespmem:s3+$0x18120] =	vst v9  }
0x105: {  	v18 =	vadd.f32 v11, v10;
	v44 =	vld [tilespmem:s3+$0x4300];
	[tilespmem:s3+$0x18130] =	vst v12  }
0x106: {  	v21 =	vadd.f32 v14, v13;
	v46 =	vld [tilespmem:s3+$0x8310];
	[tilespmem:s3+$0x18180] =	vst v15  }
0x107: {  	v24 =	vadd.f32 v17, v16;
	v47 =	vld [tilespmem:s3+$0x4310];
	[tilespmem:s3+$0x18190] =	vst v18  }
0x108: {  	v27 =	vadd.f32 v20, v19;
	v49 =	vld [tilespmem:s3+$0x8320];
	[tilespmem:s3+$0x181A0] =	vst v21  }
0x109: {  	v30 =	vadd.f32 v23, v22;
	v50 =	vld [tilespmem:s3+$0x4320];
	[tilespmem:s3+$0x181B0] =	vst v24  }
0x10a: {  	v33 =	vadd.f32 v26, v25;
	v52 =	vld [tilespmem:s3+$0x8330];
	[tilespmem:s3+$0x18200] =	vst v27  }
0x10b: {  	v36 =	vadd.f32 v29, v28;
	v53 =	vld [tilespmem:s3+$0x4330];
	[tilespmem:s3+$0x18210] =	vst v30  }
0x10c: {  	v39 =	vadd.f32 v32, v31;
	v55 =	vld [tilespmem:s3+$0x8380];
	[tilespmem:s3+$0x18220] =	vst v33  }
0x10d: {  	v56 =	vld [tilespmem:s3+$0x4380];
	[tilespmem:s3+$0x18230] =	vst v36;
	v42 =	vadd.f32 v35, v34  }
0x10e: {  	v58 =	vld [tilespmem:s3+$0x8390];
	[tilespmem:s3+$0x18280] =	vst v39;
	v45 =	vadd.f32 v38, v37  }
0x10f: {  	v59 =	vld [tilespmem:s3+$0x4390];
	v48 =	vadd.f32 v41, v40;
	[tilespmem:s3+$0x18290] =	vst v42  }
0x110: {  	v61 =	vld [tilespmem:s3+$0x43A0];
	v51 =	vadd.f32 v44, v43;
	[tilespmem:s3+$0x182A0] =	vst v45  }
0x111: {  	v60 =	vld [tilespmem:s3+$0x83A0];
	v54 =	vadd.f32 v47, v46;
	[tilespmem:s3+$0x182B0] =	vst v48  }
0x112: {  	v57 =	vadd.f32 v50, v49;
	[tilespmem:s3+$0x18300] =	vst v51  }
0x113: {  	v1 =	vadd.f32 v53, v52;
	[tilespmem:s3+$0x18310] =	vst v54  }
0x114: {  	p1 =	sne.s32 s30, $0x1F;
	v3 =	vadd.f32 v56, v55;
	[tilespmem:s3+$0x18320] =	vst v57  }
.Ltmp2:
0x115: {  	s17 =	sshll.u32 s30, $0x15;
	v62 =	vadd.f32 v59, v58;
	[tilespmem:s3+$0x18330] =	vst v1;
	(pc) =	sbr.rel @p1 .LBB2_8-.Ltmp2, $4  }
0x116: {  	s0 =	sor.u32 s8, s17;
	[tilespmem:s3+$0x18380] =	vst v3;
	v0 =	vadd.f32 v61, v60  }
0x117: {  	s0 =	sshrl.u32 s0, $0x3;
	[tilespmem:s3+$0x18390] =	vst v62  }
0x118: {  	s2 =	sadd.s32 s5, s0;
	[tilespmem:s3+$0x183A0] =	vst v0  }
0x119: {  	[hbm4b:s2+s4] =	stream.linear.scatter [tilespmem:s21], [sflag:$0x5], $0x4000, $0x38;
	v63 =	vld [tilespmem:$0x0]  }
.Ltmp3:
0x11a: {  	(pc) =	sbr.rel .LBB2_9-.Ltmp3, $4  }
0x11b: {  	_ = 	snop  }
0x11c: {  	_ =	swait.ge [sflag:s22], $0x4000  }
0x11d: {  	[sflag:s22] =	ssyncset.done $0x0  }
0x11e: {  	[sflag:s22] =	ssyncadd.s32 $0xFFFFC000  }
.LBB2_8:
0x11f: {  	s2 =	sshll.u32 s30, $0x9  }
0x120: {  	s2 =	sand.u32 $0x3FFFFE00, s2  }
.Ltmp4:
0x121: {  	s2 =	sadd.s32 $0x200, s2;
	(pc) =	sbr.rel @p0 .LBB2_10-.Ltmp4, $4  }
0x122: {  	[tilespmem:s14], [sflag:$0x1] =	stream.indirect.gather [hbm4b:s1+s13], $0x80, s2, s13, $0xb8;
	v63 =	vld [tilespmem:$0x0]  }
0x123: {  	_ =	swait.ge [sflag:s22], $0x4000  }
0x124: {  	[sflag:s22] =	ssyncset.done $0x0  }
0x125: {  	[sflag:s22] =	ssyncadd.s32 $0xFFFFC000  }
.LBB2_9:
0x126: {  	_ =	swait.ge [sflag:s23], $0x4000  }
0x127: {  	[sflag:s23] =	ssyncset.done $0x0  }
0x128: {  	[sflag:s23] =	ssyncadd.s32 $0xFFFFC000  }
.LBB2_10:
0x129: {  	s3 =	simm.s32 $0x0  }
0x12a: {  	v0 =	vld [tilespmem:s3+$0xC3B0]  }
0x12b: {  	v1 =	vld [tilespmem:s3+$0x43B0]  }
0x12c: {  	v2 =	vld [tilespmem:s3+$0xC000]  }
0x12d: {  	v3 =	vld [tilespmem:s3+$0x4000]  }
0x12e: {  	v4 =	vld [tilespmem:s3+$0xC010]  }
0x12f: {  	v5 =	vld [tilespmem:s3+$0x4010]  }
0x130: {  	v6 =	vld [tilespmem:s3+$0xC020]  }
0x131: {  	v7 =	vld [tilespmem:s3+$0xC030];
	v0 =	vadd.f32 v1, v0  }
0x132: {  	v1 =	vld [tilespmem:s3+$0x4020]  }
0x133: {  	v2 =	vadd.f32 v3, v2;
	[tilespmem:s3+$0x1C3B0] =	vst v0;
	v0 =	vld [tilespmem:s3+$0x4030]  }
0x134: {  	v3 =	vld [tilespmem:s3+$0xC080]  }
0x135: {  	[tilespmem:s3+$0x1C000] =	vst v2;
	v2 =	vadd.f32 v5, v4;
	v4 =	vld [tilespmem:s3+$0x4080]  }
0x136: {  	v5 =	vld [tilespmem:s3+$0x4090]  }
0x137: {  	[tilespmem:s3+$0x1C010] =	vst v2;
	v2 =	vld [tilespmem:s3+$0xC090];
	v1 =	vadd.f32 v1, v6  }
0x138: {  	v6 =	vld [tilespmem:s3+$0x40A0];
	v0 =	vadd.f32 v0, v7  }
0x139: {  	[tilespmem:s3+$0x1C020] =	vst v1;
	v1 =	vld [tilespmem:s3+$0xC0A0]  }
0x13a: {  	[tilespmem:s3+$0x1C030] =	vst v0;
	v0 =	vadd.f32 v4, v3;
	v3 =	vld [tilespmem:s3+$0xC0B0]  }
0x13b: {  	v4 =	vld [tilespmem:s3+$0x40B0]  }
0x13c: {  	[tilespmem:s3+$0x1C080] =	vst v0;
	v0 =	vadd.f32 v5, v2;
	v2 =	vld [tilespmem:s3+$0xC100]  }
0x13d: {  	v5 =	vld [tilespmem:s3+$0x4100]  }
0x13e: {  	[tilespmem:s3+$0x1C090] =	vst v0;
	v0 =	vadd.f32 v6, v1;
	v1 =	vld [tilespmem:s3+$0xC110]  }
0x13f: {  	v6 =	vld [tilespmem:s3+$0x4110]  }
0x140: {  	[tilespmem:s3+$0x1C0A0] =	vst v0;
	v0 =	vadd.f32 v4, v3;
	v3 =	vld [tilespmem:s3+$0xC120]  }
0x141: {  	v4 =	vld [tilespmem:s3+$0x4120]  }
0x142: {  	[tilespmem:s3+$0x1C0B0] =	vst v0;
	v0 =	vadd.f32 v5, v2;
	v2 =	vld [tilespmem:s3+$0xC130]  }
0x143: {  	v5 =	vld [tilespmem:s3+$0x4130]  }
0x144: {  	[tilespmem:s3+$0x1C100] =	vst v0;
	v0 =	vadd.f32 v6, v1;
	v1 =	vld [tilespmem:s3+$0xC180]  }
0x145: {  	v6 =	vld [tilespmem:s3+$0x4180]  }
0x146: {  	[tilespmem:s3+$0x1C110] =	vst v0;
	v0 =	vadd.f32 v4, v3;
	v3 =	vld [tilespmem:s3+$0xC190]  }
0x147: {  	v4 =	vld [tilespmem:s3+$0x4190]  }
0x148: {  	[tilespmem:s3+$0x1C120] =	vst v0;
	v0 =	vadd.f32 v5, v2;
	v2 =	vld [tilespmem:s3+$0xC1A0]  }
0x149: {  	v5 =	vld [tilespmem:s3+$0x41A0]  }
0x14a: {  	[tilespmem:s3+$0x1C130] =	vst v0;
	v0 =	vadd.f32 v6, v1;
	v1 =	vld [tilespmem:s3+$0xC1B0]  }
0x14b: {  	v6 =	vld [tilespmem:s3+$0x41B0]  }
0x14c: {  	[tilespmem:s3+$0x1C180] =	vst v0;
	v0 =	vadd.f32 v4, v3;
	v3 =	vld [tilespmem:s3+$0xC200]  }
0x14d: {  	v4 =	vld [tilespmem:s3+$0x4200]  }
0x14e: {  	[tilespmem:s3+$0x1C190] =	vst v0;
	v0 =	vadd.f32 v5, v2;
	v2 =	vld [tilespmem:s3+$0xC210]  }
0x14f: {  	v5 =	vld [tilespmem:s3+$0x4210]  }
0x150: {  	[tilespmem:s3+$0x1C1A0] =	vst v0;
	v0 =	vadd.f32 v6, v1;
	v1 =	vld [tilespmem:s3+$0xC220]  }
0x151: {  	v6 =	vld [tilespmem:s3+$0x4220]  }
0x152: {  	[tilespmem:s3+$0x1C1B0] =	vst v0;
	v0 =	vadd.f32 v4, v3;
	v3 =	vld [tilespmem:s3+$0xC230]  }
0x153: {  	v4 =	vld [tilespmem:s3+$0x4230]  }
0x154: {  	[tilespmem:s3+$0x1C200] =	vst v0;
	v0 =	vadd.f32 v5, v2;
	v2 =	vld [tilespmem:s3+$0xC280]  }
0x155: {  	v5 =	vld [tilespmem:s3+$0x4280]  }
0x156: {  	[tilespmem:s3+$0x1C210] =	vst v0;
	v0 =	vadd.f32 v6, v1;
	v1 =	vld [tilespmem:s3+$0xC290]  }
0x157: {  	v6 =	vld [tilespmem:s3+$0x4290]  }
0x158: {  	[tilespmem:s3+$0x1C220] =	vst v0;
	v0 =	vadd.f32 v4, v3;
	v3 =	vld [tilespmem:s3+$0xC2A0]  }
0x159: {  	v4 =	vld [tilespmem:s3+$0x42A0]  }
0x15a: {  	[tilespmem:s3+$0x1C230] =	vst v0;
	v0 =	vadd.f32 v5, v2;
	v2 =	vld [tilespmem:s3+$0xC2B0]  }
0x15b: {  	v5 =	vld [tilespmem:s3+$0x42B0]  }
0x15c: {  	[tilespmem:s3+$0x1C280] =	vst v0;
	v0 =	vadd.f32 v6, v1;
	v1 =	vld [tilespmem:s3+$0xC300]  }
0x15d: {  	v6 =	vld [tilespmem:s3+$0x4300]  }
0x15e: {  	[tilespmem:s3+$0x1C290] =	vst v0;
	v0 =	vadd.f32 v4, v3;
	v3 =	vld [tilespmem:s3+$0xC310]  }
0x15f: {  	v4 =	vld [tilespmem:s3+$0x4310]  }
0x160: {  	[tilespmem:s3+$0x1C2A0] =	vst v0;
	v0 =	vadd.f32 v5, v2;
	v2 =	vld [tilespmem:s3+$0xC320]  }
0x161: {  	v5 =	vld [tilespmem:s3+$0x4320]  }
0x162: {  	[tilespmem:s3+$0x1C2B0] =	vst v0;
	v0 =	vadd.f32 v6, v1;
	v1 =	vld [tilespmem:s3+$0xC330]  }
0x163: {  	v6 =	vld [tilespmem:s3+$0x4330]  }
0x164: {  	v8 =	vld [tilespmem:s3+$0x4380]  }
0x165: {  	v7 =	vld [tilespmem:s3+$0xC380];
	[tilespmem:s3+$0x1C300] =	vst v0;
	v0 =	vadd.f32 v4, v3  }
0x166: {  	v3 =	vld [tilespmem:s3+$0x4390]  }
0x167: {  	[tilespmem:s3+$0x1C310] =	vst v0;
	v0 =	vadd.f32 v5, v2;
	v2 =	vld [tilespmem:s3+$0xC390]  }
0x168: {  	v4 =	vld [tilespmem:s3+$0x43A0];
	v5 =	vadd.f32 v6, v1  }
0x169: {  	s16 =	simm.s32 $0x400;
	[tilespmem:s3+$0x1C320] =	vst v0;
	v0 =	vld [tilespmem:s3+$0xC3A0]  }
0x16a: {  	s2 =	simm.s32 $0x2000;
	v1 =	vld [tilespmem:s16+$0xC3B0];
	[tilespmem:s3+$0x1C330] =	vst v5;
	v5 =	vadd.f32 v8, v7  }
.LBB2_11:
0x16b: {  	p0 =	sne.s32 s2, $0xF000;
	v6 =	vld [tilespmem:s16+$0x43B0]  }
0x16c: {  	v7 =	vld [tilespmem:s16+$0xC000];
	[tilespmem:s3+$0x1C380] =	vst v5;
	v2 =	vadd.f32 v3, v2  }
0x16d: {  	v3 =	vld [tilespmem:s16+$0x4000]  }
0x16e: {  	v5 =	vld [tilespmem:s16+$0xC010];
	[tilespmem:s3+$0x1C390] =	vst v2;
	v0 =	vadd.f32 v4, v0  }
0x16f: {  	v2 =	vld [tilespmem:s16+$0x4010]  }
0x170: {  	v4 =	vld [tilespmem:s16+$0xC020];
	v1 =	vadd.f32 v6, v1;
	[tilespmem:s3+$0x1C3A0] =	vst v0;
	s3 =	smov.u32 s16  }
0x171: {  	v0 =	vld [tilespmem:s3+$0x4020]  }
0x172: {  	v3 =	vadd.f32 v3, v7;
	v6 =	vld [tilespmem:s3+$0xC030];
	[tilespmem:s3+$0x1C3B0] =	vst v1  }
0x173: {  	v1 =	vld [tilespmem:s3+$0x4030]  }
0x174: {  	[tilespmem:s3+$0x1C000] =	vst v3;
	v2 =	vadd.f32 v2, v5;
	v3 =	vld [tilespmem:s3+$0xC080]  }
0x175: {  	v5 =	vld [tilespmem:s3+$0x4080]  }
0x176: {  	[tilespmem:s3+$0x1C010] =	vst v2;
	v0 =	vadd.f32 v0, v4;
	v2 =	vld [tilespmem:s3+$0xC090]  }
0x177: {  	v4 =	vld [tilespmem:s3+$0x4090]  }
0x178: {  	[tilespmem:s3+$0x1C020] =	vst v0;
	v0 =	vadd.f32 v1, v6;
	v1 =	vld [tilespmem:s3+$0xC0A0]  }
0x179: {  	v6 =	vld [tilespmem:s3+$0x40A0]  }
0x17a: {  	[tilespmem:s3+$0x1C030] =	vst v0;
	v0 =	vadd.f32 v5, v3;
	v3 =	vld [tilespmem:s3+$0xC0B0]  }
0x17b: {  	v5 =	vld [tilespmem:s3+$0x40B0]  }
0x17c: {  	[tilespmem:s3+$0x1C080] =	vst v0;
	v0 =	vadd.f32 v4, v2;
	v2 =	vld [tilespmem:s3+$0xC100]  }
0x17d: {  	v4 =	vld [tilespmem:s3+$0x4100]  }
0x17e: {  	[tilespmem:s3+$0x1C090] =	vst v0;
	v0 =	vadd.f32 v6, v1;
	v1 =	vld [tilespmem:s3+$0xC110]  }
0x17f: {  	v6 =	vld [tilespmem:s3+$0x4110]  }
0x180: {  	[tilespmem:s3+$0x1C0A0] =	vst v0;
	v0 =	vadd.f32 v5, v3;
	v3 =	vld [tilespmem:s3+$0xC120]  }
0x181: {  	v5 =	vld [tilespmem:s3+$0x4120]  }
0x182: {  	[tilespmem:s3+$0x1C0B0] =	vst v0;
	v0 =	vadd.f32 v4, v2;
	v2 =	vld [tilespmem:s3+$0xC130]  }
0x183: {  	v4 =	vld [tilespmem:s3+$0x4130]  }
0x184: {  	[tilespmem:s3+$0x1C100] =	vst v0;
	v0 =	vadd.f32 v6, v1;
	v1 =	vld [tilespmem:s3+$0xC180]  }
0x185: {  	v6 =	vld [tilespmem:s3+$0x4180]  }
0x186: {  	[tilespmem:s3+$0x1C110] =	vst v0;
	v0 =	vadd.f32 v5, v3;
	v3 =	vld [tilespmem:s3+$0xC190]  }
0x187: {  	v5 =	vld [tilespmem:s3+$0x4190]  }
0x188: {  	[tilespmem:s3+$0x1C120] =	vst v0;
	v0 =	vadd.f32 v4, v2;
	v2 =	vld [tilespmem:s3+$0xC1A0]  }
0x189: {  	v4 =	vld [tilespmem:s3+$0x41A0]  }
0x18a: {  	[tilespmem:s3+$0x1C130] =	vst v0;
	v0 =	vadd.f32 v6, v1;
	v1 =	vld [tilespmem:s3+$0xC1B0]  }
0x18b: {  	v6 =	vld [tilespmem:s3+$0x41B0]  }
0x18c: {  	[tilespmem:s3+$0x1C180] =	vst v0;
	v0 =	vadd.f32 v5, v3;
	v3 =	vld [tilespmem:s3+$0xC200]  }
0x18d: {  	v5 =	vld [tilespmem:s3+$0x4200]  }
0x18e: {  	[tilespmem:s3+$0x1C190] =	vst v0;
	v0 =	vadd.f32 v4, v2;
	v2 =	vld [tilespmem:s3+$0xC210]  }
0x18f: {  	v4 =	vld [tilespmem:s3+$0x4210]  }
0x190: {  	[tilespmem:s3+$0x1C1A0] =	vst v0;
	v0 =	vadd.f32 v6, v1;
	v1 =	vld [tilespmem:s3+$0xC220]  }
0x191: {  	v6 =	vld [tilespmem:s3+$0x4220]  }
0x192: {  	[tilespmem:s3+$0x1C1B0] =	vst v0;
	v0 =	vadd.f32 v5, v3;
	v3 =	vld [tilespmem:s3+$0xC230]  }
0x193: {  	v5 =	vld [tilespmem:s3+$0x4230]  }
0x194: {  	[tilespmem:s3+$0x1C200] =	vst v0;
	v0 =	vadd.f32 v4, v2;
	v2 =	vld [tilespmem:s3+$0xC280]  }
0x195: {  	v4 =	vld [tilespmem:s3+$0x4280]  }
0x196: {  	[tilespmem:s3+$0x1C210] =	vst v0;
	v0 =	vadd.f32 v6, v1;
	v1 =	vld [tilespmem:s3+$0xC290]  }
0x197: {  	v6 =	vld [tilespmem:s3+$0x4290]  }
0x198: {  	[tilespmem:s3+$0x1C220] =	vst v0;
	v0 =	vadd.f32 v5, v3;
	v3 =	vld [tilespmem:s3+$0xC2A0]  }
0x199: {  	v5 =	vld [tilespmem:s3+$0x42A0]  }
0x19a: {  	[tilespmem:s3+$0x1C230] =	vst v0;
	v0 =	vadd.f32 v4, v2;
	v2 =	vld [tilespmem:s3+$0xC2B0]  }
0x19b: {  	v4 =	vld [tilespmem:s3+$0x42B0]  }
0x19c: {  	[tilespmem:s3+$0x1C280] =	vst v0;
	v0 =	vadd.f32 v6, v1;
	v1 =	vld [tilespmem:s3+$0xC300]  }
0x19d: {  	v6 =	vld [tilespmem:s3+$0x4300]  }
0x19e: {  	[tilespmem:s3+$0x1C290] =	vst v0;
	v0 =	vadd.f32 v5, v3;
	v3 =	vld [tilespmem:s3+$0xC310]  }
0x19f: {  	v5 =	vld [tilespmem:s3+$0x4310]  }
0x1a0: {  	[tilespmem:s3+$0x1C2A0] =	vst v0;
	v0 =	vadd.f32 v4, v2;
	v2 =	vld [tilespmem:s3+$0xC320]  }
0x1a1: {  	v4 =	vld [tilespmem:s3+$0x4320]  }
0x1a2: {  	[tilespmem:s3+$0x1C2B0] =	vst v0;
	v0 =	vadd.f32 v6, v1;
	v1 =	vld [tilespmem:s3+$0xC330]  }
0x1a3: {  	v6 =	vld [tilespmem:s3+$0x4330]  }
0x1a4: {  	[tilespmem:s3+$0x1C300] =	vst v0;
	v0 =	vadd.f32 v5, v3;
	v5 =	vld [tilespmem:s3+$0xC380]  }
0x1a5: {  	v7 =	vld [tilespmem:s3+$0x4380]  }
.Ltmp5:
0x1a6: {  	[tilespmem:s3+$0x1C310] =	vst v0;
	v0 =	vadd.f32 v4, v2;
	v2 =	vld [tilespmem:s3+$0xC390];
	(pc) =	sbr.rel @p0 .LBB2_11-.Ltmp5, $4  }
0x1a7: {  	v3 =	vld [tilespmem:s3+$0x4390]  }
0x1a8: {  	[tilespmem:s3+$0x1C320] =	vst v0;
	v6 =	vadd.f32 v6, v1;
	v0 =	vld [tilespmem:s3+$0xC3A0]  }
0x1a9: {  	s16 =	sshra.s32 s2, $0x2;
	v4 =	vld [tilespmem:s3+$0x43A0]  }
0x1aa: {  	s2 =	sadd.s32 $0x1000, s2;
	v1 =	vld [tilespmem:s16+$0xC3B0];
	[tilespmem:s3+$0x1C330] =	vst v6;
	v5 =	vadd.f32 v7, v5  }
0x1ab: {  	v6 =	vld [tilespmem:s16+$0x43B0]  }
0x1ac: {  	v7 =	vld [tilespmem:s16+$0xC000];
	[tilespmem:s3+$0x1C380] =	vst v5;
	v2 =	vadd.f32 v3, v2  }
0x1ad: {  	v3 =	vld [tilespmem:s16+$0x4000]  }
0x1ae: {  	v5 =	vld [tilespmem:s16+$0xC010];
	[tilespmem:s3+$0x1C390] =	vst v2;
	v0 =	vadd.f32 v4, v0  }
0x1af: {  	v2 =	vld [tilespmem:s16+$0x4010]  }
0x1b0: {  	v4 =	vld [tilespmem:s16+$0xC020];
	[tilespmem:s3+$0x1C3A0] =	vst v0  }
0x1b1: {  	v0 =	vadd.f32 v6, v1;
	v1 =	vld [tilespmem:s16+$0x4020]  }
0x1b2: {  	v6 =	vld [tilespmem:s16+$0xC030]  }
0x1b3: {  	v3 =	vadd.f32 v3, v7;
	[tilespmem:s16+$0x1C3B0] =	vst v0;
	v0 =	vld [tilespmem:s16+$0x4030]  }
0x1b4: {  	v7 =	vld [tilespmem:s16+$0x43A0]  }
0x1b5: {  	[tilespmem:s16+$0x1C000] =	vst v3;
	v2 =	vadd.f32 v2, v5;
	v3 =	vld [tilespmem:s16+$0xC080]  }
0x1b6: {  	v5 =	vld [tilespmem:s16+$0x4080]  }
0x1b7: {  	[tilespmem:s16+$0x1C010] =	vst v2;
	v2 =	vld [tilespmem:s16+$0xC090]  }
0x1b8: {  	v1 =	vadd.f32 v1, v4;
	v4 =	vld [tilespmem:s16+$0x4090]  }
0x1b9: {  	v0 =	vadd.f32 v0, v6;
	v6 =	vld [tilespmem:s16+$0x40A0]  }
0x1ba: {  	[tilespmem:s16+$0x1C020] =	vst v1;
	v1 =	vld [tilespmem:s16+$0xC0A0]  }
0x1bb: {  	[tilespmem:s16+$0x1C030] =	vst v0;
	v0 =	vadd.f32 v5, v3;
	v3 =	vld [tilespmem:s16+$0xC0B0]  }
0x1bc: {  	v5 =	vld [tilespmem:s16+$0x40B0]  }
0x1bd: {  	[tilespmem:s16+$0x1C080] =	vst v0;
	v0 =	vadd.f32 v4, v2;
	v2 =	vld [tilespmem:s16+$0xC100]  }
0x1be: {  	v4 =	vld [tilespmem:s16+$0x4100]  }
0x1bf: {  	[tilespmem:s16+$0x1C090] =	vst v0;
	v0 =	vadd.f32 v6, v1;
	v1 =	vld [tilespmem:s16+$0xC110]  }
0x1c0: {  	v6 =	vld [tilespmem:s16+$0x4110]  }
0x1c1: {  	[tilespmem:s16+$0x1C0A0] =	vst v0;
	v0 =	vadd.f32 v5, v3;
	v3 =	vld [tilespmem:s16+$0xC120]  }
0x1c2: {  	v5 =	vld [tilespmem:s16+$0x4120]  }
0x1c3: {  	[tilespmem:s16+$0x1C0B0] =	vst v0;
	v0 =	vadd.f32 v4, v2;
	v2 =	vld [tilespmem:s16+$0xC130]  }
0x1c4: {  	v4 =	vld [tilespmem:s16+$0x4130]  }
0x1c5: {  	[tilespmem:s16+$0x1C100] =	vst v0;
	v0 =	vadd.f32 v6, v1;
	v1 =	vld [tilespmem:s16+$0xC180]  }
0x1c6: {  	v6 =	vld [tilespmem:s16+$0x4180]  }
0x1c7: {  	[tilespmem:s16+$0x1C110] =	vst v0;
	v0 =	vadd.f32 v5, v3;
	v3 =	vld [tilespmem:s16+$0xC190]  }
0x1c8: {  	v5 =	vld [tilespmem:s16+$0x4190]  }
0x1c9: {  	[tilespmem:s16+$0x1C120] =	vst v0;
	v0 =	vadd.f32 v4, v2;
	v2 =	vld [tilespmem:s16+$0xC1A0]  }
0x1ca: {  	v4 =	vld [tilespmem:s16+$0x41A0]  }
0x1cb: {  	[tilespmem:s16+$0x1C130] =	vst v0;
	v0 =	vadd.f32 v6, v1;
	v1 =	vld [tilespmem:s16+$0xC1B0]  }
0x1cc: {  	v6 =	vld [tilespmem:s16+$0x41B0]  }
0x1cd: {  	[tilespmem:s16+$0x1C180] =	vst v0;
	v0 =	vadd.f32 v5, v3;
	v3 =	vld [tilespmem:s16+$0xC200]  }
0x1ce: {  	v5 =	vld [tilespmem:s16+$0x4200]  }
0x1cf: {  	[tilespmem:s16+$0x1C190] =	vst v0;
	v0 =	vadd.f32 v4, v2;
	v2 =	vld [tilespmem:s16+$0xC210]  }
0x1d0: {  	v4 =	vld [tilespmem:s16+$0x4210]  }
0x1d1: {  	[tilespmem:s16+$0x1C1A0] =	vst v0;
	v0 =	vadd.f32 v6, v1;
	v1 =	vld [tilespmem:s16+$0xC220]  }
0x1d2: {  	v6 =	vld [tilespmem:s16+$0x4220]  }
0x1d3: {  	[tilespmem:s16+$0x1C1B0] =	vst v0;
	v0 =	vadd.f32 v5, v3;
	v3 =	vld [tilespmem:s16+$0xC230]  }
0x1d4: {  	v5 =	vld [tilespmem:s16+$0x4230]  }
0x1d5: {  	[tilespmem:s16+$0x1C200] =	vst v0;
	v0 =	vadd.f32 v4, v2;
	v2 =	vld [tilespmem:s16+$0xC280]  }
0x1d6: {  	v4 =	vld [tilespmem:s16+$0x4280]  }
0x1d7: {  	[tilespmem:s16+$0x1C210] =	vst v0;
	v0 =	vadd.f32 v6, v1;
	v1 =	vld [tilespmem:s16+$0xC290]  }
0x1d8: {  	v6 =	vld [tilespmem:s16+$0x4290]  }
0x1d9: {  	[tilespmem:s16+$0x1C220] =	vst v0;
	v0 =	vadd.f32 v5, v3;
	v3 =	vld [tilespmem:s16+$0xC2A0]  }
0x1da: {  	v5 =	vld [tilespmem:s16+$0x42A0]  }
0x1db: {  	[tilespmem:s16+$0x1C230] =	vst v0;
	v0 =	vadd.f32 v4, v2;
	v2 =	vld [tilespmem:s16+$0xC2B0]  }
0x1dc: {  	v4 =	vld [tilespmem:s16+$0x42B0]  }
0x1dd: {  	[tilespmem:s16+$0x1C280] =	vst v0;
	v0 =	vadd.f32 v6, v1;
	v1 =	vld [tilespmem:s16+$0xC300]  }
0x1de: {  	v6 =	vld [tilespmem:s16+$0x4300]  }
0x1df: {  	[tilespmem:s16+$0x1C290] =	vst v0;
	v0 =	vadd.f32 v5, v3;
	v3 =	vld [tilespmem:s16+$0xC310]  }
0x1e0: {  	v5 =	vld [tilespmem:s16+$0x4310]  }
0x1e1: {  	[tilespmem:s16+$0x1C2A0] =	vst v0;
	v0 =	vadd.f32 v4, v2;
	v2 =	vld [tilespmem:s16+$0xC320]  }
0x1e2: {  	v4 =	vld [tilespmem:s16+$0x4320]  }
0x1e3: {  	[tilespmem:s16+$0x1C2B0] =	vst v0;
	v0 =	vadd.f32 v6, v1;
	v1 =	vld [tilespmem:s16+$0xC330]  }
0x1e4: {  	v6 =	vld [tilespmem:s16+$0x4330]  }
0x1e5: {  	[tilespmem:s16+$0x1C300] =	vst v0;
	v0 =	vadd.f32 v5, v3;
	v3 =	vld [tilespmem:s16+$0xC380]  }
0x1e6: {  	v5 =	vld [tilespmem:s16+$0x4380]  }
0x1e7: {  	[tilespmem:s16+$0x1C310] =	vst v0;
	v0 =	vadd.f32 v4, v2;
	v2 =	vld [tilespmem:s16+$0xC390]  }
0x1e8: {  	v4 =	vld [tilespmem:s16+$0x4390]  }
0x1e9: {  	[tilespmem:s16+$0x1C320] =	vst v0;
	v0 =	vld [tilespmem:s16+$0xC3A0];
	_ =	sdelay $0x1  }
0x1ea: {  	v1 =	vadd.f32 v6, v1  }
0x1eb: {  	v3 =	vadd.f32 v5, v3  }
0x1ec: {  	[tilespmem:s16+$0x1C330] =	vst v1;
	v1 =	vadd.f32 v4, v2  }
0x1ed: {  	[tilespmem:s16+$0x1C380] =	vst v3;
	v0 =	vadd.f32 v7, v0  }
0x1ee: {  	[tilespmem:s16+$0x1C390] =	vst v1  }
0x1ef: {  	p0 =	seq.s32 s30, $0x1F;
	s2 =	sadd.s32 s0, s9;
	[tilespmem:s16+$0x1C3A0] =	vst v0  }
0x1f0: {  	[hbm4b:s2+s4] =	stream.linear.scatter [tilespmem:s24], [sflag:$0x6], $0x4000, $0x38;
	v63 =	vld [tilespmem:$0x0]  }
0x1f1: {  	s2 =	sshll.u32 @!p0 s30, $0x9  }
0x1f2: {  	s3 =	sand.u32 @!p0 $0x3FFFFE00, s2  }
0x1f3: {  	s17 =	simm.s32 @!p0 $0xC000;
	s16 =	simm.s32 @!p0 $0x80;
	s2 =	sadd.s32 @!p0 $0x280, s3  }
0x1f4: {  	[tilespmem:s17], [sflag:$0x2] =	stream.indirect.gather @!p0 [hbm4b:s1+s16], $0x80, s2, s16, $0xb8;
	v63 =	vld [tilespmem:$0x0]  }
0x1f5: {  	_ =	swait.ge [sflag:s25], $0x4000  }
0x1f6: {  	[sflag:s25] =	ssyncset.done $0x0  }
0x1f7: {  	[sflag:s25] =	ssyncadd.s32 $0xFFFFC000  }
0x1f8: {  	_ =	swait.ge [sflag:s26], $0x4000  }
0x1f9: {  	[sflag:s26] =	ssyncset.done $0x0  }
0x1fa: {  	s2 =	simm.s32 $0x0;
	[sflag:s26] =	ssyncadd.s32 $0xFFFFC000  }
0x1fb: {  	v0 =	vld [tilespmem:s2+$0x103B0]  }
0x1fc: {  	v1 =	vld [tilespmem:s2+$0x43B0]  }
0x1fd: {  	v2 =	vld [tilespmem:s2+$0x10000]  }
0x1fe: {  	v3 =	vld [tilespmem:s2+$0x4000]  }
0x1ff: {  	v4 =	vld [tilespmem:s2+$0x10010]  }
0x200: {  	v5 =	vld [tilespmem:s2+$0x4010]  }
0x201: {  	v6 =	vld [tilespmem:s2+$0x10020]  }
0x202: {  	v7 =	vld [tilespmem:s2+$0x10030];
	v0 =	vadd.f32 v1, v0  }
0x203: {  	v1 =	vld [tilespmem:s2+$0x4020]  }
0x204: {  	v2 =	vadd.f32 v3, v2;
	[tilespmem:s2+$0x183B0] =	vst v0;
	v0 =	vld [tilespmem:s2+$0x4030]  }
0x205: {  	v3 =	vld [tilespmem:s2+$0x10080]  }
0x206: {  	[tilespmem:s2+$0x18000] =	vst v2;
	v2 =	vadd.f32 v5, v4;
	v4 =	vld [tilespmem:s2+$0x4080]  }
0x207: {  	v5 =	vld [tilespmem:s2+$0x4090]  }
0x208: {  	[tilespmem:s2+$0x18010] =	vst v2;
	v2 =	vld [tilespmem:s2+$0x10090];
	v1 =	vadd.f32 v1, v6  }
0x209: {  	v6 =	vld [tilespmem:s2+$0x40A0];
	v0 =	vadd.f32 v0, v7  }
0x20a: {  	[tilespmem:s2+$0x18020] =	vst v1;
	v1 =	vld [tilespmem:s2+$0x100A0]  }
0x20b: {  	[tilespmem:s2+$0x18030] =	vst v0;
	v0 =	vadd.f32 v4, v3;
	v3 =	vld [tilespmem:s2+$0x100B0]  }
0x20c: {  	v4 =	vld [tilespmem:s2+$0x40B0]  }
0x20d: {  	[tilespmem:s2+$0x18080] =	vst v0;
	v0 =	vadd.f32 v5, v2;
	v2 =	vld [tilespmem:s2+$0x10100]  }
0x20e: {  	v5 =	vld [tilespmem:s2+$0x4100]  }
0x20f: {  	[tilespmem:s2+$0x18090] =	vst v0;
	v0 =	vadd.f32 v6, v1;
	v1 =	vld [tilespmem:s2+$0x10110]  }
0x210: {  	v6 =	vld [tilespmem:s2+$0x4110]  }
0x211: {  	[tilespmem:s2+$0x180A0] =	vst v0;
	v0 =	vadd.f32 v4, v3;
	v3 =	vld [tilespmem:s2+$0x10120]  }
0x212: {  	v4 =	vld [tilespmem:s2+$0x4120]  }
0x213: {  	[tilespmem:s2+$0x180B0] =	vst v0;
	v0 =	vadd.f32 v5, v2;
	v2 =	vld [tilespmem:s2+$0x10130]  }
0x214: {  	v5 =	vld [tilespmem:s2+$0x4130]  }
0x215: {  	[tilespmem:s2+$0x18100] =	vst v0;
	v0 =	vadd.f32 v6, v1;
	v1 =	vld [tilespmem:s2+$0x10180]  }
0x216: {  	v6 =	vld [tilespmem:s2+$0x4180]  }
0x217: {  	[tilespmem:s2+$0x18110] =	vst v0;
	v0 =	vadd.f32 v4, v3;
	v3 =	vld [tilespmem:s2+$0x10190]  }
0x218: {  	v4 =	vld [tilespmem:s2+$0x4190]  }
0x219: {  	[tilespmem:s2+$0x18120] =	vst v0;
	v0 =	vadd.f32 v5, v2;
	v2 =	vld [tilespmem:s2+$0x101A0]  }
0x21a: {  	v5 =	vld [tilespmem:s2+$0x41A0]  }
0x21b: {  	[tilespmem:s2+$0x18130] =	vst v0;
	v0 =	vadd.f32 v6, v1;
	v1 =	vld [tilespmem:s2+$0x101B0]  }
0x21c: {  	v6 =	vld [tilespmem:s2+$0x41B0]  }
0x21d: {  	[tilespmem:s2+$0x18180] =	vst v0;
	v0 =	vadd.f32 v4, v3;
	v3 =	vld [tilespmem:s2+$0x10200]  }
0x21e: {  	v4 =	vld [tilespmem:s2+$0x4200]  }
0x21f: {  	[tilespmem:s2+$0x18190] =	vst v0;
	v0 =	vadd.f32 v5, v2;
	v2 =	vld [tilespmem:s2+$0x10210]  }
0x220: {  	v5 =	vld [tilespmem:s2+$0x4210]  }
0x221: {  	[tilespmem:s2+$0x181A0] =	vst v0;
	v0 =	vadd.f32 v6, v1;
	v1 =	vld [tilespmem:s2+$0x10220]  }
0x222: {  	v6 =	vld [tilespmem:s2+$0x4220]  }
0x223: {  	[tilespmem:s2+$0x181B0] =	vst v0;
	v0 =	vadd.f32 v4, v3;
	v3 =	vld [tilespmem:s2+$0x10230]  }
0x224: {  	v4 =	vld [tilespmem:s2+$0x4230]  }
0x225: {  	[tilespmem:s2+$0x18200] =	vst v0;
	v0 =	vadd.f32 v5, v2;
	v2 =	vld [tilespmem:s2+$0x10280]  }
0x226: {  	v5 =	vld [tilespmem:s2+$0x4280]  }
0x227: {  	[tilespmem:s2+$0x18210] =	vst v0;
	v0 =	vadd.f32 v6, v1;
	v1 =	vld [tilespmem:s2+$0x10290]  }
0x228: {  	v6 =	vld [tilespmem:s2+$0x4290]  }
0x229: {  	[tilespmem:s2+$0x18220] =	vst v0;
	v0 =	vadd.f32 v4, v3;
	v3 =	vld [tilespmem:s2+$0x102A0]  }
0x22a: {  	v4 =	vld [tilespmem:s2+$0x42A0]  }
0x22b: {  	[tilespmem:s2+$0x18230] =	vst v0;
	v0 =	vadd.f32 v5, v2;
	v2 =	vld [tilespmem:s2+$0x102B0]  }
0x22c: {  	v5 =	vld [tilespmem:s2+$0x42B0]  }
0x22d: {  	[tilespmem:s2+$0x18280] =	vst v0;
	v0 =	vadd.f32 v6, v1;
	v1 =	vld [tilespmem:s2+$0x10300]  }
0x22e: {  	v6 =	vld [tilespmem:s2+$0x4300]  }
0x22f: {  	[tilespmem:s2+$0x18290] =	vst v0;
	v0 =	vadd.f32 v4, v3;
	v3 =	vld [tilespmem:s2+$0x10310]  }
0x230: {  	v4 =	vld [tilespmem:s2+$0x4310]  }
0x231: {  	[tilespmem:s2+$0x182A0] =	vst v0;
	v0 =	vadd.f32 v5, v2;
	v2 =	vld [tilespmem:s2+$0x10320]  }
0x232: {  	v5 =	vld [tilespmem:s2+$0x4320]  }
0x233: {  	[tilespmem:s2+$0x182B0] =	vst v0;
	v0 =	vadd.f32 v6, v1;
	v1 =	vld [tilespmem:s2+$0x10330]  }
0x234: {  	v6 =	vld [tilespmem:s2+$0x4330]  }
0x235: {  	v8 =	vld [tilespmem:s2+$0x4380]  }
0x236: {  	v7 =	vld [tilespmem:s2+$0x10380];
	[tilespmem:s2+$0x18300] =	vst v0;
	v0 =	vadd.f32 v4, v3  }
0x237: {  	v3 =	vld [tilespmem:s2+$0x4390]  }
0x238: {  	[tilespmem:s2+$0x18310] =	vst v0;
	v0 =	vadd.f32 v5, v2;
	v2 =	vld [tilespmem:s2+$0x10390]  }
0x239: {  	v4 =	vld [tilespmem:s2+$0x43A0];
	v5 =	vadd.f32 v6, v1  }
0x23a: {  	s17 =	simm.s32 $0x400;
	[tilespmem:s2+$0x18320] =	vst v0;
	v0 =	vld [tilespmem:s2+$0x103A0]  }
0x23b: {  	s16 =	simm.s32 $0x2000;
	v1 =	vld [tilespmem:s17+$0x103B0];
	[tilespmem:s2+$0x18330] =	vst v5;
	v5 =	vadd.f32 v8, v7  }
.LBB2_13:
0x23c: {  	p1 =	sne.s32 s16, $0xF000;
	v6 =	vld [tilespmem:s17+$0x43B0]  }
0x23d: {  	v7 =	vld [tilespmem:s17+$0x10000];
	[tilespmem:s2+$0x18380] =	vst v5;
	v2 =	vadd.f32 v3, v2  }
0x23e: {  	v3 =	vld [tilespmem:s17+$0x4000]  }
0x23f: {  	v5 =	vld [tilespmem:s17+$0x10010];
	[tilespmem:s2+$0x18390] =	vst v2;
	v0 =	vadd.f32 v4, v0  }
0x240: {  	v2 =	vld [tilespmem:s17+$0x4010]  }
0x241: {  	v4 =	vld [tilespmem:s17+$0x10020];
	v1 =	vadd.f32 v6, v1;
	[tilespmem:s2+$0x183A0] =	vst v0;
	s2 =	smov.u32 s17  }
0x242: {  	v0 =	vld [tilespmem:s2+$0x4020]  }
0x243: {  	v3 =	vadd.f32 v3, v7;
	v6 =	vld [tilespmem:s2+$0x10030];
	[tilespmem:s2+$0x183B0] =	vst v1  }
0x244: {  	v1 =	vld [tilespmem:s2+$0x4030]  }
0x245: {  	[tilespmem:s2+$0x18000] =	vst v3;
	v2 =	vadd.f32 v2, v5;
	v3 =	vld [tilespmem:s2+$0x10080]  }
0x246: {  	v5 =	vld [tilespmem:s2+$0x4080]  }
0x247: {  	[tilespmem:s2+$0x18010] =	vst v2;
	v0 =	vadd.f32 v0, v4;
	v2 =	vld [tilespmem:s2+$0x10090]  }
0x248: {  	v4 =	vld [tilespmem:s2+$0x4090]  }
0x249: {  	[tilespmem:s2+$0x18020] =	vst v0;
	v0 =	vadd.f32 v1, v6;
	v1 =	vld [tilespmem:s2+$0x100A0]  }
0x24a: {  	v6 =	vld [tilespmem:s2+$0x40A0]  }
0x24b: {  	[tilespmem:s2+$0x18030] =	vst v0;
	v0 =	vadd.f32 v5, v3;
	v3 =	vld [tilespmem:s2+$0x100B0]  }
0x24c: {  	v5 =	vld [tilespmem:s2+$0x40B0]  }
0x24d: {  	[tilespmem:s2+$0x18080] =	vst v0;
	v0 =	vadd.f32 v4, v2;
	v2 =	vld [tilespmem:s2+$0x10100]  }
0x24e: {  	v4 =	vld [tilespmem:s2+$0x4100]  }
0x24f: {  	[tilespmem:s2+$0x18090] =	vst v0;
	v0 =	vadd.f32 v6, v1;
	v1 =	vld [tilespmem:s2+$0x10110]  }
0x250: {  	v6 =	vld [tilespmem:s2+$0x4110]  }
0x251: {  	[tilespmem:s2+$0x180A0] =	vst v0;
	v0 =	vadd.f32 v5, v3;
	v3 =	vld [tilespmem:s2+$0x10120]  }
0x252: {  	v5 =	vld [tilespmem:s2+$0x4120]  }
0x253: {  	[tilespmem:s2+$0x180B0] =	vst v0;
	v0 =	vadd.f32 v4, v2;
	v2 =	vld [tilespmem:s2+$0x10130]  }
0x254: {  	v4 =	vld [tilespmem:s2+$0x4130]  }
0x255: {  	[tilespmem:s2+$0x18100] =	vst v0;
	v0 =	vadd.f32 v6, v1;
	v1 =	vld [tilespmem:s2+$0x10180]  }
0x256: {  	v6 =	vld [tilespmem:s2+$0x4180]  }
0x257: {  	[tilespmem:s2+$0x18110] =	vst v0;
	v0 =	vadd.f32 v5, v3;
	v3 =	vld [tilespmem:s2+$0x10190]  }
0x258: {  	v5 =	vld [tilespmem:s2+$0x4190]  }
0x259: {  	[tilespmem:s2+$0x18120] =	vst v0;
	v0 =	vadd.f32 v4, v2;
	v2 =	vld [tilespmem:s2+$0x101A0]  }
0x25a: {  	v4 =	vld [tilespmem:s2+$0x41A0]  }
0x25b: {  	[tilespmem:s2+$0x18130] =	vst v0;
	v0 =	vadd.f32 v6, v1;
	v1 =	vld [tilespmem:s2+$0x101B0]  }
0x25c: {  	v6 =	vld [tilespmem:s2+$0x41B0]  }
0x25d: {  	[tilespmem:s2+$0x18180] =	vst v0;
	v0 =	vadd.f32 v5, v3;
	v3 =	vld [tilespmem:s2+$0x10200]  }
0x25e: {  	v5 =	vld [tilespmem:s2+$0x4200]  }
0x25f: {  	[tilespmem:s2+$0x18190] =	vst v0;
	v0 =	vadd.f32 v4, v2;
	v2 =	vld [tilespmem:s2+$0x10210]  }
0x260: {  	v4 =	vld [tilespmem:s2+$0x4210]  }
0x261: {  	[tilespmem:s2+$0x181A0] =	vst v0;
	v0 =	vadd.f32 v6, v1;
	v1 =	vld [tilespmem:s2+$0x10220]  }
0x262: {  	v6 =	vld [tilespmem:s2+$0x4220]  }
0x263: {  	[tilespmem:s2+$0x181B0] =	vst v0;
	v0 =	vadd.f32 v5, v3;
	v3 =	vld [tilespmem:s2+$0x10230]  }
0x264: {  	v5 =	vld [tilespmem:s2+$0x4230]  }
0x265: {  	[tilespmem:s2+$0x18200] =	vst v0;
	v0 =	vadd.f32 v4, v2;
	v2 =	vld [tilespmem:s2+$0x10280]  }
0x266: {  	v4 =	vld [tilespmem:s2+$0x4280]  }
0x267: {  	[tilespmem:s2+$0x18210] =	vst v0;
	v0 =	vadd.f32 v6, v1;
	v1 =	vld [tilespmem:s2+$0x10290]  }
0x268: {  	v6 =	vld [tilespmem:s2+$0x4290]  }
0x269: {  	[tilespmem:s2+$0x18220] =	vst v0;
	v0 =	vadd.f32 v5, v3;
	v3 =	vld [tilespmem:s2+$0x102A0]  }
0x26a: {  	v5 =	vld [tilespmem:s2+$0x42A0]  }
0x26b: {  	[tilespmem:s2+$0x18230] =	vst v0;
	v0 =	vadd.f32 v4, v2;
	v2 =	vld [tilespmem:s2+$0x102B0]  }
0x26c: {  	v4 =	vld [tilespmem:s2+$0x42B0]  }
0x26d: {  	[tilespmem:s2+$0x18280] =	vst v0;
	v0 =	vadd.f32 v6, v1;
	v1 =	vld [tilespmem:s2+$0x10300]  }
0x26e: {  	v6 =	vld [tilespmem:s2+$0x4300]  }
0x26f: {  	[tilespmem:s2+$0x18290] =	vst v0;
	v0 =	vadd.f32 v5, v3;
	v3 =	vld [tilespmem:s2+$0x10310]  }
0x270: {  	v5 =	vld [tilespmem:s2+$0x4310]  }
0x271: {  	[tilespmem:s2+$0x182A0] =	vst v0;
	v0 =	vadd.f32 v4, v2;
	v2 =	vld [tilespmem:s2+$0x10320]  }
0x272: {  	v4 =	vld [tilespmem:s2+$0x4320]  }
0x273: {  	[tilespmem:s2+$0x182B0] =	vst v0;
	v0 =	vadd.f32 v6, v1;
	v1 =	vld [tilespmem:s2+$0x10330]  }
0x274: {  	v6 =	vld [tilespmem:s2+$0x4330]  }
0x275: {  	[tilespmem:s2+$0x18300] =	vst v0;
	v0 =	vadd.f32 v5, v3;
	v5 =	vld [tilespmem:s2+$0x10380]  }
0x276: {  	v7 =	vld [tilespmem:s2+$0x4380]  }
.Ltmp6:
0x277: {  	[tilespmem:s2+$0x18310] =	vst v0;
	v0 =	vadd.f32 v4, v2;
	v2 =	vld [tilespmem:s2+$0x10390];
	(pc) =	sbr.rel @p1 .LBB2_13-.Ltmp6, $4  }
0x278: {  	v3 =	vld [tilespmem:s2+$0x4390]  }
0x279: {  	[tilespmem:s2+$0x18320] =	vst v0;
	v6 =	vadd.f32 v6, v1;
	v0 =	vld [tilespmem:s2+$0x103A0]  }
0x27a: {  	s17 =	sshra.s32 s16, $0x2;
	v4 =	vld [tilespmem:s2+$0x43A0]  }
0x27b: {  	s16 =	sadd.s32 $0x1000, s16;
	v1 =	vld [tilespmem:s17+$0x103B0];
	[tilespmem:s2+$0x18330] =	vst v6;
	v5 =	vadd.f32 v7, v5  }
0x27c: {  	v6 =	vld [tilespmem:s17+$0x43B0]  }
0x27d: {  	v7 =	vld [tilespmem:s17+$0x10000];
	[tilespmem:s2+$0x18380] =	vst v5;
	v2 =	vadd.f32 v3, v2  }
0x27e: {  	v3 =	vld [tilespmem:s17+$0x4000]  }
0x27f: {  	v5 =	vld [tilespmem:s17+$0x10010];
	[tilespmem:s2+$0x18390] =	vst v2;
	v0 =	vadd.f32 v4, v0  }
0x280: {  	v2 =	vld [tilespmem:s17+$0x4010]  }
0x281: {  	v4 =	vld [tilespmem:s17+$0x10020];
	[tilespmem:s2+$0x183A0] =	vst v0  }
0x282: {  	v0 =	vadd.f32 v6, v1;
	v1 =	vld [tilespmem:s17+$0x4020]  }
0x283: {  	v6 =	vld [tilespmem:s17+$0x10030]  }
0x284: {  	v3 =	vadd.f32 v3, v7;
	[tilespmem:s17+$0x183B0] =	vst v0;
	v0 =	vld [tilespmem:s17+$0x4030]  }
0x285: {  	v7 =	vld [tilespmem:s17+$0x43A0]  }
0x286: {  	[tilespmem:s17+$0x18000] =	vst v3;
	v2 =	vadd.f32 v2, v5;
	v3 =	vld [tilespmem:s17+$0x10080]  }
0x287: {  	v5 =	vld [tilespmem:s17+$0x4080]  }
0x288: {  	[tilespmem:s17+$0x18010] =	vst v2;
	v2 =	vld [tilespmem:s17+$0x10090]  }
0x289: {  	v1 =	vadd.f32 v1, v4;
	v4 =	vld [tilespmem:s17+$0x4090]  }
0x28a: {  	v0 =	vadd.f32 v0, v6;
	v6 =	vld [tilespmem:s17+$0x40A0]  }
0x28b: {  	[tilespmem:s17+$0x18020] =	vst v1;
	v1 =	vld [tilespmem:s17+$0x100A0]  }
0x28c: {  	[tilespmem:s17+$0x18030] =	vst v0;
	v0 =	vadd.f32 v5, v3;
	v3 =	vld [tilespmem:s17+$0x100B0]  }
0x28d: {  	v5 =	vld [tilespmem:s17+$0x40B0]  }
0x28e: {  	[tilespmem:s17+$0x18080] =	vst v0;
	v0 =	vadd.f32 v4, v2;
	v2 =	vld [tilespmem:s17+$0x10100]  }
0x28f: {  	v4 =	vld [tilespmem:s17+$0x4100]  }
0x290: {  	[tilespmem:s17+$0x18090] =	vst v0;
	v0 =	vadd.f32 v6, v1;
	v1 =	vld [tilespmem:s17+$0x10110]  }
0x291: {  	v6 =	vld [tilespmem:s17+$0x4110]  }
0x292: {  	[tilespmem:s17+$0x180A0] =	vst v0;
	v0 =	vadd.f32 v5, v3;
	v3 =	vld [tilespmem:s17+$0x10120]  }
0x293: {  	v5 =	vld [tilespmem:s17+$0x4120]  }
0x294: {  	[tilespmem:s17+$0x180B0] =	vst v0;
	v0 =	vadd.f32 v4, v2;
	v2 =	vld [tilespmem:s17+$0x10130]  }
0x295: {  	v4 =	vld [tilespmem:s17+$0x4130]  }
0x296: {  	[tilespmem:s17+$0x18100] =	vst v0;
	v0 =	vadd.f32 v6, v1;
	v1 =	vld [tilespmem:s17+$0x10180]  }
0x297: {  	v6 =	vld [tilespmem:s17+$0x4180]  }
0x298: {  	[tilespmem:s17+$0x18110] =	vst v0;
	v0 =	vadd.f32 v5, v3;
	v3 =	vld [tilespmem:s17+$0x10190]  }
0x299: {  	v5 =	vld [tilespmem:s17+$0x4190]  }
0x29a: {  	[tilespmem:s17+$0x18120] =	vst v0;
	v0 =	vadd.f32 v4, v2;
	v2 =	vld [tilespmem:s17+$0x101A0]  }
0x29b: {  	v4 =	vld [tilespmem:s17+$0x41A0]  }
0x29c: {  	[tilespmem:s17+$0x18130] =	vst v0;
	v0 =	vadd.f32 v6, v1;
	v1 =	vld [tilespmem:s17+$0x101B0]  }
0x29d: {  	v6 =	vld [tilespmem:s17+$0x41B0]  }
0x29e: {  	[tilespmem:s17+$0x18180] =	vst v0;
	v0 =	vadd.f32 v5, v3;
	v3 =	vld [tilespmem:s17+$0x10200]  }
0x29f: {  	v5 =	vld [tilespmem:s17+$0x4200]  }
0x2a0: {  	[tilespmem:s17+$0x18190] =	vst v0;
	v0 =	vadd.f32 v4, v2;
	v2 =	vld [tilespmem:s17+$0x10210]  }
0x2a1: {  	v4 =	vld [tilespmem:s17+$0x4210]  }
0x2a2: {  	[tilespmem:s17+$0x181A0] =	vst v0;
	v0 =	vadd.f32 v6, v1;
	v1 =	vld [tilespmem:s17+$0x10220]  }
0x2a3: {  	v6 =	vld [tilespmem:s17+$0x4220]  }
0x2a4: {  	[tilespmem:s17+$0x181B0] =	vst v0;
	v0 =	vadd.f32 v5, v3;
	v3 =	vld [tilespmem:s17+$0x10230]  }
0x2a5: {  	v5 =	vld [tilespmem:s17+$0x4230]  }
0x2a6: {  	[tilespmem:s17+$0x18200] =	vst v0;
	v0 =	vadd.f32 v4, v2;
	v2 =	vld [tilespmem:s17+$0x10280]  }
0x2a7: {  	v4 =	vld [tilespmem:s17+$0x4280]  }
0x2a8: {  	[tilespmem:s17+$0x18210] =	vst v0;
	v0 =	vadd.f32 v6, v1;
	v1 =	vld [tilespmem:s17+$0x10290]  }
0x2a9: {  	v6 =	vld [tilespmem:s17+$0x4290]  }
0x2aa: {  	[tilespmem:s17+$0x18220] =	vst v0;
	v0 =	vadd.f32 v5, v3;
	v3 =	vld [tilespmem:s17+$0x102A0]  }
0x2ab: {  	v5 =	vld [tilespmem:s17+$0x42A0]  }
0x2ac: {  	[tilespmem:s17+$0x18230] =	vst v0;
	v0 =	vadd.f32 v4, v2;
	v2 =	vld [tilespmem:s17+$0x102B0]  }
0x2ad: {  	v4 =	vld [tilespmem:s17+$0x42B0]  }
0x2ae: {  	[tilespmem:s17+$0x18280] =	vst v0;
	v0 =	vadd.f32 v6, v1;
	v1 =	vld [tilespmem:s17+$0x10300]  }
0x2af: {  	v6 =	vld [tilespmem:s17+$0x4300]  }
0x2b0: {  	[tilespmem:s17+$0x18290] =	vst v0;
	v0 =	vadd.f32 v5, v3;
	v3 =	vld [tilespmem:s17+$0x10310]  }
0x2b1: {  	v5 =	vld [tilespmem:s17+$0x4310]  }
0x2b2: {  	[tilespmem:s17+$0x182A0] =	vst v0;
	v0 =	vadd.f32 v4, v2;
	v2 =	vld [tilespmem:s17+$0x10320]  }
0x2b3: {  	v4 =	vld [tilespmem:s17+$0x4320]  }
0x2b4: {  	[tilespmem:s17+$0x182B0] =	vst v0;
	v0 =	vadd.f32 v6, v1;
	v1 =	vld [tilespmem:s17+$0x10330]  }
0x2b5: {  	v6 =	vld [tilespmem:s17+$0x4330]  }
0x2b6: {  	[tilespmem:s17+$0x18300] =	vst v0;
	v0 =	vadd.f32 v5, v3;
	v3 =	vld [tilespmem:s17+$0x10380]  }
0x2b7: {  	v5 =	vld [tilespmem:s17+$0x4380]  }
0x2b8: {  	[tilespmem:s17+$0x18310] =	vst v0;
	v0 =	vadd.f32 v4, v2;
	v2 =	vld [tilespmem:s17+$0x10390]  }
0x2b9: {  	v4 =	vld [tilespmem:s17+$0x4390]  }
0x2ba: {  	[tilespmem:s17+$0x18320] =	vst v0;
	v0 =	vld [tilespmem:s17+$0x103A0];
	_ =	sdelay $0x1  }
0x2bb: {  	v1 =	vadd.f32 v6, v1  }
0x2bc: {  	v3 =	vadd.f32 v5, v3  }
0x2bd: {  	[tilespmem:s17+$0x18330] =	vst v1;
	v1 =	vadd.f32 v4, v2  }
0x2be: {  	[tilespmem:s17+$0x18380] =	vst v3;
	v0 =	vadd.f32 v7, v0  }
0x2bf: {  	[tilespmem:s17+$0x18390] =	vst v1  }
0x2c0: {  	s0 =	sadd.s32 s0, s10;
	[tilespmem:s17+$0x183A0] =	vst v0  }
0x2c1: {  	[hbm4b:s0+s4] =	stream.linear.scatter [tilespmem:s21], [sflag:$0x5], $0x4000, $0x38;
	v63 =	vld [tilespmem:$0x0]  }
0x2c2: {  	s2 =	simm.s32 @!p0 $0x80;
	s0 =	sadd.s32 @!p0 $0x300, s3;
	s3 =	simm.s32 @!p0 $0x10000  }
0x2c3: {  	[tilespmem:s3], [sflag:$0x3] =	stream.indirect.gather @!p0 [hbm4b:s1+s2], $0x80, s0, s2, $0xb8;
	v63 =	vld [tilespmem:$0x0]  }
0x2c4: {  	_ =	swait.ge [sflag:s28], $0x4000  }
0x2c5: {  	[sflag:s28] =	ssyncset.done $0x0  }
0x2c6: {  	[sflag:s28] =	ssyncadd.s32 $0xFFFFC000  }
0x2c7: {  	_ =	swait.ge [sflag:s23], $0x4000  }
0x2c8: {  	[sflag:s23] =	ssyncset.done $0x0  }
0x2c9: {  	s0 =	simm.s32 $0x0;
	[sflag:s23] =	ssyncadd.s32 $0xFFFFC000  }
0x2ca: {  	v0 =	vld [tilespmem:s0+$0x143B0]  }
0x2cb: {  	v1 =	vld [tilespmem:s0+$0x43B0]  }
0x2cc: {  	v2 =	vld [tilespmem:s0+$0x14000]  }
0x2cd: {  	v3 =	vld [tilespmem:s0+$0x4000]  }
0x2ce: {  	v4 =	vld [tilespmem:s0+$0x14010]  }
0x2cf: {  	v5 =	vld [tilespmem:s0+$0x4010]  }
0x2d0: {  	v6 =	vld [tilespmem:s0+$0x14020]  }
0x2d1: {  	v7 =	vld [tilespmem:s0+$0x14030];
	v0 =	vadd.f32 v1, v0  }
0x2d2: {  	v1 =	vld [tilespmem:s0+$0x4020]  }
0x2d3: {  	v2 =	vadd.f32 v3, v2;
	[tilespmem:s0+$0x1C3B0] =	vst v0;
	v0 =	vld [tilespmem:s0+$0x4030]  }
0x2d4: {  	v3 =	vld [tilespmem:s0+$0x14080]  }
0x2d5: {  	[tilespmem:s0+$0x1C000] =	vst v2;
	v2 =	vadd.f32 v5, v4;
	v4 =	vld [tilespmem:s0+$0x4080]  }
0x2d6: {  	v5 =	vld [tilespmem:s0+$0x4090]  }
0x2d7: {  	[tilespmem:s0+$0x1C010] =	vst v2;
	v2 =	vld [tilespmem:s0+$0x14090];
	v1 =	vadd.f32 v1, v6  }
0x2d8: {  	v6 =	vld [tilespmem:s0+$0x40A0];
	v0 =	vadd.f32 v0, v7  }
0x2d9: {  	[tilespmem:s0+$0x1C020] =	vst v1;
	v1 =	vld [tilespmem:s0+$0x140A0]  }
0x2da: {  	[tilespmem:s0+$0x1C030] =	vst v0;
	v0 =	vadd.f32 v4, v3;
	v3 =	vld [tilespmem:s0+$0x140B0]  }
0x2db: {  	v4 =	vld [tilespmem:s0+$0x40B0]  }
0x2dc: {  	[tilespmem:s0+$0x1C080] =	vst v0;
	v0 =	vadd.f32 v5, v2;
	v2 =	vld [tilespmem:s0+$0x14100]  }
0x2dd: {  	v5 =	vld [tilespmem:s0+$0x4100]  }
0x2de: {  	[tilespmem:s0+$0x1C090] =	vst v0;
	v0 =	vadd.f32 v6, v1;
	v1 =	vld [tilespmem:s0+$0x14110]  }
0x2df: {  	v6 =	vld [tilespmem:s0+$0x4110]  }
0x2e0: {  	[tilespmem:s0+$0x1C0A0] =	vst v0;
	v0 =	vadd.f32 v4, v3;
	v3 =	vld [tilespmem:s0+$0x14120]  }
0x2e1: {  	v4 =	vld [tilespmem:s0+$0x4120]  }
0x2e2: {  	[tilespmem:s0+$0x1C0B0] =	vst v0;
	v0 =	vadd.f32 v5, v2;
	v2 =	vld [tilespmem:s0+$0x14130]  }
0x2e3: {  	v5 =	vld [tilespmem:s0+$0x4130]  }
0x2e4: {  	[tilespmem:s0+$0x1C100] =	vst v0;
	v0 =	vadd.f32 v6, v1;
	v1 =	vld [tilespmem:s0+$0x14180]  }
0x2e5: {  	v6 =	vld [tilespmem:s0+$0x4180]  }
0x2e6: {  	[tilespmem:s0+$0x1C110] =	vst v0;
	v0 =	vadd.f32 v4, v3;
	v3 =	vld [tilespmem:s0+$0x14190]  }
0x2e7: {  	v4 =	vld [tilespmem:s0+$0x4190]  }
0x2e8: {  	[tilespmem:s0+$0x1C120] =	vst v0;
	v0 =	vadd.f32 v5, v2;
	v2 =	vld [tilespmem:s0+$0x141A0]  }
0x2e9: {  	v5 =	vld [tilespmem:s0+$0x41A0]  }
0x2ea: {  	[tilespmem:s0+$0x1C130] =	vst v0;
	v0 =	vadd.f32 v6, v1;
	v1 =	vld [tilespmem:s0+$0x141B0]  }
0x2eb: {  	v6 =	vld [tilespmem:s0+$0x41B0]  }
0x2ec: {  	[tilespmem:s0+$0x1C180] =	vst v0;
	v0 =	vadd.f32 v4, v3;
	v3 =	vld [tilespmem:s0+$0x14200]  }
0x2ed: {  	v4 =	vld [tilespmem:s0+$0x4200]  }
0x2ee: {  	[tilespmem:s0+$0x1C190] =	vst v0;
	v0 =	vadd.f32 v5, v2;
	v2 =	vld [tilespmem:s0+$0x14210]  }
0x2ef: {  	v5 =	vld [tilespmem:s0+$0x4210]  }
0x2f0: {  	[tilespmem:s0+$0x1C1A0] =	vst v0;
	v0 =	vadd.f32 v6, v1;
	v1 =	vld [tilespmem:s0+$0x14220]  }
0x2f1: {  	v6 =	vld [tilespmem:s0+$0x4220]  }
0x2f2: {  	[tilespmem:s0+$0x1C1B0] =	vst v0;
	v0 =	vadd.f32 v4, v3;
	v3 =	vld [tilespmem:s0+$0x14230]  }
0x2f3: {  	v4 =	vld [tilespmem:s0+$0x4230]  }
0x2f4: {  	[tilespmem:s0+$0x1C200] =	vst v0;
	v0 =	vadd.f32 v5, v2;
	v2 =	vld [tilespmem:s0+$0x14280]  }
0x2f5: {  	v5 =	vld [tilespmem:s0+$0x4280]  }
0x2f6: {  	[tilespmem:s0+$0x1C210] =	vst v0;
	v0 =	vadd.f32 v6, v1;
	v1 =	vld [tilespmem:s0+$0x14290]  }
0x2f7: {  	v6 =	vld [tilespmem:s0+$0x4290]  }
0x2f8: {  	[tilespmem:s0+$0x1C220] =	vst v0;
	v0 =	vadd.f32 v4, v3;
	v3 =	vld [tilespmem:s0+$0x142A0]  }
0x2f9: {  	v4 =	vld [tilespmem:s0+$0x42A0]  }
0x2fa: {  	[tilespmem:s0+$0x1C230] =	vst v0;
	v0 =	vadd.f32 v5, v2;
	v2 =	vld [tilespmem:s0+$0x142B0]  }
0x2fb: {  	v5 =	vld [tilespmem:s0+$0x42B0]  }
0x2fc: {  	[tilespmem:s0+$0x1C280] =	vst v0;
	v0 =	vadd.f32 v6, v1;
	v1 =	vld [tilespmem:s0+$0x14300]  }
0x2fd: {  	v6 =	vld [tilespmem:s0+$0x4300]  }
0x2fe: {  	[tilespmem:s0+$0x1C290] =	vst v0;
	v0 =	vadd.f32 v4, v3;
	v3 =	vld [tilespmem:s0+$0x14310]  }
0x2ff: {  	v4 =	vld [tilespmem:s0+$0x4310]  }
0x300: {  	[tilespmem:s0+$0x1C2A0] =	vst v0;
	v0 =	vadd.f32 v5, v2;
	v2 =	vld [tilespmem:s0+$0x14320]  }
0x301: {  	v5 =	vld [tilespmem:s0+$0x4320]  }
0x302: {  	[tilespmem:s0+$0x1C2B0] =	vst v0;
	v0 =	vadd.f32 v6, v1;
	v1 =	vld [tilespmem:s0+$0x14330]  }
0x303: {  	v6 =	vld [tilespmem:s0+$0x4330]  }
0x304: {  	v8 =	vld [tilespmem:s0+$0x4380]  }
0x305: {  	v7 =	vld [tilespmem:s0+$0x14380];
	[tilespmem:s0+$0x1C300] =	vst v0;
	v0 =	vadd.f32 v4, v3  }
0x306: {  	v3 =	vld [tilespmem:s0+$0x4390]  }
0x307: {  	[tilespmem:s0+$0x1C310] =	vst v0;
	v0 =	vadd.f32 v5, v2;
	v2 =	vld [tilespmem:s0+$0x14390]  }
0x308: {  	v4 =	vld [tilespmem:s0+$0x43A0];
	v5 =	vadd.f32 v6, v1  }
0x309: {  	s3 =	simm.s32 $0x400;
	[tilespmem:s0+$0x1C320] =	vst v0;
	v0 =	vld [tilespmem:s0+$0x143A0]  }
0x30a: {  	s2 =	simm.s32 $0x2000;
	v1 =	vld [tilespmem:s3+$0x143B0];
	[tilespmem:s0+$0x1C330] =	vst v5;
	v5 =	vadd.f32 v8, v7  }
.LBB2_15:
0x30b: {  	p0 =	sne.s32 s2, $0xF000;
	v6 =	vld [tilespmem:s3+$0x43B0]  }
0x30c: {  	v7 =	vld [tilespmem:s3+$0x14000];
	[tilespmem:s0+$0x1C380] =	vst v5;
	v2 =	vadd.f32 v3, v2  }
0x30d: {  	v3 =	vld [tilespmem:s3+$0x4000]  }
0x30e: {  	v5 =	vld [tilespmem:s3+$0x14010];
	[tilespmem:s0+$0x1C390] =	vst v2;
	v0 =	vadd.f32 v4, v0  }
0x30f: {  	v2 =	vld [tilespmem:s3+$0x4010]  }
0x310: {  	v4 =	vld [tilespmem:s3+$0x14020];
	v1 =	vadd.f32 v6, v1;
	[tilespmem:s0+$0x1C3A0] =	vst v0;
	s0 =	smov.u32 s3  }
0x311: {  	v0 =	vld [tilespmem:s0+$0x4020]  }
0x312: {  	v3 =	vadd.f32 v3, v7;
	v6 =	vld [tilespmem:s0+$0x14030];
	[tilespmem:s0+$0x1C3B0] =	vst v1  }
0x313: {  	v1 =	vld [tilespmem:s0+$0x4030]  }
0x314: {  	[tilespmem:s0+$0x1C000] =	vst v3;
	v2 =	vadd.f32 v2, v5;
	v3 =	vld [tilespmem:s0+$0x14080]  }
0x315: {  	v5 =	vld [tilespmem:s0+$0x4080]  }
0x316: {  	[tilespmem:s0+$0x1C010] =	vst v2;
	v0 =	vadd.f32 v0, v4;
	v2 =	vld [tilespmem:s0+$0x14090]  }
0x317: {  	v4 =	vld [tilespmem:s0+$0x4090]  }
0x318: {  	[tilespmem:s0+$0x1C020] =	vst v0;
	v0 =	vadd.f32 v1, v6;
	v1 =	vld [tilespmem:s0+$0x140A0]  }
0x319: {  	v6 =	vld [tilespmem:s0+$0x40A0]  }
0x31a: {  	[tilespmem:s0+$0x1C030] =	vst v0;
	v0 =	vadd.f32 v5, v3;
	v3 =	vld [tilespmem:s0+$0x140B0]  }
0x31b: {  	v5 =	vld [tilespmem:s0+$0x40B0]  }
0x31c: {  	[tilespmem:s0+$0x1C080] =	vst v0;
	v0 =	vadd.f32 v4, v2;
	v2 =	vld [tilespmem:s0+$0x14100]  }
0x31d: {  	v4 =	vld [tilespmem:s0+$0x4100]  }
0x31e: {  	[tilespmem:s0+$0x1C090] =	vst v0;
	v0 =	vadd.f32 v6, v1;
	v1 =	vld [tilespmem:s0+$0x14110]  }
0x31f: {  	v6 =	vld [tilespmem:s0+$0x4110]  }
0x320: {  	[tilespmem:s0+$0x1C0A0] =	vst v0;
	v0 =	vadd.f32 v5, v3;
	v3 =	vld [tilespmem:s0+$0x14120]  }
0x321: {  	v5 =	vld [tilespmem:s0+$0x4120]  }
0x322: {  	[tilespmem:s0+$0x1C0B0] =	vst v0;
	v0 =	vadd.f32 v4, v2;
	v2 =	vld [tilespmem:s0+$0x14130]  }
0x323: {  	v4 =	vld [tilespmem:s0+$0x4130]  }
0x324: {  	[tilespmem:s0+$0x1C100] =	vst v0;
	v0 =	vadd.f32 v6, v1;
	v1 =	vld [tilespmem:s0+$0x14180]  }
0x325: {  	v6 =	vld [tilespmem:s0+$0x4180]  }
0x326: {  	[tilespmem:s0+$0x1C110] =	vst v0;
	v0 =	vadd.f32 v5, v3;
	v3 =	vld [tilespmem:s0+$0x14190]  }
0x327: {  	v5 =	vld [tilespmem:s0+$0x4190]  }
0x328: {  	[tilespmem:s0+$0x1C120] =	vst v0;
	v0 =	vadd.f32 v4, v2;
	v2 =	vld [tilespmem:s0+$0x141A0]  }
0x329: {  	v4 =	vld [tilespmem:s0+$0x41A0]  }
0x32a: {  	[tilespmem:s0+$0x1C130] =	vst v0;
	v0 =	vadd.f32 v6, v1;
	v1 =	vld [tilespmem:s0+$0x141B0]  }
0x32b: {  	v6 =	vld [tilespmem:s0+$0x41B0]  }
0x32c: {  	[tilespmem:s0+$0x1C180] =	vst v0;
	v0 =	vadd.f32 v5, v3;
	v3 =	vld [tilespmem:s0+$0x14200]  }
0x32d: {  	v5 =	vld [tilespmem:s0+$0x4200]  }
0x32e: {  	[tilespmem:s0+$0x1C190] =	vst v0;
	v0 =	vadd.f32 v4, v2;
	v2 =	vld [tilespmem:s0+$0x14210]  }
0x32f: {  	v4 =	vld [tilespmem:s0+$0x4210]  }
0x330: {  	[tilespmem:s0+$0x1C1A0] =	vst v0;
	v0 =	vadd.f32 v6, v1;
	v1 =	vld [tilespmem:s0+$0x14220]  }
0x331: {  	v6 =	vld [tilespmem:s0+$0x4220]  }
0x332: {  	[tilespmem:s0+$0x1C1B0] =	vst v0;
	v0 =	vadd.f32 v5, v3;
	v3 =	vld [tilespmem:s0+$0x14230]  }
0x333: {  	v5 =	vld [tilespmem:s0+$0x4230]  }
0x334: {  	[tilespmem:s0+$0x1C200] =	vst v0;
	v0 =	vadd.f32 v4, v2;
	v2 =	vld [tilespmem:s0+$0x14280]  }
0x335: {  	v4 =	vld [tilespmem:s0+$0x4280]  }
0x336: {  	[tilespmem:s0+$0x1C210] =	vst v0;
	v0 =	vadd.f32 v6, v1;
	v1 =	vld [tilespmem:s0+$0x14290]  }
0x337: {  	v6 =	vld [tilespmem:s0+$0x4290]  }
0x338: {  	[tilespmem:s0+$0x1C220] =	vst v0;
	v0 =	vadd.f32 v5, v3;
	v3 =	vld [tilespmem:s0+$0x142A0]  }
0x339: {  	v5 =	vld [tilespmem:s0+$0x42A0]  }
0x33a: {  	[tilespmem:s0+$0x1C230] =	vst v0;
	v0 =	vadd.f32 v4, v2;
	v2 =	vld [tilespmem:s0+$0x142B0]  }
0x33b: {  	v4 =	vld [tilespmem:s0+$0x42B0]  }
0x33c: {  	[tilespmem:s0+$0x1C280] =	vst v0;
	v0 =	vadd.f32 v6, v1;
	v1 =	vld [tilespmem:s0+$0x14300]  }
0x33d: {  	v6 =	vld [tilespmem:s0+$0x4300]  }
0x33e: {  	[tilespmem:s0+$0x1C290] =	vst v0;
	v0 =	vadd.f32 v5, v3;
	v3 =	vld [tilespmem:s0+$0x14310]  }
0x33f: {  	v5 =	vld [tilespmem:s0+$0x4310]  }
0x340: {  	[tilespmem:s0+$0x1C2A0] =	vst v0;
	v0 =	vadd.f32 v4, v2;
	v2 =	vld [tilespmem:s0+$0x14320]  }
0x341: {  	v4 =	vld [tilespmem:s0+$0x4320]  }
0x342: {  	[tilespmem:s0+$0x1C2B0] =	vst v0;
	v0 =	vadd.f32 v6, v1;
	v1 =	vld [tilespmem:s0+$0x14330]  }
0x343: {  	v6 =	vld [tilespmem:s0+$0x4330]  }
0x344: {  	[tilespmem:s0+$0x1C300] =	vst v0;
	v0 =	vadd.f32 v5, v3;
	v5 =	vld [tilespmem:s0+$0x14380]  }
0x345: {  	v7 =	vld [tilespmem:s0+$0x4380]  }
.Ltmp7:
0x346: {  	[tilespmem:s0+$0x1C310] =	vst v0;
	v0 =	vadd.f32 v4, v2;
	v2 =	vld [tilespmem:s0+$0x14390];
	(pc) =	sbr.rel @p0 .LBB2_15-.Ltmp7, $4  }
0x347: {  	v3 =	vld [tilespmem:s0+$0x4390]  }
0x348: {  	[tilespmem:s0+$0x1C320] =	vst v0;
	v6 =	vadd.f32 v6, v1;
	v0 =	vld [tilespmem:s0+$0x143A0]  }
0x349: {  	s3 =	sshra.s32 s2, $0x2;
	v4 =	vld [tilespmem:s0+$0x43A0]  }
0x34a: {  	s2 =	sadd.s32 $0x1000, s2;
	v1 =	vld [tilespmem:s3+$0x143B0];
	[tilespmem:s0+$0x1C330] =	vst v6;
	v5 =	vadd.f32 v7, v5  }
0x34b: {  	v6 =	vld [tilespmem:s3+$0x43B0]  }
0x34c: {  	v7 =	vld [tilespmem:s3+$0x14000];
	[tilespmem:s0+$0x1C380] =	vst v5;
	v2 =	vadd.f32 v3, v2  }
0x34d: {  	v33 =	vld [tilespmem:s3+$0x4000]  }
0x34e: {  	v5 =	vld [tilespmem:s3+$0x14010];
	[tilespmem:s0+$0x1C390] =	vst v2;
	v0 =	vadd.f32 v4, v0  }
0x34f: {  	v2 =	vld [tilespmem:s3+$0x4010]  }
0x350: {  	v34 =	vld [tilespmem:s3+$0x14020];
	[tilespmem:s0+$0x1C3A0] =	vst v0  }
0x351: {  	v36 =	vld [tilespmem:s3+$0x4020]  }
0x352: {  	v37 =	vld [tilespmem:s3+$0x14030]  }
0x353: {  	v38 =	vld [tilespmem:s3+$0x4030]  }
0x354: {  	v39 =	vld [tilespmem:s3+$0x14080]  }
0x355: {  	v40 =	vld [tilespmem:s3+$0x4080]  }
0x356: {  	v41 =	vld [tilespmem:s3+$0x14090]  }
0x357: {  	v42 =	vld [tilespmem:s3+$0x4090]  }
0x358: {  	v43 =	vld [tilespmem:s3+$0x140A0]  }
0x359: {  	v44 =	vld [tilespmem:s3+$0x40A0]  }
0x35a: {  	v46 =	vld [tilespmem:s3+$0x140B0]  }
0x35b: {  	v47 =	vld [tilespmem:s3+$0x40B0]  }
0x35c: {  	v49 =	vld [tilespmem:s3+$0x14100]  }
0x35d: {  	v50 =	vld [tilespmem:s3+$0x4100]  }
0x35e: {  	v52 =	vld [tilespmem:s3+$0x14110]  }
0x35f: {  	v53 =	vld [tilespmem:s3+$0x4110]  }
0x360: {  	v55 =	vld [tilespmem:s3+$0x14120]  }
0x361: {  	v56 =	vld [tilespmem:s3+$0x4120]  }
0x362: {  	v58 =	vld [tilespmem:s3+$0x14130]  }
0x363: {  	v59 =	vld [tilespmem:s3+$0x4130]  }
0x364: {  	v61 =	vld [tilespmem:s3+$0x14180]  }
0x365: {  	v62 =	vld [tilespmem:s3+$0x4180]  }
0x366: {  	v10 =	vld [tilespmem:s3+$0x14190]  }
0x367: {  	v11 =	vld [tilespmem:s3+$0x4190]  }
0x368: {  	v13 =	vld [tilespmem:s3+$0x141A0]  }
0x369: {  	v14 =	vld [tilespmem:s3+$0x41A0]  }
0x36a: {  	v16 =	vld [tilespmem:s3+$0x141B0]  }
0x36b: {  	v17 =	vld [tilespmem:s3+$0x41B0]  }
0x36c: {  	v19 =	vld [tilespmem:s3+$0x14200]  }
0x36d: {  	v20 =	vld [tilespmem:s3+$0x4200]  }
0x36e: {  	v22 =	vld [tilespmem:s3+$0x14210]  }
0x36f: {  	v35 =	vadd.f32 v6, v1;
	v23 =	vld [tilespmem:s3+$0x4210]  }
0x370: {  	v25 =	vld [tilespmem:s3+$0x14220];
	v3 =	vadd.f32 v33, v7  }
0x371: {  	v26 =	vld [tilespmem:s3+$0x4220];
	[tilespmem:s3+$0x1C3B0] =	vst v35;
	v2 =	vadd.f32 v2, v5  }
0x372: {  	v28 =	vld [tilespmem:s3+$0x14230];
	[tilespmem:s3+$0x1C000] =	vst v3;
	v1 =	vadd.f32 v36, v34  }
0x373: {  	v29 =	vld [tilespmem:s3+$0x4230];
	[tilespmem:s3+$0x1C010] =	vst v2;
	v0 =	vadd.f32 v38, v37  }
0x374: {  	v31 =	vld [tilespmem:s3+$0x14280];
	v45 =	vadd.f32 v40, v39;
	[tilespmem:s3+$0x1C020] =	vst v1  }
0x375: {  	v32 =	vld [tilespmem:s3+$0x4280];
	v48 =	vadd.f32 v42, v41;
	[tilespmem:s3+$0x1C030] =	vst v0  }
0x376: {  	v35 =	vld [tilespmem:s3+$0x4290];
	v51 =	vadd.f32 v44, v43;
	[tilespmem:s3+$0x1C080] =	vst v45  }
0x377: {  	v54 =	vadd.f32 v47, v46;
	v34 =	vld [tilespmem:s3+$0x14290];
	[tilespmem:s3+$0x1C090] =	vst v48  }
0x378: {  	v57 =	vadd.f32 v50, v49;
	v37 =	vld [tilespmem:s3+$0x142A0];
	[tilespmem:s3+$0x1C0A0] =	vst v51  }
0x379: {  	v60 =	vadd.f32 v53, v52;
	v38 =	vld [tilespmem:s3+$0x42A0];
	[tilespmem:s3+$0x1C0B0] =	vst v54  }
0x37a: {  	v9 =	vadd.f32 v56, v55;
	v40 =	vld [tilespmem:s3+$0x142B0];
	[tilespmem:s3+$0x1C100] =	vst v57  }
0x37b: {  	v12 =	vadd.f32 v59, v58;
	v41 =	vld [tilespmem:s3+$0x42B0];
	[tilespmem:s3+$0x1C110] =	vst v60  }
0x37c: {  	v15 =	vadd.f32 v62, v61;
	v43 =	vld [tilespmem:s3+$0x14300];
	[tilespmem:s3+$0x1C120] =	vst v9  }
0x37d: {  	v18 =	vadd.f32 v11, v10;
	v44 =	vld [tilespmem:s3+$0x4300];
	[tilespmem:s3+$0x1C130] =	vst v12  }
0x37e: {  	v21 =	vadd.f32 v14, v13;
	v46 =	vld [tilespmem:s3+$0x14310];
	[tilespmem:s3+$0x1C180] =	vst v15  }
0x37f: {  	v24 =	vadd.f32 v17, v16;
	v47 =	vld [tilespmem:s3+$0x4310];
	[tilespmem:s3+$0x1C190] =	vst v18  }
0x380: {  	v27 =	vadd.f32 v20, v19;
	v49 =	vld [tilespmem:s3+$0x14320];
	[tilespmem:s3+$0x1C1A0] =	vst v21  }
0x381: {  	v30 =	vadd.f32 v23, v22;
	v50 =	vld [tilespmem:s3+$0x4320];
	[tilespmem:s3+$0x1C1B0] =	vst v24  }
0x382: {  	v33 =	vadd.f32 v26, v25;
	v52 =	vld [tilespmem:s3+$0x14330];
	[tilespmem:s3+$0x1C200] =	vst v27  }
0x383: {  	v36 =	vadd.f32 v29, v28;
	v53 =	vld [tilespmem:s3+$0x4330];
	[tilespmem:s3+$0x1C210] =	vst v30  }
0x384: {  	v39 =	vadd.f32 v32, v31;
	v55 =	vld [tilespmem:s3+$0x14380];
	[tilespmem:s3+$0x1C220] =	vst v33  }
0x385: {  	v56 =	vld [tilespmem:s3+$0x4380];
	[tilespmem:s3+$0x1C230] =	vst v36;
	v42 =	vadd.f32 v35, v34  }
0x386: {  	v58 =	vld [tilespmem:s3+$0x14390];
	[tilespmem:s3+$0x1C280] =	vst v39;
	v45 =	vadd.f32 v38, v37  }
0x387: {  	v59 =	vld [tilespmem:s3+$0x4390];
	v48 =	vadd.f32 v41, v40;
	[tilespmem:s3+$0x1C290] =	vst v42  }
0x388: {  	v61 =	vld [tilespmem:s3+$0x43A0];
	v51 =	vadd.f32 v44, v43;
	[tilespmem:s3+$0x1C2A0] =	vst v45  }
0x389: {  	v60 =	vld [tilespmem:s3+$0x143A0];
	v54 =	vadd.f32 v47, v46;
	[tilespmem:s3+$0x1C2B0] =	vst v48  }
0x38a: {  	v57 =	vadd.f32 v50, v49;
	[tilespmem:s3+$0x1C300] =	vst v51  }
0x38b: {  	s30 =	sadd.s32 $0x1, s30;
	v1 =	vadd.f32 v53, v52;
	[tilespmem:s3+$0x1C310] =	vst v54  }
0x38c: {  	p0 =	sne.s32 s30, $0x20;
	v3 =	vadd.f32 v56, v55;
	[tilespmem:s3+$0x1C320] =	vst v57  }
.Ltmp8:
0x38d: {  	s31 =	sshll.u32 s31, $0x13;
	v62 =	vadd.f32 v59, v58;
	[tilespmem:s3+$0x1C330] =	vst v1;
	(pc) =	sbr.rel @p0 .LBB2_4-.Ltmp8, $4  }
0x38e: {  	s0 =	sor.u32 s8, s31;
	[tilespmem:s3+$0x1C380] =	vst v3;
	v0 =	vadd.f32 v61, v60  }
0x38f: {  	s0 =	sshrl.u32 s0, $0x3;
	[tilespmem:s3+$0x1C390] =	vst v62  }
0x390: {  	s0 =	sadd.s32 s5, s0;
	[tilespmem:s3+$0x1C3A0] =	vst v0  }
0x391: {  	[hbm4b:s0+s4] =	stream.linear.scatter [tilespmem:s24], [sflag:$0x6], $0x4000, $0x38;
	v63 =	vld [tilespmem:$0x0]  }
0x392: {  	s29 =	sadd.s32 $0x1, s29  }
0x393: {  	_ =	swait.ge [sflag:s26], $0x4000;
	p0 =	sne.s32 s29, s11  }
.Ltmp9:
0x394: {  	[sflag:s26] =	ssyncset.done $0x0;
	(pc) =	sbr.rel @p0 .LBB2_1-.Ltmp9, $4  }
0x395: {  	[sflag:s26] =	ssyncadd.s32 $0xFFFFC000  }
0x396: {  	_ =	swait.ge [sflag:s23], $0x4000  }
0x397: {  	[sflag:s23] =	ssyncset.done $0x0  }
0x398: {  	[sflag:s23] =	ssyncadd.s32 $0xFFFFC000  }
0x399: {  	_ =	sfence.sel $0x180000  }
0x39a: {  	[bflag:$0x0] =	sbarrier.arrive $0xFFFF  }
0x39b: {  	_ =	strace $0x90000047  }
0x39c: {  	s0 =	stileid.u32;
	[bflag:$0x2] =	sbarrier.arrive $0xFFFF  }
0x39d: {  	p0 =	sne.s32 s0, $0x0;
	s0 =	rddreg [dreg:$0x5]  }
0x39e: {  	s0 =	sadd.s32 @!p0 $0x100000, s0  }
0x39f: {  	[sflag:s0] =	ssyncadd.tile.s32 @!p0 $0x1;
	_ =	shalt  }
.Lfunc_end2:
_tile_overlayer_lowered:
.L_overlay_start_2:
0x3a0: {  	(tag) =	ssettag $0x2  }
0x3a1: {  	s0 =	rddreg [dreg:$0x0];
	s2 =	stileid.u32  }
0x3a2: {  	s1 =	rddreg [dreg:$0x1];
	p0 =	sne.s32 s2, $0x0  }
0x3a3: {  	s3 =	rddreg [dreg:$0x2];
	[bflag:$0x3] =	sbarrier.arrive $0xFFFF;
	s2 =	simm.s32 @!p0 $0x1C07  }
0x3a4: {  	[timem:s3], [sflag:s2] =	dma.local @!p0 [hbm:s0], s1  }
0x3a5: {  	s0 =	simm.s32 @!p0 $0x7  }
0x3a6: {  	_ =	swait.ge @!p0 [sflag:s0], s1  }
0x3a7: {  	s1 =	ssub.s32 @!p0 $0x0, s1;
	[sflag:s0] =	ssyncset.done @!p0 $0x0  }
0x3a8: {  	[sflag:s0] =	ssyncadd.s32 @!p0 s1  }
0x3a9: {  	[bflag:$0x3] =	sbarrier.arrive $0xFFFF  }
0x3aa: {  	_ =	shalt  }

</sc_bundles>
